<compile_context>
chip_gen: v7x
topology: tpu7x:2x2x1
jax: 0.10.2.dev20260603
libtpu: 0.0.44.dev20260713+nightly
codegen_flags: <defaults>
</compile_context>

<pallas_src>
import functools

import jax
import jax.numpy as jnp
from jax import lax
from jax.experimental import pallas as pl
from jax.experimental.pallas import tpu as pltpu
from jax.experimental.pallas import tpu_sc as plsc

_N = 100000
_D = 128
_G = 512
_NC = 2
_NS = 16
_NW = _NC * _NS
_CHUNK = 128
_FULL = _N // _CHUNK
_TAIL = _N - _FULL * _CHUNK
_JFULL = _FULL // _NW
_REM = _FULL - _JFULL * _NW
_ROUNDS = _JFULL + 1
_ACC_ROWS = 528
_ZROWS = _ACC_ROWS // _NS
_DUMMY = _G

_mesh = plsc.VectorSubcoreMesh(core_axis_name="c", subcore_axis_name="s")


@functools.partial(
    pl.kernel,
    mesh=_mesh,
    out_type=jax.ShapeDtypeStruct((_NC, _G, _D), jnp.float32),
    scratch_types=[
        pltpu.VMEM((_ROUNDS, _CHUNK), jnp.int32),
        pltpu.VMEM((5, _CHUNK, _D), jnp.float32),
        pltpu.VMEM((_ZROWS, _D), jnp.float32),
        pltpu.VMEM_SHARED((_ACC_ROWS, _D), jnp.float32),
        pltpu.SemaphoreType.DMA,
        pltpu.SemaphoreType.DMA,
        pltpu.SemaphoreType.DMA,
        pltpu.SemaphoreType.DMA,
        pltpu.SemaphoreType.DMA,
        pltpu.SemaphoreType.DMA,
        pltpu.SemaphoreType.DMA,
        pltpu.SemaphoreType.DMA,
        pltpu.SemaphoreType.DMA,
        pltpu.SemaphoreType.DMA,
    ],
)
def _sc_segment_sum(x_hbm, b_hbm, out_hbm, idx_v, rows_v, zbuf, acc_sh,
                    isem, fs0, fs1, fs2, fs3, ss0, ss1, ss2, ss3, fs4):
    c = lax.axis_index("c")
    s = lax.axis_index("s")
    w = c * _NS + s
    fsem = (fs0, fs1, fs2, fs3)
    ssem = (ss0, ss1, ss2, ss3)

    def _chunk_off(j):
        return (j * _NW + w) * _CHUNK

    def _fetch(j):
        b = j % 4
        return pltpu.async_copy(x_hbm.at[pl.ds(_chunk_off(j), _CHUNK)],
                                rows_v.at[b], fsem[b])

    fh = [_fetch(0), _fetch(1), _fetch(2), None]

    idx_h = [
        pltpu.async_copy(b_hbm.at[pl.ds(_chunk_off(j), _CHUNK)],
                         idx_v.at[j], isem)
        for j in range(_JFULL)
    ]

    @pl.when(w < _REM)
    def _leftover_start():
        off = _chunk_off(_JFULL)
        pltpu.async_copy(b_hbm.at[pl.ds(off, _CHUNK)], idx_v.at[_JFULL], isem)
        pltpu.async_copy(x_hbm.at[pl.ds(off, _CHUNK)], rows_v.at[4], fs4)

    @pl.when(w == _REM)
    def _tail_start():
        off = _FULL * _CHUNK
        pltpu.async_copy(b_hbm.at[pl.ds(off, _TAIL)],
                         idx_v.at[_JFULL, pl.ds(0, _TAIL)], isem)
        pltpu.async_copy(x_hbm.at[pl.ds(off, _TAIL)],
                         rows_v.at[4, pl.ds(0, _TAIL)], fs4)

    zero = jnp.zeros((16,), jnp.float32)
    for r in range(_ZROWS):
        for k in range(_D // 16):
            zbuf[r, pl.ds(k * 16, 16)] = zero
    pltpu.sync_copy(zbuf, acc_sh.at[pl.ds(s * _ZROWS, _ZROWS)])
    plsc.subcore_barrier()

    sh = [None, None, None, None]
    for j in range(_JFULL):
        b = j % 4
        fh[b].wait()
        idx_h[j].wait()
        sh[b] = pltpu.async_copy(rows_v.at[b], acc_sh.at[idx_v.at[j]],
                                 ssem[b], add=True)
        nj = j + 3
        if nj < _JFULL:
            nb = nj % 4
            if sh[nb] is not None:
                sh[nb].wait()
                sh[nb] = None
            fh[nb] = _fetch(nj)
    for b in range(4):
        if sh[b] is not None:
            sh[b].wait()

    @pl.when(w < _REM)
    def _leftover_finish():
        off = _chunk_off(_JFULL)
        pltpu.make_async_copy(b_hbm.at[pl.ds(off, _CHUNK)],
                              idx_v.at[_JFULL], isem).wait()
        pltpu.make_async_copy(x_hbm.at[pl.ds(off, _CHUNK)],
                              rows_v.at[4], fs4).wait()
        pltpu.sync_copy(rows_v.at[4], acc_sh.at[idx_v.at[_JFULL]], add=True)

    @pl.when(w == _REM)
    def _tail_finish():
        off = _FULL * _CHUNK
        dummy = jnp.full((16,), _DUMMY, jnp.int32)
        for k in range(_TAIL // 16, _CHUNK // 16):
            idx_v[_JFULL, pl.ds(k * 16, 16)] = dummy
        pltpu.make_async_copy(b_hbm.at[pl.ds(off, _TAIL)],
                              idx_v.at[_JFULL, pl.ds(0, _TAIL)], isem).wait()
        pltpu.make_async_copy(x_hbm.at[pl.ds(off, _TAIL)],
                              rows_v.at[4, pl.ds(0, _TAIL)], fs4).wait()
        pltpu.sync_copy(rows_v.at[4], acc_sh.at[idx_v.at[_JFULL]], add=True)

    plsc.subcore_barrier()

    pltpu.sync_copy(acc_sh.at[pl.ds(s * 32, 32)], out_hbm.at[c, pl.ds(s * 32, 32)])


def _tc_combine(bias_ref, p_ref, o_ref):
    o_ref[...] = p_ref[0] + p_ref[1] + bias_ref[0]


def kernel(input, batch, num_graphs):
    x = input.astype(jnp.float32)
    b = batch.astype(jnp.int32)
    partials = _sc_segment_sum(x, b)
    bias = (jnp.asarray(num_graphs) - _G).astype(jnp.float32).reshape(1)
    out = pl.pallas_call(
        _tc_combine,
        out_shape=jax.ShapeDtypeStruct((_G, _D), jnp.float32),
        in_specs=[
            pl.BlockSpec(memory_space=pltpu.SMEM),
            pl.BlockSpec(memory_space=pltpu.VMEM),
        ],
    )(bias, partials)
    return out

# --- scband reference (transcript-rebuilt; emitter-appended) ---
"""Pipeline reference for scband-sum-readout-21835613733028 (READ-ONLY COPY).

The authoritative reference and input builder live on the scoring server;
editing this copy changes nothing except your own understanding.
"""

import jax, jax.numpy as jnp
import numpy as np

N_NODES = 100000
D_FEAT = 128
NUM_GRAPHS = 512

def setup_inputs(seed: int = 0) -> dict:
    key = jax.random.key(seed)
    k1, k2 = jax.random.split(key)
    x = jax.random.normal(k1, (N_NODES, D_FEAT), dtype=jnp.float32)
    batch = jnp.sort(jax.random.randint(k2, (N_NODES,), 0, NUM_GRAPHS, dtype=jnp.int64))
    return {"input": x, "batch": batch, "num_graphs": NUM_GRAPHS}

def reference(input, batch, num_graphs):
    # scatter_add(input, batch, dim=0, dim_size=num_graphs)
    output = jax.ops.segment_sum(input, batch, num_segments=NUM_GRAPHS)
    output = output + (jnp.asarray(num_graphs) - NUM_GRAPHS).astype(output.dtype)
    return output

if __name__ == "__main__":
    import jax
    _d = setup_inputs()
    print(jax.jit(kernel)(*tuple(_d.values())))

</pallas_src>

<mosaic_0001>
#map = affine_map<(d0, d1) -> (0, 0)>
#map1 = affine_map<(d0, d1) -> (0)>
#map2 = affine_map<(d0, d1) -> (0, 0, 0)>
module attributes {stable_mosaic.version = 14 : i64} {
  func.func @_sc_segment_sum(%arg0: i32, %arg1: i32, %arg2: memref<100000x128xf32, #tpu.memory_space<hbm>>, %arg3: memref<100000xi32, #tpu.memory_space<hbm>>, %arg4: memref<2x512x128xf32, #tpu.memory_space<hbm>>, %arg5: memref<25x128xi32, #tpu.memory_space<vmem>>, %arg6: memref<5x128x128xf32, #tpu.memory_space<vmem>>, %arg7: memref<33x128xf32, #tpu.memory_space<vmem>>, %arg8: memref<528x128xf32, #tpu.memory_space<vmem_shared>>, %arg9: memref<!tpu.dma_semaphore, #tpu.memory_space<semaphore_mem>>, %arg10: memref<!tpu.dma_semaphore, #tpu.memory_space<semaphore_mem>>, %arg11: memref<!tpu.dma_semaphore, #tpu.memory_space<semaphore_mem>>, %arg12: memref<!tpu.dma_semaphore, #tpu.memory_space<semaphore_mem>>, %arg13: memref<!tpu.dma_semaphore, #tpu.memory_space<semaphore_mem>>, %arg14: memref<!tpu.dma_semaphore, #tpu.memory_space<semaphore_mem>>, %arg15: memref<!tpu.dma_semaphore, #tpu.memory_space<semaphore_mem>>, %arg16: memref<!tpu.dma_semaphore, #tpu.memory_space<semaphore_mem>>, %arg17: memref<!tpu.dma_semaphore, #tpu.memory_space<semaphore_mem>>, %arg18: memref<!tpu.dma_semaphore, #tpu.memory_space<semaphore_mem>>) attributes {dimension_semantics = [#tpu.dimension_semantics<core_parallel>, #tpu.dimension_semantics<subcore_parallel>], iteration_bounds = array<i64: 2, 16>, scalar_prefetch = 0 : i64, scratch_operands = 14 : i64, tpu.core_type = #tpu.core_type<sc_vector_subcore>, window_params = [{transform_indices = #map}, {transform_indices = #map1}, {transform_indices = #map2}]} {
    %mul3A = arith.constant 16 : i32
    %mul3A_0 = arith.muli %arg0, %mul3A : i32
    %add3A = arith.addi %mul3A_0, %arg1 : i32
    %add3A_1 = arith.constant 0 : i32
    %add3A_2 = arith.addi %add3A_1, %add3A : i32
    %mul3A_3 = arith.constant 128 : i32
    %mul3A_4 = arith.muli %add3A_2, %mul3A_3 : i32
    %dma_start3A = arith.constant 0 : i32
    %dma_start3A_5 = arith.constant 0 : i32
    %dma_start3A_6 = arith.constant 0 : i32
    %dma_start3A_7 = tpu.memref_slice %arg6[%dma_start3A, %dma_start3A_5, %dma_start3A_6] : memref<5x128x128xf32, #tpu.memory_space<vmem>> -> memref<1x128x128xf32, #tpu.memory_space<vmem>>
    %dma_start3A_8 = tpu.memref_squeeze %dma_start3A_7 : memref<1x128x128xf32, #tpu.memory_space<vmem>> -> memref<128x128xf32, #tpu.memory_space<vmem>>
    %dma_start3A_9 = arith.constant 0 : i32
    %dma_start3A_10 = tpu.memref_slice %arg2[%mul3A_4, %dma_start3A_9] : memref<100000x128xf32, #tpu.memory_space<hbm>> -> memref<128x128xf32, #tpu.memory_space<hbm>>
    %dma_start3A_11 = arith.constant 0 : i32
    %dma_start3A_12 = arith.constant 0 : i32
    %dma_start3A_13 = tpu.memref_slice %arg6[%dma_start3A, %dma_start3A_11, %dma_start3A_12] : memref<5x128x128xf32, #tpu.memory_space<vmem>> -> memref<1x128x128xf32, #tpu.memory_space<vmem>>
    %dma_start3A_14 = tpu.memref_squeeze %dma_start3A_13 : memref<1x128x128xf32, #tpu.memory_space<vmem>> -> memref<128x128xf32, #tpu.memory_space<vmem>>
    %dma_start3A_15 = arith.constant 0 : i32
    %dma_start3A_16 = tpu.memref_slice %arg2[%mul3A_4, %dma_start3A_15] : memref<100000x128xf32, #tpu.memory_space<hbm>> -> memref<128x128xf32, #tpu.memory_space<hbm>>
    tpu.enqueue_dma source(%dma_start3A_16 : memref<128x128xf32, #tpu.memory_space<hbm>>) target(%dma_start3A_14 : memref<128x128xf32, #tpu.memory_space<vmem>>) target_semaphore(%arg10 : memref<!tpu.dma_semaphore, #tpu.memory_space<semaphore_mem>>)
    %add3A_17 = arith.constant 32 : i32
    %add3A_18 = arith.addi %add3A_17, %add3A : i32
    %mul3A_19 = arith.constant 128 : i32
    %mul3A_20 = arith.muli %add3A_18, %mul3A_19 : i32
    %dma_start3A_21 = arith.constant 1 : i32
    %dma_start3A_22 = arith.constant 0 : i32
    %dma_start3A_23 = arith.constant 0 : i32
    %dma_start3A_24 = tpu.memref_slice %arg6[%dma_start3A_21, %dma_start3A_22, %dma_start3A_23] : memref<5x128x128xf32, #tpu.memory_space<vmem>> -> memref<1x128x128xf32, #tpu.memory_space<vmem>>
    %dma_start3A_25 = tpu.memref_squeeze %dma_start3A_24 : memref<1x128x128xf32, #tpu.memory_space<vmem>> -> memref<128x128xf32, #tpu.memory_space<vmem>>
    %dma_start3A_26 = arith.constant 0 : i32
    %dma_start3A_27 = tpu.memref_slice %arg2[%mul3A_20, %dma_start3A_26] : memref<100000x128xf32, #tpu.memory_space<hbm>> -> memref<128x128xf32, #tpu.memory_space<hbm>>
    %dma_start3A_28 = arith.constant 0 : i32
    %dma_start3A_29 = arith.constant 0 : i32
    %dma_start3A_30 = tpu.memref_slice %arg6[%dma_start3A_21, %dma_start3A_28, %dma_start3A_29] : memref<5x128x128xf32, #tpu.memory_space<vmem>> -> memref<1x128x128xf32, #tpu.memory_space<vmem>>
    %dma_start3A_31 = tpu.memref_squeeze %dma_start3A_30 : memref<1x128x128xf32, #tpu.memory_space<vmem>> -> memref<128x128xf32, #tpu.memory_space<vmem>>
    %dma_start3A_32 = arith.constant 0 : i32
    %dma_start3A_33 = tpu.memref_slice %arg2[%mul3A_20, %dma_start3A_32] : memref<100000x128xf32, #tpu.memory_space<hbm>> -> memref<128x128xf32, #tpu.memory_space<hbm>>
    tpu.enqueue_dma source(%dma_start3A_33 : memref<128x128xf32, #tpu.memory_space<hbm>>) target(%dma_start3A_31 : memref<128x128xf32, #tpu.memory_space<vmem>>) target_semaphore(%arg11 : memref<!tpu.dma_semaphore, #tpu.memory_space<semaphore_mem>>)
    %add3A_34 = arith.constant 64 : i32
    %add3A_35 = arith.addi %add3A_34, %add3A : i32
    %mul3A_36 = arith.constant 128 : i32
    %mul3A_37 = arith.muli %add3A_35, %mul3A_36 : i32
    %dma_start3A_38 = arith.constant 2 : i32
    %dma_start3A_39 = arith.constant 0 : i32
    %dma_start3A_40 = arith.constant 0 : i32
    %dma_start3A_41 = tpu.memref_slice %arg6[%dma_start3A_38, %dma_start3A_39, %dma_start3A_40] : memref<5x128x128xf32, #tpu.memory_space<vmem>> -> memref<1x128x128xf32, #tpu.memory_space<vmem>>
    %dma_start3A_42 = tpu.memref_squeeze %dma_start3A_41 : memref<1x128x128xf32, #tpu.memory_space<vmem>> -> memref<128x128xf32, #tpu.memory_space<vmem>>
    %dma_start3A_43 = arith.constant 0 : i32
    %dma_start3A_44 = tpu.memref_slice %arg2[%mul3A_37, %dma_start3A_43] : memref<100000x128xf32, #tpu.memory_space<hbm>> -> memref<128x128xf32, #tpu.memory_space<hbm>>
    %dma_start3A_45 = arith.constant 0 : i32
    %dma_start3A_46 = arith.constant 0 : i32
    %dma_start3A_47 = tpu.memref_slice %arg6[%dma_start3A_38, %dma_start3A_45, %dma_start3A_46] : memref<5x128x128xf32, #tpu.memory_space<vmem>> -> memref<1x128x128xf32, #tpu.memory_space<vmem>>
    %dma_start3A_48 = tpu.memref_squeeze %dma_start3A_47 : memref<1x128x128xf32, #tpu.memory_space<vmem>> -> memref<128x128xf32, #tpu.memory_space<vmem>>
    %dma_start3A_49 = arith.constant 0 : i32
    %dma_start3A_50 = tpu.memref_slice %arg2[%mul3A_37, %dma_start3A_49] : memref<100000x128xf32, #tpu.memory_space<hbm>> -> memref<128x128xf32, #tpu.memory_space<hbm>>
    tpu.enqueue_dma source(%dma_start3A_50 : memref<128x128xf32, #tpu.memory_space<hbm>>) target(%dma_start3A_48 : memref<128x128xf32, #tpu.memory_space<vmem>>) target_semaphore(%arg12 : memref<!tpu.dma_semaphore, #tpu.memory_space<semaphore_mem>>)
    %add3A_51 = arith.constant 0 : i32
    %add3A_52 = arith.addi %add3A_51, %add3A : i32
    %mul3A_53 = arith.constant 128 : i32
    %mul3A_54 = arith.muli %add3A_52, %mul3A_53 : i32
    %dma_start3A_55 = arith.constant 0 : i32
    %dma_start3A_56 = arith.constant 0 : i32
    %dma_start3A_57 = tpu.memref_slice %arg5[%dma_start3A_55, %dma_start3A_56] : memref<25x128xi32, #tpu.memory_space<vmem>> -> memref<1x128xi32, #tpu.memory_space<vmem>>
    %dma_start3A_58 = tpu.memref_squeeze %dma_start3A_57 : memref<1x128xi32, #tpu.memory_space<vmem>> -> memref<128xi32, #tpu.memory_space<vmem>>
    %dma_start3A_59 = tpu.memref_slice %arg3[%mul3A_54] : memref<100000xi32, #tpu.memory_space<hbm>> -> memref<128xi32, #tpu.memory_space<hbm>>
    %dma_start3A_60 = arith.constant 0 : i32
    %dma_start3A_61 = tpu.memref_slice %arg5[%dma_start3A_55, %dma_start3A_60] : memref<25x128xi32, #tpu.memory_space<vmem>> -> memref<1x128xi32, #tpu.memory_space<vmem>>
    %dma_start3A_62 = tpu.memref_squeeze %dma_start3A_61 : memref<1x128xi32, #tpu.memory_space<vmem>> -> memref<128xi32, #tpu.memory_space<vmem>>
    %dma_start3A_63 = tpu.memref_slice %arg3[%mul3A_54] : memref<100000xi32, #tpu.memory_space<hbm>> -> memref<128xi32, #tpu.memory_space<hbm>>
    tpu.enqueue_dma source(%dma_start3A_63 : memref<128xi32, #tpu.memory_space<hbm>>) target(%dma_start3A_62 : memref<128xi32, #tpu.memory_space<vmem>>) target_semaphore(%arg9 : memref<!tpu.dma_semaphore, #tpu.memory_space<semaphore_mem>>)
    %add3A_64 = arith.constant 32 : i32
    %add3A_65 = arith.addi %add3A_64, %add3A : i32
    %mul3A_66 = arith.constant 128 : i32
    %mul3A_67 = arith.muli %add3A_65, %mul3A_66 : i32
    %dma_start3A_68 = arith.constant 1 : i32
    %dma_start3A_69 = arith.constant 0 : i32
    %dma_start3A_70 = tpu.memref_slice %arg5[%dma_start3A_68, %dma_start3A_69] : memref<25x128xi32, #tpu.memory_space<vmem>> -> memref<1x128xi32, #tpu.memory_space<vmem>>
    %dma_start3A_71 = tpu.memref_squeeze %dma_start3A_70 : memref<1x128xi32, #tpu.memory_space<vmem>> -> memref<128xi32, #tpu.memory_space<vmem>>
    %dma_start3A_72 = tpu.memref_slice %arg3[%mul3A_67] : memref<100000xi32, #tpu.memory_space<hbm>> -> memref<128xi32, #tpu.memory_space<hbm>>
    %dma_start3A_73 = arith.constant 0 : i32
    %dma_start3A_74 = tpu.memref_slice %arg5[%dma_start3A_68, %dma_start3A_73] : memref<25x128xi32, #tpu.memory_space<vmem>> -> memref<1x128xi32, #tpu.memory_space<vmem>>
    %dma_start3A_75 = tpu.memref_squeeze %dma_start3A_74 : memref<1x128xi32, #tpu.memory_space<vmem>> -> memref<128xi32, #tpu.memory_space<vmem>>
    %dma_start3A_76 = tpu.memref_slice %arg3[%mul3A_67] : memref<100000xi32, #tpu.memory_space<hbm>> -> memref<128xi32, #tpu.memory_space<hbm>>
    tpu.enqueue_dma source(%dma_start3A_76 : memref<128xi32, #tpu.memory_space<hbm>>) target(%dma_start3A_75 : memref<128xi32, #tpu.memory_space<vmem>>) target_semaphore(%arg9 : memref<!tpu.dma_semaphore, #tpu.memory_space<semaphore_mem>>)
    %add3A_77 = arith.constant 64 : i32
    %add3A_78 = arith.addi %add3A_77, %add3A : i32
    %mul3A_79 = arith.constant 128 : i32
    %mul3A_80 = arith.muli %add3A_78, %mul3A_79 : i32
    %dma_start3A_81 = arith.constant 2 : i32
    %dma_start3A_82 = arith.constant 0 : i32
    %dma_start3A_83 = tpu.memref_slice %arg5[%dma_start3A_81, %dma_start3A_82] : memref<25x128xi32, #tpu.memory_space<vmem>> -> memref<1x128xi32, #tpu.memory_space<vmem>>
    %dma_start3A_84 = tpu.memref_squeeze %dma_start3A_83 : memref<1x128xi32, #tpu.memory_space<vmem>> -> memref<128xi32, #tpu.memory_space<vmem>>
    %dma_start3A_85 = tpu.memref_slice %arg3[%mul3A_80] : memref<100000xi32, #tpu.memory_space<hbm>> -> memref<128xi32, #tpu.memory_space<hbm>>
    %dma_start3A_86 = arith.constant 0 : i32
    %dma_start3A_87 = tpu.memref_slice %arg5[%dma_start3A_81, %dma_start3A_86] : memref<25x128xi32, #tpu.memory_space<vmem>> -> memref<1x128xi32, #tpu.memory_space<vmem>>
    %dma_start3A_88 = tpu.memref_squeeze %dma_start3A_87 : memref<1x128xi32, #tpu.memory_space<vmem>> -> memref<128xi32, #tpu.memory_space<vmem>>
    %dma_start3A_89 = tpu.memref_slice %arg3[%mul3A_80] : memref<100000xi32, #tpu.memory_space<hbm>> -> memref<128xi32, #tpu.memory_space<hbm>>
    tpu.enqueue_dma source(%dma_start3A_89 : memref<128xi32, #tpu.memory_space<hbm>>) target(%dma_start3A_88 : memref<128xi32, #tpu.memory_space<vmem>>) target_semaphore(%arg9 : memref<!tpu.dma_semaphore, #tpu.memory_space<semaphore_mem>>)
    %add3A_90 = arith.constant 96 : i32
    %add3A_91 = arith.addi %add3A_90, %add3A : i32
    %mul3A_92 = arith.constant 128 : i32
    %mul3A_93 = arith.muli %add3A_91, %mul3A_92 : i32
    %dma_start3A_94 = arith.constant 3 : i32
    %dma_start3A_95 = arith.constant 0 : i32
    %dma_start3A_96 = tpu.memref_slice %arg5[%dma_start3A_94, %dma_start3A_95] : memref<25x128xi32, #tpu.memory_space<vmem>> -> memref<1x128xi32, #tpu.memory_space<vmem>>
    %dma_start3A_97 = tpu.memref_squeeze %dma_start3A_96 : memref<1x128xi32, #tpu.memory_space<vmem>> -> memref<128xi32, #tpu.memory_space<vmem>>
    %dma_start3A_98 = tpu.memref_slice %arg3[%mul3A_93] : memref<100000xi32, #tpu.memory_space<hbm>> -> memref<128xi32, #tpu.memory_space<hbm>>
    %dma_start3A_99 = arith.constant 0 : i32
    %dma_start3A_100 = tpu.memref_slice %arg5[%dma_start3A_94, %dma_start3A_99] : memref<25x128xi32, #tpu.memory_space<vmem>> -> memref<1x128xi32, #tpu.memory_space<vmem>>
    %dma_start3A_101 = tpu.memref_squeeze %dma_start3A_100 : memref<1x128xi32, #tpu.memory_space<vmem>> -> memref<128xi32, #tpu.memory_space<vmem>>
    %dma_start3A_102 = tpu.memref_slice %arg3[%mul3A_93] : memref<100000xi32, #tpu.memory_space<hbm>> -> memref<128xi32, #tpu.memory_space<hbm>>
    tpu.enqueue_dma source(%dma_start3A_102 : memref<128xi32, #tpu.memory_space<hbm>>) target(%dma_start3A_101 : memref<128xi32, #tpu.memory_space<vmem>>) target_semaphore(%arg9 : memref<!tpu.dma_semaphore, #tpu.memory_space<semaphore_mem>>)
    %add3A_103 = arith.constant 128 : i32
    %add3A_104 = arith.addi %add3A_103, %add3A : i32
    %mul3A_105 = arith.constant 128 : i32
    %mul3A_106 = arith.muli %add3A_104, %mul3A_105 : i32
    %dma_start3A_107 = arith.constant 4 : i32
    %dma_start3A_108 = arith.constant 0 : i32
    %dma_start3A_109 = tpu.memref_slice %arg5[%dma_start3A_107, %dma_start3A_108] : memref<25x128xi32, #tpu.memory_space<vmem>> -> memref<1x128xi32, #tpu.memory_space<vmem>>
    %dma_start3A_110 = tpu.memref_squeeze %dma_start3A_109 : memref<1x128xi32, #tpu.memory_space<vmem>> -> memref<128xi32, #tpu.memory_space<vmem>>
    %dma_start3A_111 = tpu.memref_slice %arg3[%mul3A_106] : memref<100000xi32, #tpu.memory_space<hbm>> -> memref<128xi32, #tpu.memory_space<hbm>>
    %dma_start3A_112 = arith.constant 0 : i32
    %dma_start3A_113 = tpu.memref_slice %arg5[%dma_start3A_107, %dma_start3A_112] : memref<25x128xi32, #tpu.memory_space<vmem>> -> memref<1x128xi32, #tpu.memory_space<vmem>>
    %dma_start3A_114 = tpu.memref_squeeze %dma_start3A_113 : memref<1x128xi32, #tpu.memory_space<vmem>> -> memref<128xi32, #tpu.memory_space<vmem>>
    %dma_start3A_115 = tpu.memref_slice %arg3[%mul3A_106] : memref<100000xi32, #tpu.memory_space<hbm>> -> memref<128xi32, #tpu.memory_space<hbm>>
    tpu.enqueue_dma source(%dma_start3A_115 : memref<128xi32, #tpu.memory_space<hbm>>) target(%dma_start3A_114 : memref<128xi32, #tpu.memory_space<vmem>>) target_semaphore(%arg9 : memref<!tpu.dma_semaphore, #tpu.memory_space<semaphore_mem>>)
    %add3A_116 = arith.constant 160 : i32
    %add3A_117 = arith.addi %add3A_116, %add3A : i32
    %mul3A_118 = arith.constant 128 : i32
    %mul3A_119 = arith.muli %add3A_117, %mul3A_118 : i32
    %dma_start3A_120 = arith.constant 5 : i32
    %dma_start3A_121 = arith.constant 0 : i32
    %dma_start3A_122 = tpu.memref_slice %arg5[%dma_start3A_120, %dma_start3A_121] : memref<25x128xi32, #tpu.memory_space<vmem>> -> memref<1x128xi32, #tpu.memory_space<vmem>>
    %dma_start3A_123 = tpu.memref_squeeze %dma_start3A_122 : memref<1x128xi32, #tpu.memory_space<vmem>> -> memref<128xi32, #tpu.memory_space<vmem>>
    %dma_start3A_124 = tpu.memref_slice %arg3[%mul3A_119] : memref<100000xi32, #tpu.memory_space<hbm>> -> memref<128xi32, #tpu.memory_space<hbm>>
    %dma_start3A_125 = arith.constant 0 : i32
    %dma_start3A_126 = tpu.memref_slice %arg5[%dma_start3A_120, %dma_start3A_125] : memref<25x128xi32, #tpu.memory_space<vmem>> -> memref<1x128xi32, #tpu.memory_space<vmem>>
    %dma_start3A_127 = tpu.memref_squeeze %dma_start3A_126 : memref<1x128xi32, #tpu.memory_space<vmem>> -> memref<128xi32, #tpu.memory_space<vmem>>
    %dma_start3A_128 = tpu.memref_slice %arg3[%mul3A_119] : memref<100000xi32, #tpu.memory_space<hbm>> -> memref<128xi32, #tpu.memory_space<hbm>>
    tpu.enqueue_dma source(%dma_start3A_128 : memref<128xi32, #tpu.memory_space<hbm>>) target(%dma_start3A_127 : memref<128xi32, #tpu.memory_space<vmem>>) target_semaphore(%arg9 : memref<!tpu.dma_semaphore, #tpu.memory_space<semaphore_mem>>)
    %add3A_129 = arith.constant 192 : i32
    %add3A_130 = arith.addi %add3A_129, %add3A : i32
    %mul3A_131 = arith.constant 128 : i32
    %mul3A_132 = arith.muli %add3A_130, %mul3A_131 : i32
    %dma_start3A_133 = arith.constant 6 : i32
    %dma_start3A_134 = arith.constant 0 : i32
    %dma_start3A_135 = tpu.memref_slice %arg5[%dma_start3A_133, %dma_start3A_134] : memref<25x128xi32, #tpu.memory_space<vmem>> -> memref<1x128xi32, #tpu.memory_space<vmem>>
    %dma_start3A_136 = tpu.memref_squeeze %dma_start3A_135 : memref<1x128xi32, #tpu.memory_space<vmem>> -> memref<128xi32, #tpu.memory_space<vmem>>
    %dma_start3A_137 = tpu.memref_slice %arg3[%mul3A_132] : memref<100000xi32, #tpu.memory_space<hbm>> -> memref<128xi32, #tpu.memory_space<hbm>>
    %dma_start3A_138 = arith.constant 0 : i32
    %dma_start3A_139 = tpu.memref_slice %arg5[%dma_start3A_133, %dma_start3A_138] : memref<25x128xi32, #tpu.memory_space<vmem>> -> memref<1x128xi32, #tpu.memory_space<vmem>>
    %dma_start3A_140 = tpu.memref_squeeze %dma_start3A_139 : memref<1x128xi32, #tpu.memory_space<vmem>> -> memref<128xi32, #tpu.memory_space<vmem>>
    %dma_start3A_141 = tpu.memref_slice %arg3[%mul3A_132] : memref<100000xi32, #tpu.memory_space<hbm>> -> memref<128xi32, #tpu.memory_space<hbm>>
    tpu.enqueue_dma source(%dma_start3A_141 : memref<128xi32, #tpu.memory_space<hbm>>) target(%dma_start3A_140 : memref<128xi32, #tpu.memory_space<vmem>>) target_semaphore(%arg9 : memref<!tpu.dma_semaphore, #tpu.memory_space<semaphore_mem>>)
    %add3A_142 = arith.constant 224 : i32
    %add3A_143 = arith.addi %add3A_142, %add3A : i32
    %mul3A_144 = arith.constant 128 : i32
    %mul3A_145 = arith.muli %add3A_143, %mul3A_144 : i32
    %dma_start3A_146 = arith.constant 7 : i32
    %dma_start3A_147 = arith.constant 0 : i32
    %dma_start3A_148 = tpu.memref_slice %arg5[%dma_start3A_146, %dma_start3A_147] : memref<25x128xi32, #tpu.memory_space<vmem>> -> memref<1x128xi32, #tpu.memory_space<vmem>>
    %dma_start3A_149 = tpu.memref_squeeze %dma_start3A_148 : memref<1x128xi32, #tpu.memory_space<vmem>> -> memref<128xi32, #tpu.memory_space<vmem>>
    %dma_start3A_150 = tpu.memref_slice %arg3[%mul3A_145] : memref<100000xi32, #tpu.memory_space<hbm>> -> memref<128xi32, #tpu.memory_space<hbm>>
    %dma_start3A_151 = arith.constant 0 : i32
    %dma_start3A_152 = tpu.memref_slice %arg5[%dma_start3A_146, %dma_start3A_151] : memref<25x128xi32, #tpu.memory_space<vmem>> -> memref<1x128xi32, #tpu.memory_space<vmem>>
    %dma_start3A_153 = tpu.memref_squeeze %dma_start3A_152 : memref<1x128xi32, #tpu.memory_space<vmem>> -> memref<128xi32, #tpu.memory_space<vmem>>
    %dma_start3A_154 = tpu.memref_slice %arg3[%mul3A_145] : memref<100000xi32, #tpu.memory_space<hbm>> -> memref<128xi32, #tpu.memory_space<hbm>>
    tpu.enqueue_dma source(%dma_start3A_154 : memref<128xi32, #tpu.memory_space<hbm>>) target(%dma_start3A_153 : memref<128xi32, #tpu.memory_space<vmem>>) target_semaphore(%arg9 : memref<!tpu.dma_semaphore, #tpu.memory_space<semaphore_mem>>)
    %add3A_155 = arith.constant 256 : i32
    %add3A_156 = arith.addi %add3A_155, %add3A : i32
    %mul3A_157 = arith.constant 128 : i32
    %mul3A_158 = arith.muli %add3A_156, %mul3A_157 : i32
    %dma_start3A_159 = arith.constant 8 : i32
    %dma_start3A_160 = arith.constant 0 : i32
    %dma_start3A_161 = tpu.memref_slice %arg5[%dma_start3A_159, %dma_start3A_160] : memref<25x128xi32, #tpu.memory_space<vmem>> -> memref<1x128xi32, #tpu.memory_space<vmem>>
    %dma_start3A_162 = tpu.memref_squeeze %dma_start3A_161 : memref<1x128xi32, #tpu.memory_space<vmem>> -> memref<128xi32, #tpu.memory_space<vmem>>
    %dma_start3A_163 = tpu.memref_slice %arg3[%mul3A_158] : memref<100000xi32, #tpu.memory_space<hbm>> -> memref<128xi32, #tpu.memory_space<hbm>>
    %dma_start3A_164 = arith.constant 0 : i32
    %dma_start3A_165 = tpu.memref_slice %arg5[%dma_start3A_159, %dma_start3A_164] : memref<25x128xi32, #tpu.memory_space<vmem>> -> memref<1x128xi32, #tpu.memory_space<vmem>>
    %dma_start3A_166 = tpu.memref_squeeze %dma_start3A_165 : memref<1x128xi32, #tpu.memory_space<vmem>> -> memref<128xi32, #tpu.memory_space<vmem>>
    %dma_start3A_167 = tpu.memref_slice %arg3[%mul3A_158] : memref<100000xi32, #tpu.memory_space<hbm>> -> memref<128xi32, #tpu.memory_space<hbm>>
    tpu.enqueue_dma source(%dma_start3A_167 : memref<128xi32, #tpu.memory_space<hbm>>) target(%dma_start3A_166 : memref<128xi32, #tpu.memory_space<vmem>>) target_semaphore(%arg9 : memref<!tpu.dma_semaphore, #tpu.memory_space<semaphore_mem>>)
    %add3A_168 = arith.constant 288 : i32
    %add3A_169 = arith.addi %add3A_168, %add3A : i32
    %mul3A_170 = arith.constant 128 : i32
    %mul3A_171 = arith.muli %add3A_169, %mul3A_170 : i32
    %dma_start3A_172 = arith.constant 9 : i32
    %dma_start3A_173 = arith.constant 0 : i32
    %dma_start3A_174 = tpu.memref_slice %arg5[%dma_start3A_172, %dma_start3A_173] : memref<25x128xi32, #tpu.memory_space<vmem>> -> memref<1x128xi32, #tpu.memory_space<vmem>>
    %dma_start3A_175 = tpu.memref_squeeze %dma_start3A_174 : memref<1x128xi32, #tpu.memory_space<vmem>> -> memref<128xi32, #tpu.memory_space<vmem>>
    %dma_start3A_176 = tpu.memref_slice %arg3[%mul3A_171] : memref<100000xi32, #tpu.memory_space<hbm>> -> memref<128xi32, #tpu.memory_space<hbm>>
    %dma_start3A_177 = arith.constant 0 : i32
    %dma_start3A_178 = tpu.memref_slice %arg5[%dma_start3A_172, %dma_start3A_177] : memref<25x128xi32, #tpu.memory_space<vmem>> -> memref<1x128xi32, #tpu.memory_space<vmem>>
    %dma_start3A_179 = tpu.memref_squeeze %dma_start3A_178 : memref<1x128xi32, #tpu.memory_space<vmem>> -> memref<128xi32, #tpu.memory_space<vmem>>
    %dma_start3A_180 = tpu.memref_slice %arg3[%mul3A_171] : memref<100000xi32, #tpu.memory_space<hbm>> -> memref<128xi32, #tpu.memory_space<hbm>>
    tpu.enqueue_dma source(%dma_start3A_180 : memref<128xi32, #tpu.memory_space<hbm>>) target(%dma_start3A_179 : memref<128xi32, #tpu.memory_space<vmem>>) target_semaphore(%arg9 : memref<!tpu.dma_semaphore, #tpu.memory_space<semaphore_mem>>)
    %add3A_181 = arith.constant 320 : i32
    %add3A_182 = arith.addi %add3A_181, %add3A : i32
    %mul3A_183 = arith.constant 128 : i32
    %mul3A_184 = arith.muli %add3A_182, %mul3A_183 : i32
    %dma_start3A_185 = arith.constant 10 : i32
    %dma_start3A_186 = arith.constant 0 : i32
    %dma_start3A_187 = tpu.memref_slice %arg5[%dma_start3A_185, %dma_start3A_186] : memref<25x128xi32, #tpu.memory_space<vmem>> -> memref<1x128xi32, #tpu.memory_space<vmem>>
    %dma_start3A_188 = tpu.memref_squeeze %dma_start3A_187 : memref<1x128xi32, #tpu.memory_space<vmem>> -> memref<128xi32, #tpu.memory_space<vmem>>
    %dma_start3A_189 = tpu.memref_slice %arg3[%mul3A_184] : memref<100000xi32, #tpu.memory_space<hbm>> -> memref<128xi32, #tpu.memory_space<hbm>>
    %dma_start3A_190 = arith.constant 0 : i32
    %dma_start3A_191 = tpu.memref_slice %arg5[%dma_start3A_185, %dma_start3A_190] : memref<25x128xi32, #tpu.memory_space<vmem>> -> memref<1x128xi32, #tpu.memory_space<vmem>>
    %dma_start3A_192 = tpu.memref_squeeze %dma_start3A_191 : memref<1x128xi32, #tpu.memory_space<vmem>> -> memref<128xi32, #tpu.memory_space<vmem>>
    %dma_start3A_193 = tpu.memref_slice %arg3[%mul3A_184] : memref<100000xi32, #tpu.memory_space<hbm>> -> memref<128xi32, #tpu.memory_space<hbm>>
    tpu.enqueue_dma source(%dma_start3A_193 : memref<128xi32, #tpu.memory_space<hbm>>) target(%dma_start3A_192 : memref<128xi32, #tpu.memory_space<vmem>>) target_semaphore(%arg9 : memref<!tpu.dma_semaphore, #tpu.memory_space<semaphore_mem>>)
    %add3A_194 = arith.constant 352 : i32
    %add3A_195 = arith.addi %add3A_194, %add3A : i32
    %mul3A_196 = arith.constant 128 : i32
    %mul3A_197 = arith.muli %add3A_195, %mul3A_196 : i32
    %dma_start3A_198 = arith.constant 11 : i32
    %dma_start3A_199 = arith.constant 0 : i32
    %dma_start3A_200 = tpu.memref_slice %arg5[%dma_start3A_198, %dma_start3A_199] : memref<25x128xi32, #tpu.memory_space<vmem>> -> memref<1x128xi32, #tpu.memory_space<vmem>>
    %dma_start3A_201 = tpu.memref_squeeze %dma_start3A_200 : memref<1x128xi32, #tpu.memory_space<vmem>> -> memref<128xi32, #tpu.memory_space<vmem>>
    %dma_start3A_202 = tpu.memref_slice %arg3[%mul3A_197] : memref<100000xi32, #tpu.memory_space<hbm>> -> memref<128xi32, #tpu.memory_space<hbm>>
    %dma_start3A_203 = arith.constant 0 : i32
    %dma_start3A_204 = tpu.memref_slice %arg5[%dma_start3A_198, %dma_start3A_203] : memref<25x128xi32, #tpu.memory_space<vmem>> -> memref<1x128xi32, #tpu.memory_space<vmem>>
    %dma_start3A_205 = tpu.memref_squeeze %dma_start3A_204 : memref<1x128xi32, #tpu.memory_space<vmem>> -> memref<128xi32, #tpu.memory_space<vmem>>
    %dma_start3A_206 = tpu.memref_slice %arg3[%mul3A_197] : memref<100000xi32, #tpu.memory_space<hbm>> -> memref<128xi32, #tpu.memory_space<hbm>>
    tpu.enqueue_dma source(%dma_start3A_206 : memref<128xi32, #tpu.memory_space<hbm>>) target(%dma_start3A_205 : memref<128xi32, #tpu.memory_space<vmem>>) target_semaphore(%arg9 : memref<!tpu.dma_semaphore, #tpu.memory_space<semaphore_mem>>)
    %add3A_207 = arith.constant 384 : i32
    %add3A_208 = arith.addi %add3A_207, %add3A : i32
    %mul3A_209 = arith.constant 128 : i32
    %mul3A_210 = arith.muli %add3A_208, %mul3A_209 : i32
    %dma_start3A_211 = arith.constant 12 : i32
    %dma_start3A_212 = arith.constant 0 : i32
    %dma_start3A_213 = tpu.memref_slice %arg5[%dma_start3A_211, %dma_start3A_212] : memref<25x128xi32, #tpu.memory_space<vmem>> -> memref<1x128xi32, #tpu.memory_space<vmem>>
    %dma_start3A_214 = tpu.memref_squeeze %dma_start3A_213 : memref<1x128xi32, #tpu.memory_space<vmem>> -> memref<128xi32, #tpu.memory_space<vmem>>
    %dma_start3A_215 = tpu.memref_slice %arg3[%mul3A_210] : memref<100000xi32, #tpu.memory_space<hbm>> -> memref<128xi32, #tpu.memory_space<hbm>>
    %dma_start3A_216 = arith.constant 0 : i32
    %dma_start3A_217 = tpu.memref_slice %arg5[%dma_start3A_211, %dma_start3A_216] : memref<25x128xi32, #tpu.memory_space<vmem>> -> memref<1x128xi32, #tpu.memory_space<vmem>>
    %dma_start3A_218 = tpu.memref_squeeze %dma_start3A_217 : memref<1x128xi32, #tpu.memory_space<vmem>> -> memref<128xi32, #tpu.memory_space<vmem>>
    %dma_start3A_219 = tpu.memref_slice %arg3[%mul3A_210] : memref<100000xi32, #tpu.memory_space<hbm>> -> memref<128xi32, #tpu.memory_space<hbm>>
    tpu.enqueue_dma source(%dma_start3A_219 : memref<128xi32, #tpu.memory_space<hbm>>) target(%dma_start3A_218 : memref<128xi32, #tpu.memory_space<vmem>>) target_semaphore(%arg9 : memref<!tpu.dma_semaphore, #tpu.memory_space<semaphore_mem>>)
    %add3A_220 = arith.constant 416 : i32
    %add3A_221 = arith.addi %add3A_220, %add3A : i32
    %mul3A_222 = arith.constant 128 : i32
    %mul3A_223 = arith.muli %add3A_221, %mul3A_222 : i32
    %dma_start3A_224 = arith.constant 13 : i32
    %dma_start3A_225 = arith.constant 0 : i32
    %dma_start3A_226 = tpu.memref_slice %arg5[%dma_start3A_224, %dma_start3A_225] : memref<25x128xi32, #tpu.memory_space<vmem>> -> memref<1x128xi32, #tpu.memory_space<vmem>>
    %dma_start3A_227 = tpu.memref_squeeze %dma_start3A_226 : memref<1x128xi32, #tpu.memory_space<vmem>> -> memref<128xi32, #tpu.memory_space<vmem>>
    %dma_start3A_228 = tpu.memref_slice %arg3[%mul3A_223] : memref<100000xi32, #tpu.memory_space<hbm>> -> memref<128xi32, #tpu.memory_space<hbm>>
    %dma_start3A_229 = arith.constant 0 : i32
    %dma_start3A_230 = tpu.memref_slice %arg5[%dma_start3A_224, %dma_start3A_229] : memref<25x128xi32, #tpu.memory_space<vmem>> -> memref<1x128xi32, #tpu.memory_space<vmem>>
    %dma_start3A_231 = tpu.memref_squeeze %dma_start3A_230 : memref<1x128xi32, #tpu.memory_space<vmem>> -> memref<128xi32, #tpu.memory_space<vmem>>
    %dma_start3A_232 = tpu.memref_slice %arg3[%mul3A_223] : memref<100000xi32, #tpu.memory_space<hbm>> -> memref<128xi32, #tpu.memory_space<hbm>>
    tpu.enqueue_dma source(%dma_start3A_232 : memref<128xi32, #tpu.memory_space<hbm>>) target(%dma_start3A_231 : memref<128xi32, #tpu.memory_space<vmem>>) target_semaphore(%arg9 : memref<!tpu.dma_semaphore, #tpu.memory_space<semaphore_mem>>)
    %add3A_233 = arith.constant 448 : i32
    %add3A_234 = arith.addi %add3A_233, %add3A : i32
    %mul3A_235 = arith.constant 128 : i32
    %mul3A_236 = arith.muli %add3A_234, %mul3A_235 : i32
    %dma_start3A_237 = arith.constant 14 : i32
    %dma_start3A_238 = arith.constant 0 : i32
    %dma_start3A_239 = tpu.memref_slice %arg5[%dma_start3A_237, %dma_start3A_238] : memref<25x128xi32, #tpu.memory_space<vmem>> -> memref<1x128xi32, #tpu.memory_space<vmem>>
    %dma_start3A_240 = tpu.memref_squeeze %dma_start3A_239 : memref<1x128xi32, #tpu.memory_space<vmem>> -> memref<128xi32, #tpu.memory_space<vmem>>
    %dma_start3A_241 = tpu.memref_slice %arg3[%mul3A_236] : memref<100000xi32, #tpu.memory_space<hbm>> -> memref<128xi32, #tpu.memory_space<hbm>>
    %dma_start3A_242 = arith.constant 0 : i32
    %dma_start3A_243 = tpu.memref_slice %arg5[%dma_start3A_237, %dma_start3A_242] : memref<25x128xi32, #tpu.memory_space<vmem>> -> memref<1x128xi32, #tpu.memory_space<vmem>>
    %dma_start3A_244 = tpu.memref_squeeze %dma_start3A_243 : memref<1x128xi32, #tpu.memory_space<vmem>> -> memref<128xi32, #tpu.memory_space<vmem>>
    %dma_start3A_245 = tpu.memref_slice %arg3[%mul3A_236] : memref<100000xi32, #tpu.memory_space<hbm>> -> memref<128xi32, #tpu.memory_space<hbm>>
    tpu.enqueue_dma source(%dma_start3A_245 : memref<128xi32, #tpu.memory_space<hbm>>) target(%dma_start3A_244 : memref<128xi32, #tpu.memory_space<vmem>>) target_semaphore(%arg9 : memref<!tpu.dma_semaphore, #tpu.memory_space<semaphore_mem>>)
    %add3A_246 = arith.constant 480 : i32
    %add3A_247 = arith.addi %add3A_246, %add3A : i32
    %mul3A_248 = arith.constant 128 : i32
    %mul3A_249 = arith.muli %add3A_247, %mul3A_248 : i32
    %dma_start3A_250 = arith.constant 15 : i32
    %dma_start3A_251 = arith.constant 0 : i32
    %dma_start3A_252 = tpu.memref_slice %arg5[%dma_start3A_250, %dma_start3A_251] : memref<25x128xi32, #tpu.memory_space<vmem>> -> memref<1x128xi32, #tpu.memory_space<vmem>>
    %dma_start3A_253 = tpu.memref_squeeze %dma_start3A_252 : memref<1x128xi32, #tpu.memory_space<vmem>> -> memref<128xi32, #tpu.memory_space<vmem>>
    %dma_start3A_254 = tpu.memref_slice %arg3[%mul3A_249] : memref<100000xi32, #tpu.memory_space<hbm>> -> memref<128xi32, #tpu.memory_space<hbm>>
    %dma_start3A_255 = arith.constant 0 : i32
    %dma_start3A_256 = tpu.memref_slice %arg5[%dma_start3A_250, %dma_start3A_255] : memref<25x128xi32, #tpu.memory_space<vmem>> -> memref<1x128xi32, #tpu.memory_space<vmem>>
    %dma_start3A_257 = tpu.memref_squeeze %dma_start3A_256 : memref<1x128xi32, #tpu.memory_space<vmem>> -> memref<128xi32, #tpu.memory_space<vmem>>
    %dma_start3A_258 = tpu.memref_slice %arg3[%mul3A_249] : memref<100000xi32, #tpu.memory_space<hbm>> -> memref<128xi32, #tpu.memory_space<hbm>>
    tpu.enqueue_dma source(%dma_start3A_258 : memref<128xi32, #tpu.memory_space<hbm>>) target(%dma_start3A_257 : memref<128xi32, #tpu.memory_space<vmem>>) target_semaphore(%arg9 : memref<!tpu.dma_semaphore, #tpu.memory_space<semaphore_mem>>)
    %add3A_259 = arith.constant 512 : i32
    %add3A_260 = arith.addi %add3A_259, %add3A : i32
    %mul3A_261 = arith.constant 128 : i32
    %mul3A_262 = arith.muli %add3A_260, %mul3A_261 : i32
    %dma_start3A_263 = arith.constant 16 : i32
    %dma_start3A_264 = arith.constant 0 : i32
    %dma_start3A_265 = tpu.memref_slice %arg5[%dma_start3A_263, %dma_start3A_264] : memref<25x128xi32, #tpu.memory_space<vmem>> -> memref<1x128xi32, #tpu.memory_space<vmem>>
    %dma_start3A_266 = tpu.memref_squeeze %dma_start3A_265 : memref<1x128xi32, #tpu.memory_space<vmem>> -> memref<128xi32, #tpu.memory_space<vmem>>
    %dma_start3A_267 = tpu.memref_slice %arg3[%mul3A_262] : memref<100000xi32, #tpu.memory_space<hbm>> -> memref<128xi32, #tpu.memory_space<hbm>>
    %dma_start3A_268 = arith.constant 0 : i32
    %dma_start3A_269 = tpu.memref_slice %arg5[%dma_start3A_263, %dma_start3A_268] : memref<25x128xi32, #tpu.memory_space<vmem>> -> memref<1x128xi32, #tpu.memory_space<vmem>>
    %dma_start3A_270 = tpu.memref_squeeze %dma_start3A_269 : memref<1x128xi32, #tpu.memory_space<vmem>> -> memref<128xi32, #tpu.memory_space<vmem>>
    %dma_start3A_271 = tpu.memref_slice %arg3[%mul3A_262] : memref<100000xi32, #tpu.memory_space<hbm>> -> memref<128xi32, #tpu.memory_space<hbm>>
    tpu.enqueue_dma source(%dma_start3A_271 : memref<128xi32, #tpu.memory_space<hbm>>) target(%dma_start3A_270 : memref<128xi32, #tpu.memory_space<vmem>>) target_semaphore(%arg9 : memref<!tpu.dma_semaphore, #tpu.memory_space<semaphore_mem>>)
    %add3A_272 = arith.constant 544 : i32
    %add3A_273 = arith.addi %add3A_272, %add3A : i32
    %mul3A_274 = arith.constant 128 : i32
    %mul3A_275 = arith.muli %add3A_273, %mul3A_274 : i32
    %dma_start3A_276 = arith.constant 17 : i32
    %dma_start3A_277 = arith.constant 0 : i32
    %dma_start3A_278 = tpu.memref_slice %arg5[%dma_start3A_276, %dma_start3A_277] : memref<25x128xi32, #tpu.memory_space<vmem>> -> memref<1x128xi32, #tpu.memory_space<vmem>>
    %dma_start3A_279 = tpu.memref_squeeze %dma_start3A_278 : memref<1x128xi32, #tpu.memory_space<vmem>> -> memref<128xi32, #tpu.memory_space<vmem>>
    %dma_start3A_280 = tpu.memref_slice %arg3[%mul3A_275] : memref<100000xi32, #tpu.memory_space<hbm>> -> memref<128xi32, #tpu.memory_space<hbm>>
    %dma_start3A_281 = arith.constant 0 : i32
    %dma_start3A_282 = tpu.memref_slice %arg5[%dma_start3A_276, %dma_start3A_281] : memref<25x128xi32, #tpu.memory_space<vmem>> -> memref<1x128xi32, #tpu.memory_space<vmem>>
    %dma_start3A_283 = tpu.memref_squeeze %dma_start3A_282 : memref<1x128xi32, #tpu.memory_space<vmem>> -> memref<128xi32, #tpu.memory_space<vmem>>
    %dma_start3A_284 = tpu.memref_slice %arg3[%mul3A_275] : memref<100000xi32, #tpu.memory_space<hbm>> -> memref<128xi32, #tpu.memory_space<hbm>>
    tpu.enqueue_dma source(%dma_start3A_284 : memref<128xi32, #tpu.memory_space<hbm>>) target(%dma_start3A_283 : memref<128xi32, #tpu.memory_space<vmem>>) target_semaphore(%arg9 : memref<!tpu.dma_semaphore, #tpu.memory_space<semaphore_mem>>)
    %add3A_285 = arith.constant 576 : i32
    %add3A_286 = arith.addi %add3A_285, %add3A : i32
    %mul3A_287 = arith.constant 128 : i32
    %mul3A_288 = arith.muli %add3A_286, %mul3A_287 : i32
    %dma_start3A_289 = arith.constant 18 : i32
    %dma_start3A_290 = arith.constant 0 : i32
    %dma_start3A_291 = tpu.memref_slice %arg5[%dma_start3A_289, %dma_start3A_290] : memref<25x128xi32, #tpu.memory_space<vmem>> -> memref<1x128xi32, #tpu.memory_space<vmem>>
    %dma_start3A_292 = tpu.memref_squeeze %dma_start3A_291 : memref<1x128xi32, #tpu.memory_space<vmem>> -> memref<128xi32, #tpu.memory_space<vmem>>
    %dma_start3A_293 = tpu.memref_slice %arg3[%mul3A_288] : memref<100000xi32, #tpu.memory_space<hbm>> -> memref<128xi32, #tpu.memory_space<hbm>>
    %dma_start3A_294 = arith.constant 0 : i32
    %dma_start3A_295 = tpu.memref_slice %arg5[%dma_start3A_289, %dma_start3A_294] : memref<25x128xi32, #tpu.memory_space<vmem>> -> memref<1x128xi32, #tpu.memory_space<vmem>>
    %dma_start3A_296 = tpu.memref_squeeze %dma_start3A_295 : memref<1x128xi32, #tpu.memory_space<vmem>> -> memref<128xi32, #tpu.memory_space<vmem>>
    %dma_start3A_297 = tpu.memref_slice %arg3[%mul3A_288] : memref<100000xi32, #tpu.memory_space<hbm>> -> memref<128xi32, #tpu.memory_space<hbm>>
    tpu.enqueue_dma source(%dma_start3A_297 : memref<128xi32, #tpu.memory_space<hbm>>) target(%dma_start3A_296 : memref<128xi32, #tpu.memory_space<vmem>>) target_semaphore(%arg9 : memref<!tpu.dma_semaphore, #tpu.memory_space<semaphore_mem>>)
    %add3A_298 = arith.constant 608 : i32
    %add3A_299 = arith.addi %add3A_298, %add3A : i32
    %mul3A_300 = arith.constant 128 : i32
    %mul3A_301 = arith.muli %add3A_299, %mul3A_300 : i32
    %dma_start3A_302 = arith.constant 19 : i32
    %dma_start3A_303 = arith.constant 0 : i32
    %dma_start3A_304 = tpu.memref_slice %arg5[%dma_start3A_302, %dma_start3A_303] : memref<25x128xi32, #tpu.memory_space<vmem>> -> memref<1x128xi32, #tpu.memory_space<vmem>>
    %dma_start3A_305 = tpu.memref_squeeze %dma_start3A_304 : memref<1x128xi32, #tpu.memory_space<vmem>> -> memref<128xi32, #tpu.memory_space<vmem>>
    %dma_start3A_306 = tpu.memref_slice %arg3[%mul3A_301] : memref<100000xi32, #tpu.memory_space<hbm>> -> memref<128xi32, #tpu.memory_space<hbm>>
    %dma_start3A_307 = arith.constant 0 : i32
    %dma_start3A_308 = tpu.memref_slice %arg5[%dma_start3A_302, %dma_start3A_307] : memref<25x128xi32, #tpu.memory_space<vmem>> -> memref<1x128xi32, #tpu.memory_space<vmem>>
    %dma_start3A_309 = tpu.memref_squeeze %dma_start3A_308 : memref<1x128xi32, #tpu.memory_space<vmem>> -> memref<128xi32, #tpu.memory_space<vmem>>
    %dma_start3A_310 = tpu.memref_slice %arg3[%mul3A_301] : memref<100000xi32, #tpu.memory_space<hbm>> -> memref<128xi32, #tpu.memory_space<hbm>>
    tpu.enqueue_dma source(%dma_start3A_310 : memref<128xi32, #tpu.memory_space<hbm>>) target(%dma_start3A_309 : memref<128xi32, #tpu.memory_space<vmem>>) target_semaphore(%arg9 : memref<!tpu.dma_semaphore, #tpu.memory_space<semaphore_mem>>)
    %add3A_311 = arith.constant 640 : i32
    %add3A_312 = arith.addi %add3A_311, %add3A : i32
    %mul3A_313 = arith.constant 128 : i32
    %mul3A_314 = arith.muli %add3A_312, %mul3A_313 : i32
    %dma_start3A_315 = arith.constant 20 : i32
    %dma_start3A_316 = arith.constant 0 : i32
    %dma_start3A_317 = tpu.memref_slice %arg5[%dma_start3A_315, %dma_start3A_316] : memref<25x128xi32, #tpu.memory_space<vmem>> -> memref<1x128xi32, #tpu.memory_space<vmem>>
    %dma_start3A_318 = tpu.memref_squeeze %dma_start3A_317 : memref<1x128xi32, #tpu.memory_space<vmem>> -> memref<128xi32, #tpu.memory_space<vmem>>
    %dma_start3A_319 = tpu.memref_slice %arg3[%mul3A_314] : memref<100000xi32, #tpu.memory_space<hbm>> -> memref<128xi32, #tpu.memory_space<hbm>>
    %dma_start3A_320 = arith.constant 0 : i32
    %dma_start3A_321 = tpu.memref_slice %arg5[%dma_start3A_315, %dma_start3A_320] : memref<25x128xi32, #tpu.memory_space<vmem>> -> memref<1x128xi32, #tpu.memory_space<vmem>>
    %dma_start3A_322 = tpu.memref_squeeze %dma_start3A_321 : memref<1x128xi32, #tpu.memory_space<vmem>> -> memref<128xi32, #tpu.memory_space<vmem>>
    %dma_start3A_323 = tpu.memref_slice %arg3[%mul3A_314] : memref<100000xi32, #tpu.memory_space<hbm>> -> memref<128xi32, #tpu.memory_space<hbm>>
    tpu.enqueue_dma source(%dma_start3A_323 : memref<128xi32, #tpu.memory_space<hbm>>) target(%dma_start3A_322 : memref<128xi32, #tpu.memory_space<vmem>>) target_semaphore(%arg9 : memref<!tpu.dma_semaphore, #tpu.memory_space<semaphore_mem>>)
    %add3A_324 = arith.constant 672 : i32
    %add3A_325 = arith.addi %add3A_324, %add3A : i32
    %mul3A_326 = arith.constant 128 : i32
    %mul3A_327 = arith.muli %add3A_325, %mul3A_326 : i32
    %dma_start3A_328 = arith.constant 21 : i32
    %dma_start3A_329 = arith.constant 0 : i32
    %dma_start3A_330 = tpu.memref_slice %arg5[%dma_start3A_328, %dma_start3A_329] : memref<25x128xi32, #tpu.memory_space<vmem>> -> memref<1x128xi32, #tpu.memory_space<vmem>>
    %dma_start3A_331 = tpu.memref_squeeze %dma_start3A_330 : memref<1x128xi32, #tpu.memory_space<vmem>> -> memref<128xi32, #tpu.memory_space<vmem>>
    %dma_start3A_332 = tpu.memref_slice %arg3[%mul3A_327] : memref<100000xi32, #tpu.memory_space<hbm>> -> memref<128xi32, #tpu.memory_space<hbm>>
    %dma_start3A_333 = arith.constant 0 : i32
    %dma_start3A_334 = tpu.memref_slice %arg5[%dma_start3A_328, %dma_start3A_333] : memref<25x128xi32, #tpu.memory_space<vmem>> -> memref<1x128xi32, #tpu.memory_space<vmem>>
    %dma_start3A_335 = tpu.memref_squeeze %dma_start3A_334 : memref<1x128xi32, #tpu.memory_space<vmem>> -> memref<128xi32, #tpu.memory_space<vmem>>
    %dma_start3A_336 = tpu.memref_slice %arg3[%mul3A_327] : memref<100000xi32, #tpu.memory_space<hbm>> -> memref<128xi32, #tpu.memory_space<hbm>>
    tpu.enqueue_dma source(%dma_start3A_336 : memref<128xi32, #tpu.memory_space<hbm>>) target(%dma_start3A_335 : memref<128xi32, #tpu.memory_space<vmem>>) target_semaphore(%arg9 : memref<!tpu.dma_semaphore, #tpu.memory_space<semaphore_mem>>)
    %add3A_337 = arith.constant 704 : i32
    %add3A_338 = arith.addi %add3A_337, %add3A : i32
    %mul3A_339 = arith.constant 128 : i32
    %mul3A_340 = arith.muli %add3A_338, %mul3A_339 : i32
    %dma_start3A_341 = arith.constant 22 : i32
    %dma_start3A_342 = arith.constant 0 : i32
    %dma_start3A_343 = tpu.memref_slice %arg5[%dma_start3A_341, %dma_start3A_342] : memref<25x128xi32, #tpu.memory_space<vmem>> -> memref<1x128xi32, #tpu.memory_space<vmem>>
    %dma_start3A_344 = tpu.memref_squeeze %dma_start3A_343 : memref<1x128xi32, #tpu.memory_space<vmem>> -> memref<128xi32, #tpu.memory_space<vmem>>
    %dma_start3A_345 = tpu.memref_slice %arg3[%mul3A_340] : memref<100000xi32, #tpu.memory_space<hbm>> -> memref<128xi32, #tpu.memory_space<hbm>>
    %dma_start3A_346 = arith.constant 0 : i32
    %dma_start3A_347 = tpu.memref_slice %arg5[%dma_start3A_341, %dma_start3A_346] : memref<25x128xi32, #tpu.memory_space<vmem>> -> memref<1x128xi32, #tpu.memory_space<vmem>>
    %dma_start3A_348 = tpu.memref_squeeze %dma_start3A_347 : memref<1x128xi32, #tpu.memory_space<vmem>> -> memref<128xi32, #tpu.memory_space<vmem>>
    %dma_start3A_349 = tpu.memref_slice %arg3[%mul3A_340] : memref<100000xi32, #tpu.memory_space<hbm>> -> memref<128xi32, #tpu.memory_space<hbm>>
    tpu.enqueue_dma source(%dma_start3A_349 : memref<128xi32, #tpu.memory_space<hbm>>) target(%dma_start3A_348 : memref<128xi32, #tpu.memory_space<vmem>>) target_semaphore(%arg9 : memref<!tpu.dma_semaphore, #tpu.memory_space<semaphore_mem>>)
    %add3A_350 = arith.constant 736 : i32
    %add3A_351 = arith.addi %add3A_350, %add3A : i32
    %mul3A_352 = arith.constant 128 : i32
    %mul3A_353 = arith.muli %add3A_351, %mul3A_352 : i32
    %dma_start3A_354 = arith.constant 23 : i32
    %dma_start3A_355 = arith.constant 0 : i32
    %dma_start3A_356 = tpu.memref_slice %arg5[%dma_start3A_354, %dma_start3A_355] : memref<25x128xi32, #tpu.memory_space<vmem>> -> memref<1x128xi32, #tpu.memory_space<vmem>>
    %dma_start3A_357 = tpu.memref_squeeze %dma_start3A_356 : memref<1x128xi32, #tpu.memory_space<vmem>> -> memref<128xi32, #tpu.memory_space<vmem>>
    %dma_start3A_358 = tpu.memref_slice %arg3[%mul3A_353] : memref<100000xi32, #tpu.memory_space<hbm>> -> memref<128xi32, #tpu.memory_space<hbm>>
    %dma_start3A_359 = arith.constant 0 : i32
    %dma_start3A_360 = tpu.memref_slice %arg5[%dma_start3A_354, %dma_start3A_359] : memref<25x128xi32, #tpu.memory_space<vmem>> -> memref<1x128xi32, #tpu.memory_space<vmem>>
    %dma_start3A_361 = tpu.memref_squeeze %dma_start3A_360 : memref<1x128xi32, #tpu.memory_space<vmem>> -> memref<128xi32, #tpu.memory_space<vmem>>
    %dma_start3A_362 = tpu.memref_slice %arg3[%mul3A_353] : memref<100000xi32, #tpu.memory_space<hbm>> -> memref<128xi32, #tpu.memory_space<hbm>>
    tpu.enqueue_dma source(%dma_start3A_362 : memref<128xi32, #tpu.memory_space<hbm>>) target(%dma_start3A_361 : memref<128xi32, #tpu.memory_space<vmem>>) target_semaphore(%arg9 : memref<!tpu.dma_semaphore, #tpu.memory_space<semaphore_mem>>)
    %lt3A = arith.constant 13 : i32
    %lt3A_363 = arith.cmpi slt, %add3A, %lt3A : i32
    %convert_element_type3A = arith.extui %lt3A_363 : i1 to i32
    %cond3A = arith.constant 0 : i32
    %cond3A_364 = arith.cmpi ne, %convert_element_type3A, %cond3A : i32
    scf.if %cond3A_364 {
      %add3A_3430 = arith.constant 768 : i32
      %add3A_3431 = arith.addi %add3A_3430, %add3A : i32
      %mul3A_3432 = arith.constant 128 : i32
      %mul3A_3433 = arith.muli %add3A_3431, %mul3A_3432 : i32
      %dma_start3A_3434 = arith.constant 24 : i32
      %dma_start3A_3435 = arith.constant 0 : i32
      %dma_start3A_3436 = tpu.memref_slice %arg5[%dma_start3A_3434, %dma_start3A_3435] : memref<25x128xi32, #tpu.memory_space<vmem>> -> memref<1x128xi32, #tpu.memory_space<vmem>>
      %dma_start3A_3437 = tpu.memref_squeeze %dma_start3A_3436 : memref<1x128xi32, #tpu.memory_space<vmem>> -> memref<128xi32, #tpu.memory_space<vmem>>
      %dma_start3A_3438 = tpu.memref_slice %arg3[%mul3A_3433] : memref<100000xi32, #tpu.memory_space<hbm>> -> memref<128xi32, #tpu.memory_space<hbm>>
      %dma_start3A_3439 = arith.constant 0 : i32
      %dma_start3A_3440 = tpu.memref_slice %arg5[%dma_start3A_3434, %dma_start3A_3439] : memref<25x128xi32, #tpu.memory_space<vmem>> -> memref<1x128xi32, #tpu.memory_space<vmem>>
      %dma_start3A_3441 = tpu.memref_squeeze %dma_start3A_3440 : memref<1x128xi32, #tpu.memory_space<vmem>> -> memref<128xi32, #tpu.memory_space<vmem>>
      %dma_start3A_3442 = tpu.memref_slice %arg3[%mul3A_3433] : memref<100000xi32, #tpu.memory_space<hbm>> -> memref<128xi32, #tpu.memory_space<hbm>>
      tpu.enqueue_dma source(%dma_start3A_3442 : memref<128xi32, #tpu.memory_space<hbm>>) target(%dma_start3A_3441 : memref<128xi32, #tpu.memory_space<vmem>>) target_semaphore(%arg9 : memref<!tpu.dma_semaphore, #tpu.memory_space<semaphore_mem>>)
      %dma_start3A_3443 = arith.constant 4 : i32
      %dma_start3A_3444 = arith.constant 0 : i32
      %dma_start3A_3445 = arith.constant 0 : i32
      %dma_start3A_3446 = tpu.memref_slice %arg6[%dma_start3A_3443, %dma_start3A_3444, %dma_start3A_3445] : memref<5x128x128xf32, #tpu.memory_space<vmem>> -> memref<1x128x128xf32, #tpu.memory_space<vmem>>
      %dma_start3A_3447 = tpu.memref_squeeze %dma_start3A_3446 : memref<1x128x128xf32, #tpu.memory_space<vmem>> -> memref<128x128xf32, #tpu.memory_space<vmem>>
      %dma_start3A_3448 = arith.constant 0 : i32
      %dma_start3A_3449 = tpu.memref_slice %arg2[%mul3A_3433, %dma_start3A_3448] : memref<100000x128xf32, #tpu.memory_space<hbm>> -> memref<128x128xf32, #tpu.memory_space<hbm>>
      %dma_start3A_3450 = arith.constant 0 : i32
      %dma_start3A_3451 = arith.constant 0 : i32
      %dma_start3A_3452 = tpu.memref_slice %arg6[%dma_start3A_3443, %dma_start3A_3450, %dma_start3A_3451] : memref<5x128x128xf32, #tpu.memory_space<vmem>> -> memref<1x128x128xf32, #tpu.memory_space<vmem>>
      %dma_start3A_3453 = tpu.memref_squeeze %dma_start3A_3452 : memref<1x128x128xf32, #tpu.memory_space<vmem>> -> memref<128x128xf32, #tpu.memory_space<vmem>>
      %dma_start3A_3454 = arith.constant 0 : i32
      %dma_start3A_3455 = tpu.memref_slice %arg2[%mul3A_3433, %dma_start3A_3454] : memref<100000x128xf32, #tpu.memory_space<hbm>> -> memref<128x128xf32, #tpu.memory_space<hbm>>
      tpu.enqueue_dma source(%dma_start3A_3455 : memref<128x128xf32, #tpu.memory_space<hbm>>) target(%dma_start3A_3453 : memref<128x128xf32, #tpu.memory_space<vmem>>) target_semaphore(%arg18 : memref<!tpu.dma_semaphore, #tpu.memory_space<semaphore_mem>>)
    } else {
    }
    %eq3A = arith.constant 13 : i32
    %eq3A_365 = arith.cmpi eq, %add3A, %eq3A : i32
    %convert_element_type3A_366 = arith.extui %eq3A_365 : i1 to i32
    %cond3A_367 = arith.constant 0 : i32
    %cond3A_368 = arith.cmpi ne, %convert_element_type3A_366, %cond3A_367 : i32
    scf.if %cond3A_368 {
      %dma_start3A_3430 = arith.constant 24 : i32
      %dma_start3A_3431 = arith.constant 0 : i32
      %dma_start3A_3432 = tpu.memref_slice %arg5[%dma_start3A_3430, %dma_start3A_3431] : memref<25x128xi32, #tpu.memory_space<vmem>> -> memref<1x32xi32, #tpu.memory_space<vmem>>
      %dma_start3A_3433 = tpu.memref_squeeze %dma_start3A_3432 : memref<1x32xi32, #tpu.memory_space<vmem>> -> memref<32xi32, #tpu.memory_space<vmem>>
      %dma_start3A_3434 = arith.constant 99968 : i32
      %dma_start3A_3435 = tpu.memref_slice %arg3[%dma_start3A_3434] : memref<100000xi32, #tpu.memory_space<hbm>> -> memref<32xi32, #tpu.memory_space<hbm>>
      %dma_start3A_3436 = arith.constant 0 : i32
      %dma_start3A_3437 = tpu.memref_slice %arg5[%dma_start3A_3430, %dma_start3A_3436] : memref<25x128xi32, #tpu.memory_space<vmem>> -> memref<1x32xi32, #tpu.memory_space<vmem>>
      %dma_start3A_3438 = tpu.memref_squeeze %dma_start3A_3437 : memref<1x32xi32, #tpu.memory_space<vmem>> -> memref<32xi32, #tpu.memory_space<vmem>>
      %dma_start3A_3439 = arith.constant 99968 : i32
      %dma_start3A_3440 = tpu.memref_slice %arg3[%dma_start3A_3439] : memref<100000xi32, #tpu.memory_space<hbm>> -> memref<32xi32, #tpu.memory_space<hbm>>
      tpu.enqueue_dma source(%dma_start3A_3440 : memref<32xi32, #tpu.memory_space<hbm>>) target(%dma_start3A_3438 : memref<32xi32, #tpu.memory_space<vmem>>) target_semaphore(%arg9 : memref<!tpu.dma_semaphore, #tpu.memory_space<semaphore_mem>>)
      %dma_start3A_3441 = arith.constant 4 : i32
      %dma_start3A_3442 = arith.constant 0 : i32
      %dma_start3A_3443 = arith.constant 0 : i32
      %dma_start3A_3444 = tpu.memref_slice %arg6[%dma_start3A_3441, %dma_start3A_3442, %dma_start3A_3443] : memref<5x128x128xf32, #tpu.memory_space<vmem>> -> memref<1x32x128xf32, #tpu.memory_space<vmem>>
      %dma_start3A_3445 = tpu.memref_squeeze %dma_start3A_3444 : memref<1x32x128xf32, #tpu.memory_space<vmem>> -> memref<32x128xf32, #tpu.memory_space<vmem>>
      %dma_start3A_3446 = arith.constant 99968 : i32
      %dma_start3A_3447 = arith.constant 0 : i32
      %dma_start3A_3448 = tpu.memref_slice %arg2[%dma_start3A_3446, %dma_start3A_3447] : memref<100000x128xf32, #tpu.memory_space<hbm>> -> memref<32x128xf32, #tpu.memory_space<hbm>>
      %dma_start3A_3449 = arith.constant 0 : i32
      %dma_start3A_3450 = arith.constant 0 : i32
      %dma_start3A_3451 = tpu.memref_slice %arg6[%dma_start3A_3441, %dma_start3A_3449, %dma_start3A_3450] : memref<5x128x128xf32, #tpu.memory_space<vmem>> -> memref<1x32x128xf32, #tpu.memory_space<vmem>>
      %dma_start3A_3452 = tpu.memref_squeeze %dma_start3A_3451 : memref<1x32x128xf32, #tpu.memory_space<vmem>> -> memref<32x128xf32, #tpu.memory_space<vmem>>
      %dma_start3A_3453 = arith.constant 99968 : i32
      %dma_start3A_3454 = arith.constant 0 : i32
      %dma_start3A_3455 = tpu.memref_slice %arg2[%dma_start3A_3453, %dma_start3A_3454] : memref<100000x128xf32, #tpu.memory_space<hbm>> -> memref<32x128xf32, #tpu.memory_space<hbm>>
      tpu.enqueue_dma source(%dma_start3A_3455 : memref<32x128xf32, #tpu.memory_space<hbm>>) target(%dma_start3A_3452 : memref<32x128xf32, #tpu.memory_space<vmem>>) target_semaphore(%arg18 : memref<!tpu.dma_semaphore, #tpu.memory_space<semaphore_mem>>)
    } else {
    }
    %broadcast_in_dim3A = arith.constant 0.000000e+00 : f32
    %broadcast_in_dim3A_369 = vector.broadcast %broadcast_in_dim3A : f32 to vector<16xf32>
    %swap3A = arith.constant 0 : i32
    %swap3A_370 = arith.index_cast %swap3A : i32 to index
    %swap3A_371 = arith.constant 0 : index
    %swap3A_372 = tpu.vector_load %arg7[%swap3A_370, %swap3A_371] {strides = array<i32>} : memref<33x128xf32, #tpu.memory_space<vmem>>, vector<1x16xf32>,
    %swap3A_373 = vector.shape_cast %swap3A_372 : vector<1x16xf32> to vector<16xf32>
    %swap3A_374 = vector.shape_cast %broadcast_in_dim3A_369 : vector<16xf32> to vector<1x16xf32>
    tpu.vector_store %arg7[%swap3A_370, %swap3A_371], %swap3A_374 {strides = array<i32>} : memref<33x128xf32, #tpu.memory_space<vmem>>, vector<1x16xf32>,
    %swap3A_375 = arith.constant 0 : i32
    %swap3A_376 = arith.index_cast %swap3A_375 : i32 to index
    %swap3A_377 = arith.constant 16 : index
    %swap3A_378 = tpu.vector_load %arg7[%swap3A_376, %swap3A_377] {strides = array<i32>} : memref<33x128xf32, #tpu.memory_space<vmem>>, vector<1x16xf32>,
    %swap3A_379 = vector.shape_cast %swap3A_378 : vector<1x16xf32> to vector<16xf32>
    %swap3A_380 = vector.shape_cast %broadcast_in_dim3A_369 : vector<16xf32> to vector<1x16xf32>
    tpu.vector_store %arg7[%swap3A_376, %swap3A_377], %swap3A_380 {strides = array<i32>} : memref<33x128xf32, #tpu.memory_space<vmem>>, vector<1x16xf32>,
    %swap3A_381 = arith.constant 0 : i32
    %swap3A_382 = arith.index_cast %swap3A_381 : i32 to index
    %swap3A_383 = arith.constant 32 : index
    %swap3A_384 = tpu.vector_load %arg7[%swap3A_382, %swap3A_383] {strides = array<i32>} : memref<33x128xf32, #tpu.memory_space<vmem>>, vector<1x16xf32>,
    %swap3A_385 = vector.shape_cast %swap3A_384 : vector<1x16xf32> to vector<16xf32>
    %swap3A_386 = vector.shape_cast %broadcast_in_dim3A_369 : vector<16xf32> to vector<1x16xf32>
    tpu.vector_store %arg7[%swap3A_382, %swap3A_383], %swap3A_386 {strides = array<i32>} : memref<33x128xf32, #tpu.memory_space<vmem>>, vector<1x16xf32>,
    %swap3A_387 = arith.constant 0 : i32
    %swap3A_388 = arith.index_cast %swap3A_387 : i32 to index
    %swap3A_389 = arith.constant 48 : index
    %swap3A_390 = tpu.vector_load %arg7[%swap3A_388, %swap3A_389] {strides = array<i32>} : memref<33x128xf32, #tpu.memory_space<vmem>>, vector<1x16xf32>,
    %swap3A_391 = vector.shape_cast %swap3A_390 : vector<1x16xf32> to vector<16xf32>
    %swap3A_392 = vector.shape_cast %broadcast_in_dim3A_369 : vector<16xf32> to vector<1x16xf32>
    tpu.vector_store %arg7[%swap3A_388, %swap3A_389], %swap3A_392 {strides = array<i32>} : memref<33x128xf32, #tpu.memory_space<vmem>>, vector<1x16xf32>,
    %swap3A_393 = arith.constant 0 : i32
    %swap3A_394 = arith.index_cast %swap3A_393 : i32 to index
    %swap3A_395 = arith.constant 64 : index
    %swap3A_396 = tpu.vector_load %arg7[%swap3A_394, %swap3A_395] {strides = array<i32>} : memref<33x128xf32, #tpu.memory_space<vmem>>, vector<1x16xf32>,
    %swap3A_397 = vector.shape_cast %swap3A_396 : vector<1x16xf32> to vector<16xf32>
    %swap3A_398 = vector.shape_cast %broadcast_in_dim3A_369 : vector<16xf32> to vector<1x16xf32>
    tpu.vector_store %arg7[%swap3A_394, %swap3A_395], %swap3A_398 {strides = array<i32>} : memref<33x128xf32, #tpu.memory_space<vmem>>, vector<1x16xf32>,
    %swap3A_399 = arith.constant 0 : i32
    %swap3A_400 = arith.index_cast %swap3A_399 : i32 to index
    %swap3A_401 = arith.constant 80 : index
    %swap3A_402 = tpu.vector_load %arg7[%swap3A_400, %swap3A_401] {strides = array<i32>} : memref<33x128xf32, #tpu.memory_space<vmem>>, vector<1x16xf32>,
    %swap3A_403 = vector.shape_cast %swap3A_402 : vector<1x16xf32> to vector<16xf32>
    %swap3A_404 = vector.shape_cast %broadcast_in_dim3A_369 : vector<16xf32> to vector<1x16xf32>
    tpu.vector_store %arg7[%swap3A_400, %swap3A_401], %swap3A_404 {strides = array<i32>} : memref<33x128xf32, #tpu.memory_space<vmem>>, vector<1x16xf32>,
    %swap3A_405 = arith.constant 0 : i32
    %swap3A_406 = arith.index_cast %swap3A_405 : i32 to index
    %swap3A_407 = arith.constant 96 : index
    %swap3A_408 = tpu.vector_load %arg7[%swap3A_406, %swap3A_407] {strides = array<i32>} : memref<33x128xf32, #tpu.memory_space<vmem>>, vector<1x16xf32>,
    %swap3A_409 = vector.shape_cast %swap3A_408 : vector<1x16xf32> to vector<16xf32>
    %swap3A_410 = vector.shape_cast %broadcast_in_dim3A_369 : vector<16xf32> to vector<1x16xf32>
    tpu.vector_store %arg7[%swap3A_406, %swap3A_407], %swap3A_410 {strides = array<i32>} : memref<33x128xf32, #tpu.memory_space<vmem>>, vector<1x16xf32>,
    %swap3A_411 = arith.constant 0 : i32
    %swap3A_412 = arith.index_cast %swap3A_411 : i32 to index
    %swap3A_413 = arith.constant 112 : index
    %swap3A_414 = tpu.vector_load %arg7[%swap3A_412, %swap3A_413] {strides = array<i32>} : memref<33x128xf32, #tpu.memory_space<vmem>>, vector<1x16xf32>,
    %swap3A_415 = vector.shape_cast %swap3A_414 : vector<1x16xf32> to vector<16xf32>
    %swap3A_416 = vector.shape_cast %broadcast_in_dim3A_369 : vector<16xf32> to vector<1x16xf32>
    tpu.vector_store %arg7[%swap3A_412, %swap3A_413], %swap3A_416 {strides = array<i32>} : memref<33x128xf32, #tpu.memory_space<vmem>>, vector<1x16xf32>,
    %swap3A_417 = arith.constant 1 : i32
    %swap3A_418 = arith.index_cast %swap3A_417 : i32 to index
    %swap3A_419 = arith.constant 0 : index
    %swap3A_420 = tpu.vector_load %arg7[%swap3A_418, %swap3A_419] {strides = array<i32>} : memref<33x128xf32, #tpu.memory_space<vmem>>, vector<1x16xf32>,
    %swap3A_421 = vector.shape_cast %swap3A_420 : vector<1x16xf32> to vector<16xf32>
    %swap3A_422 = vector.shape_cast %broadcast_in_dim3A_369 : vector<16xf32> to vector<1x16xf32>
    tpu.vector_store %arg7[%swap3A_418, %swap3A_419], %swap3A_422 {strides = array<i32>} : memref<33x128xf32, #tpu.memory_space<vmem>>, vector<1x16xf32>,
    %swap3A_423 = arith.constant 1 : i32
    %swap3A_424 = arith.index_cast %swap3A_423 : i32 to index
    %swap3A_425 = arith.constant 16 : index
    %swap3A_426 = tpu.vector_load %arg7[%swap3A_424, %swap3A_425] {strides = array<i32>} : memref<33x128xf32, #tpu.memory_space<vmem>>, vector<1x16xf32>,
    %swap3A_427 = vector.shape_cast %swap3A_426 : vector<1x16xf32> to vector<16xf32>
    %swap3A_428 = vector.shape_cast %broadcast_in_dim3A_369 : vector<16xf32> to vector<1x16xf32>
    tpu.vector_store %arg7[%swap3A_424, %swap3A_425], %swap3A_428 {strides = array<i32>} : memref<33x128xf32, #tpu.memory_space<vmem>>, vector<1x16xf32>,
    %swap3A_429 = arith.constant 1 : i32
    %swap3A_430 = arith.index_cast %swap3A_429 : i32 to index
    %swap3A_431 = arith.constant 32 : index
    %swap3A_432 = tpu.vector_load %arg7[%swap3A_430, %swap3A_431] {strides = array<i32>} : memref<33x128xf32, #tpu.memory_space<vmem>>, vector<1x16xf32>,
    %swap3A_433 = vector.shape_cast %swap3A_432 : vector<1x16xf32> to vector<16xf32>
    %swap3A_434 = vector.shape_cast %broadcast_in_dim3A_369 : vector<16xf32> to vector<1x16xf32>
    tpu.vector_store %arg7[%swap3A_430, %swap3A_431], %swap3A_434 {strides = array<i32>} : memref<33x128xf32, #tpu.memory_space<vmem>>, vector<1x16xf32>,
    %swap3A_435 = arith.constant 1 : i32
    %swap3A_436 = arith.index_cast %swap3A_435 : i32 to index
    %swap3A_437 = arith.constant 48 : index
    %swap3A_438 = tpu.vector_load %arg7[%swap3A_436, %swap3A_437] {strides = array<i32>} : memref<33x128xf32, #tpu.memory_space<vmem>>, vector<1x16xf32>,
    %swap3A_439 = vector.shape_cast %swap3A_438 : vector<1x16xf32> to vector<16xf32>
    %swap3A_440 = vector.shape_cast %broadcast_in_dim3A_369 : vector<16xf32> to vector<1x16xf32>
    tpu.vector_store %arg7[%swap3A_436, %swap3A_437], %swap3A_440 {strides = array<i32>} : memref<33x128xf32, #tpu.memory_space<vmem>>, vector<1x16xf32>,
    %swap3A_441 = arith.constant 1 : i32
    %swap3A_442 = arith.index_cast %swap3A_441 : i32 to index
    %swap3A_443 = arith.constant 64 : index
    %swap3A_444 = tpu.vector_load %arg7[%swap3A_442, %swap3A_443] {strides = array<i32>} : memref<33x128xf32, #tpu.memory_space<vmem>>, vector<1x16xf32>,
    %swap3A_445 = vector.shape_cast %swap3A_444 : vector<1x16xf32> to vector<16xf32>
    %swap3A_446 = vector.shape_cast %broadcast_in_dim3A_369 : vector<16xf32> to vector<1x16xf32>
    tpu.vector_store %arg7[%swap3A_442, %swap3A_443], %swap3A_446 {strides = array<i32>} : memref<33x128xf32, #tpu.memory_space<vmem>>, vector<1x16xf32>,
    %swap3A_447 = arith.constant 1 : i32
    %swap3A_448 = arith.index_cast %swap3A_447 : i32 to index
    %swap3A_449 = arith.constant 80 : index
    %swap3A_450 = tpu.vector_load %arg7[%swap3A_448, %swap3A_449] {strides = array<i32>} : memref<33x128xf32, #tpu.memory_space<vmem>>, vector<1x16xf32>,
    %swap3A_451 = vector.shape_cast %swap3A_450 : vector<1x16xf32> to vector<16xf32>
    %swap3A_452 = vector.shape_cast %broadcast_in_dim3A_369 : vector<16xf32> to vector<1x16xf32>
    tpu.vector_store %arg7[%swap3A_448, %swap3A_449], %swap3A_452 {strides = array<i32>} : memref<33x128xf32, #tpu.memory_space<vmem>>, vector<1x16xf32>,
    %swap3A_453 = arith.constant 1 : i32
    %swap3A_454 = arith.index_cast %swap3A_453 : i32 to index
    %swap3A_455 = arith.constant 96 : index
    %swap3A_456 = tpu.vector_load %arg7[%swap3A_454, %swap3A_455] {strides = array<i32>} : memref<33x128xf32, #tpu.memory_space<vmem>>, vector<1x16xf32>,
    %swap3A_457 = vector.shape_cast %swap3A_456 : vector<1x16xf32> to vector<16xf32>
    %swap3A_458 = vector.shape_cast %broadcast_in_dim3A_369 : vector<16xf32> to vector<1x16xf32>
    tpu.vector_store %arg7[%swap3A_454, %swap3A_455], %swap3A_458 {strides = array<i32>} : memref<33x128xf32, #tpu.memory_space<vmem>>, vector<1x16xf32>,
    %swap3A_459 = arith.constant 1 : i32
    %swap3A_460 = arith.index_cast %swap3A_459 : i32 to index
    %swap3A_461 = arith.constant 112 : index
    %swap3A_462 = tpu.vector_load %arg7[%swap3A_460, %swap3A_461] {strides = array<i32>} : memref<33x128xf32, #tpu.memory_space<vmem>>, vector<1x16xf32>,
    %swap3A_463 = vector.shape_cast %swap3A_462 : vector<1x16xf32> to vector<16xf32>
    %swap3A_464 = vector.shape_cast %broadcast_in_dim3A_369 : vector<16xf32> to vector<1x16xf32>
    tpu.vector_store %arg7[%swap3A_460, %swap3A_461], %swap3A_464 {strides = array<i32>} : memref<33x128xf32, #tpu.memory_space<vmem>>, vector<1x16xf32>,
    %swap3A_465 = arith.constant 2 : i32
    %swap3A_466 = arith.index_cast %swap3A_465 : i32 to index
    %swap3A_467 = arith.constant 0 : index
    %swap3A_468 = tpu.vector_load %arg7[%swap3A_466, %swap3A_467] {strides = array<i32>} : memref<33x128xf32, #tpu.memory_space<vmem>>, vector<1x16xf32>,
    %swap3A_469 = vector.shape_cast %swap3A_468 : vector<1x16xf32> to vector<16xf32>
    %swap3A_470 = vector.shape_cast %broadcast_in_dim3A_369 : vector<16xf32> to vector<1x16xf32>
    tpu.vector_store %arg7[%swap3A_466, %swap3A_467], %swap3A_470 {strides = array<i32>} : memref<33x128xf32, #tpu.memory_space<vmem>>, vector<1x16xf32>,
    %swap3A_471 = arith.constant 2 : i32
    %swap3A_472 = arith.index_cast %swap3A_471 : i32 to index
    %swap3A_473 = arith.constant 16 : index
    %swap3A_474 = tpu.vector_load %arg7[%swap3A_472, %swap3A_473] {strides = array<i32>} : memref<33x128xf32, #tpu.memory_space<vmem>>, vector<1x16xf32>,
    %swap3A_475 = vector.shape_cast %swap3A_474 : vector<1x16xf32> to vector<16xf32>
    %swap3A_476 = vector.shape_cast %broadcast_in_dim3A_369 : vector<16xf32> to vector<1x16xf32>
    tpu.vector_store %arg7[%swap3A_472, %swap3A_473], %swap3A_476 {strides = array<i32>} : memref<33x128xf32, #tpu.memory_space<vmem>>, vector<1x16xf32>,
    %swap3A_477 = arith.constant 2 : i32
    %swap3A_478 = arith.index_cast %swap3A_477 : i32 to index
    %swap3A_479 = arith.constant 32 : index
    %swap3A_480 = tpu.vector_load %arg7[%swap3A_478, %swap3A_479] {strides = array<i32>} : memref<33x128xf32, #tpu.memory_space<vmem>>, vector<1x16xf32>,
    %swap3A_481 = vector.shape_cast %swap3A_480 : vector<1x16xf32> to vector<16xf32>
    %swap3A_482 = vector.shape_cast %broadcast_in_dim3A_369 : vector<16xf32> to vector<1x16xf32>
    tpu.vector_store %arg7[%swap3A_478, %swap3A_479], %swap3A_482 {strides = array<i32>} : memref<33x128xf32, #tpu.memory_space<vmem>>, vector<1x16xf32>,
    %swap3A_483 = arith.constant 2 : i32
    %swap3A_484 = arith.index_cast %swap3A_483 : i32 to index
    %swap3A_485 = arith.constant 48 : index
    %swap3A_486 = tpu.vector_load %arg7[%swap3A_484, %swap3A_485] {strides = array<i32>} : memref<33x128xf32, #tpu.memory_space<vmem>>, vector<1x16xf32>,
    %swap3A_487 = vector.shape_cast %swap3A_486 : vector<1x16xf32> to vector<16xf32>
    %swap3A_488 = vector.shape_cast %broadcast_in_dim3A_369 : vector<16xf32> to vector<1x16xf32>
    tpu.vector_store %arg7[%swap3A_484, %swap3A_485], %swap3A_488 {strides = array<i32>} : memref<33x128xf32, #tpu.memory_space<vmem>>, vector<1x16xf32>,
    %swap3A_489 = arith.constant 2 : i32
    %swap3A_490 = arith.index_cast %swap3A_489 : i32 to index
    %swap3A_491 = arith.constant 64 : index
    %swap3A_492 = tpu.vector_load %arg7[%swap3A_490, %swap3A_491] {strides = array<i32>} : memref<33x128xf32, #tpu.memory_space<vmem>>, vector<1x16xf32>,
    %swap3A_493 = vector.shape_cast %swap3A_492 : vector<1x16xf32> to vector<16xf32>
    %swap3A_494 = vector.shape_cast %broadcast_in_dim3A_369 : vector<16xf32> to vector<1x16xf32>
    tpu.vector_store %arg7[%swap3A_490, %swap3A_491], %swap3A_494 {strides = array<i32>} : memref<33x128xf32, #tpu.memory_space<vmem>>, vector<1x16xf32>,
    %swap3A_495 = arith.constant 2 : i32
    %swap3A_496 = arith.index_cast %swap3A_495 : i32 to index
    %swap3A_497 = arith.constant 80 : index
    %swap3A_498 = tpu.vector_load %arg7[%swap3A_496, %swap3A_497] {strides = array<i32>} : memref<33x128xf32, #tpu.memory_space<vmem>>, vector<1x16xf32>,
    %swap3A_499 = vector.shape_cast %swap3A_498 : vector<1x16xf32> to vector<16xf32>
    %swap3A_500 = vector.shape_cast %broadcast_in_dim3A_369 : vector<16xf32> to vector<1x16xf32>
    tpu.vector_store %arg7[%swap3A_496, %swap3A_497], %swap3A_500 {strides = array<i32>} : memref<33x128xf32, #tpu.memory_space<vmem>>, vector<1x16xf32>,
    %swap3A_501 = arith.constant 2 : i32
    %swap3A_502 = arith.index_cast %swap3A_501 : i32 to index
    %swap3A_503 = arith.constant 96 : index
    %swap3A_504 = tpu.vector_load %arg7[%swap3A_502, %swap3A_503] {strides = array<i32>} : memref<33x128xf32, #tpu.memory_space<vmem>>, vector<1x16xf32>,
    %swap3A_505 = vector.shape_cast %swap3A_504 : vector<1x16xf32> to vector<16xf32>
    %swap3A_506 = vector.shape_cast %broadcast_in_dim3A_369 : vector<16xf32> to vector<1x16xf32>
    tpu.vector_store %arg7[%swap3A_502, %swap3A_503], %swap3A_506 {strides = array<i32>} : memref<33x128xf32, #tpu.memory_space<vmem>>, vector<1x16xf32>,
    %swap3A_507 = arith.constant 2 : i32
    %swap3A_508 = arith.index_cast %swap3A_507 : i32 to index
    %swap3A_509 = arith.constant 112 : index
    %swap3A_510 = tpu.vector_load %arg7[%swap3A_508, %swap3A_509] {strides = array<i32>} : memref<33x128xf32, #tpu.memory_space<vmem>>, vector<1x16xf32>,
    %swap3A_511 = vector.shape_cast %swap3A_510 : vector<1x16xf32> to vector<16xf32>
    %swap3A_512 = vector.shape_cast %broadcast_in_dim3A_369 : vector<16xf32> to vector<1x16xf32>
    tpu.vector_store %arg7[%swap3A_508, %swap3A_509], %swap3A_512 {strides = array<i32>} : memref<33x128xf32, #tpu.memory_space<vmem>>, vector<1x16xf32>,
    %swap3A_513 = arith.constant 3 : i32
    %swap3A_514 = arith.index_cast %swap3A_513 : i32 to index
    %swap3A_515 = arith.constant 0 : index
    %swap3A_516 = tpu.vector_load %arg7[%swap3A_514, %swap3A_515] {strides = array<i32>} : memref<33x128xf32, #tpu.memory_space<vmem>>, vector<1x16xf32>,
    %swap3A_517 = vector.shape_cast %swap3A_516 : vector<1x16xf32> to vector<16xf32>
    %swap3A_518 = vector.shape_cast %broadcast_in_dim3A_369 : vector<16xf32> to vector<1x16xf32>
    tpu.vector_store %arg7[%swap3A_514, %swap3A_515], %swap3A_518 {strides = array<i32>} : memref<33x128xf32, #tpu.memory_space<vmem>>, vector<1x16xf32>,
    %swap3A_519 = arith.constant 3 : i32
    %swap3A_520 = arith.index_cast %swap3A_519 : i32 to index
    %swap3A_521 = arith.constant 16 : index
    %swap3A_522 = tpu.vector_load %arg7[%swap3A_520, %swap3A_521] {strides = array<i32>} : memref<33x128xf32, #tpu.memory_space<vmem>>, vector<1x16xf32>,
    %swap3A_523 = vector.shape_cast %swap3A_522 : vector<1x16xf32> to vector<16xf32>
    %swap3A_524 = vector.shape_cast %broadcast_in_dim3A_369 : vector<16xf32> to vector<1x16xf32>
    tpu.vector_store %arg7[%swap3A_520, %swap3A_521], %swap3A_524 {strides = array<i32>} : memref<33x128xf32, #tpu.memory_space<vmem>>, vector<1x16xf32>,
    %swap3A_525 = arith.constant 3 : i32
    %swap3A_526 = arith.index_cast %swap3A_525 : i32 to index
    %swap3A_527 = arith.constant 32 : index
    %swap3A_528 = tpu.vector_load %arg7[%swap3A_526, %swap3A_527] {strides = array<i32>} : memref<33x128xf32, #tpu.memory_space<vmem>>, vector<1x16xf32>,
    %swap3A_529 = vector.shape_cast %swap3A_528 : vector<1x16xf32> to vector<16xf32>
    %swap3A_530 = vector.shape_cast %broadcast_in_dim3A_369 : vector<16xf32> to vector<1x16xf32>
    tpu.vector_store %arg7[%swap3A_526, %swap3A_527], %swap3A_530 {strides = array<i32>} : memref<33x128xf32, #tpu.memory_space<vmem>>, vector<1x16xf32>,
    %swap3A_531 = arith.constant 3 : i32
    %swap3A_532 = arith.index_cast %swap3A_531 : i32 to index
    %swap3A_533 = arith.constant 48 : index
    %swap3A_534 = tpu.vector_load %arg7[%swap3A_532, %swap3A_533] {strides = array<i32>} : memref<33x128xf32, #tpu.memory_space<vmem>>, vector<1x16xf32>,
    %swap3A_535 = vector.shape_cast %swap3A_534 : vector<1x16xf32> to vector<16xf32>
    %swap3A_536 = vector.shape_cast %broadcast_in_dim3A_369 : vector<16xf32> to vector<1x16xf32>
    tpu.vector_store %arg7[%swap3A_532, %swap3A_533], %swap3A_536 {strides = array<i32>} : memref<33x128xf32, #tpu.memory_space<vmem>>, vector<1x16xf32>,
    %swap3A_537 = arith.constant 3 : i32
    %swap3A_538 = arith.index_cast %swap3A_537 : i32 to index
    %swap3A_539 = arith.constant 64 : index
    %swap3A_540 = tpu.vector_load %arg7[%swap3A_538, %swap3A_539] {strides = array<i32>} : memref<33x128xf32, #tpu.memory_space<vmem>>, vector<1x16xf32>,
    %swap3A_541 = vector.shape_cast %swap3A_540 : vector<1x16xf32> to vector<16xf32>
    %swap3A_542 = vector.shape_cast %broadcast_in_dim3A_369 : vector<16xf32> to vector<1x16xf32>
    tpu.vector_store %arg7[%swap3A_538, %swap3A_539], %swap3A_542 {strides = array<i32>} : memref<33x128xf32, #tpu.memory_space<vmem>>, vector<1x16xf32>,
    %swap3A_543 = arith.constant 3 : i32
    %swap3A_544 = arith.index_cast %swap3A_543 : i32 to index
    %swap3A_545 = arith.constant 80 : index
    %swap3A_546 = tpu.vector_load %arg7[%swap3A_544, %swap3A_545] {strides = array<i32>} : memref<33x128xf32, #tpu.memory_space<vmem>>, vector<1x16xf32>,
    %swap3A_547 = vector.shape_cast %swap3A_546 : vector<1x16xf32> to vector<16xf32>
    %swap3A_548 = vector.shape_cast %broadcast_in_dim3A_369 : vector<16xf32> to vector<1x16xf32>
    tpu.vector_store %arg7[%swap3A_544, %swap3A_545], %swap3A_548 {strides = array<i32>} : memref<33x128xf32, #tpu.memory_space<vmem>>, vector<1x16xf32>,
    %swap3A_549 = arith.constant 3 : i32
    %swap3A_550 = arith.index_cast %swap3A_549 : i32 to index
    %swap3A_551 = arith.constant 96 : index
    %swap3A_552 = tpu.vector_load %arg7[%swap3A_550, %swap3A_551] {strides = array<i32>} : memref<33x128xf32, #tpu.memory_space<vmem>>, vector<1x16xf32>,
    %swap3A_553 = vector.shape_cast %swap3A_552 : vector<1x16xf32> to vector<16xf32>
    %swap3A_554 = vector.shape_cast %broadcast_in_dim3A_369 : vector<16xf32> to vector<1x16xf32>
    tpu.vector_store %arg7[%swap3A_550, %swap3A_551], %swap3A_554 {strides = array<i32>} : memref<33x128xf32, #tpu.memory_space<vmem>>, vector<1x16xf32>,
    %swap3A_555 = arith.constant 3 : i32
    %swap3A_556 = arith.index_cast %swap3A_555 : i32 to index
    %swap3A_557 = arith.constant 112 : index
    %swap3A_558 = tpu.vector_load %arg7[%swap3A_556, %swap3A_557] {strides = array<i32>} : memref<33x128xf32, #tpu.memory_space<vmem>>, vector<1x16xf32>,
    %swap3A_559 = vector.shape_cast %swap3A_558 : vector<1x16xf32> to vector<16xf32>
    %swap3A_560 = vector.shape_cast %broadcast_in_dim3A_369 : vector<16xf32> to vector<1x16xf32>
    tpu.vector_store %arg7[%swap3A_556, %swap3A_557], %swap3A_560 {strides = array<i32>} : memref<33x128xf32, #tpu.memory_space<vmem>>, vector<1x16xf32>,
    %swap3A_561 = arith.constant 4 : i32
    %swap3A_562 = arith.index_cast %swap3A_561 : i32 to index
    %swap3A_563 = arith.constant 0 : index
    %swap3A_564 = tpu.vector_load %arg7[%swap3A_562, %swap3A_563] {strides = array<i32>} : memref<33x128xf32, #tpu.memory_space<vmem>>, vector<1x16xf32>,
    %swap3A_565 = vector.shape_cast %swap3A_564 : vector<1x16xf32> to vector<16xf32>
    %swap3A_566 = vector.shape_cast %broadcast_in_dim3A_369 : vector<16xf32> to vector<1x16xf32>
    tpu.vector_store %arg7[%swap3A_562, %swap3A_563], %swap3A_566 {strides = array<i32>} : memref<33x128xf32, #tpu.memory_space<vmem>>, vector<1x16xf32>,
    %swap3A_567 = arith.constant 4 : i32
    %swap3A_568 = arith.index_cast %swap3A_567 : i32 to index
    %swap3A_569 = arith.constant 16 : index
    %swap3A_570 = tpu.vector_load %arg7[%swap3A_568, %swap3A_569] {strides = array<i32>} : memref<33x128xf32, #tpu.memory_space<vmem>>, vector<1x16xf32>,
    %swap3A_571 = vector.shape_cast %swap3A_570 : vector<1x16xf32> to vector<16xf32>
    %swap3A_572 = vector.shape_cast %broadcast_in_dim3A_369 : vector<16xf32> to vector<1x16xf32>
    tpu.vector_store %arg7[%swap3A_568, %swap3A_569], %swap3A_572 {strides = array<i32>} : memref<33x128xf32, #tpu.memory_space<vmem>>, vector<1x16xf32>,
    %swap3A_573 = arith.constant 4 : i32
    %swap3A_574 = arith.index_cast %swap3A_573 : i32 to index
    %swap3A_575 = arith.constant 32 : index
    %swap3A_576 = tpu.vector_load %arg7[%swap3A_574, %swap3A_575] {strides = array<i32>} : memref<33x128xf32, #tpu.memory_space<vmem>>, vector<1x16xf32>,
    %swap3A_577 = vector.shape_cast %swap3A_576 : vector<1x16xf32> to vector<16xf32>
    %swap3A_578 = vector.shape_cast %broadcast_in_dim3A_369 : vector<16xf32> to vector<1x16xf32>
    tpu.vector_store %arg7[%swap3A_574, %swap3A_575], %swap3A_578 {strides = array<i32>} : memref<33x128xf32, #tpu.memory_space<vmem>>, vector<1x16xf32>,
    %swap3A_579 = arith.constant 4 : i32
    %swap3A_580 = arith.index_cast %swap3A_579 : i32 to index
    %swap3A_581 = arith.constant 48 : index
    %swap3A_582 = tpu.vector_load %arg7[%swap3A_580, %swap3A_581] {strides = array<i32>} : memref<33x128xf32, #tpu.memory_space<vmem>>, vector<1x16xf32>,
    %swap3A_583 = vector.shape_cast %swap3A_582 : vector<1x16xf32> to vector<16xf32>
    %swap3A_584 = vector.shape_cast %broadcast_in_dim3A_369 : vector<16xf32> to vector<1x16xf32>
    tpu.vector_store %arg7[%swap3A_580, %swap3A_581], %swap3A_584 {strides = array<i32>} : memref<33x128xf32, #tpu.memory_space<vmem>>, vector<1x16xf32>,
    %swap3A_585 = arith.constant 4 : i32
    %swap3A_586 = arith.index_cast %swap3A_585 : i32 to index
    %swap3A_587 = arith.constant 64 : index
    %swap3A_588 = tpu.vector_load %arg7[%swap3A_586, %swap3A_587] {strides = array<i32>} : memref<33x128xf32, #tpu.memory_space<vmem>>, vector<1x16xf32>,
    %swap3A_589 = vector.shape_cast %swap3A_588 : vector<1x16xf32> to vector<16xf32>
    %swap3A_590 = vector.shape_cast %broadcast_in_dim3A_369 : vector<16xf32> to vector<1x16xf32>
    tpu.vector_store %arg7[%swap3A_586, %swap3A_587], %swap3A_590 {strides = array<i32>} : memref<33x128xf32, #tpu.memory_space<vmem>>, vector<1x16xf32>,
    %swap3A_591 = arith.constant 4 : i32
    %swap3A_592 = arith.index_cast %swap3A_591 : i32 to index
    %swap3A_593 = arith.constant 80 : index
    %swap3A_594 = tpu.vector_load %arg7[%swap3A_592, %swap3A_593] {strides = array<i32>} : memref<33x128xf32, #tpu.memory_space<vmem>>, vector<1x16xf32>,
    %swap3A_595 = vector.shape_cast %swap3A_594 : vector<1x16xf32> to vector<16xf32>
    %swap3A_596 = vector.shape_cast %broadcast_in_dim3A_369 : vector<16xf32> to vector<1x16xf32>
    tpu.vector_store %arg7[%swap3A_592, %swap3A_593], %swap3A_596 {strides = array<i32>} : memref<33x128xf32, #tpu.memory_space<vmem>>, vector<1x16xf32>,
    %swap3A_597 = arith.constant 4 : i32
    %swap3A_598 = arith.index_cast %swap3A_597 : i32 to index
    %swap3A_599 = arith.constant 96 : index
    %swap3A_600 = tpu.vector_load %arg7[%swap3A_598, %swap3A_599] {strides = array<i32>} : memref<33x128xf32, #tpu.memory_space<vmem>>, vector<1x16xf32>,
    %swap3A_601 = vector.shape_cast %swap3A_600 : vector<1x16xf32> to vector<16xf32>
    %swap3A_602 = vector.shape_cast %broadcast_in_dim3A_369 : vector<16xf32> to vector<1x16xf32>
    tpu.vector_store %arg7[%swap3A_598, %swap3A_599], %swap3A_602 {strides = array<i32>} : memref<33x128xf32, #tpu.memory_space<vmem>>, vector<1x16xf32>,
    %swap3A_603 = arith.constant 4 : i32
    %swap3A_604 = arith.index_cast %swap3A_603 : i32 to index
    %swap3A_605 = arith.constant 112 : index
    %swap3A_606 = tpu.vector_load %arg7[%swap3A_604, %swap3A_605] {strides = array<i32>} : memref<33x128xf32, #tpu.memory_space<vmem>>, vector<1x16xf32>,
    %swap3A_607 = vector.shape_cast %swap3A_606 : vector<1x16xf32> to vector<16xf32>
    %swap3A_608 = vector.shape_cast %broadcast_in_dim3A_369 : vector<16xf32> to vector<1x16xf32>
    tpu.vector_store %arg7[%swap3A_604, %swap3A_605], %swap3A_608 {strides = array<i32>} : memref<33x128xf32, #tpu.memory_space<vmem>>, vector<1x16xf32>,
    %swap3A_609 = arith.constant 5 : i32
    %swap3A_610 = arith.index_cast %swap3A_609 : i32 to index
    %swap3A_611 = arith.constant 0 : index
    %swap3A_612 = tpu.vector_load %arg7[%swap3A_610, %swap3A_611] {strides = array<i32>} : memref<33x128xf32, #tpu.memory_space<vmem>>, vector<1x16xf32>,
    %swap3A_613 = vector.shape_cast %swap3A_612 : vector<1x16xf32> to vector<16xf32>
    %swap3A_614 = vector.shape_cast %broadcast_in_dim3A_369 : vector<16xf32> to vector<1x16xf32>
    tpu.vector_store %arg7[%swap3A_610, %swap3A_611], %swap3A_614 {strides = array<i32>} : memref<33x128xf32, #tpu.memory_space<vmem>>, vector<1x16xf32>,
    %swap3A_615 = arith.constant 5 : i32
    %swap3A_616 = arith.index_cast %swap3A_615 : i32 to index
    %swap3A_617 = arith.constant 16 : index
    %swap3A_618 = tpu.vector_load %arg7[%swap3A_616, %swap3A_617] {strides = array<i32>} : memref<33x128xf32, #tpu.memory_space<vmem>>, vector<1x16xf32>,
    %swap3A_619 = vector.shape_cast %swap3A_618 : vector<1x16xf32> to vector<16xf32>
    %swap3A_620 = vector.shape_cast %broadcast_in_dim3A_369 : vector<16xf32> to vector<1x16xf32>
    tpu.vector_store %arg7[%swap3A_616, %swap3A_617], %swap3A_620 {strides = array<i32>} : memref<33x128xf32, #tpu.memory_space<vmem>>, vector<1x16xf32>,
    %swap3A_621 = arith.constant 5 : i32
    %swap3A_622 = arith.index_cast %swap3A_621 : i32 to index
    %swap3A_623 = arith.constant 32 : index
    %swap3A_624 = tpu.vector_load %arg7[%swap3A_622, %swap3A_623] {strides = array<i32>} : memref<33x128xf32, #tpu.memory_space<vmem>>, vector<1x16xf32>,
    %swap3A_625 = vector.shape_cast %swap3A_624 : vector<1x16xf32> to vector<16xf32>
    %swap3A_626 = vector.shape_cast %broadcast_in_dim3A_369 : vector<16xf32> to vector<1x16xf32>
    tpu.vector_store %arg7[%swap3A_622, %swap3A_623], %swap3A_626 {strides = array<i32>} : memref<33x128xf32, #tpu.memory_space<vmem>>, vector<1x16xf32>,
    %swap3A_627 = arith.constant 5 : i32
    %swap3A_628 = arith.index_cast %swap3A_627 : i32 to index
    %swap3A_629 = arith.constant 48 : index
    %swap3A_630 = tpu.vector_load %arg7[%swap3A_628, %swap3A_629] {strides = array<i32>} : memref<33x128xf32, #tpu.memory_space<vmem>>, vector<1x16xf32>,
    %swap3A_631 = vector.shape_cast %swap3A_630 : vector<1x16xf32> to vector<16xf32>
    %swap3A_632 = vector.shape_cast %broadcast_in_dim3A_369 : vector<16xf32> to vector<1x16xf32>
    tpu.vector_store %arg7[%swap3A_628, %swap3A_629], %swap3A_632 {strides = array<i32>} : memref<33x128xf32, #tpu.memory_space<vmem>>, vector<1x16xf32>,
    %swap3A_633 = arith.constant 5 : i32
    %swap3A_634 = arith.index_cast %swap3A_633 : i32 to index
    %swap3A_635 = arith.constant 64 : index
    %swap3A_636 = tpu.vector_load %arg7[%swap3A_634, %swap3A_635] {strides = array<i32>} : memref<33x128xf32, #tpu.memory_space<vmem>>, vector<1x16xf32>,
    %swap3A_637 = vector.shape_cast %swap3A_636 : vector<1x16xf32> to vector<16xf32>
    %swap3A_638 = vector.shape_cast %broadcast_in_dim3A_369 : vector<16xf32> to vector<1x16xf32>
    tpu.vector_store %arg7[%swap3A_634, %swap3A_635], %swap3A_638 {strides = array<i32>} : memref<33x128xf32, #tpu.memory_space<vmem>>, vector<1x16xf32>,
    %swap3A_639 = arith.constant 5 : i32
    %swap3A_640 = arith.index_cast %swap3A_639 : i32 to index
    %swap3A_641 = arith.constant 80 : index
    %swap3A_642 = tpu.vector_load %arg7[%swap3A_640, %swap3A_641] {strides = array<i32>} : memref<33x128xf32, #tpu.memory_space<vmem>>, vector<1x16xf32>,
    %swap3A_643 = vector.shape_cast %swap3A_642 : vector<1x16xf32> to vector<16xf32>
    %swap3A_644 = vector.shape_cast %broadcast_in_dim3A_369 : vector<16xf32> to vector<1x16xf32>
    tpu.vector_store %arg7[%swap3A_640, %swap3A_641], %swap3A_644 {strides = array<i32>} : memref<33x128xf32, #tpu.memory_space<vmem>>, vector<1x16xf32>,
    %swap3A_645 = arith.constant 5 : i32
    %swap3A_646 = arith.index_cast %swap3A_645 : i32 to index
    %swap3A_647 = arith.constant 96 : index
    %swap3A_648 = tpu.vector_load %arg7[%swap3A_646, %swap3A_647] {strides = array<i32>} : memref<33x128xf32, #tpu.memory_space<vmem>>, vector<1x16xf32>,
    %swap3A_649 = vector.shape_cast %swap3A_648 : vector<1x16xf32> to vector<16xf32>
    %swap3A_650 = vector.shape_cast %broadcast_in_dim3A_369 : vector<16xf32> to vector<1x16xf32>
    tpu.vector_store %arg7[%swap3A_646, %swap3A_647], %swap3A_650 {strides = array<i32>} : memref<33x128xf32, #tpu.memory_space<vmem>>, vector<1x16xf32>,
    %swap3A_651 = arith.constant 5 : i32
    %swap3A_652 = arith.index_cast %swap3A_651 : i32 to index
    %swap3A_653 = arith.constant 112 : index
    %swap3A_654 = tpu.vector_load %arg7[%swap3A_652, %swap3A_653] {strides = array<i32>} : memref<33x128xf32, #tpu.memory_space<vmem>>, vector<1x16xf32>,
    %swap3A_655 = vector.shape_cast %swap3A_654 : vector<1x16xf32> to vector<16xf32>
    %swap3A_656 = vector.shape_cast %broadcast_in_dim3A_369 : vector<16xf32> to vector<1x16xf32>
    tpu.vector_store %arg7[%swap3A_652, %swap3A_653], %swap3A_656 {strides = array<i32>} : memref<33x128xf32, #tpu.memory_space<vmem>>, vector<1x16xf32>,
    %swap3A_657 = arith.constant 6 : i32
    %swap3A_658 = arith.index_cast %swap3A_657 : i32 to index
    %swap3A_659 = arith.constant 0 : index
    %swap3A_660 = tpu.vector_load %arg7[%swap3A_658, %swap3A_659] {strides = array<i32>} : memref<33x128xf32, #tpu.memory_space<vmem>>, vector<1x16xf32>,
    %swap3A_661 = vector.shape_cast %swap3A_660 : vector<1x16xf32> to vector<16xf32>
    %swap3A_662 = vector.shape_cast %broadcast_in_dim3A_369 : vector<16xf32> to vector<1x16xf32>
    tpu.vector_store %arg7[%swap3A_658, %swap3A_659], %swap3A_662 {strides = array<i32>} : memref<33x128xf32, #tpu.memory_space<vmem>>, vector<1x16xf32>,
    %swap3A_663 = arith.constant 6 : i32
    %swap3A_664 = arith.index_cast %swap3A_663 : i32 to index
    %swap3A_665 = arith.constant 16 : index
    %swap3A_666 = tpu.vector_load %arg7[%swap3A_664, %swap3A_665] {strides = array<i32>} : memref<33x128xf32, #tpu.memory_space<vmem>>, vector<1x16xf32>,
    %swap3A_667 = vector.shape_cast %swap3A_666 : vector<1x16xf32> to vector<16xf32>
    %swap3A_668 = vector.shape_cast %broadcast_in_dim3A_369 : vector<16xf32> to vector<1x16xf32>
    tpu.vector_store %arg7[%swap3A_664, %swap3A_665], %swap3A_668 {strides = array<i32>} : memref<33x128xf32, #tpu.memory_space<vmem>>, vector<1x16xf32>,
    %swap3A_669 = arith.constant 6 : i32
    %swap3A_670 = arith.index_cast %swap3A_669 : i32 to index
    %swap3A_671 = arith.constant 32 : index
    %swap3A_672 = tpu.vector_load %arg7[%swap3A_670, %swap3A_671] {strides = array<i32>} : memref<33x128xf32, #tpu.memory_space<vmem>>, vector<1x16xf32>,
    %swap3A_673 = vector.shape_cast %swap3A_672 : vector<1x16xf32> to vector<16xf32>
    %swap3A_674 = vector.shape_cast %broadcast_in_dim3A_369 : vector<16xf32> to vector<1x16xf32>
    tpu.vector_store %arg7[%swap3A_670, %swap3A_671], %swap3A_674 {strides = array<i32>} : memref<33x128xf32, #tpu.memory_space<vmem>>, vector<1x16xf32>,
    %swap3A_675 = arith.constant 6 : i32
    %swap3A_676 = arith.index_cast %swap3A_675 : i32 to index
    %swap3A_677 = arith.constant 48 : index
    %swap3A_678 = tpu.vector_load %arg7[%swap3A_676, %swap3A_677] {strides = array<i32>} : memref<33x128xf32, #tpu.memory_space<vmem>>, vector<1x16xf32>,
    %swap3A_679 = vector.shape_cast %swap3A_678 : vector<1x16xf32> to vector<16xf32>
    %swap3A_680 = vector.shape_cast %broadcast_in_dim3A_369 : vector<16xf32> to vector<1x16xf32>
    tpu.vector_store %arg7[%swap3A_676, %swap3A_677], %swap3A_680 {strides = array<i32>} : memref<33x128xf32, #tpu.memory_space<vmem>>, vector<1x16xf32>,
    %swap3A_681 = arith.constant 6 : i32
    %swap3A_682 = arith.index_cast %swap3A_681 : i32 to index
    %swap3A_683 = arith.constant 64 : index
    %swap3A_684 = tpu.vector_load %arg7[%swap3A_682, %swap3A_683] {strides = array<i32>} : memref<33x128xf32, #tpu.memory_space<vmem>>, vector<1x16xf32>,
    %swap3A_685 = vector.shape_cast %swap3A_684 : vector<1x16xf32> to vector<16xf32>
    %swap3A_686 = vector.shape_cast %broadcast_in_dim3A_369 : vector<16xf32> to vector<1x16xf32>
    tpu.vector_store %arg7[%swap3A_682, %swap3A_683], %swap3A_686 {strides = array<i32>} : memref<33x128xf32, #tpu.memory_space<vmem>>, vector<1x16xf32>,
    %swap3A_687 = arith.constant 6 : i32
    %swap3A_688 = arith.index_cast %swap3A_687 : i32 to index
    %swap3A_689 = arith.constant 80 : index
    %swap3A_690 = tpu.vector_load %arg7[%swap3A_688, %swap3A_689] {strides = array<i32>} : memref<33x128xf32, #tpu.memory_space<vmem>>, vector<1x16xf32>,
    %swap3A_691 = vector.shape_cast %swap3A_690 : vector<1x16xf32> to vector<16xf32>
    %swap3A_692 = vector.shape_cast %broadcast_in_dim3A_369 : vector<16xf32> to vector<1x16xf32>
    tpu.vector_store %arg7[%swap3A_688, %swap3A_689], %swap3A_692 {strides = array<i32>} : memref<33x128xf32, #tpu.memory_space<vmem>>, vector<1x16xf32>,
    %swap3A_693 = arith.constant 6 : i32
    %swap3A_694 = arith.index_cast %swap3A_693 : i32 to index
    %swap3A_695 = arith.constant 96 : index
    %swap3A_696 = tpu.vector_load %arg7[%swap3A_694, %swap3A_695] {strides = array<i32>} : memref<33x128xf32, #tpu.memory_space<vmem>>, vector<1x16xf32>,
    %swap3A_697 = vector.shape_cast %swap3A_696 : vector<1x16xf32> to vector<16xf32>
    %swap3A_698 = vector.shape_cast %broadcast_in_dim3A_369 : vector<16xf32> to vector<1x16xf32>
    tpu.vector_store %arg7[%swap3A_694, %swap3A_695], %swap3A_698 {strides = array<i32>} : memref<33x128xf32, #tpu.memory_space<vmem>>, vector<1x16xf32>,
    %swap3A_699 = arith.constant 6 : i32
    %swap3A_700 = arith.index_cast %swap3A_699 : i32 to index
    %swap3A_701 = arith.constant 112 : index
    %swap3A_702 = tpu.vector_load %arg7[%swap3A_700, %swap3A_701] {strides = array<i32>} : memref<33x128xf32, #tpu.memory_space<vmem>>, vector<1x16xf32>,
    %swap3A_703 = vector.shape_cast %swap3A_702 : vector<1x16xf32> to vector<16xf32>
    %swap3A_704 = vector.shape_cast %broadcast_in_dim3A_369 : vector<16xf32> to vector<1x16xf32>
    tpu.vector_store %arg7[%swap3A_700, %swap3A_701], %swap3A_704 {strides = array<i32>} : memref<33x128xf32, #tpu.memory_space<vmem>>, vector<1x16xf32>,
    %swap3A_705 = arith.constant 7 : i32
    %swap3A_706 = arith.index_cast %swap3A_705 : i32 to index
    %swap3A_707 = arith.constant 0 : index
    %swap3A_708 = tpu.vector_load %arg7[%swap3A_706, %swap3A_707] {strides = array<i32>} : memref<33x128xf32, #tpu.memory_space<vmem>>, vector<1x16xf32>,
    %swap3A_709 = vector.shape_cast %swap3A_708 : vector<1x16xf32> to vector<16xf32>
    %swap3A_710 = vector.shape_cast %broadcast_in_dim3A_369 : vector<16xf32> to vector<1x16xf32>
    tpu.vector_store %arg7[%swap3A_706, %swap3A_707], %swap3A_710 {strides = array<i32>} : memref<33x128xf32, #tpu.memory_space<vmem>>, vector<1x16xf32>,
    %swap3A_711 = arith.constant 7 : i32
    %swap3A_712 = arith.index_cast %swap3A_711 : i32 to index
    %swap3A_713 = arith.constant 16 : index
    %swap3A_714 = tpu.vector_load %arg7[%swap3A_712, %swap3A_713] {strides = array<i32>} : memref<33x128xf32, #tpu.memory_space<vmem>>, vector<1x16xf32>,
    %swap3A_715 = vector.shape_cast %swap3A_714 : vector<1x16xf32> to vector<16xf32>
    %swap3A_716 = vector.shape_cast %broadcast_in_dim3A_369 : vector<16xf32> to vector<1x16xf32>
    tpu.vector_store %arg7[%swap3A_712, %swap3A_713], %swap3A_716 {strides = array<i32>} : memref<33x128xf32, #tpu.memory_space<vmem>>, vector<1x16xf32>,
    %swap3A_717 = arith.constant 7 : i32
    %swap3A_718 = arith.index_cast %swap3A_717 : i32 to index
    %swap3A_719 = arith.constant 32 : index
    %swap3A_720 = tpu.vector_load %arg7[%swap3A_718, %swap3A_719] {strides = array<i32>} : memref<33x128xf32, #tpu.memory_space<vmem>>, vector<1x16xf32>,
    %swap3A_721 = vector.shape_cast %swap3A_720 : vector<1x16xf32> to vector<16xf32>
    %swap3A_722 = vector.shape_cast %broadcast_in_dim3A_369 : vector<16xf32> to vector<1x16xf32>
    tpu.vector_store %arg7[%swap3A_718, %swap3A_719], %swap3A_722 {strides = array<i32>} : memref<33x128xf32, #tpu.memory_space<vmem>>, vector<1x16xf32>,
    %swap3A_723 = arith.constant 7 : i32
    %swap3A_724 = arith.index_cast %swap3A_723 : i32 to index
    %swap3A_725 = arith.constant 48 : index
    %swap3A_726 = tpu.vector_load %arg7[%swap3A_724, %swap3A_725] {strides = array<i32>} : memref<33x128xf32, #tpu.memory_space<vmem>>, vector<1x16xf32>,
    %swap3A_727 = vector.shape_cast %swap3A_726 : vector<1x16xf32> to vector<16xf32>
    %swap3A_728 = vector.shape_cast %broadcast_in_dim3A_369 : vector<16xf32> to vector<1x16xf32>
    tpu.vector_store %arg7[%swap3A_724, %swap3A_725], %swap3A_728 {strides = array<i32>} : memref<33x128xf32, #tpu.memory_space<vmem>>, vector<1x16xf32>,
    %swap3A_729 = arith.constant 7 : i32
    %swap3A_730 = arith.index_cast %swap3A_729 : i32 to index
    %swap3A_731 = arith.constant 64 : index
    %swap3A_732 = tpu.vector_load %arg7[%swap3A_730, %swap3A_731] {strides = array<i32>} : memref<33x128xf32, #tpu.memory_space<vmem>>, vector<1x16xf32>,
    %swap3A_733 = vector.shape_cast %swap3A_732 : vector<1x16xf32> to vector<16xf32>
    %swap3A_734 = vector.shape_cast %broadcast_in_dim3A_369 : vector<16xf32> to vector<1x16xf32>
    tpu.vector_store %arg7[%swap3A_730, %swap3A_731], %swap3A_734 {strides = array<i32>} : memref<33x128xf32, #tpu.memory_space<vmem>>, vector<1x16xf32>,
    %swap3A_735 = arith.constant 7 : i32
    %swap3A_736 = arith.index_cast %swap3A_735 : i32 to index
    %swap3A_737 = arith.constant 80 : index
    %swap3A_738 = tpu.vector_load %arg7[%swap3A_736, %swap3A_737] {strides = array<i32>} : memref<33x128xf32, #tpu.memory_space<vmem>>, vector<1x16xf32>,
    %swap3A_739 = vector.shape_cast %swap3A_738 : vector<1x16xf32> to vector<16xf32>
    %swap3A_740 = vector.shape_cast %broadcast_in_dim3A_369 : vector<16xf32> to vector<1x16xf32>
    tpu.vector_store %arg7[%swap3A_736, %swap3A_737], %swap3A_740 {strides = array<i32>} : memref<33x128xf32, #tpu.memory_space<vmem>>, vector<1x16xf32>,
    %swap3A_741 = arith.constant 7 : i32
    %swap3A_742 = arith.index_cast %swap3A_741 : i32 to index
    %swap3A_743 = arith.constant 96 : index
    %swap3A_744 = tpu.vector_load %arg7[%swap3A_742, %swap3A_743] {strides = array<i32>} : memref<33x128xf32, #tpu.memory_space<vmem>>, vector<1x16xf32>,
    %swap3A_745 = vector.shape_cast %swap3A_744 : vector<1x16xf32> to vector<16xf32>
    %swap3A_746 = vector.shape_cast %broadcast_in_dim3A_369 : vector<16xf32> to vector<1x16xf32>
    tpu.vector_store %arg7[%swap3A_742, %swap3A_743], %swap3A_746 {strides = array<i32>} : memref<33x128xf32, #tpu.memory_space<vmem>>, vector<1x16xf32>,
    %swap3A_747 = arith.constant 7 : i32
    %swap3A_748 = arith.index_cast %swap3A_747 : i32 to index
    %swap3A_749 = arith.constant 112 : index
    %swap3A_750 = tpu.vector_load %arg7[%swap3A_748, %swap3A_749] {strides = array<i32>} : memref<33x128xf32, #tpu.memory_space<vmem>>, vector<1x16xf32>,
    %swap3A_751 = vector.shape_cast %swap3A_750 : vector<1x16xf32> to vector<16xf32>
    %swap3A_752 = vector.shape_cast %broadcast_in_dim3A_369 : vector<16xf32> to vector<1x16xf32>
    tpu.vector_store %arg7[%swap3A_748, %swap3A_749], %swap3A_752 {strides = array<i32>} : memref<33x128xf32, #tpu.memory_space<vmem>>, vector<1x16xf32>,
    %swap3A_753 = arith.constant 8 : i32
    %swap3A_754 = arith.index_cast %swap3A_753 : i32 to index
    %swap3A_755 = arith.constant 0 : index
    %swap3A_756 = tpu.vector_load %arg7[%swap3A_754, %swap3A_755] {strides = array<i32>} : memref<33x128xf32, #tpu.memory_space<vmem>>, vector<1x16xf32>,
    %swap3A_757 = vector.shape_cast %swap3A_756 : vector<1x16xf32> to vector<16xf32>
    %swap3A_758 = vector.shape_cast %broadcast_in_dim3A_369 : vector<16xf32> to vector<1x16xf32>
    tpu.vector_store %arg7[%swap3A_754, %swap3A_755], %swap3A_758 {strides = array<i32>} : memref<33x128xf32, #tpu.memory_space<vmem>>, vector<1x16xf32>,
    %swap3A_759 = arith.constant 8 : i32
    %swap3A_760 = arith.index_cast %swap3A_759 : i32 to index
    %swap3A_761 = arith.constant 16 : index
    %swap3A_762 = tpu.vector_load %arg7[%swap3A_760, %swap3A_761] {strides = array<i32>} : memref<33x128xf32, #tpu.memory_space<vmem>>, vector<1x16xf32>,
    %swap3A_763 = vector.shape_cast %swap3A_762 : vector<1x16xf32> to vector<16xf32>
    %swap3A_764 = vector.shape_cast %broadcast_in_dim3A_369 : vector<16xf32> to vector<1x16xf32>
    tpu.vector_store %arg7[%swap3A_760, %swap3A_761], %swap3A_764 {strides = array<i32>} : memref<33x128xf32, #tpu.memory_space<vmem>>, vector<1x16xf32>,
    %swap3A_765 = arith.constant 8 : i32
    %swap3A_766 = arith.index_cast %swap3A_765 : i32 to index
    %swap3A_767 = arith.constant 32 : index
    %swap3A_768 = tpu.vector_load %arg7[%swap3A_766, %swap3A_767] {strides = array<i32>} : memref<33x128xf32, #tpu.memory_space<vmem>>, vector<1x16xf32>,
    %swap3A_769 = vector.shape_cast %swap3A_768 : vector<1x16xf32> to vector<16xf32>
    %swap3A_770 = vector.shape_cast %broadcast_in_dim3A_369 : vector<16xf32> to vector<1x16xf32>
    tpu.vector_store %arg7[%swap3A_766, %swap3A_767], %swap3A_770 {strides = array<i32>} : memref<33x128xf32, #tpu.memory_space<vmem>>, vector<1x16xf32>,
    %swap3A_771 = arith.constant 8 : i32
    %swap3A_772 = arith.index_cast %swap3A_771 : i32 to index
    %swap3A_773 = arith.constant 48 : index
    %swap3A_774 = tpu.vector_load %arg7[%swap3A_772, %swap3A_773] {strides = array<i32>} : memref<33x128xf32, #tpu.memory_space<vmem>>, vector<1x16xf32>,
    %swap3A_775 = vector.shape_cast %swap3A_774 : vector<1x16xf32> to vector<16xf32>
    %swap3A_776 = vector.shape_cast %broadcast_in_dim3A_369 : vector<16xf32> to vector<1x16xf32>
    tpu.vector_store %arg7[%swap3A_772, %swap3A_773], %swap3A_776 {strides = array<i32>} : memref<33x128xf32, #tpu.memory_space<vmem>>, vector<1x16xf32>,
    %swap3A_777 = arith.constant 8 : i32
    %swap3A_778 = arith.index_cast %swap3A_777 : i32 to index
    %swap3A_779 = arith.constant 64 : index
    %swap3A_780 = tpu.vector_load %arg7[%swap3A_778, %swap3A_779] {strides = array<i32>} : memref<33x128xf32, #tpu.memory_space<vmem>>, vector<1x16xf32>,
    %swap3A_781 = vector.shape_cast %swap3A_780 : vector<1x16xf32> to vector<16xf32>
    %swap3A_782 = vector.shape_cast %broadcast_in_dim3A_369 : vector<16xf32> to vector<1x16xf32>
    tpu.vector_store %arg7[%swap3A_778, %swap3A_779], %swap3A_782 {strides = array<i32>} : memref<33x128xf32, #tpu.memory_space<vmem>>, vector<1x16xf32>,
    %swap3A_783 = arith.constant 8 : i32
    %swap3A_784 = arith.index_cast %swap3A_783 : i32 to index
    %swap3A_785 = arith.constant 80 : index
    %swap3A_786 = tpu.vector_load %arg7[%swap3A_784, %swap3A_785] {strides = array<i32>} : memref<33x128xf32, #tpu.memory_space<vmem>>, vector<1x16xf32>,
    %swap3A_787 = vector.shape_cast %swap3A_786 : vector<1x16xf32> to vector<16xf32>
    %swap3A_788 = vector.shape_cast %broadcast_in_dim3A_369 : vector<16xf32> to vector<1x16xf32>
    tpu.vector_store %arg7[%swap3A_784, %swap3A_785], %swap3A_788 {strides = array<i32>} : memref<33x128xf32, #tpu.memory_space<vmem>>, vector<1x16xf32>,
    %swap3A_789 = arith.constant 8 : i32
    %swap3A_790 = arith.index_cast %swap3A_789 : i32 to index
    %swap3A_791 = arith.constant 96 : index
    %swap3A_792 = tpu.vector_load %arg7[%swap3A_790, %swap3A_791] {strides = array<i32>} : memref<33x128xf32, #tpu.memory_space<vmem>>, vector<1x16xf32>,
    %swap3A_793 = vector.shape_cast %swap3A_792 : vector<1x16xf32> to vector<16xf32>
    %swap3A_794 = vector.shape_cast %broadcast_in_dim3A_369 : vector<16xf32> to vector<1x16xf32>
    tpu.vector_store %arg7[%swap3A_790, %swap3A_791], %swap3A_794 {strides = array<i32>} : memref<33x128xf32, #tpu.memory_space<vmem>>, vector<1x16xf32>,
    %swap3A_795 = arith.constant 8 : i32
    %swap3A_796 = arith.index_cast %swap3A_795 : i32 to index
    %swap3A_797 = arith.constant 112 : index
    %swap3A_798 = tpu.vector_load %arg7[%swap3A_796, %swap3A_797] {strides = array<i32>} : memref<33x128xf32, #tpu.memory_space<vmem>>, vector<1x16xf32>,
    %swap3A_799 = vector.shape_cast %swap3A_798 : vector<1x16xf32> to vector<16xf32>
    %swap3A_800 = vector.shape_cast %broadcast_in_dim3A_369 : vector<16xf32> to vector<1x16xf32>
    tpu.vector_store %arg7[%swap3A_796, %swap3A_797], %swap3A_800 {strides = array<i32>} : memref<33x128xf32, #tpu.memory_space<vmem>>, vector<1x16xf32>,
    %swap3A_801 = arith.constant 9 : i32
    %swap3A_802 = arith.index_cast %swap3A_801 : i32 to index
    %swap3A_803 = arith.constant 0 : index
    %swap3A_804 = tpu.vector_load %arg7[%swap3A_802, %swap3A_803] {strides = array<i32>} : memref<33x128xf32, #tpu.memory_space<vmem>>, vector<1x16xf32>,
    %swap3A_805 = vector.shape_cast %swap3A_804 : vector<1x16xf32> to vector<16xf32>
    %swap3A_806 = vector.shape_cast %broadcast_in_dim3A_369 : vector<16xf32> to vector<1x16xf32>
    tpu.vector_store %arg7[%swap3A_802, %swap3A_803], %swap3A_806 {strides = array<i32>} : memref<33x128xf32, #tpu.memory_space<vmem>>, vector<1x16xf32>,
    %swap3A_807 = arith.constant 9 : i32
    %swap3A_808 = arith.index_cast %swap3A_807 : i32 to index
    %swap3A_809 = arith.constant 16 : index
    %swap3A_810 = tpu.vector_load %arg7[%swap3A_808, %swap3A_809] {strides = array<i32>} : memref<33x128xf32, #tpu.memory_space<vmem>>, vector<1x16xf32>,
    %swap3A_811 = vector.shape_cast %swap3A_810 : vector<1x16xf32> to vector<16xf32>
    %swap3A_812 = vector.shape_cast %broadcast_in_dim3A_369 : vector<16xf32> to vector<1x16xf32>
    tpu.vector_store %arg7[%swap3A_808, %swap3A_809], %swap3A_812 {strides = array<i32>} : memref<33x128xf32, #tpu.memory_space<vmem>>, vector<1x16xf32>,
    %swap3A_813 = arith.constant 9 : i32
    %swap3A_814 = arith.index_cast %swap3A_813 : i32 to index
    %swap3A_815 = arith.constant 32 : index
    %swap3A_816 = tpu.vector_load %arg7[%swap3A_814, %swap3A_815] {strides = array<i32>} : memref<33x128xf32, #tpu.memory_space<vmem>>, vector<1x16xf32>,
    %swap3A_817 = vector.shape_cast %swap3A_816 : vector<1x16xf32> to vector<16xf32>
    %swap3A_818 = vector.shape_cast %broadcast_in_dim3A_369 : vector<16xf32> to vector<1x16xf32>
    tpu.vector_store %arg7[%swap3A_814, %swap3A_815], %swap3A_818 {strides = array<i32>} : memref<33x128xf32, #tpu.memory_space<vmem>>, vector<1x16xf32>,
    %swap3A_819 = arith.constant 9 : i32
    %swap3A_820 = arith.index_cast %swap3A_819 : i32 to index
    %swap3A_821 = arith.constant 48 : index
    %swap3A_822 = tpu.vector_load %arg7[%swap3A_820, %swap3A_821] {strides = array<i32>} : memref<33x128xf32, #tpu.memory_space<vmem>>, vector<1x16xf32>,
    %swap3A_823 = vector.shape_cast %swap3A_822 : vector<1x16xf32> to vector<16xf32>
    %swap3A_824 = vector.shape_cast %broadcast_in_dim3A_369 : vector<16xf32> to vector<1x16xf32>
    tpu.vector_store %arg7[%swap3A_820, %swap3A_821], %swap3A_824 {strides = array<i32>} : memref<33x128xf32, #tpu.memory_space<vmem>>, vector<1x16xf32>,
    %swap3A_825 = arith.constant 9 : i32
    %swap3A_826 = arith.index_cast %swap3A_825 : i32 to index
    %swap3A_827 = arith.constant 64 : index
    %swap3A_828 = tpu.vector_load %arg7[%swap3A_826, %swap3A_827] {strides = array<i32>} : memref<33x128xf32, #tpu.memory_space<vmem>>, vector<1x16xf32>,
    %swap3A_829 = vector.shape_cast %swap3A_828 : vector<1x16xf32> to vector<16xf32>
    %swap3A_830 = vector.shape_cast %broadcast_in_dim3A_369 : vector<16xf32> to vector<1x16xf32>
    tpu.vector_store %arg7[%swap3A_826, %swap3A_827], %swap3A_830 {strides = array<i32>} : memref<33x128xf32, #tpu.memory_space<vmem>>, vector<1x16xf32>,
    %swap3A_831 = arith.constant 9 : i32
    %swap3A_832 = arith.index_cast %swap3A_831 : i32 to index
    %swap3A_833 = arith.constant 80 : index
    %swap3A_834 = tpu.vector_load %arg7[%swap3A_832, %swap3A_833] {strides = array<i32>} : memref<33x128xf32, #tpu.memory_space<vmem>>, vector<1x16xf32>,
    %swap3A_835 = vector.shape_cast %swap3A_834 : vector<1x16xf32> to vector<16xf32>
    %swap3A_836 = vector.shape_cast %broadcast_in_dim3A_369 : vector<16xf32> to vector<1x16xf32>
    tpu.vector_store %arg7[%swap3A_832, %swap3A_833], %swap3A_836 {strides = array<i32>} : memref<33x128xf32, #tpu.memory_space<vmem>>, vector<1x16xf32>,
    %swap3A_837 = arith.constant 9 : i32
    %swap3A_838 = arith.index_cast %swap3A_837 : i32 to index
    %swap3A_839 = arith.constant 96 : index
    %swap3A_840 = tpu.vector_load %arg7[%swap3A_838, %swap3A_839] {strides = array<i32>} : memref<33x128xf32, #tpu.memory_space<vmem>>, vector<1x16xf32>,
    %swap3A_841 = vector.shape_cast %swap3A_840 : vector<1x16xf32> to vector<16xf32>
    %swap3A_842 = vector.shape_cast %broadcast_in_dim3A_369 : vector<16xf32> to vector<1x16xf32>
    tpu.vector_store %arg7[%swap3A_838, %swap3A_839], %swap3A_842 {strides = array<i32>} : memref<33x128xf32, #tpu.memory_space<vmem>>, vector<1x16xf32>,
    %swap3A_843 = arith.constant 9 : i32
    %swap3A_844 = arith.index_cast %swap3A_843 : i32 to index
    %swap3A_845 = arith.constant 112 : index
    %swap3A_846 = tpu.vector_load %arg7[%swap3A_844, %swap3A_845] {strides = array<i32>} : memref<33x128xf32, #tpu.memory_space<vmem>>, vector<1x16xf32>,
    %swap3A_847 = vector.shape_cast %swap3A_846 : vector<1x16xf32> to vector<16xf32>
    %swap3A_848 = vector.shape_cast %broadcast_in_dim3A_369 : vector<16xf32> to vector<1x16xf32>
    tpu.vector_store %arg7[%swap3A_844, %swap3A_845], %swap3A_848 {strides = array<i32>} : memref<33x128xf32, #tpu.memory_space<vmem>>, vector<1x16xf32>,
    %swap3A_849 = arith.constant 10 : i32
    %swap3A_850 = arith.index_cast %swap3A_849 : i32 to index
    %swap3A_851 = arith.constant 0 : index
    %swap3A_852 = tpu.vector_load %arg7[%swap3A_850, %swap3A_851] {strides = array<i32>} : memref<33x128xf32, #tpu.memory_space<vmem>>, vector<1x16xf32>,
    %swap3A_853 = vector.shape_cast %swap3A_852 : vector<1x16xf32> to vector<16xf32>
    %swap3A_854 = vector.shape_cast %broadcast_in_dim3A_369 : vector<16xf32> to vector<1x16xf32>
    tpu.vector_store %arg7[%swap3A_850, %swap3A_851], %swap3A_854 {strides = array<i32>} : memref<33x128xf32, #tpu.memory_space<vmem>>, vector<1x16xf32>,
    %swap3A_855 = arith.constant 10 : i32
    %swap3A_856 = arith.index_cast %swap3A_855 : i32 to index
    %swap3A_857 = arith.constant 16 : index
    %swap3A_858 = tpu.vector_load %arg7[%swap3A_856, %swap3A_857] {strides = array<i32>} : memref<33x128xf32, #tpu.memory_space<vmem>>, vector<1x16xf32>,
    %swap3A_859 = vector.shape_cast %swap3A_858 : vector<1x16xf32> to vector<16xf32>
    %swap3A_860 = vector.shape_cast %broadcast_in_dim3A_369 : vector<16xf32> to vector<1x16xf32>
    tpu.vector_store %arg7[%swap3A_856, %swap3A_857], %swap3A_860 {strides = array<i32>} : memref<33x128xf32, #tpu.memory_space<vmem>>, vector<1x16xf32>,
    %swap3A_861 = arith.constant 10 : i32
    %swap3A_862 = arith.index_cast %swap3A_861 : i32 to index
    %swap3A_863 = arith.constant 32 : index
    %swap3A_864 = tpu.vector_load %arg7[%swap3A_862, %swap3A_863] {strides = array<i32>} : memref<33x128xf32, #tpu.memory_space<vmem>>, vector<1x16xf32>,
    %swap3A_865 = vector.shape_cast %swap3A_864 : vector<1x16xf32> to vector<16xf32>
    %swap3A_866 = vector.shape_cast %broadcast_in_dim3A_369 : vector<16xf32> to vector<1x16xf32>
    tpu.vector_store %arg7[%swap3A_862, %swap3A_863], %swap3A_866 {strides = array<i32>} : memref<33x128xf32, #tpu.memory_space<vmem>>, vector<1x16xf32>,
    %swap3A_867 = arith.constant 10 : i32
    %swap3A_868 = arith.index_cast %swap3A_867 : i32 to index
    %swap3A_869 = arith.constant 48 : index
    %swap3A_870 = tpu.vector_load %arg7[%swap3A_868, %swap3A_869] {strides = array<i32>} : memref<33x128xf32, #tpu.memory_space<vmem>>, vector<1x16xf32>,
    %swap3A_871 = vector.shape_cast %swap3A_870 : vector<1x16xf32> to vector<16xf32>
    %swap3A_872 = vector.shape_cast %broadcast_in_dim3A_369 : vector<16xf32> to vector<1x16xf32>
    tpu.vector_store %arg7[%swap3A_868, %swap3A_869], %swap3A_872 {strides = array<i32>} : memref<33x128xf32, #tpu.memory_space<vmem>>, vector<1x16xf32>,
    %swap3A_873 = arith.constant 10 : i32
    %swap3A_874 = arith.index_cast %swap3A_873 : i32 to index
    %swap3A_875 = arith.constant 64 : index
    %swap3A_876 = tpu.vector_load %arg7[%swap3A_874, %swap3A_875] {strides = array<i32>} : memref<33x128xf32, #tpu.memory_space<vmem>>, vector<1x16xf32>,
    %swap3A_877 = vector.shape_cast %swap3A_876 : vector<1x16xf32> to vector<16xf32>
    %swap3A_878 = vector.shape_cast %broadcast_in_dim3A_369 : vector<16xf32> to vector<1x16xf32>
    tpu.vector_store %arg7[%swap3A_874, %swap3A_875], %swap3A_878 {strides = array<i32>} : memref<33x128xf32, #tpu.memory_space<vmem>>, vector<1x16xf32>,
    %swap3A_879 = arith.constant 10 : i32
    %swap3A_880 = arith.index_cast %swap3A_879 : i32 to index
    %swap3A_881 = arith.constant 80 : index
    %swap3A_882 = tpu.vector_load %arg7[%swap3A_880, %swap3A_881] {strides = array<i32>} : memref<33x128xf32, #tpu.memory_space<vmem>>, vector<1x16xf32>,
    %swap3A_883 = vector.shape_cast %swap3A_882 : vector<1x16xf32> to vector<16xf32>
    %swap3A_884 = vector.shape_cast %broadcast_in_dim3A_369 : vector<16xf32> to vector<1x16xf32>
    tpu.vector_store %arg7[%swap3A_880, %swap3A_881], %swap3A_884 {strides = array<i32>} : memref<33x128xf32, #tpu.memory_space<vmem>>, vector<1x16xf32>,
    %swap3A_885 = arith.constant 10 : i32
    %swap3A_886 = arith.index_cast %swap3A_885 : i32 to index
    %swap3A_887 = arith.constant 96 : index
    %swap3A_888 = tpu.vector_load %arg7[%swap3A_886, %swap3A_887] {strides = array<i32>} : memref<33x128xf32, #tpu.memory_space<vmem>>, vector<1x16xf32>,
    %swap3A_889 = vector.shape_cast %swap3A_888 : vector<1x16xf32> to vector<16xf32>
    %swap3A_890 = vector.shape_cast %broadcast_in_dim3A_369 : vector<16xf32> to vector<1x16xf32>
    tpu.vector_store %arg7[%swap3A_886, %swap3A_887], %swap3A_890 {strides = array<i32>} : memref<33x128xf32, #tpu.memory_space<vmem>>, vector<1x16xf32>,
    %swap3A_891 = arith.constant 10 : i32
    %swap3A_892 = arith.index_cast %swap3A_891 : i32 to index
    %swap3A_893 = arith.constant 112 : index
    %swap3A_894 = tpu.vector_load %arg7[%swap3A_892, %swap3A_893] {strides = array<i32>} : memref<33x128xf32, #tpu.memory_space<vmem>>, vector<1x16xf32>,
    %swap3A_895 = vector.shape_cast %swap3A_894 : vector<1x16xf32> to vector<16xf32>
    %swap3A_896 = vector.shape_cast %broadcast_in_dim3A_369 : vector<16xf32> to vector<1x16xf32>
    tpu.vector_store %arg7[%swap3A_892, %swap3A_893], %swap3A_896 {strides = array<i32>} : memref<33x128xf32, #tpu.memory_space<vmem>>, vector<1x16xf32>,
    %swap3A_897 = arith.constant 11 : i32
    %swap3A_898 = arith.index_cast %swap3A_897 : i32 to index
    %swap3A_899 = arith.constant 0 : index
    %swap3A_900 = tpu.vector_load %arg7[%swap3A_898, %swap3A_899] {strides = array<i32>} : memref<33x128xf32, #tpu.memory_space<vmem>>, vector<1x16xf32>,
    %swap3A_901 = vector.shape_cast %swap3A_900 : vector<1x16xf32> to vector<16xf32>
    %swap3A_902 = vector.shape_cast %broadcast_in_dim3A_369 : vector<16xf32> to vector<1x16xf32>
    tpu.vector_store %arg7[%swap3A_898, %swap3A_899], %swap3A_902 {strides = array<i32>} : memref<33x128xf32, #tpu.memory_space<vmem>>, vector<1x16xf32>,
    %swap3A_903 = arith.constant 11 : i32
    %swap3A_904 = arith.index_cast %swap3A_903 : i32 to index
    %swap3A_905 = arith.constant 16 : index
    %swap3A_906 = tpu.vector_load %arg7[%swap3A_904, %swap3A_905] {strides = array<i32>} : memref<33x128xf32, #tpu.memory_space<vmem>>, vector<1x16xf32>,
    %swap3A_907 = vector.shape_cast %swap3A_906 : vector<1x16xf32> to vector<16xf32>
    %swap3A_908 = vector.shape_cast %broadcast_in_dim3A_369 : vector<16xf32> to vector<1x16xf32>
    tpu.vector_store %arg7[%swap3A_904, %swap3A_905], %swap3A_908 {strides = array<i32>} : memref<33x128xf32, #tpu.memory_space<vmem>>, vector<1x16xf32>,
    %swap3A_909 = arith.constant 11 : i32
    %swap3A_910 = arith.index_cast %swap3A_909 : i32 to index
    %swap3A_911 = arith.constant 32 : index
    %swap3A_912 = tpu.vector_load %arg7[%swap3A_910, %swap3A_911] {strides = array<i32>} : memref<33x128xf32, #tpu.memory_space<vmem>>, vector<1x16xf32>,
    %swap3A_913 = vector.shape_cast %swap3A_912 : vector<1x16xf32> to vector<16xf32>
    %swap3A_914 = vector.shape_cast %broadcast_in_dim3A_369 : vector<16xf32> to vector<1x16xf32>
    tpu.vector_store %arg7[%swap3A_910, %swap3A_911], %swap3A_914 {strides = array<i32>} : memref<33x128xf32, #tpu.memory_space<vmem>>, vector<1x16xf32>,
    %swap3A_915 = arith.constant 11 : i32
    %swap3A_916 = arith.index_cast %swap3A_915 : i32 to index
    %swap3A_917 = arith.constant 48 : index
    %swap3A_918 = tpu.vector_load %arg7[%swap3A_916, %swap3A_917] {strides = array<i32>} : memref<33x128xf32, #tpu.memory_space<vmem>>, vector<1x16xf32>,
    %swap3A_919 = vector.shape_cast %swap3A_918 : vector<1x16xf32> to vector<16xf32>
    %swap3A_920 = vector.shape_cast %broadcast_in_dim3A_369 : vector<16xf32> to vector<1x16xf32>
    tpu.vector_store %arg7[%swap3A_916, %swap3A_917], %swap3A_920 {strides = array<i32>} : memref<33x128xf32, #tpu.memory_space<vmem>>, vector<1x16xf32>,
    %swap3A_921 = arith.constant 11 : i32
    %swap3A_922 = arith.index_cast %swap3A_921 : i32 to index
    %swap3A_923 = arith.constant 64 : index
    %swap3A_924 = tpu.vector_load %arg7[%swap3A_922, %swap3A_923] {strides = array<i32>} : memref<33x128xf32, #tpu.memory_space<vmem>>, vector<1x16xf32>,
    %swap3A_925 = vector.shape_cast %swap3A_924 : vector<1x16xf32> to vector<16xf32>
    %swap3A_926 = vector.shape_cast %broadcast_in_dim3A_369 : vector<16xf32> to vector<1x16xf32>
    tpu.vector_store %arg7[%swap3A_922, %swap3A_923], %swap3A_926 {strides = array<i32>} : memref<33x128xf32, #tpu.memory_space<vmem>>, vector<1x16xf32>,
    %swap3A_927 = arith.constant 11 : i32
    %swap3A_928 = arith.index_cast %swap3A_927 : i32 to index
    %swap3A_929 = arith.constant 80 : index
    %swap3A_930 = tpu.vector_load %arg7[%swap3A_928, %swap3A_929] {strides = array<i32>} : memref<33x128xf32, #tpu.memory_space<vmem>>, vector<1x16xf32>,
    %swap3A_931 = vector.shape_cast %swap3A_930 : vector<1x16xf32> to vector<16xf32>
    %swap3A_932 = vector.shape_cast %broadcast_in_dim3A_369 : vector<16xf32> to vector<1x16xf32>
    tpu.vector_store %arg7[%swap3A_928, %swap3A_929], %swap3A_932 {strides = array<i32>} : memref<33x128xf32, #tpu.memory_space<vmem>>, vector<1x16xf32>,
    %swap3A_933 = arith.constant 11 : i32
    %swap3A_934 = arith.index_cast %swap3A_933 : i32 to index
    %swap3A_935 = arith.constant 96 : index
    %swap3A_936 = tpu.vector_load %arg7[%swap3A_934, %swap3A_935] {strides = array<i32>} : memref<33x128xf32, #tpu.memory_space<vmem>>, vector<1x16xf32>,
    %swap3A_937 = vector.shape_cast %swap3A_936 : vector<1x16xf32> to vector<16xf32>
    %swap3A_938 = vector.shape_cast %broadcast_in_dim3A_369 : vector<16xf32> to vector<1x16xf32>
    tpu.vector_store %arg7[%swap3A_934, %swap3A_935], %swap3A_938 {strides = array<i32>} : memref<33x128xf32, #tpu.memory_space<vmem>>, vector<1x16xf32>,
    %swap3A_939 = arith.constant 11 : i32
    %swap3A_940 = arith.index_cast %swap3A_939 : i32 to index
    %swap3A_941 = arith.constant 112 : index
    %swap3A_942 = tpu.vector_load %arg7[%swap3A_940, %swap3A_941] {strides = array<i32>} : memref<33x128xf32, #tpu.memory_space<vmem>>, vector<1x16xf32>,
    %swap3A_943 = vector.shape_cast %swap3A_942 : vector<1x16xf32> to vector<16xf32>
    %swap3A_944 = vector.shape_cast %broadcast_in_dim3A_369 : vector<16xf32> to vector<1x16xf32>
    tpu.vector_store %arg7[%swap3A_940, %swap3A_941], %swap3A_944 {strides = array<i32>} : memref<33x128xf32, #tpu.memory_space<vmem>>, vector<1x16xf32>,
    %swap3A_945 = arith.constant 12 : i32
    %swap3A_946 = arith.index_cast %swap3A_945 : i32 to index
    %swap3A_947 = arith.constant 0 : index
    %swap3A_948 = tpu.vector_load %arg7[%swap3A_946, %swap3A_947] {strides = array<i32>} : memref<33x128xf32, #tpu.memory_space<vmem>>, vector<1x16xf32>,
    %swap3A_949 = vector.shape_cast %swap3A_948 : vector<1x16xf32> to vector<16xf32>
    %swap3A_950 = vector.shape_cast %broadcast_in_dim3A_369 : vector<16xf32> to vector<1x16xf32>
    tpu.vector_store %arg7[%swap3A_946, %swap3A_947], %swap3A_950 {strides = array<i32>} : memref<33x128xf32, #tpu.memory_space<vmem>>, vector<1x16xf32>,
    %swap3A_951 = arith.constant 12 : i32
    %swap3A_952 = arith.index_cast %swap3A_951 : i32 to index
    %swap3A_953 = arith.constant 16 : index
    %swap3A_954 = tpu.vector_load %arg7[%swap3A_952, %swap3A_953] {strides = array<i32>} : memref<33x128xf32, #tpu.memory_space<vmem>>, vector<1x16xf32>,
    %swap3A_955 = vector.shape_cast %swap3A_954 : vector<1x16xf32> to vector<16xf32>
    %swap3A_956 = vector.shape_cast %broadcast_in_dim3A_369 : vector<16xf32> to vector<1x16xf32>
    tpu.vector_store %arg7[%swap3A_952, %swap3A_953], %swap3A_956 {strides = array<i32>} : memref<33x128xf32, #tpu.memory_space<vmem>>, vector<1x16xf32>,
    %swap3A_957 = arith.constant 12 : i32
    %swap3A_958 = arith.index_cast %swap3A_957 : i32 to index
    %swap3A_959 = arith.constant 32 : index
    %swap3A_960 = tpu.vector_load %arg7[%swap3A_958, %swap3A_959] {strides = array<i32>} : memref<33x128xf32, #tpu.memory_space<vmem>>, vector<1x16xf32>,
    %swap3A_961 = vector.shape_cast %swap3A_960 : vector<1x16xf32> to vector<16xf32>
    %swap3A_962 = vector.shape_cast %broadcast_in_dim3A_369 : vector<16xf32> to vector<1x16xf32>
    tpu.vector_store %arg7[%swap3A_958, %swap3A_959], %swap3A_962 {strides = array<i32>} : memref<33x128xf32, #tpu.memory_space<vmem>>, vector<1x16xf32>,
    %swap3A_963 = arith.constant 12 : i32
    %swap3A_964 = arith.index_cast %swap3A_963 : i32 to index
    %swap3A_965 = arith.constant 48 : index
    %swap3A_966 = tpu.vector_load %arg7[%swap3A_964, %swap3A_965] {strides = array<i32>} : memref<33x128xf32, #tpu.memory_space<vmem>>, vector<1x16xf32>,
    %swap3A_967 = vector.shape_cast %swap3A_966 : vector<1x16xf32> to vector<16xf32>
    %swap3A_968 = vector.shape_cast %broadcast_in_dim3A_369 : vector<16xf32> to vector<1x16xf32>
    tpu.vector_store %arg7[%swap3A_964, %swap3A_965], %swap3A_968 {strides = array<i32>} : memref<33x128xf32, #tpu.memory_space<vmem>>, vector<1x16xf32>,
    %swap3A_969 = arith.constant 12 : i32
    %swap3A_970 = arith.index_cast %swap3A_969 : i32 to index
    %swap3A_971 = arith.constant 64 : index
    %swap3A_972 = tpu.vector_load %arg7[%swap3A_970, %swap3A_971] {strides = array<i32>} : memref<33x128xf32, #tpu.memory_space<vmem>>, vector<1x16xf32>,
    %swap3A_973 = vector.shape_cast %swap3A_972 : vector<1x16xf32> to vector<16xf32>
    %swap3A_974 = vector.shape_cast %broadcast_in_dim3A_369 : vector<16xf32> to vector<1x16xf32>
    tpu.vector_store %arg7[%swap3A_970, %swap3A_971], %swap3A_974 {strides = array<i32>} : memref<33x128xf32, #tpu.memory_space<vmem>>, vector<1x16xf32>,
    %swap3A_975 = arith.constant 12 : i32
    %swap3A_976 = arith.index_cast %swap3A_975 : i32 to index
    %swap3A_977 = arith.constant 80 : index
    %swap3A_978 = tpu.vector_load %arg7[%swap3A_976, %swap3A_977] {strides = array<i32>} : memref<33x128xf32, #tpu.memory_space<vmem>>, vector<1x16xf32>,
    %swap3A_979 = vector.shape_cast %swap3A_978 : vector<1x16xf32> to vector<16xf32>
    %swap3A_980 = vector.shape_cast %broadcast_in_dim3A_369 : vector<16xf32> to vector<1x16xf32>
    tpu.vector_store %arg7[%swap3A_976, %swap3A_977], %swap3A_980 {strides = array<i32>} : memref<33x128xf32, #tpu.memory_space<vmem>>, vector<1x16xf32>,
    %swap3A_981 = arith.constant 12 : i32
    %swap3A_982 = arith.index_cast %swap3A_981 : i32 to index
    %swap3A_983 = arith.constant 96 : index
    %swap3A_984 = tpu.vector_load %arg7[%swap3A_982, %swap3A_983] {strides = array<i32>} : memref<33x128xf32, #tpu.memory_space<vmem>>, vector<1x16xf32>,
    %swap3A_985 = vector.shape_cast %swap3A_984 : vector<1x16xf32> to vector<16xf32>
    %swap3A_986 = vector.shape_cast %broadcast_in_dim3A_369 : vector<16xf32> to vector<1x16xf32>
    tpu.vector_store %arg7[%swap3A_982, %swap3A_983], %swap3A_986 {strides = array<i32>} : memref<33x128xf32, #tpu.memory_space<vmem>>, vector<1x16xf32>,
    %swap3A_987 = arith.constant 12 : i32
    %swap3A_988 = arith.index_cast %swap3A_987 : i32 to index
    %swap3A_989 = arith.constant 112 : index
    %swap3A_990 = tpu.vector_load %arg7[%swap3A_988, %swap3A_989] {strides = array<i32>} : memref<33x128xf32, #tpu.memory_space<vmem>>, vector<1x16xf32>,
    %swap3A_991 = vector.shape_cast %swap3A_990 : vector<1x16xf32> to vector<16xf32>
    %swap3A_992 = vector.shape_cast %broadcast_in_dim3A_369 : vector<16xf32> to vector<1x16xf32>
    tpu.vector_store %arg7[%swap3A_988, %swap3A_989], %swap3A_992 {strides = array<i32>} : memref<33x128xf32, #tpu.memory_space<vmem>>, vector<1x16xf32>,
    %swap3A_993 = arith.constant 13 : i32
    %swap3A_994 = arith.index_cast %swap3A_993 : i32 to index
    %swap3A_995 = arith.constant 0 : index
    %swap3A_996 = tpu.vector_load %arg7[%swap3A_994, %swap3A_995] {strides = array<i32>} : memref<33x128xf32, #tpu.memory_space<vmem>>, vector<1x16xf32>,
    %swap3A_997 = vector.shape_cast %swap3A_996 : vector<1x16xf32> to vector<16xf32>
    %swap3A_998 = vector.shape_cast %broadcast_in_dim3A_369 : vector<16xf32> to vector<1x16xf32>
    tpu.vector_store %arg7[%swap3A_994, %swap3A_995], %swap3A_998 {strides = array<i32>} : memref<33x128xf32, #tpu.memory_space<vmem>>, vector<1x16xf32>,
    %swap3A_999 = arith.constant 13 : i32
    %swap3A_1000 = arith.index_cast %swap3A_999 : i32 to index
    %swap3A_1001 = arith.constant 16 : index
    %swap3A_1002 = tpu.vector_load %arg7[%swap3A_1000, %swap3A_1001] {strides = array<i32>} : memref<33x128xf32, #tpu.memory_space<vmem>>, vector<1x16xf32>,
    %swap3A_1003 = vector.shape_cast %swap3A_1002 : vector<1x16xf32> to vector<16xf32>
    %swap3A_1004 = vector.shape_cast %broadcast_in_dim3A_369 : vector<16xf32> to vector<1x16xf32>
    tpu.vector_store %arg7[%swap3A_1000, %swap3A_1001], %swap3A_1004 {strides = array<i32>} : memref<33x128xf32, #tpu.memory_space<vmem>>, vector<1x16xf32>,
    %swap3A_1005 = arith.constant 13 : i32
    %swap3A_1006 = arith.index_cast %swap3A_1005 : i32 to index
    %swap3A_1007 = arith.constant 32 : index
    %swap3A_1008 = tpu.vector_load %arg7[%swap3A_1006, %swap3A_1007] {strides = array<i32>} : memref<33x128xf32, #tpu.memory_space<vmem>>, vector<1x16xf32>,
    %swap3A_1009 = vector.shape_cast %swap3A_1008 : vector<1x16xf32> to vector<16xf32>
    %swap3A_1010 = vector.shape_cast %broadcast_in_dim3A_369 : vector<16xf32> to vector<1x16xf32>
    tpu.vector_store %arg7[%swap3A_1006, %swap3A_1007], %swap3A_1010 {strides = array<i32>} : memref<33x128xf32, #tpu.memory_space<vmem>>, vector<1x16xf32>,
    %swap3A_1011 = arith.constant 13 : i32
    %swap3A_1012 = arith.index_cast %swap3A_1011 : i32 to index
    %swap3A_1013 = arith.constant 48 : index
    %swap3A_1014 = tpu.vector_load %arg7[%swap3A_1012, %swap3A_1013] {strides = array<i32>} : memref<33x128xf32, #tpu.memory_space<vmem>>, vector<1x16xf32>,
    %swap3A_1015 = vector.shape_cast %swap3A_1014 : vector<1x16xf32> to vector<16xf32>
    %swap3A_1016 = vector.shape_cast %broadcast_in_dim3A_369 : vector<16xf32> to vector<1x16xf32>
    tpu.vector_store %arg7[%swap3A_1012, %swap3A_1013], %swap3A_1016 {strides = array<i32>} : memref<33x128xf32, #tpu.memory_space<vmem>>, vector<1x16xf32>,
    %swap3A_1017 = arith.constant 13 : i32
    %swap3A_1018 = arith.index_cast %swap3A_1017 : i32 to index
    %swap3A_1019 = arith.constant 64 : index
    %swap3A_1020 = tpu.vector_load %arg7[%swap3A_1018, %swap3A_1019] {strides = array<i32>} : memref<33x128xf32, #tpu.memory_space<vmem>>, vector<1x16xf32>,
    %swap3A_1021 = vector.shape_cast %swap3A_1020 : vector<1x16xf32> to vector<16xf32>
    %swap3A_1022 = vector.shape_cast %broadcast_in_dim3A_369 : vector<16xf32> to vector<1x16xf32>
    tpu.vector_store %arg7[%swap3A_1018, %swap3A_1019], %swap3A_1022 {strides = array<i32>} : memref<33x128xf32, #tpu.memory_space<vmem>>, vector<1x16xf32>,
    %swap3A_1023 = arith.constant 13 : i32
    %swap3A_1024 = arith.index_cast %swap3A_1023 : i32 to index
    %swap3A_1025 = arith.constant 80 : index
    %swap3A_1026 = tpu.vector_load %arg7[%swap3A_1024, %swap3A_1025] {strides = array<i32>} : memref<33x128xf32, #tpu.memory_space<vmem>>, vector<1x16xf32>,
    %swap3A_1027 = vector.shape_cast %swap3A_1026 : vector<1x16xf32> to vector<16xf32>
    %swap3A_1028 = vector.shape_cast %broadcast_in_dim3A_369 : vector<16xf32> to vector<1x16xf32>
    tpu.vector_store %arg7[%swap3A_1024, %swap3A_1025], %swap3A_1028 {strides = array<i32>} : memref<33x128xf32, #tpu.memory_space<vmem>>, vector<1x16xf32>,
    %swap3A_1029 = arith.constant 13 : i32
    %swap3A_1030 = arith.index_cast %swap3A_1029 : i32 to index
    %swap3A_1031 = arith.constant 96 : index
    %swap3A_1032 = tpu.vector_load %arg7[%swap3A_1030, %swap3A_1031] {strides = array<i32>} : memref<33x128xf32, #tpu.memory_space<vmem>>, vector<1x16xf32>,
    %swap3A_1033 = vector.shape_cast %swap3A_1032 : vector<1x16xf32> to vector<16xf32>
    %swap3A_1034 = vector.shape_cast %broadcast_in_dim3A_369 : vector<16xf32> to vector<1x16xf32>
    tpu.vector_store %arg7[%swap3A_1030, %swap3A_1031], %swap3A_1034 {strides = array<i32>} : memref<33x128xf32, #tpu.memory_space<vmem>>, vector<1x16xf32>,
    %swap3A_1035 = arith.constant 13 : i32
    %swap3A_1036 = arith.index_cast %swap3A_1035 : i32 to index
    %swap3A_1037 = arith.constant 112 : index
    %swap3A_1038 = tpu.vector_load %arg7[%swap3A_1036, %swap3A_1037] {strides = array<i32>} : memref<33x128xf32, #tpu.memory_space<vmem>>, vector<1x16xf32>,
    %swap3A_1039 = vector.shape_cast %swap3A_1038 : vector<1x16xf32> to vector<16xf32>
    %swap3A_1040 = vector.shape_cast %broadcast_in_dim3A_369 : vector<16xf32> to vector<1x16xf32>
    tpu.vector_store %arg7[%swap3A_1036, %swap3A_1037], %swap3A_1040 {strides = array<i32>} : memref<33x128xf32, #tpu.memory_space<vmem>>, vector<1x16xf32>,
    %swap3A_1041 = arith.constant 14 : i32
    %swap3A_1042 = arith.index_cast %swap3A_1041 : i32 to index
    %swap3A_1043 = arith.constant 0 : index
    %swap3A_1044 = tpu.vector_load %arg7[%swap3A_1042, %swap3A_1043] {strides = array<i32>} : memref<33x128xf32, #tpu.memory_space<vmem>>, vector<1x16xf32>,
    %swap3A_1045 = vector.shape_cast %swap3A_1044 : vector<1x16xf32> to vector<16xf32>
    %swap3A_1046 = vector.shape_cast %broadcast_in_dim3A_369 : vector<16xf32> to vector<1x16xf32>
    tpu.vector_store %arg7[%swap3A_1042, %swap3A_1043], %swap3A_1046 {strides = array<i32>} : memref<33x128xf32, #tpu.memory_space<vmem>>, vector<1x16xf32>,
    %swap3A_1047 = arith.constant 14 : i32
    %swap3A_1048 = arith.index_cast %swap3A_1047 : i32 to index
    %swap3A_1049 = arith.constant 16 : index
    %swap3A_1050 = tpu.vector_load %arg7[%swap3A_1048, %swap3A_1049] {strides = array<i32>} : memref<33x128xf32, #tpu.memory_space<vmem>>, vector<1x16xf32>,
    %swap3A_1051 = vector.shape_cast %swap3A_1050 : vector<1x16xf32> to vector<16xf32>
    %swap3A_1052 = vector.shape_cast %broadcast_in_dim3A_369 : vector<16xf32> to vector<1x16xf32>
    tpu.vector_store %arg7[%swap3A_1048, %swap3A_1049], %swap3A_1052 {strides = array<i32>} : memref<33x128xf32, #tpu.memory_space<vmem>>, vector<1x16xf32>,
    %swap3A_1053 = arith.constant 14 : i32
    %swap3A_1054 = arith.index_cast %swap3A_1053 : i32 to index
    %swap3A_1055 = arith.constant 32 : index
    %swap3A_1056 = tpu.vector_load %arg7[%swap3A_1054, %swap3A_1055] {strides = array<i32>} : memref<33x128xf32, #tpu.memory_space<vmem>>, vector<1x16xf32>,
    %swap3A_1057 = vector.shape_cast %swap3A_1056 : vector<1x16xf32> to vector<16xf32>
    %swap3A_1058 = vector.shape_cast %broadcast_in_dim3A_369 : vector<16xf32> to vector<1x16xf32>
    tpu.vector_store %arg7[%swap3A_1054, %swap3A_1055], %swap3A_1058 {strides = array<i32>} : memref<33x128xf32, #tpu.memory_space<vmem>>, vector<1x16xf32>,
    %swap3A_1059 = arith.constant 14 : i32
    %swap3A_1060 = arith.index_cast %swap3A_1059 : i32 to index
    %swap3A_1061 = arith.constant 48 : index
    %swap3A_1062 = tpu.vector_load %arg7[%swap3A_1060, %swap3A_1061] {strides = array<i32>} : memref<33x128xf32, #tpu.memory_space<vmem>>, vector<1x16xf32>,
    %swap3A_1063 = vector.shape_cast %swap3A_1062 : vector<1x16xf32> to vector<16xf32>
    %swap3A_1064 = vector.shape_cast %broadcast_in_dim3A_369 : vector<16xf32> to vector<1x16xf32>
    tpu.vector_store %arg7[%swap3A_1060, %swap3A_1061], %swap3A_1064 {strides = array<i32>} : memref<33x128xf32, #tpu.memory_space<vmem>>, vector<1x16xf32>,
    %swap3A_1065 = arith.constant 14 : i32
    %swap3A_1066 = arith.index_cast %swap3A_1065 : i32 to index
    %swap3A_1067 = arith.constant 64 : index
    %swap3A_1068 = tpu.vector_load %arg7[%swap3A_1066, %swap3A_1067] {strides = array<i32>} : memref<33x128xf32, #tpu.memory_space<vmem>>, vector<1x16xf32>,
    %swap3A_1069 = vector.shape_cast %swap3A_1068 : vector<1x16xf32> to vector<16xf32>
    %swap3A_1070 = vector.shape_cast %broadcast_in_dim3A_369 : vector<16xf32> to vector<1x16xf32>
    tpu.vector_store %arg7[%swap3A_1066, %swap3A_1067], %swap3A_1070 {strides = array<i32>} : memref<33x128xf32, #tpu.memory_space<vmem>>, vector<1x16xf32>,
    %swap3A_1071 = arith.constant 14 : i32
    %swap3A_1072 = arith.index_cast %swap3A_1071 : i32 to index
    %swap3A_1073 = arith.constant 80 : index
    %swap3A_1074 = tpu.vector_load %arg7[%swap3A_1072, %swap3A_1073] {strides = array<i32>} : memref<33x128xf32, #tpu.memory_space<vmem>>, vector<1x16xf32>,
    %swap3A_1075 = vector.shape_cast %swap3A_1074 : vector<1x16xf32> to vector<16xf32>
    %swap3A_1076 = vector.shape_cast %broadcast_in_dim3A_369 : vector<16xf32> to vector<1x16xf32>
    tpu.vector_store %arg7[%swap3A_1072, %swap3A_1073], %swap3A_1076 {strides = array<i32>} : memref<33x128xf32, #tpu.memory_space<vmem>>, vector<1x16xf32>,
    %swap3A_1077 = arith.constant 14 : i32
    %swap3A_1078 = arith.index_cast %swap3A_1077 : i32 to index
    %swap3A_1079 = arith.constant 96 : index
    %swap3A_1080 = tpu.vector_load %arg7[%swap3A_1078, %swap3A_1079] {strides = array<i32>} : memref<33x128xf32, #tpu.memory_space<vmem>>, vector<1x16xf32>,
    %swap3A_1081 = vector.shape_cast %swap3A_1080 : vector<1x16xf32> to vector<16xf32>
    %swap3A_1082 = vector.shape_cast %broadcast_in_dim3A_369 : vector<16xf32> to vector<1x16xf32>
    tpu.vector_store %arg7[%swap3A_1078, %swap3A_1079], %swap3A_1082 {strides = array<i32>} : memref<33x128xf32, #tpu.memory_space<vmem>>, vector<1x16xf32>,
    %swap3A_1083 = arith.constant 14 : i32
    %swap3A_1084 = arith.index_cast %swap3A_1083 : i32 to index
    %swap3A_1085 = arith.constant 112 : index
    %swap3A_1086 = tpu.vector_load %arg7[%swap3A_1084, %swap3A_1085] {strides = array<i32>} : memref<33x128xf32, #tpu.memory_space<vmem>>, vector<1x16xf32>,
    %swap3A_1087 = vector.shape_cast %swap3A_1086 : vector<1x16xf32> to vector<16xf32>
    %swap3A_1088 = vector.shape_cast %broadcast_in_dim3A_369 : vector<16xf32> to vector<1x16xf32>
    tpu.vector_store %arg7[%swap3A_1084, %swap3A_1085], %swap3A_1088 {strides = array<i32>} : memref<33x128xf32, #tpu.memory_space<vmem>>, vector<1x16xf32>,
    %swap3A_1089 = arith.constant 15 : i32
    %swap3A_1090 = arith.index_cast %swap3A_1089 : i32 to index
    %swap3A_1091 = arith.constant 0 : index
    %swap3A_1092 = tpu.vector_load %arg7[%swap3A_1090, %swap3A_1091] {strides = array<i32>} : memref<33x128xf32, #tpu.memory_space<vmem>>, vector<1x16xf32>,
    %swap3A_1093 = vector.shape_cast %swap3A_1092 : vector<1x16xf32> to vector<16xf32>
    %swap3A_1094 = vector.shape_cast %broadcast_in_dim3A_369 : vector<16xf32> to vector<1x16xf32>
    tpu.vector_store %arg7[%swap3A_1090, %swap3A_1091], %swap3A_1094 {strides = array<i32>} : memref<33x128xf32, #tpu.memory_space<vmem>>, vector<1x16xf32>,
    %swap3A_1095 = arith.constant 15 : i32
    %swap3A_1096 = arith.index_cast %swap3A_1095 : i32 to index
    %swap3A_1097 = arith.constant 16 : index
    %swap3A_1098 = tpu.vector_load %arg7[%swap3A_1096, %swap3A_1097] {strides = array<i32>} : memref<33x128xf32, #tpu.memory_space<vmem>>, vector<1x16xf32>,
    %swap3A_1099 = vector.shape_cast %swap3A_1098 : vector<1x16xf32> to vector<16xf32>
    %swap3A_1100 = vector.shape_cast %broadcast_in_dim3A_369 : vector<16xf32> to vector<1x16xf32>
    tpu.vector_store %arg7[%swap3A_1096, %swap3A_1097], %swap3A_1100 {strides = array<i32>} : memref<33x128xf32, #tpu.memory_space<vmem>>, vector<1x16xf32>,
    %swap3A_1101 = arith.constant 15 : i32
    %swap3A_1102 = arith.index_cast %swap3A_1101 : i32 to index
    %swap3A_1103 = arith.constant 32 : index
    %swap3A_1104 = tpu.vector_load %arg7[%swap3A_1102, %swap3A_1103] {strides = array<i32>} : memref<33x128xf32, #tpu.memory_space<vmem>>, vector<1x16xf32>,
    %swap3A_1105 = vector.shape_cast %swap3A_1104 : vector<1x16xf32> to vector<16xf32>
    %swap3A_1106 = vector.shape_cast %broadcast_in_dim3A_369 : vector<16xf32> to vector<1x16xf32>
    tpu.vector_store %arg7[%swap3A_1102, %swap3A_1103], %swap3A_1106 {strides = array<i32>} : memref<33x128xf32, #tpu.memory_space<vmem>>, vector<1x16xf32>,
    %swap3A_1107 = arith.constant 15 : i32
    %swap3A_1108 = arith.index_cast %swap3A_1107 : i32 to index
    %swap3A_1109 = arith.constant 48 : index
    %swap3A_1110 = tpu.vector_load %arg7[%swap3A_1108, %swap3A_1109] {strides = array<i32>} : memref<33x128xf32, #tpu.memory_space<vmem>>, vector<1x16xf32>,
    %swap3A_1111 = vector.shape_cast %swap3A_1110 : vector<1x16xf32> to vector<16xf32>
    %swap3A_1112 = vector.shape_cast %broadcast_in_dim3A_369 : vector<16xf32> to vector<1x16xf32>
    tpu.vector_store %arg7[%swap3A_1108, %swap3A_1109], %swap3A_1112 {strides = array<i32>} : memref<33x128xf32, #tpu.memory_space<vmem>>, vector<1x16xf32>,
    %swap3A_1113 = arith.constant 15 : i32
    %swap3A_1114 = arith.index_cast %swap3A_1113 : i32 to index
    %swap3A_1115 = arith.constant 64 : index
    %swap3A_1116 = tpu.vector_load %arg7[%swap3A_1114, %swap3A_1115] {strides = array<i32>} : memref<33x128xf32, #tpu.memory_space<vmem>>, vector<1x16xf32>,
    %swap3A_1117 = vector.shape_cast %swap3A_1116 : vector<1x16xf32> to vector<16xf32>
    %swap3A_1118 = vector.shape_cast %broadcast_in_dim3A_369 : vector<16xf32> to vector<1x16xf32>
    tpu.vector_store %arg7[%swap3A_1114, %swap3A_1115], %swap3A_1118 {strides = array<i32>} : memref<33x128xf32, #tpu.memory_space<vmem>>, vector<1x16xf32>,
    %swap3A_1119 = arith.constant 15 : i32
    %swap3A_1120 = arith.index_cast %swap3A_1119 : i32 to index
    %swap3A_1121 = arith.constant 80 : index
    %swap3A_1122 = tpu.vector_load %arg7[%swap3A_1120, %swap3A_1121] {strides = array<i32>} : memref<33x128xf32, #tpu.memory_space<vmem>>, vector<1x16xf32>,
    %swap3A_1123 = vector.shape_cast %swap3A_1122 : vector<1x16xf32> to vector<16xf32>
    %swap3A_1124 = vector.shape_cast %broadcast_in_dim3A_369 : vector<16xf32> to vector<1x16xf32>
    tpu.vector_store %arg7[%swap3A_1120, %swap3A_1121], %swap3A_1124 {strides = array<i32>} : memref<33x128xf32, #tpu.memory_space<vmem>>, vector<1x16xf32>,
    %swap3A_1125 = arith.constant 15 : i32
    %swap3A_1126 = arith.index_cast %swap3A_1125 : i32 to index
    %swap3A_1127 = arith.constant 96 : index
    %swap3A_1128 = tpu.vector_load %arg7[%swap3A_1126, %swap3A_1127] {strides = array<i32>} : memref<33x128xf32, #tpu.memory_space<vmem>>, vector<1x16xf32>,
    %swap3A_1129 = vector.shape_cast %swap3A_1128 : vector<1x16xf32> to vector<16xf32>
    %swap3A_1130 = vector.shape_cast %broadcast_in_dim3A_369 : vector<16xf32> to vector<1x16xf32>
    tpu.vector_store %arg7[%swap3A_1126, %swap3A_1127], %swap3A_1130 {strides = array<i32>} : memref<33x128xf32, #tpu.memory_space<vmem>>, vector<1x16xf32>,
    %swap3A_1131 = arith.constant 15 : i32
    %swap3A_1132 = arith.index_cast %swap3A_1131 : i32 to index
    %swap3A_1133 = arith.constant 112 : index
    %swap3A_1134 = tpu.vector_load %arg7[%swap3A_1132, %swap3A_1133] {strides = array<i32>} : memref<33x128xf32, #tpu.memory_space<vmem>>, vector<1x16xf32>,
    %swap3A_1135 = vector.shape_cast %swap3A_1134 : vector<1x16xf32> to vector<16xf32>
    %swap3A_1136 = vector.shape_cast %broadcast_in_dim3A_369 : vector<16xf32> to vector<1x16xf32>
    tpu.vector_store %arg7[%swap3A_1132, %swap3A_1133], %swap3A_1136 {strides = array<i32>} : memref<33x128xf32, #tpu.memory_space<vmem>>, vector<1x16xf32>,
    %swap3A_1137 = arith.constant 16 : i32
    %swap3A_1138 = arith.index_cast %swap3A_1137 : i32 to index
    %swap3A_1139 = arith.constant 0 : index
    %swap3A_1140 = tpu.vector_load %arg7[%swap3A_1138, %swap3A_1139] {strides = array<i32>} : memref<33x128xf32, #tpu.memory_space<vmem>>, vector<1x16xf32>,
    %swap3A_1141 = vector.shape_cast %swap3A_1140 : vector<1x16xf32> to vector<16xf32>
    %swap3A_1142 = vector.shape_cast %broadcast_in_dim3A_369 : vector<16xf32> to vector<1x16xf32>
    tpu.vector_store %arg7[%swap3A_1138, %swap3A_1139], %swap3A_1142 {strides = array<i32>} : memref<33x128xf32, #tpu.memory_space<vmem>>, vector<1x16xf32>,
    %swap3A_1143 = arith.constant 16 : i32
    %swap3A_1144 = arith.index_cast %swap3A_1143 : i32 to index
    %swap3A_1145 = arith.constant 16 : index
    %swap3A_1146 = tpu.vector_load %arg7[%swap3A_1144, %swap3A_1145] {strides = array<i32>} : memref<33x128xf32, #tpu.memory_space<vmem>>, vector<1x16xf32>,
    %swap3A_1147 = vector.shape_cast %swap3A_1146 : vector<1x16xf32> to vector<16xf32>
    %swap3A_1148 = vector.shape_cast %broadcast_in_dim3A_369 : vector<16xf32> to vector<1x16xf32>
    tpu.vector_store %arg7[%swap3A_1144, %swap3A_1145], %swap3A_1148 {strides = array<i32>} : memref<33x128xf32, #tpu.memory_space<vmem>>, vector<1x16xf32>,
    %swap3A_1149 = arith.constant 16 : i32
    %swap3A_1150 = arith.index_cast %swap3A_1149 : i32 to index
    %swap3A_1151 = arith.constant 32 : index
    %swap3A_1152 = tpu.vector_load %arg7[%swap3A_1150, %swap3A_1151] {strides = array<i32>} : memref<33x128xf32, #tpu.memory_space<vmem>>, vector<1x16xf32>,
    %swap3A_1153 = vector.shape_cast %swap3A_1152 : vector<1x16xf32> to vector<16xf32>
    %swap3A_1154 = vector.shape_cast %broadcast_in_dim3A_369 : vector<16xf32> to vector<1x16xf32>
    tpu.vector_store %arg7[%swap3A_1150, %swap3A_1151], %swap3A_1154 {strides = array<i32>} : memref<33x128xf32, #tpu.memory_space<vmem>>, vector<1x16xf32>,
    %swap3A_1155 = arith.constant 16 : i32
    %swap3A_1156 = arith.index_cast %swap3A_1155 : i32 to index
    %swap3A_1157 = arith.constant 48 : index
    %swap3A_1158 = tpu.vector_load %arg7[%swap3A_1156, %swap3A_1157] {strides = array<i32>} : memref<33x128xf32, #tpu.memory_space<vmem>>, vector<1x16xf32>,
    %swap3A_1159 = vector.shape_cast %swap3A_1158 : vector<1x16xf32> to vector<16xf32>
    %swap3A_1160 = vector.shape_cast %broadcast_in_dim3A_369 : vector<16xf32> to vector<1x16xf32>
    tpu.vector_store %arg7[%swap3A_1156, %swap3A_1157], %swap3A_1160 {strides = array<i32>} : memref<33x128xf32, #tpu.memory_space<vmem>>, vector<1x16xf32>,
    %swap3A_1161 = arith.constant 16 : i32
    %swap3A_1162 = arith.index_cast %swap3A_1161 : i32 to index
    %swap3A_1163 = arith.constant 64 : index
    %swap3A_1164 = tpu.vector_load %arg7[%swap3A_1162, %swap3A_1163] {strides = array<i32>} : memref<33x128xf32, #tpu.memory_space<vmem>>, vector<1x16xf32>,
    %swap3A_1165 = vector.shape_cast %swap3A_1164 : vector<1x16xf32> to vector<16xf32>
    %swap3A_1166 = vector.shape_cast %broadcast_in_dim3A_369 : vector<16xf32> to vector<1x16xf32>
    tpu.vector_store %arg7[%swap3A_1162, %swap3A_1163], %swap3A_1166 {strides = array<i32>} : memref<33x128xf32, #tpu.memory_space<vmem>>, vector<1x16xf32>,
    %swap3A_1167 = arith.constant 16 : i32
    %swap3A_1168 = arith.index_cast %swap3A_1167 : i32 to index
    %swap3A_1169 = arith.constant 80 : index
    %swap3A_1170 = tpu.vector_load %arg7[%swap3A_1168, %swap3A_1169] {strides = array<i32>} : memref<33x128xf32, #tpu.memory_space<vmem>>, vector<1x16xf32>,
    %swap3A_1171 = vector.shape_cast %swap3A_1170 : vector<1x16xf32> to vector<16xf32>
    %swap3A_1172 = vector.shape_cast %broadcast_in_dim3A_369 : vector<16xf32> to vector<1x16xf32>
    tpu.vector_store %arg7[%swap3A_1168, %swap3A_1169], %swap3A_1172 {strides = array<i32>} : memref<33x128xf32, #tpu.memory_space<vmem>>, vector<1x16xf32>,
    %swap3A_1173 = arith.constant 16 : i32
    %swap3A_1174 = arith.index_cast %swap3A_1173 : i32 to index
    %swap3A_1175 = arith.constant 96 : index
    %swap3A_1176 = tpu.vector_load %arg7[%swap3A_1174, %swap3A_1175] {strides = array<i32>} : memref<33x128xf32, #tpu.memory_space<vmem>>, vector<1x16xf32>,
    %swap3A_1177 = vector.shape_cast %swap3A_1176 : vector<1x16xf32> to vector<16xf32>
    %swap3A_1178 = vector.shape_cast %broadcast_in_dim3A_369 : vector<16xf32> to vector<1x16xf32>
    tpu.vector_store %arg7[%swap3A_1174, %swap3A_1175], %swap3A_1178 {strides = array<i32>} : memref<33x128xf32, #tpu.memory_space<vmem>>, vector<1x16xf32>,
    %swap3A_1179 = arith.constant 16 : i32
    %swap3A_1180 = arith.index_cast %swap3A_1179 : i32 to index
    %swap3A_1181 = arith.constant 112 : index
    %swap3A_1182 = tpu.vector_load %arg7[%swap3A_1180, %swap3A_1181] {strides = array<i32>} : memref<33x128xf32, #tpu.memory_space<vmem>>, vector<1x16xf32>,
    %swap3A_1183 = vector.shape_cast %swap3A_1182 : vector<1x16xf32> to vector<16xf32>
    %swap3A_1184 = vector.shape_cast %broadcast_in_dim3A_369 : vector<16xf32> to vector<1x16xf32>
    tpu.vector_store %arg7[%swap3A_1180, %swap3A_1181], %swap3A_1184 {strides = array<i32>} : memref<33x128xf32, #tpu.memory_space<vmem>>, vector<1x16xf32>,
    %swap3A_1185 = arith.constant 17 : i32
    %swap3A_1186 = arith.index_cast %swap3A_1185 : i32 to index
    %swap3A_1187 = arith.constant 0 : index
    %swap3A_1188 = tpu.vector_load %arg7[%swap3A_1186, %swap3A_1187] {strides = array<i32>} : memref<33x128xf32, #tpu.memory_space<vmem>>, vector<1x16xf32>,
    %swap3A_1189 = vector.shape_cast %swap3A_1188 : vector<1x16xf32> to vector<16xf32>
    %swap3A_1190 = vector.shape_cast %broadcast_in_dim3A_369 : vector<16xf32> to vector<1x16xf32>
    tpu.vector_store %arg7[%swap3A_1186, %swap3A_1187], %swap3A_1190 {strides = array<i32>} : memref<33x128xf32, #tpu.memory_space<vmem>>, vector<1x16xf32>,
    %swap3A_1191 = arith.constant 17 : i32
    %swap3A_1192 = arith.index_cast %swap3A_1191 : i32 to index
    %swap3A_1193 = arith.constant 16 : index
    %swap3A_1194 = tpu.vector_load %arg7[%swap3A_1192, %swap3A_1193] {strides = array<i32>} : memref<33x128xf32, #tpu.memory_space<vmem>>, vector<1x16xf32>,
    %swap3A_1195 = vector.shape_cast %swap3A_1194 : vector<1x16xf32> to vector<16xf32>
    %swap3A_1196 = vector.shape_cast %broadcast_in_dim3A_369 : vector<16xf32> to vector<1x16xf32>
    tpu.vector_store %arg7[%swap3A_1192, %swap3A_1193], %swap3A_1196 {strides = array<i32>} : memref<33x128xf32, #tpu.memory_space<vmem>>, vector<1x16xf32>,
    %swap3A_1197 = arith.constant 17 : i32
    %swap3A_1198 = arith.index_cast %swap3A_1197 : i32 to index
    %swap3A_1199 = arith.constant 32 : index
    %swap3A_1200 = tpu.vector_load %arg7[%swap3A_1198, %swap3A_1199] {strides = array<i32>} : memref<33x128xf32, #tpu.memory_space<vmem>>, vector<1x16xf32>,
    %swap3A_1201 = vector.shape_cast %swap3A_1200 : vector<1x16xf32> to vector<16xf32>
    %swap3A_1202 = vector.shape_cast %broadcast_in_dim3A_369 : vector<16xf32> to vector<1x16xf32>
    tpu.vector_store %arg7[%swap3A_1198, %swap3A_1199], %swap3A_1202 {strides = array<i32>} : memref<33x128xf32, #tpu.memory_space<vmem>>, vector<1x16xf32>,
    %swap3A_1203 = arith.constant 17 : i32
    %swap3A_1204 = arith.index_cast %swap3A_1203 : i32 to index
    %swap3A_1205 = arith.constant 48 : index
    %swap3A_1206 = tpu.vector_load %arg7[%swap3A_1204, %swap3A_1205] {strides = array<i32>} : memref<33x128xf32, #tpu.memory_space<vmem>>, vector<1x16xf32>,
    %swap3A_1207 = vector.shape_cast %swap3A_1206 : vector<1x16xf32> to vector<16xf32>
    %swap3A_1208 = vector.shape_cast %broadcast_in_dim3A_369 : vector<16xf32> to vector<1x16xf32>
    tpu.vector_store %arg7[%swap3A_1204, %swap3A_1205], %swap3A_1208 {strides = array<i32>} : memref<33x128xf32, #tpu.memory_space<vmem>>, vector<1x16xf32>,
    %swap3A_1209 = arith.constant 17 : i32
    %swap3A_1210 = arith.index_cast %swap3A_1209 : i32 to index
    %swap3A_1211 = arith.constant 64 : index
    %swap3A_1212 = tpu.vector_load %arg7[%swap3A_1210, %swap3A_1211] {strides = array<i32>} : memref<33x128xf32, #tpu.memory_space<vmem>>, vector<1x16xf32>,
    %swap3A_1213 = vector.shape_cast %swap3A_1212 : vector<1x16xf32> to vector<16xf32>
    %swap3A_1214 = vector.shape_cast %broadcast_in_dim3A_369 : vector<16xf32> to vector<1x16xf32>
    tpu.vector_store %arg7[%swap3A_1210, %swap3A_1211], %swap3A_1214 {strides = array<i32>} : memref<33x128xf32, #tpu.memory_space<vmem>>, vector<1x16xf32>,
    %swap3A_1215 = arith.constant 17 : i32
    %swap3A_1216 = arith.index_cast %swap3A_1215 : i32 to index
    %swap3A_1217 = arith.constant 80 : index
    %swap3A_1218 = tpu.vector_load %arg7[%swap3A_1216, %swap3A_1217] {strides = array<i32>} : memref<33x128xf32, #tpu.memory_space<vmem>>, vector<1x16xf32>,
    %swap3A_1219 = vector.shape_cast %swap3A_1218 : vector<1x16xf32> to vector<16xf32>
    %swap3A_1220 = vector.shape_cast %broadcast_in_dim3A_369 : vector<16xf32> to vector<1x16xf32>
    tpu.vector_store %arg7[%swap3A_1216, %swap3A_1217], %swap3A_1220 {strides = array<i32>} : memref<33x128xf32, #tpu.memory_space<vmem>>, vector<1x16xf32>,
    %swap3A_1221 = arith.constant 17 : i32
    %swap3A_1222 = arith.index_cast %swap3A_1221 : i32 to index
    %swap3A_1223 = arith.constant 96 : index
    %swap3A_1224 = tpu.vector_load %arg7[%swap3A_1222, %swap3A_1223] {strides = array<i32>} : memref<33x128xf32, #tpu.memory_space<vmem>>, vector<1x16xf32>,
    %swap3A_1225 = vector.shape_cast %swap3A_1224 : vector<1x16xf32> to vector<16xf32>
    %swap3A_1226 = vector.shape_cast %broadcast_in_dim3A_369 : vector<16xf32> to vector<1x16xf32>
    tpu.vector_store %arg7[%swap3A_1222, %swap3A_1223], %swap3A_1226 {strides = array<i32>} : memref<33x128xf32, #tpu.memory_space<vmem>>, vector<1x16xf32>,
    %swap3A_1227 = arith.constant 17 : i32
    %swap3A_1228 = arith.index_cast %swap3A_1227 : i32 to index
    %swap3A_1229 = arith.constant 112 : index
    %swap3A_1230 = tpu.vector_load %arg7[%swap3A_1228, %swap3A_1229] {strides = array<i32>} : memref<33x128xf32, #tpu.memory_space<vmem>>, vector<1x16xf32>,
    %swap3A_1231 = vector.shape_cast %swap3A_1230 : vector<1x16xf32> to vector<16xf32>
    %swap3A_1232 = vector.shape_cast %broadcast_in_dim3A_369 : vector<16xf32> to vector<1x16xf32>
    tpu.vector_store %arg7[%swap3A_1228, %swap3A_1229], %swap3A_1232 {strides = array<i32>} : memref<33x128xf32, #tpu.memory_space<vmem>>, vector<1x16xf32>,
    %swap3A_1233 = arith.constant 18 : i32
    %swap3A_1234 = arith.index_cast %swap3A_1233 : i32 to index
    %swap3A_1235 = arith.constant 0 : index
    %swap3A_1236 = tpu.vector_load %arg7[%swap3A_1234, %swap3A_1235] {strides = array<i32>} : memref<33x128xf32, #tpu.memory_space<vmem>>, vector<1x16xf32>,
    %swap3A_1237 = vector.shape_cast %swap3A_1236 : vector<1x16xf32> to vector<16xf32>
    %swap3A_1238 = vector.shape_cast %broadcast_in_dim3A_369 : vector<16xf32> to vector<1x16xf32>
    tpu.vector_store %arg7[%swap3A_1234, %swap3A_1235], %swap3A_1238 {strides = array<i32>} : memref<33x128xf32, #tpu.memory_space<vmem>>, vector<1x16xf32>,
    %swap3A_1239 = arith.constant 18 : i32
    %swap3A_1240 = arith.index_cast %swap3A_1239 : i32 to index
    %swap3A_1241 = arith.constant 16 : index
    %swap3A_1242 = tpu.vector_load %arg7[%swap3A_1240, %swap3A_1241] {strides = array<i32>} : memref<33x128xf32, #tpu.memory_space<vmem>>, vector<1x16xf32>,
    %swap3A_1243 = vector.shape_cast %swap3A_1242 : vector<1x16xf32> to vector<16xf32>
    %swap3A_1244 = vector.shape_cast %broadcast_in_dim3A_369 : vector<16xf32> to vector<1x16xf32>
    tpu.vector_store %arg7[%swap3A_1240, %swap3A_1241], %swap3A_1244 {strides = array<i32>} : memref<33x128xf32, #tpu.memory_space<vmem>>, vector<1x16xf32>,
    %swap3A_1245 = arith.constant 18 : i32
    %swap3A_1246 = arith.index_cast %swap3A_1245 : i32 to index
    %swap3A_1247 = arith.constant 32 : index
    %swap3A_1248 = tpu.vector_load %arg7[%swap3A_1246, %swap3A_1247] {strides = array<i32>} : memref<33x128xf32, #tpu.memory_space<vmem>>, vector<1x16xf32>,
    %swap3A_1249 = vector.shape_cast %swap3A_1248 : vector<1x16xf32> to vector<16xf32>
    %swap3A_1250 = vector.shape_cast %broadcast_in_dim3A_369 : vector<16xf32> to vector<1x16xf32>
    tpu.vector_store %arg7[%swap3A_1246, %swap3A_1247], %swap3A_1250 {strides = array<i32>} : memref<33x128xf32, #tpu.memory_space<vmem>>, vector<1x16xf32>,
    %swap3A_1251 = arith.constant 18 : i32
    %swap3A_1252 = arith.index_cast %swap3A_1251 : i32 to index
    %swap3A_1253 = arith.constant 48 : index
    %swap3A_1254 = tpu.vector_load %arg7[%swap3A_1252, %swap3A_1253] {strides = array<i32>} : memref<33x128xf32, #tpu.memory_space<vmem>>, vector<1x16xf32>,
    %swap3A_1255 = vector.shape_cast %swap3A_1254 : vector<1x16xf32> to vector<16xf32>
    %swap3A_1256 = vector.shape_cast %broadcast_in_dim3A_369 : vector<16xf32> to vector<1x16xf32>
    tpu.vector_store %arg7[%swap3A_1252, %swap3A_1253], %swap3A_1256 {strides = array<i32>} : memref<33x128xf32, #tpu.memory_space<vmem>>, vector<1x16xf32>,
    %swap3A_1257 = arith.constant 18 : i32
    %swap3A_1258 = arith.index_cast %swap3A_1257 : i32 to index
    %swap3A_1259 = arith.constant 64 : index
    %swap3A_1260 = tpu.vector_load %arg7[%swap3A_1258, %swap3A_1259] {strides = array<i32>} : memref<33x128xf32, #tpu.memory_space<vmem>>, vector<1x16xf32>,
    %swap3A_1261 = vector.shape_cast %swap3A_1260 : vector<1x16xf32> to vector<16xf32>
    %swap3A_1262 = vector.shape_cast %broadcast_in_dim3A_369 : vector<16xf32> to vector<1x16xf32>
    tpu.vector_store %arg7[%swap3A_1258, %swap3A_1259], %swap3A_1262 {strides = array<i32>} : memref<33x128xf32, #tpu.memory_space<vmem>>, vector<1x16xf32>,
    %swap3A_1263 = arith.constant 18 : i32
    %swap3A_1264 = arith.index_cast %swap3A_1263 : i32 to index
    %swap3A_1265 = arith.constant 80 : index
    %swap3A_1266 = tpu.vector_load %arg7[%swap3A_1264, %swap3A_1265] {strides = array<i32>} : memref<33x128xf32, #tpu.memory_space<vmem>>, vector<1x16xf32>,
    %swap3A_1267 = vector.shape_cast %swap3A_1266 : vector<1x16xf32> to vector<16xf32>
    %swap3A_1268 = vector.shape_cast %broadcast_in_dim3A_369 : vector<16xf32> to vector<1x16xf32>
    tpu.vector_store %arg7[%swap3A_1264, %swap3A_1265], %swap3A_1268 {strides = array<i32>} : memref<33x128xf32, #tpu.memory_space<vmem>>, vector<1x16xf32>,
    %swap3A_1269 = arith.constant 18 : i32
    %swap3A_1270 = arith.index_cast %swap3A_1269 : i32 to index
    %swap3A_1271 = arith.constant 96 : index
    %swap3A_1272 = tpu.vector_load %arg7[%swap3A_1270, %swap3A_1271] {strides = array<i32>} : memref<33x128xf32, #tpu.memory_space<vmem>>, vector<1x16xf32>,
    %swap3A_1273 = vector.shape_cast %swap3A_1272 : vector<1x16xf32> to vector<16xf32>
    %swap3A_1274 = vector.shape_cast %broadcast_in_dim3A_369 : vector<16xf32> to vector<1x16xf32>
    tpu.vector_store %arg7[%swap3A_1270, %swap3A_1271], %swap3A_1274 {strides = array<i32>} : memref<33x128xf32, #tpu.memory_space<vmem>>, vector<1x16xf32>,
    %swap3A_1275 = arith.constant 18 : i32
    %swap3A_1276 = arith.index_cast %swap3A_1275 : i32 to index
    %swap3A_1277 = arith.constant 112 : index
    %swap3A_1278 = tpu.vector_load %arg7[%swap3A_1276, %swap3A_1277] {strides = array<i32>} : memref<33x128xf32, #tpu.memory_space<vmem>>, vector<1x16xf32>,
    %swap3A_1279 = vector.shape_cast %swap3A_1278 : vector<1x16xf32> to vector<16xf32>
    %swap3A_1280 = vector.shape_cast %broadcast_in_dim3A_369 : vector<16xf32> to vector<1x16xf32>
    tpu.vector_store %arg7[%swap3A_1276, %swap3A_1277], %swap3A_1280 {strides = array<i32>} : memref<33x128xf32, #tpu.memory_space<vmem>>, vector<1x16xf32>,
    %swap3A_1281 = arith.constant 19 : i32
    %swap3A_1282 = arith.index_cast %swap3A_1281 : i32 to index
    %swap3A_1283 = arith.constant 0 : index
    %swap3A_1284 = tpu.vector_load %arg7[%swap3A_1282, %swap3A_1283] {strides = array<i32>} : memref<33x128xf32, #tpu.memory_space<vmem>>, vector<1x16xf32>,
    %swap3A_1285 = vector.shape_cast %swap3A_1284 : vector<1x16xf32> to vector<16xf32>
    %swap3A_1286 = vector.shape_cast %broadcast_in_dim3A_369 : vector<16xf32> to vector<1x16xf32>
    tpu.vector_store %arg7[%swap3A_1282, %swap3A_1283], %swap3A_1286 {strides = array<i32>} : memref<33x128xf32, #tpu.memory_space<vmem>>, vector<1x16xf32>,
    %swap3A_1287 = arith.constant 19 : i32
    %swap3A_1288 = arith.index_cast %swap3A_1287 : i32 to index
    %swap3A_1289 = arith.constant 16 : index
    %swap3A_1290 = tpu.vector_load %arg7[%swap3A_1288, %swap3A_1289] {strides = array<i32>} : memref<33x128xf32, #tpu.memory_space<vmem>>, vector<1x16xf32>,
    %swap3A_1291 = vector.shape_cast %swap3A_1290 : vector<1x16xf32> to vector<16xf32>
    %swap3A_1292 = vector.shape_cast %broadcast_in_dim3A_369 : vector<16xf32> to vector<1x16xf32>
    tpu.vector_store %arg7[%swap3A_1288, %swap3A_1289], %swap3A_1292 {strides = array<i32>} : memref<33x128xf32, #tpu.memory_space<vmem>>, vector<1x16xf32>,
    %swap3A_1293 = arith.constant 19 : i32
    %swap3A_1294 = arith.index_cast %swap3A_1293 : i32 to index
    %swap3A_1295 = arith.constant 32 : index
    %swap3A_1296 = tpu.vector_load %arg7[%swap3A_1294, %swap3A_1295] {strides = array<i32>} : memref<33x128xf32, #tpu.memory_space<vmem>>, vector<1x16xf32>,
    %swap3A_1297 = vector.shape_cast %swap3A_1296 : vector<1x16xf32> to vector<16xf32>
    %swap3A_1298 = vector.shape_cast %broadcast_in_dim3A_369 : vector<16xf32> to vector<1x16xf32>
    tpu.vector_store %arg7[%swap3A_1294, %swap3A_1295], %swap3A_1298 {strides = array<i32>} : memref<33x128xf32, #tpu.memory_space<vmem>>, vector<1x16xf32>,
    %swap3A_1299 = arith.constant 19 : i32
    %swap3A_1300 = arith.index_cast %swap3A_1299 : i32 to index
    %swap3A_1301 = arith.constant 48 : index
    %swap3A_1302 = tpu.vector_load %arg7[%swap3A_1300, %swap3A_1301] {strides = array<i32>} : memref<33x128xf32, #tpu.memory_space<vmem>>, vector<1x16xf32>,
    %swap3A_1303 = vector.shape_cast %swap3A_1302 : vector<1x16xf32> to vector<16xf32>
    %swap3A_1304 = vector.shape_cast %broadcast_in_dim3A_369 : vector<16xf32> to vector<1x16xf32>
    tpu.vector_store %arg7[%swap3A_1300, %swap3A_1301], %swap3A_1304 {strides = array<i32>} : memref<33x128xf32, #tpu.memory_space<vmem>>, vector<1x16xf32>,
    %swap3A_1305 = arith.constant 19 : i32
    %swap3A_1306 = arith.index_cast %swap3A_1305 : i32 to index
    %swap3A_1307 = arith.constant 64 : index
    %swap3A_1308 = tpu.vector_load %arg7[%swap3A_1306, %swap3A_1307] {strides = array<i32>} : memref<33x128xf32, #tpu.memory_space<vmem>>, vector<1x16xf32>,
    %swap3A_1309 = vector.shape_cast %swap3A_1308 : vector<1x16xf32> to vector<16xf32>
    %swap3A_1310 = vector.shape_cast %broadcast_in_dim3A_369 : vector<16xf32> to vector<1x16xf32>
    tpu.vector_store %arg7[%swap3A_1306, %swap3A_1307], %swap3A_1310 {strides = array<i32>} : memref<33x128xf32, #tpu.memory_space<vmem>>, vector<1x16xf32>,
    %swap3A_1311 = arith.constant 19 : i32
    %swap3A_1312 = arith.index_cast %swap3A_1311 : i32 to index
    %swap3A_1313 = arith.constant 80 : index
    %swap3A_1314 = tpu.vector_load %arg7[%swap3A_1312, %swap3A_1313] {strides = array<i32>} : memref<33x128xf32, #tpu.memory_space<vmem>>, vector<1x16xf32>,
    %swap3A_1315 = vector.shape_cast %swap3A_1314 : vector<1x16xf32> to vector<16xf32>
    %swap3A_1316 = vector.shape_cast %broadcast_in_dim3A_369 : vector<16xf32> to vector<1x16xf32>
    tpu.vector_store %arg7[%swap3A_1312, %swap3A_1313], %swap3A_1316 {strides = array<i32>} : memref<33x128xf32, #tpu.memory_space<vmem>>, vector<1x16xf32>,
    %swap3A_1317 = arith.constant 19 : i32
    %swap3A_1318 = arith.index_cast %swap3A_1317 : i32 to index
    %swap3A_1319 = arith.constant 96 : index
    %swap3A_1320 = tpu.vector_load %arg7[%swap3A_1318, %swap3A_1319] {strides = array<i32>} : memref<33x128xf32, #tpu.memory_space<vmem>>, vector<1x16xf32>,
    %swap3A_1321 = vector.shape_cast %swap3A_1320 : vector<1x16xf32> to vector<16xf32>
    %swap3A_1322 = vector.shape_cast %broadcast_in_dim3A_369 : vector<16xf32> to vector<1x16xf32>
    tpu.vector_store %arg7[%swap3A_1318, %swap3A_1319], %swap3A_1322 {strides = array<i32>} : memref<33x128xf32, #tpu.memory_space<vmem>>, vector<1x16xf32>,
    %swap3A_1323 = arith.constant 19 : i32
    %swap3A_1324 = arith.index_cast %swap3A_1323 : i32 to index
    %swap3A_1325 = arith.constant 112 : index
    %swap3A_1326 = tpu.vector_load %arg7[%swap3A_1324, %swap3A_1325] {strides = array<i32>} : memref<33x128xf32, #tpu.memory_space<vmem>>, vector<1x16xf32>,
    %swap3A_1327 = vector.shape_cast %swap3A_1326 : vector<1x16xf32> to vector<16xf32>
    %swap3A_1328 = vector.shape_cast %broadcast_in_dim3A_369 : vector<16xf32> to vector<1x16xf32>
    tpu.vector_store %arg7[%swap3A_1324, %swap3A_1325], %swap3A_1328 {strides = array<i32>} : memref<33x128xf32, #tpu.memory_space<vmem>>, vector<1x16xf32>,
    %swap3A_1329 = arith.constant 20 : i32
    %swap3A_1330 = arith.index_cast %swap3A_1329 : i32 to index
    %swap3A_1331 = arith.constant 0 : index
    %swap3A_1332 = tpu.vector_load %arg7[%swap3A_1330, %swap3A_1331] {strides = array<i32>} : memref<33x128xf32, #tpu.memory_space<vmem>>, vector<1x16xf32>,
    %swap3A_1333 = vector.shape_cast %swap3A_1332 : vector<1x16xf32> to vector<16xf32>
    %swap3A_1334 = vector.shape_cast %broadcast_in_dim3A_369 : vector<16xf32> to vector<1x16xf32>
    tpu.vector_store %arg7[%swap3A_1330, %swap3A_1331], %swap3A_1334 {strides = array<i32>} : memref<33x128xf32, #tpu.memory_space<vmem>>, vector<1x16xf32>,
    %swap3A_1335 = arith.constant 20 : i32
    %swap3A_1336 = arith.index_cast %swap3A_1335 : i32 to index
    %swap3A_1337 = arith.constant 16 : index
    %swap3A_1338 = tpu.vector_load %arg7[%swap3A_1336, %swap3A_1337] {strides = array<i32>} : memref<33x128xf32, #tpu.memory_space<vmem>>, vector<1x16xf32>,
    %swap3A_1339 = vector.shape_cast %swap3A_1338 : vector<1x16xf32> to vector<16xf32>
    %swap3A_1340 = vector.shape_cast %broadcast_in_dim3A_369 : vector<16xf32> to vector<1x16xf32>
    tpu.vector_store %arg7[%swap3A_1336, %swap3A_1337], %swap3A_1340 {strides = array<i32>} : memref<33x128xf32, #tpu.memory_space<vmem>>, vector<1x16xf32>,
    %swap3A_1341 = arith.constant 20 : i32
    %swap3A_1342 = arith.index_cast %swap3A_1341 : i32 to index
    %swap3A_1343 = arith.constant 32 : index
    %swap3A_1344 = tpu.vector_load %arg7[%swap3A_1342, %swap3A_1343] {strides = array<i32>} : memref<33x128xf32, #tpu.memory_space<vmem>>, vector<1x16xf32>,
    %swap3A_1345 = vector.shape_cast %swap3A_1344 : vector<1x16xf32> to vector<16xf32>
    %swap3A_1346 = vector.shape_cast %broadcast_in_dim3A_369 : vector<16xf32> to vector<1x16xf32>
    tpu.vector_store %arg7[%swap3A_1342, %swap3A_1343], %swap3A_1346 {strides = array<i32>} : memref<33x128xf32, #tpu.memory_space<vmem>>, vector<1x16xf32>,
    %swap3A_1347 = arith.constant 20 : i32
    %swap3A_1348 = arith.index_cast %swap3A_1347 : i32 to index
    %swap3A_1349 = arith.constant 48 : index
    %swap3A_1350 = tpu.vector_load %arg7[%swap3A_1348, %swap3A_1349] {strides = array<i32>} : memref<33x128xf32, #tpu.memory_space<vmem>>, vector<1x16xf32>,
    %swap3A_1351 = vector.shape_cast %swap3A_1350 : vector<1x16xf32> to vector<16xf32>
    %swap3A_1352 = vector.shape_cast %broadcast_in_dim3A_369 : vector<16xf32> to vector<1x16xf32>
    tpu.vector_store %arg7[%swap3A_1348, %swap3A_1349], %swap3A_1352 {strides = array<i32>} : memref<33x128xf32, #tpu.memory_space<vmem>>, vector<1x16xf32>,
    %swap3A_1353 = arith.constant 20 : i32
    %swap3A_1354 = arith.index_cast %swap3A_1353 : i32 to index
    %swap3A_1355 = arith.constant 64 : index
    %swap3A_1356 = tpu.vector_load %arg7[%swap3A_1354, %swap3A_1355] {strides = array<i32>} : memref<33x128xf32, #tpu.memory_space<vmem>>, vector<1x16xf32>,
    %swap3A_1357 = vector.shape_cast %swap3A_1356 : vector<1x16xf32> to vector<16xf32>
    %swap3A_1358 = vector.shape_cast %broadcast_in_dim3A_369 : vector<16xf32> to vector<1x16xf32>
    tpu.vector_store %arg7[%swap3A_1354, %swap3A_1355], %swap3A_1358 {strides = array<i32>} : memref<33x128xf32, #tpu.memory_space<vmem>>, vector<1x16xf32>,
    %swap3A_1359 = arith.constant 20 : i32
    %swap3A_1360 = arith.index_cast %swap3A_1359 : i32 to index
    %swap3A_1361 = arith.constant 80 : index
    %swap3A_1362 = tpu.vector_load %arg7[%swap3A_1360, %swap3A_1361] {strides = array<i32>} : memref<33x128xf32, #tpu.memory_space<vmem>>, vector<1x16xf32>,
    %swap3A_1363 = vector.shape_cast %swap3A_1362 : vector<1x16xf32> to vector<16xf32>
    %swap3A_1364 = vector.shape_cast %broadcast_in_dim3A_369 : vector<16xf32> to vector<1x16xf32>
    tpu.vector_store %arg7[%swap3A_1360, %swap3A_1361], %swap3A_1364 {strides = array<i32>} : memref<33x128xf32, #tpu.memory_space<vmem>>, vector<1x16xf32>,
    %swap3A_1365 = arith.constant 20 : i32
    %swap3A_1366 = arith.index_cast %swap3A_1365 : i32 to index
    %swap3A_1367 = arith.constant 96 : index
    %swap3A_1368 = tpu.vector_load %arg7[%swap3A_1366, %swap3A_1367] {strides = array<i32>} : memref<33x128xf32, #tpu.memory_space<vmem>>, vector<1x16xf32>,
    %swap3A_1369 = vector.shape_cast %swap3A_1368 : vector<1x16xf32> to vector<16xf32>
    %swap3A_1370 = vector.shape_cast %broadcast_in_dim3A_369 : vector<16xf32> to vector<1x16xf32>
    tpu.vector_store %arg7[%swap3A_1366, %swap3A_1367], %swap3A_1370 {strides = array<i32>} : memref<33x128xf32, #tpu.memory_space<vmem>>, vector<1x16xf32>,
    %swap3A_1371 = arith.constant 20 : i32
    %swap3A_1372 = arith.index_cast %swap3A_1371 : i32 to index
    %swap3A_1373 = arith.constant 112 : index
    %swap3A_1374 = tpu.vector_load %arg7[%swap3A_1372, %swap3A_1373] {strides = array<i32>} : memref<33x128xf32, #tpu.memory_space<vmem>>, vector<1x16xf32>,
    %swap3A_1375 = vector.shape_cast %swap3A_1374 : vector<1x16xf32> to vector<16xf32>
    %swap3A_1376 = vector.shape_cast %broadcast_in_dim3A_369 : vector<16xf32> to vector<1x16xf32>
    tpu.vector_store %arg7[%swap3A_1372, %swap3A_1373], %swap3A_1376 {strides = array<i32>} : memref<33x128xf32, #tpu.memory_space<vmem>>, vector<1x16xf32>,
    %swap3A_1377 = arith.constant 21 : i32
    %swap3A_1378 = arith.index_cast %swap3A_1377 : i32 to index
    %swap3A_1379 = arith.constant 0 : index
    %swap3A_1380 = tpu.vector_load %arg7[%swap3A_1378, %swap3A_1379] {strides = array<i32>} : memref<33x128xf32, #tpu.memory_space<vmem>>, vector<1x16xf32>,
    %swap3A_1381 = vector.shape_cast %swap3A_1380 : vector<1x16xf32> to vector<16xf32>
    %swap3A_1382 = vector.shape_cast %broadcast_in_dim3A_369 : vector<16xf32> to vector<1x16xf32>
    tpu.vector_store %arg7[%swap3A_1378, %swap3A_1379], %swap3A_1382 {strides = array<i32>} : memref<33x128xf32, #tpu.memory_space<vmem>>, vector<1x16xf32>,
    %swap3A_1383 = arith.constant 21 : i32
    %swap3A_1384 = arith.index_cast %swap3A_1383 : i32 to index
    %swap3A_1385 = arith.constant 16 : index
    %swap3A_1386 = tpu.vector_load %arg7[%swap3A_1384, %swap3A_1385] {strides = array<i32>} : memref<33x128xf32, #tpu.memory_space<vmem>>, vector<1x16xf32>,
    %swap3A_1387 = vector.shape_cast %swap3A_1386 : vector<1x16xf32> to vector<16xf32>
    %swap3A_1388 = vector.shape_cast %broadcast_in_dim3A_369 : vector<16xf32> to vector<1x16xf32>
    tpu.vector_store %arg7[%swap3A_1384, %swap3A_1385], %swap3A_1388 {strides = array<i32>} : memref<33x128xf32, #tpu.memory_space<vmem>>, vector<1x16xf32>,
    %swap3A_1389 = arith.constant 21 : i32
    %swap3A_1390 = arith.index_cast %swap3A_1389 : i32 to index
    %swap3A_1391 = arith.constant 32 : index
    %swap3A_1392 = tpu.vector_load %arg7[%swap3A_1390, %swap3A_1391] {strides = array<i32>} : memref<33x128xf32, #tpu.memory_space<vmem>>, vector<1x16xf32>,
    %swap3A_1393 = vector.shape_cast %swap3A_1392 : vector<1x16xf32> to vector<16xf32>
    %swap3A_1394 = vector.shape_cast %broadcast_in_dim3A_369 : vector<16xf32> to vector<1x16xf32>
    tpu.vector_store %arg7[%swap3A_1390, %swap3A_1391], %swap3A_1394 {strides = array<i32>} : memref<33x128xf32, #tpu.memory_space<vmem>>, vector<1x16xf32>,
    %swap3A_1395 = arith.constant 21 : i32
    %swap3A_1396 = arith.index_cast %swap3A_1395 : i32 to index
    %swap3A_1397 = arith.constant 48 : index
    %swap3A_1398 = tpu.vector_load %arg7[%swap3A_1396, %swap3A_1397] {strides = array<i32>} : memref<33x128xf32, #tpu.memory_space<vmem>>, vector<1x16xf32>,
    %swap3A_1399 = vector.shape_cast %swap3A_1398 : vector<1x16xf32> to vector<16xf32>
    %swap3A_1400 = vector.shape_cast %broadcast_in_dim3A_369 : vector<16xf32> to vector<1x16xf32>
    tpu.vector_store %arg7[%swap3A_1396, %swap3A_1397], %swap3A_1400 {strides = array<i32>} : memref<33x128xf32, #tpu.memory_space<vmem>>, vector<1x16xf32>,
    %swap3A_1401 = arith.constant 21 : i32
    %swap3A_1402 = arith.index_cast %swap3A_1401 : i32 to index
    %swap3A_1403 = arith.constant 64 : index
    %swap3A_1404 = tpu.vector_load %arg7[%swap3A_1402, %swap3A_1403] {strides = array<i32>} : memref<33x128xf32, #tpu.memory_space<vmem>>, vector<1x16xf32>,
    %swap3A_1405 = vector.shape_cast %swap3A_1404 : vector<1x16xf32> to vector<16xf32>
    %swap3A_1406 = vector.shape_cast %broadcast_in_dim3A_369 : vector<16xf32> to vector<1x16xf32>
    tpu.vector_store %arg7[%swap3A_1402, %swap3A_1403], %swap3A_1406 {strides = array<i32>} : memref<33x128xf32, #tpu.memory_space<vmem>>, vector<1x16xf32>,
    %swap3A_1407 = arith.constant 21 : i32
    %swap3A_1408 = arith.index_cast %swap3A_1407 : i32 to index
    %swap3A_1409 = arith.constant 80 : index
    %swap3A_1410 = tpu.vector_load %arg7[%swap3A_1408, %swap3A_1409] {strides = array<i32>} : memref<33x128xf32, #tpu.memory_space<vmem>>, vector<1x16xf32>,
    %swap3A_1411 = vector.shape_cast %swap3A_1410 : vector<1x16xf32> to vector<16xf32>
    %swap3A_1412 = vector.shape_cast %broadcast_in_dim3A_369 : vector<16xf32> to vector<1x16xf32>
    tpu.vector_store %arg7[%swap3A_1408, %swap3A_1409], %swap3A_1412 {strides = array<i32>} : memref<33x128xf32, #tpu.memory_space<vmem>>, vector<1x16xf32>,
    %swap3A_1413 = arith.constant 21 : i32
    %swap3A_1414 = arith.index_cast %swap3A_1413 : i32 to index
    %swap3A_1415 = arith.constant 96 : index
    %swap3A_1416 = tpu.vector_load %arg7[%swap3A_1414, %swap3A_1415] {strides = array<i32>} : memref<33x128xf32, #tpu.memory_space<vmem>>, vector<1x16xf32>,
    %swap3A_1417 = vector.shape_cast %swap3A_1416 : vector<1x16xf32> to vector<16xf32>
    %swap3A_1418 = vector.shape_cast %broadcast_in_dim3A_369 : vector<16xf32> to vector<1x16xf32>
    tpu.vector_store %arg7[%swap3A_1414, %swap3A_1415], %swap3A_1418 {strides = array<i32>} : memref<33x128xf32, #tpu.memory_space<vmem>>, vector<1x16xf32>,
    %swap3A_1419 = arith.constant 21 : i32
    %swap3A_1420 = arith.index_cast %swap3A_1419 : i32 to index
    %swap3A_1421 = arith.constant 112 : index
    %swap3A_1422 = tpu.vector_load %arg7[%swap3A_1420, %swap3A_1421] {strides = array<i32>} : memref<33x128xf32, #tpu.memory_space<vmem>>, vector<1x16xf32>,
    %swap3A_1423 = vector.shape_cast %swap3A_1422 : vector<1x16xf32> to vector<16xf32>
    %swap3A_1424 = vector.shape_cast %broadcast_in_dim3A_369 : vector<16xf32> to vector<1x16xf32>
    tpu.vector_store %arg7[%swap3A_1420, %swap3A_1421], %swap3A_1424 {strides = array<i32>} : memref<33x128xf32, #tpu.memory_space<vmem>>, vector<1x16xf32>,
    %swap3A_1425 = arith.constant 22 : i32
    %swap3A_1426 = arith.index_cast %swap3A_1425 : i32 to index
    %swap3A_1427 = arith.constant 0 : index
    %swap3A_1428 = tpu.vector_load %arg7[%swap3A_1426, %swap3A_1427] {strides = array<i32>} : memref<33x128xf32, #tpu.memory_space<vmem>>, vector<1x16xf32>,
    %swap3A_1429 = vector.shape_cast %swap3A_1428 : vector<1x16xf32> to vector<16xf32>
    %swap3A_1430 = vector.shape_cast %broadcast_in_dim3A_369 : vector<16xf32> to vector<1x16xf32>
    tpu.vector_store %arg7[%swap3A_1426, %swap3A_1427], %swap3A_1430 {strides = array<i32>} : memref<33x128xf32, #tpu.memory_space<vmem>>, vector<1x16xf32>,
    %swap3A_1431 = arith.constant 22 : i32
    %swap3A_1432 = arith.index_cast %swap3A_1431 : i32 to index
    %swap3A_1433 = arith.constant 16 : index
    %swap3A_1434 = tpu.vector_load %arg7[%swap3A_1432, %swap3A_1433] {strides = array<i32>} : memref<33x128xf32, #tpu.memory_space<vmem>>, vector<1x16xf32>,
    %swap3A_1435 = vector.shape_cast %swap3A_1434 : vector<1x16xf32> to vector<16xf32>
    %swap3A_1436 = vector.shape_cast %broadcast_in_dim3A_369 : vector<16xf32> to vector<1x16xf32>
    tpu.vector_store %arg7[%swap3A_1432, %swap3A_1433], %swap3A_1436 {strides = array<i32>} : memref<33x128xf32, #tpu.memory_space<vmem>>, vector<1x16xf32>,
    %swap3A_1437 = arith.constant 22 : i32
    %swap3A_1438 = arith.index_cast %swap3A_1437 : i32 to index
    %swap3A_1439 = arith.constant 32 : index
    %swap3A_1440 = tpu.vector_load %arg7[%swap3A_1438, %swap3A_1439] {strides = array<i32>} : memref<33x128xf32, #tpu.memory_space<vmem>>, vector<1x16xf32>,
    %swap3A_1441 = vector.shape_cast %swap3A_1440 : vector<1x16xf32> to vector<16xf32>
    %swap3A_1442 = vector.shape_cast %broadcast_in_dim3A_369 : vector<16xf32> to vector<1x16xf32>
    tpu.vector_store %arg7[%swap3A_1438, %swap3A_1439], %swap3A_1442 {strides = array<i32>} : memref<33x128xf32, #tpu.memory_space<vmem>>, vector<1x16xf32>,
    %swap3A_1443 = arith.constant 22 : i32
    %swap3A_1444 = arith.index_cast %swap3A_1443 : i32 to index
    %swap3A_1445 = arith.constant 48 : index
    %swap3A_1446 = tpu.vector_load %arg7[%swap3A_1444, %swap3A_1445] {strides = array<i32>} : memref<33x128xf32, #tpu.memory_space<vmem>>, vector<1x16xf32>,
    %swap3A_1447 = vector.shape_cast %swap3A_1446 : vector<1x16xf32> to vector<16xf32>
    %swap3A_1448 = vector.shape_cast %broadcast_in_dim3A_369 : vector<16xf32> to vector<1x16xf32>
    tpu.vector_store %arg7[%swap3A_1444, %swap3A_1445], %swap3A_1448 {strides = array<i32>} : memref<33x128xf32, #tpu.memory_space<vmem>>, vector<1x16xf32>,
    %swap3A_1449 = arith.constant 22 : i32
    %swap3A_1450 = arith.index_cast %swap3A_1449 : i32 to index
    %swap3A_1451 = arith.constant 64 : index
    %swap3A_1452 = tpu.vector_load %arg7[%swap3A_1450, %swap3A_1451] {strides = array<i32>} : memref<33x128xf32, #tpu.memory_space<vmem>>, vector<1x16xf32>,
    %swap3A_1453 = vector.shape_cast %swap3A_1452 : vector<1x16xf32> to vector<16xf32>
    %swap3A_1454 = vector.shape_cast %broadcast_in_dim3A_369 : vector<16xf32> to vector<1x16xf32>
    tpu.vector_store %arg7[%swap3A_1450, %swap3A_1451], %swap3A_1454 {strides = array<i32>} : memref<33x128xf32, #tpu.memory_space<vmem>>, vector<1x16xf32>,
    %swap3A_1455 = arith.constant 22 : i32
    %swap3A_1456 = arith.index_cast %swap3A_1455 : i32 to index
    %swap3A_1457 = arith.constant 80 : index
    %swap3A_1458 = tpu.vector_load %arg7[%swap3A_1456, %swap3A_1457] {strides = array<i32>} : memref<33x128xf32, #tpu.memory_space<vmem>>, vector<1x16xf32>,
    %swap3A_1459 = vector.shape_cast %swap3A_1458 : vector<1x16xf32> to vector<16xf32>
    %swap3A_1460 = vector.shape_cast %broadcast_in_dim3A_369 : vector<16xf32> to vector<1x16xf32>
    tpu.vector_store %arg7[%swap3A_1456, %swap3A_1457], %swap3A_1460 {strides = array<i32>} : memref<33x128xf32, #tpu.memory_space<vmem>>, vector<1x16xf32>,
    %swap3A_1461 = arith.constant 22 : i32
    %swap3A_1462 = arith.index_cast %swap3A_1461 : i32 to index
    %swap3A_1463 = arith.constant 96 : index
    %swap3A_1464 = tpu.vector_load %arg7[%swap3A_1462, %swap3A_1463] {strides = array<i32>} : memref<33x128xf32, #tpu.memory_space<vmem>>, vector<1x16xf32>,
    %swap3A_1465 = vector.shape_cast %swap3A_1464 : vector<1x16xf32> to vector<16xf32>
    %swap3A_1466 = vector.shape_cast %broadcast_in_dim3A_369 : vector<16xf32> to vector<1x16xf32>
    tpu.vector_store %arg7[%swap3A_1462, %swap3A_1463], %swap3A_1466 {strides = array<i32>} : memref<33x128xf32, #tpu.memory_space<vmem>>, vector<1x16xf32>,
    %swap3A_1467 = arith.constant 22 : i32
    %swap3A_1468 = arith.index_cast %swap3A_1467 : i32 to index
    %swap3A_1469 = arith.constant 112 : index
    %swap3A_1470 = tpu.vector_load %arg7[%swap3A_1468, %swap3A_1469] {strides = array<i32>} : memref<33x128xf32, #tpu.memory_space<vmem>>, vector<1x16xf32>,
    %swap3A_1471 = vector.shape_cast %swap3A_1470 : vector<1x16xf32> to vector<16xf32>
    %swap3A_1472 = vector.shape_cast %broadcast_in_dim3A_369 : vector<16xf32> to vector<1x16xf32>
    tpu.vector_store %arg7[%swap3A_1468, %swap3A_1469], %swap3A_1472 {strides = array<i32>} : memref<33x128xf32, #tpu.memory_space<vmem>>, vector<1x16xf32>,
    %swap3A_1473 = arith.constant 23 : i32
    %swap3A_1474 = arith.index_cast %swap3A_1473 : i32 to index
    %swap3A_1475 = arith.constant 0 : index
    %swap3A_1476 = tpu.vector_load %arg7[%swap3A_1474, %swap3A_1475] {strides = array<i32>} : memref<33x128xf32, #tpu.memory_space<vmem>>, vector<1x16xf32>,
    %swap3A_1477 = vector.shape_cast %swap3A_1476 : vector<1x16xf32> to vector<16xf32>
    %swap3A_1478 = vector.shape_cast %broadcast_in_dim3A_369 : vector<16xf32> to vector<1x16xf32>
    tpu.vector_store %arg7[%swap3A_1474, %swap3A_1475], %swap3A_1478 {strides = array<i32>} : memref<33x128xf32, #tpu.memory_space<vmem>>, vector<1x16xf32>,
    %swap3A_1479 = arith.constant 23 : i32
    %swap3A_1480 = arith.index_cast %swap3A_1479 : i32 to index
    %swap3A_1481 = arith.constant 16 : index
    %swap3A_1482 = tpu.vector_load %arg7[%swap3A_1480, %swap3A_1481] {strides = array<i32>} : memref<33x128xf32, #tpu.memory_space<vmem>>, vector<1x16xf32>,
    %swap3A_1483 = vector.shape_cast %swap3A_1482 : vector<1x16xf32> to vector<16xf32>
    %swap3A_1484 = vector.shape_cast %broadcast_in_dim3A_369 : vector<16xf32> to vector<1x16xf32>
    tpu.vector_store %arg7[%swap3A_1480, %swap3A_1481], %swap3A_1484 {strides = array<i32>} : memref<33x128xf32, #tpu.memory_space<vmem>>, vector<1x16xf32>,
    %swap3A_1485 = arith.constant 23 : i32
    %swap3A_1486 = arith.index_cast %swap3A_1485 : i32 to index
    %swap3A_1487 = arith.constant 32 : index
    %swap3A_1488 = tpu.vector_load %arg7[%swap3A_1486, %swap3A_1487] {strides = array<i32>} : memref<33x128xf32, #tpu.memory_space<vmem>>, vector<1x16xf32>,
    %swap3A_1489 = vector.shape_cast %swap3A_1488 : vector<1x16xf32> to vector<16xf32>
    %swap3A_1490 = vector.shape_cast %broadcast_in_dim3A_369 : vector<16xf32> to vector<1x16xf32>
    tpu.vector_store %arg7[%swap3A_1486, %swap3A_1487], %swap3A_1490 {strides = array<i32>} : memref<33x128xf32, #tpu.memory_space<vmem>>, vector<1x16xf32>,
    %swap3A_1491 = arith.constant 23 : i32
    %swap3A_1492 = arith.index_cast %swap3A_1491 : i32 to index
    %swap3A_1493 = arith.constant 48 : index
    %swap3A_1494 = tpu.vector_load %arg7[%swap3A_1492, %swap3A_1493] {strides = array<i32>} : memref<33x128xf32, #tpu.memory_space<vmem>>, vector<1x16xf32>,
    %swap3A_1495 = vector.shape_cast %swap3A_1494 : vector<1x16xf32> to vector<16xf32>
    %swap3A_1496 = vector.shape_cast %broadcast_in_dim3A_369 : vector<16xf32> to vector<1x16xf32>
    tpu.vector_store %arg7[%swap3A_1492, %swap3A_1493], %swap3A_1496 {strides = array<i32>} : memref<33x128xf32, #tpu.memory_space<vmem>>, vector<1x16xf32>,
    %swap3A_1497 = arith.constant 23 : i32
    %swap3A_1498 = arith.index_cast %swap3A_1497 : i32 to index
    %swap3A_1499 = arith.constant 64 : index
    %swap3A_1500 = tpu.vector_load %arg7[%swap3A_1498, %swap3A_1499] {strides = array<i32>} : memref<33x128xf32, #tpu.memory_space<vmem>>, vector<1x16xf32>,
    %swap3A_1501 = vector.shape_cast %swap3A_1500 : vector<1x16xf32> to vector<16xf32>
    %swap3A_1502 = vector.shape_cast %broadcast_in_dim3A_369 : vector<16xf32> to vector<1x16xf32>
    tpu.vector_store %arg7[%swap3A_1498, %swap3A_1499], %swap3A_1502 {strides = array<i32>} : memref<33x128xf32, #tpu.memory_space<vmem>>, vector<1x16xf32>,
    %swap3A_1503 = arith.constant 23 : i32
    %swap3A_1504 = arith.index_cast %swap3A_1503 : i32 to index
    %swap3A_1505 = arith.constant 80 : index
    %swap3A_1506 = tpu.vector_load %arg7[%swap3A_1504, %swap3A_1505] {strides = array<i32>} : memref<33x128xf32, #tpu.memory_space<vmem>>, vector<1x16xf32>,
    %swap3A_1507 = vector.shape_cast %swap3A_1506 : vector<1x16xf32> to vector<16xf32>
    %swap3A_1508 = vector.shape_cast %broadcast_in_dim3A_369 : vector<16xf32> to vector<1x16xf32>
    tpu.vector_store %arg7[%swap3A_1504, %swap3A_1505], %swap3A_1508 {strides = array<i32>} : memref<33x128xf32, #tpu.memory_space<vmem>>, vector<1x16xf32>,
    %swap3A_1509 = arith.constant 23 : i32
    %swap3A_1510 = arith.index_cast %swap3A_1509 : i32 to index
    %swap3A_1511 = arith.constant 96 : index
    %swap3A_1512 = tpu.vector_load %arg7[%swap3A_1510, %swap3A_1511] {strides = array<i32>} : memref<33x128xf32, #tpu.memory_space<vmem>>, vector<1x16xf32>,
    %swap3A_1513 = vector.shape_cast %swap3A_1512 : vector<1x16xf32> to vector<16xf32>
    %swap3A_1514 = vector.shape_cast %broadcast_in_dim3A_369 : vector<16xf32> to vector<1x16xf32>
    tpu.vector_store %arg7[%swap3A_1510, %swap3A_1511], %swap3A_1514 {strides = array<i32>} : memref<33x128xf32, #tpu.memory_space<vmem>>, vector<1x16xf32>,
    %swap3A_1515 = arith.constant 23 : i32
    %swap3A_1516 = arith.index_cast %swap3A_1515 : i32 to index
    %swap3A_1517 = arith.constant 112 : index
    %swap3A_1518 = tpu.vector_load %arg7[%swap3A_1516, %swap3A_1517] {strides = array<i32>} : memref<33x128xf32, #tpu.memory_space<vmem>>, vector<1x16xf32>,
    %swap3A_1519 = vector.shape_cast %swap3A_1518 : vector<1x16xf32> to vector<16xf32>
    %swap3A_1520 = vector.shape_cast %broadcast_in_dim3A_369 : vector<16xf32> to vector<1x16xf32>
    tpu.vector_store %arg7[%swap3A_1516, %swap3A_1517], %swap3A_1520 {strides = array<i32>} : memref<33x128xf32, #tpu.memory_space<vmem>>, vector<1x16xf32>,
    %swap3A_1521 = arith.constant 24 : i32
    %swap3A_1522 = arith.index_cast %swap3A_1521 : i32 to index
    %swap3A_1523 = arith.constant 0 : index
    %swap3A_1524 = tpu.vector_load %arg7[%swap3A_1522, %swap3A_1523] {strides = array<i32>} : memref<33x128xf32, #tpu.memory_space<vmem>>, vector<1x16xf32>,
    %swap3A_1525 = vector.shape_cast %swap3A_1524 : vector<1x16xf32> to vector<16xf32>
    %swap3A_1526 = vector.shape_cast %broadcast_in_dim3A_369 : vector<16xf32> to vector<1x16xf32>
    tpu.vector_store %arg7[%swap3A_1522, %swap3A_1523], %swap3A_1526 {strides = array<i32>} : memref<33x128xf32, #tpu.memory_space<vmem>>, vector<1x16xf32>,
    %swap3A_1527 = arith.constant 24 : i32
    %swap3A_1528 = arith.index_cast %swap3A_1527 : i32 to index
    %swap3A_1529 = arith.constant 16 : index
    %swap3A_1530 = tpu.vector_load %arg7[%swap3A_1528, %swap3A_1529] {strides = array<i32>} : memref<33x128xf32, #tpu.memory_space<vmem>>, vector<1x16xf32>,
    %swap3A_1531 = vector.shape_cast %swap3A_1530 : vector<1x16xf32> to vector<16xf32>
    %swap3A_1532 = vector.shape_cast %broadcast_in_dim3A_369 : vector<16xf32> to vector<1x16xf32>
    tpu.vector_store %arg7[%swap3A_1528, %swap3A_1529], %swap3A_1532 {strides = array<i32>} : memref<33x128xf32, #tpu.memory_space<vmem>>, vector<1x16xf32>,
    %swap3A_1533 = arith.constant 24 : i32
    %swap3A_1534 = arith.index_cast %swap3A_1533 : i32 to index
    %swap3A_1535 = arith.constant 32 : index
    %swap3A_1536 = tpu.vector_load %arg7[%swap3A_1534, %swap3A_1535] {strides = array<i32>} : memref<33x128xf32, #tpu.memory_space<vmem>>, vector<1x16xf32>,
    %swap3A_1537 = vector.shape_cast %swap3A_1536 : vector<1x16xf32> to vector<16xf32>
    %swap3A_1538 = vector.shape_cast %broadcast_in_dim3A_369 : vector<16xf32> to vector<1x16xf32>
    tpu.vector_store %arg7[%swap3A_1534, %swap3A_1535], %swap3A_1538 {strides = array<i32>} : memref<33x128xf32, #tpu.memory_space<vmem>>, vector<1x16xf32>,
    %swap3A_1539 = arith.constant 24 : i32
    %swap3A_1540 = arith.index_cast %swap3A_1539 : i32 to index
    %swap3A_1541 = arith.constant 48 : index
    %swap3A_1542 = tpu.vector_load %arg7[%swap3A_1540, %swap3A_1541] {strides = array<i32>} : memref<33x128xf32, #tpu.memory_space<vmem>>, vector<1x16xf32>,
    %swap3A_1543 = vector.shape_cast %swap3A_1542 : vector<1x16xf32> to vector<16xf32>
    %swap3A_1544 = vector.shape_cast %broadcast_in_dim3A_369 : vector<16xf32> to vector<1x16xf32>
    tpu.vector_store %arg7[%swap3A_1540, %swap3A_1541], %swap3A_1544 {strides = array<i32>} : memref<33x128xf32, #tpu.memory_space<vmem>>, vector<1x16xf32>,
    %swap3A_1545 = arith.constant 24 : i32
    %swap3A_1546 = arith.index_cast %swap3A_1545 : i32 to index
    %swap3A_1547 = arith.constant 64 : index
    %swap3A_1548 = tpu.vector_load %arg7[%swap3A_1546, %swap3A_1547] {strides = array<i32>} : memref<33x128xf32, #tpu.memory_space<vmem>>, vector<1x16xf32>,
    %swap3A_1549 = vector.shape_cast %swap3A_1548 : vector<1x16xf32> to vector<16xf32>
    %swap3A_1550 = vector.shape_cast %broadcast_in_dim3A_369 : vector<16xf32> to vector<1x16xf32>
    tpu.vector_store %arg7[%swap3A_1546, %swap3A_1547], %swap3A_1550 {strides = array<i32>} : memref<33x128xf32, #tpu.memory_space<vmem>>, vector<1x16xf32>,
    %swap3A_1551 = arith.constant 24 : i32
    %swap3A_1552 = arith.index_cast %swap3A_1551 : i32 to index
    %swap3A_1553 = arith.constant 80 : index
    %swap3A_1554 = tpu.vector_load %arg7[%swap3A_1552, %swap3A_1553] {strides = array<i32>} : memref<33x128xf32, #tpu.memory_space<vmem>>, vector<1x16xf32>,
    %swap3A_1555 = vector.shape_cast %swap3A_1554 : vector<1x16xf32> to vector<16xf32>
    %swap3A_1556 = vector.shape_cast %broadcast_in_dim3A_369 : vector<16xf32> to vector<1x16xf32>
    tpu.vector_store %arg7[%swap3A_1552, %swap3A_1553], %swap3A_1556 {strides = array<i32>} : memref<33x128xf32, #tpu.memory_space<vmem>>, vector<1x16xf32>,
    %swap3A_1557 = arith.constant 24 : i32
    %swap3A_1558 = arith.index_cast %swap3A_1557 : i32 to index
    %swap3A_1559 = arith.constant 96 : index
    %swap3A_1560 = tpu.vector_load %arg7[%swap3A_1558, %swap3A_1559] {strides = array<i32>} : memref<33x128xf32, #tpu.memory_space<vmem>>, vector<1x16xf32>,
    %swap3A_1561 = vector.shape_cast %swap3A_1560 : vector<1x16xf32> to vector<16xf32>
    %swap3A_1562 = vector.shape_cast %broadcast_in_dim3A_369 : vector<16xf32> to vector<1x16xf32>
    tpu.vector_store %arg7[%swap3A_1558, %swap3A_1559], %swap3A_1562 {strides = array<i32>} : memref<33x128xf32, #tpu.memory_space<vmem>>, vector<1x16xf32>,
    %swap3A_1563 = arith.constant 24 : i32
    %swap3A_1564 = arith.index_cast %swap3A_1563 : i32 to index
    %swap3A_1565 = arith.constant 112 : index
    %swap3A_1566 = tpu.vector_load %arg7[%swap3A_1564, %swap3A_1565] {strides = array<i32>} : memref<33x128xf32, #tpu.memory_space<vmem>>, vector<1x16xf32>,
    %swap3A_1567 = vector.shape_cast %swap3A_1566 : vector<1x16xf32> to vector<16xf32>
    %swap3A_1568 = vector.shape_cast %broadcast_in_dim3A_369 : vector<16xf32> to vector<1x16xf32>
    tpu.vector_store %arg7[%swap3A_1564, %swap3A_1565], %swap3A_1568 {strides = array<i32>} : memref<33x128xf32, #tpu.memory_space<vmem>>, vector<1x16xf32>,
    %swap3A_1569 = arith.constant 25 : i32
    %swap3A_1570 = arith.index_cast %swap3A_1569 : i32 to index
    %swap3A_1571 = arith.constant 0 : index
    %swap3A_1572 = tpu.vector_load %arg7[%swap3A_1570, %swap3A_1571] {strides = array<i32>} : memref<33x128xf32, #tpu.memory_space<vmem>>, vector<1x16xf32>,
    %swap3A_1573 = vector.shape_cast %swap3A_1572 : vector<1x16xf32> to vector<16xf32>
    %swap3A_1574 = vector.shape_cast %broadcast_in_dim3A_369 : vector<16xf32> to vector<1x16xf32>
    tpu.vector_store %arg7[%swap3A_1570, %swap3A_1571], %swap3A_1574 {strides = array<i32>} : memref<33x128xf32, #tpu.memory_space<vmem>>, vector<1x16xf32>,
    %swap3A_1575 = arith.constant 25 : i32
    %swap3A_1576 = arith.index_cast %swap3A_1575 : i32 to index
    %swap3A_1577 = arith.constant 16 : index
    %swap3A_1578 = tpu.vector_load %arg7[%swap3A_1576, %swap3A_1577] {strides = array<i32>} : memref<33x128xf32, #tpu.memory_space<vmem>>, vector<1x16xf32>,
    %swap3A_1579 = vector.shape_cast %swap3A_1578 : vector<1x16xf32> to vector<16xf32>
    %swap3A_1580 = vector.shape_cast %broadcast_in_dim3A_369 : vector<16xf32> to vector<1x16xf32>
    tpu.vector_store %arg7[%swap3A_1576, %swap3A_1577], %swap3A_1580 {strides = array<i32>} : memref<33x128xf32, #tpu.memory_space<vmem>>, vector<1x16xf32>,
    %swap3A_1581 = arith.constant 25 : i32
    %swap3A_1582 = arith.index_cast %swap3A_1581 : i32 to index
    %swap3A_1583 = arith.constant 32 : index
    %swap3A_1584 = tpu.vector_load %arg7[%swap3A_1582, %swap3A_1583] {strides = array<i32>} : memref<33x128xf32, #tpu.memory_space<vmem>>, vector<1x16xf32>,
    %swap3A_1585 = vector.shape_cast %swap3A_1584 : vector<1x16xf32> to vector<16xf32>
    %swap3A_1586 = vector.shape_cast %broadcast_in_dim3A_369 : vector<16xf32> to vector<1x16xf32>
    tpu.vector_store %arg7[%swap3A_1582, %swap3A_1583], %swap3A_1586 {strides = array<i32>} : memref<33x128xf32, #tpu.memory_space<vmem>>, vector<1x16xf32>,
    %swap3A_1587 = arith.constant 25 : i32
    %swap3A_1588 = arith.index_cast %swap3A_1587 : i32 to index
    %swap3A_1589 = arith.constant 48 : index
    %swap3A_1590 = tpu.vector_load %arg7[%swap3A_1588, %swap3A_1589] {strides = array<i32>} : memref<33x128xf32, #tpu.memory_space<vmem>>, vector<1x16xf32>,
    %swap3A_1591 = vector.shape_cast %swap3A_1590 : vector<1x16xf32> to vector<16xf32>
    %swap3A_1592 = vector.shape_cast %broadcast_in_dim3A_369 : vector<16xf32> to vector<1x16xf32>
    tpu.vector_store %arg7[%swap3A_1588, %swap3A_1589], %swap3A_1592 {strides = array<i32>} : memref<33x128xf32, #tpu.memory_space<vmem>>, vector<1x16xf32>,
    %swap3A_1593 = arith.constant 25 : i32
    %swap3A_1594 = arith.index_cast %swap3A_1593 : i32 to index
    %swap3A_1595 = arith.constant 64 : index
    %swap3A_1596 = tpu.vector_load %arg7[%swap3A_1594, %swap3A_1595] {strides = array<i32>} : memref<33x128xf32, #tpu.memory_space<vmem>>, vector<1x16xf32>,
    %swap3A_1597 = vector.shape_cast %swap3A_1596 : vector<1x16xf32> to vector<16xf32>
    %swap3A_1598 = vector.shape_cast %broadcast_in_dim3A_369 : vector<16xf32> to vector<1x16xf32>
    tpu.vector_store %arg7[%swap3A_1594, %swap3A_1595], %swap3A_1598 {strides = array<i32>} : memref<33x128xf32, #tpu.memory_space<vmem>>, vector<1x16xf32>,
    %swap3A_1599 = arith.constant 25 : i32
    %swap3A_1600 = arith.index_cast %swap3A_1599 : i32 to index
    %swap3A_1601 = arith.constant 80 : index
    %swap3A_1602 = tpu.vector_load %arg7[%swap3A_1600, %swap3A_1601] {strides = array<i32>} : memref<33x128xf32, #tpu.memory_space<vmem>>, vector<1x16xf32>,
    %swap3A_1603 = vector.shape_cast %swap3A_1602 : vector<1x16xf32> to vector<16xf32>
    %swap3A_1604 = vector.shape_cast %broadcast_in_dim3A_369 : vector<16xf32> to vector<1x16xf32>
    tpu.vector_store %arg7[%swap3A_1600, %swap3A_1601], %swap3A_1604 {strides = array<i32>} : memref<33x128xf32, #tpu.memory_space<vmem>>, vector<1x16xf32>,
    %swap3A_1605 = arith.constant 25 : i32
    %swap3A_1606 = arith.index_cast %swap3A_1605 : i32 to index
    %swap3A_1607 = arith.constant 96 : index
    %swap3A_1608 = tpu.vector_load %arg7[%swap3A_1606, %swap3A_1607] {strides = array<i32>} : memref<33x128xf32, #tpu.memory_space<vmem>>, vector<1x16xf32>,
    %swap3A_1609 = vector.shape_cast %swap3A_1608 : vector<1x16xf32> to vector<16xf32>
    %swap3A_1610 = vector.shape_cast %broadcast_in_dim3A_369 : vector<16xf32> to vector<1x16xf32>
    tpu.vector_store %arg7[%swap3A_1606, %swap3A_1607], %swap3A_1610 {strides = array<i32>} : memref<33x128xf32, #tpu.memory_space<vmem>>, vector<1x16xf32>,
    %swap3A_1611 = arith.constant 25 : i32
    %swap3A_1612 = arith.index_cast %swap3A_1611 : i32 to index
    %swap3A_1613 = arith.constant 112 : index
    %swap3A_1614 = tpu.vector_load %arg7[%swap3A_1612, %swap3A_1613] {strides = array<i32>} : memref<33x128xf32, #tpu.memory_space<vmem>>, vector<1x16xf32>,
    %swap3A_1615 = vector.shape_cast %swap3A_1614 : vector<1x16xf32> to vector<16xf32>
    %swap3A_1616 = vector.shape_cast %broadcast_in_dim3A_369 : vector<16xf32> to vector<1x16xf32>
    tpu.vector_store %arg7[%swap3A_1612, %swap3A_1613], %swap3A_1616 {strides = array<i32>} : memref<33x128xf32, #tpu.memory_space<vmem>>, vector<1x16xf32>,
    %swap3A_1617 = arith.constant 26 : i32
    %swap3A_1618 = arith.index_cast %swap3A_1617 : i32 to index
    %swap3A_1619 = arith.constant 0 : index
    %swap3A_1620 = tpu.vector_load %arg7[%swap3A_1618, %swap3A_1619] {strides = array<i32>} : memref<33x128xf32, #tpu.memory_space<vmem>>, vector<1x16xf32>,
    %swap3A_1621 = vector.shape_cast %swap3A_1620 : vector<1x16xf32> to vector<16xf32>
    %swap3A_1622 = vector.shape_cast %broadcast_in_dim3A_369 : vector<16xf32> to vector<1x16xf32>
    tpu.vector_store %arg7[%swap3A_1618, %swap3A_1619], %swap3A_1622 {strides = array<i32>} : memref<33x128xf32, #tpu.memory_space<vmem>>, vector<1x16xf32>,
    %swap3A_1623 = arith.constant 26 : i32
    %swap3A_1624 = arith.index_cast %swap3A_1623 : i32 to index
    %swap3A_1625 = arith.constant 16 : index
    %swap3A_1626 = tpu.vector_load %arg7[%swap3A_1624, %swap3A_1625] {strides = array<i32>} : memref<33x128xf32, #tpu.memory_space<vmem>>, vector<1x16xf32>,
    %swap3A_1627 = vector.shape_cast %swap3A_1626 : vector<1x16xf32> to vector<16xf32>
    %swap3A_1628 = vector.shape_cast %broadcast_in_dim3A_369 : vector<16xf32> to vector<1x16xf32>
    tpu.vector_store %arg7[%swap3A_1624, %swap3A_1625], %swap3A_1628 {strides = array<i32>} : memref<33x128xf32, #tpu.memory_space<vmem>>, vector<1x16xf32>,
    %swap3A_1629 = arith.constant 26 : i32
    %swap3A_1630 = arith.index_cast %swap3A_1629 : i32 to index
    %swap3A_1631 = arith.constant 32 : index
    %swap3A_1632 = tpu.vector_load %arg7[%swap3A_1630, %swap3A_1631] {strides = array<i32>} : memref<33x128xf32, #tpu.memory_space<vmem>>, vector<1x16xf32>,
    %swap3A_1633 = vector.shape_cast %swap3A_1632 : vector<1x16xf32> to vector<16xf32>
    %swap3A_1634 = vector.shape_cast %broadcast_in_dim3A_369 : vector<16xf32> to vector<1x16xf32>
    tpu.vector_store %arg7[%swap3A_1630, %swap3A_1631], %swap3A_1634 {strides = array<i32>} : memref<33x128xf32, #tpu.memory_space<vmem>>, vector<1x16xf32>,
    %swap3A_1635 = arith.constant 26 : i32
    %swap3A_1636 = arith.index_cast %swap3A_1635 : i32 to index
    %swap3A_1637 = arith.constant 48 : index
    %swap3A_1638 = tpu.vector_load %arg7[%swap3A_1636, %swap3A_1637] {strides = array<i32>} : memref<33x128xf32, #tpu.memory_space<vmem>>, vector<1x16xf32>,
    %swap3A_1639 = vector.shape_cast %swap3A_1638 : vector<1x16xf32> to vector<16xf32>
    %swap3A_1640 = vector.shape_cast %broadcast_in_dim3A_369 : vector<16xf32> to vector<1x16xf32>
    tpu.vector_store %arg7[%swap3A_1636, %swap3A_1637], %swap3A_1640 {strides = array<i32>} : memref<33x128xf32, #tpu.memory_space<vmem>>, vector<1x16xf32>,
    %swap3A_1641 = arith.constant 26 : i32
    %swap3A_1642 = arith.index_cast %swap3A_1641 : i32 to index
    %swap3A_1643 = arith.constant 64 : index
    %swap3A_1644 = tpu.vector_load %arg7[%swap3A_1642, %swap3A_1643] {strides = array<i32>} : memref<33x128xf32, #tpu.memory_space<vmem>>, vector<1x16xf32>,
    %swap3A_1645 = vector.shape_cast %swap3A_1644 : vector<1x16xf32> to vector<16xf32>
    %swap3A_1646 = vector.shape_cast %broadcast_in_dim3A_369 : vector<16xf32> to vector<1x16xf32>
    tpu.vector_store %arg7[%swap3A_1642, %swap3A_1643], %swap3A_1646 {strides = array<i32>} : memref<33x128xf32, #tpu.memory_space<vmem>>, vector<1x16xf32>,
    %swap3A_1647 = arith.constant 26 : i32
    %swap3A_1648 = arith.index_cast %swap3A_1647 : i32 to index
    %swap3A_1649 = arith.constant 80 : index
    %swap3A_1650 = tpu.vector_load %arg7[%swap3A_1648, %swap3A_1649] {strides = array<i32>} : memref<33x128xf32, #tpu.memory_space<vmem>>, vector<1x16xf32>,
    %swap3A_1651 = vector.shape_cast %swap3A_1650 : vector<1x16xf32> to vector<16xf32>
    %swap3A_1652 = vector.shape_cast %broadcast_in_dim3A_369 : vector<16xf32> to vector<1x16xf32>
    tpu.vector_store %arg7[%swap3A_1648, %swap3A_1649], %swap3A_1652 {strides = array<i32>} : memref<33x128xf32, #tpu.memory_space<vmem>>, vector<1x16xf32>,
    %swap3A_1653 = arith.constant 26 : i32
    %swap3A_1654 = arith.index_cast %swap3A_1653 : i32 to index
    %swap3A_1655 = arith.constant 96 : index
    %swap3A_1656 = tpu.vector_load %arg7[%swap3A_1654, %swap3A_1655] {strides = array<i32>} : memref<33x128xf32, #tpu.memory_space<vmem>>, vector<1x16xf32>,
    %swap3A_1657 = vector.shape_cast %swap3A_1656 : vector<1x16xf32> to vector<16xf32>
    %swap3A_1658 = vector.shape_cast %broadcast_in_dim3A_369 : vector<16xf32> to vector<1x16xf32>
    tpu.vector_store %arg7[%swap3A_1654, %swap3A_1655], %swap3A_1658 {strides = array<i32>} : memref<33x128xf32, #tpu.memory_space<vmem>>, vector<1x16xf32>,
    %swap3A_1659 = arith.constant 26 : i32
    %swap3A_1660 = arith.index_cast %swap3A_1659 : i32 to index
    %swap3A_1661 = arith.constant 112 : index
    %swap3A_1662 = tpu.vector_load %arg7[%swap3A_1660, %swap3A_1661] {strides = array<i32>} : memref<33x128xf32, #tpu.memory_space<vmem>>, vector<1x16xf32>,
    %swap3A_1663 = vector.shape_cast %swap3A_1662 : vector<1x16xf32> to vector<16xf32>
    %swap3A_1664 = vector.shape_cast %broadcast_in_dim3A_369 : vector<16xf32> to vector<1x16xf32>
    tpu.vector_store %arg7[%swap3A_1660, %swap3A_1661], %swap3A_1664 {strides = array<i32>} : memref<33x128xf32, #tpu.memory_space<vmem>>, vector<1x16xf32>,
    %swap3A_1665 = arith.constant 27 : i32
    %swap3A_1666 = arith.index_cast %swap3A_1665 : i32 to index
    %swap3A_1667 = arith.constant 0 : index
    %swap3A_1668 = tpu.vector_load %arg7[%swap3A_1666, %swap3A_1667] {strides = array<i32>} : memref<33x128xf32, #tpu.memory_space<vmem>>, vector<1x16xf32>,
    %swap3A_1669 = vector.shape_cast %swap3A_1668 : vector<1x16xf32> to vector<16xf32>
    %swap3A_1670 = vector.shape_cast %broadcast_in_dim3A_369 : vector<16xf32> to vector<1x16xf32>
    tpu.vector_store %arg7[%swap3A_1666, %swap3A_1667], %swap3A_1670 {strides = array<i32>} : memref<33x128xf32, #tpu.memory_space<vmem>>, vector<1x16xf32>,
    %swap3A_1671 = arith.constant 27 : i32
    %swap3A_1672 = arith.index_cast %swap3A_1671 : i32 to index
    %swap3A_1673 = arith.constant 16 : index
    %swap3A_1674 = tpu.vector_load %arg7[%swap3A_1672, %swap3A_1673] {strides = array<i32>} : memref<33x128xf32, #tpu.memory_space<vmem>>, vector<1x16xf32>,
    %swap3A_1675 = vector.shape_cast %swap3A_1674 : vector<1x16xf32> to vector<16xf32>
    %swap3A_1676 = vector.shape_cast %broadcast_in_dim3A_369 : vector<16xf32> to vector<1x16xf32>
    tpu.vector_store %arg7[%swap3A_1672, %swap3A_1673], %swap3A_1676 {strides = array<i32>} : memref<33x128xf32, #tpu.memory_space<vmem>>, vector<1x16xf32>,
    %swap3A_1677 = arith.constant 27 : i32
    %swap3A_1678 = arith.index_cast %swap3A_1677 : i32 to index
    %swap3A_1679 = arith.constant 32 : index
    %swap3A_1680 = tpu.vector_load %arg7[%swap3A_1678, %swap3A_1679] {strides = array<i32>} : memref<33x128xf32, #tpu.memory_space<vmem>>, vector<1x16xf32>,
    %swap3A_1681 = vector.shape_cast %swap3A_1680 : vector<1x16xf32> to vector<16xf32>
    %swap3A_1682 = vector.shape_cast %broadcast_in_dim3A_369 : vector<16xf32> to vector<1x16xf32>
    tpu.vector_store %arg7[%swap3A_1678, %swap3A_1679], %swap3A_1682 {strides = array<i32>} : memref<33x128xf32, #tpu.memory_space<vmem>>, vector<1x16xf32>,
    %swap3A_1683 = arith.constant 27 : i32
    %swap3A_1684 = arith.index_cast %swap3A_1683 : i32 to index
    %swap3A_1685 = arith.constant 48 : index
    %swap3A_1686 = tpu.vector_load %arg7[%swap3A_1684, %swap3A_1685] {strides = array<i32>} : memref<33x128xf32, #tpu.memory_space<vmem>>, vector<1x16xf32>,
    %swap3A_1687 = vector.shape_cast %swap3A_1686 : vector<1x16xf32> to vector<16xf32>
    %swap3A_1688 = vector.shape_cast %broadcast_in_dim3A_369 : vector<16xf32> to vector<1x16xf32>
    tpu.vector_store %arg7[%swap3A_1684, %swap3A_1685], %swap3A_1688 {strides = array<i32>} : memref<33x128xf32, #tpu.memory_space<vmem>>, vector<1x16xf32>,
    %swap3A_1689 = arith.constant 27 : i32
    %swap3A_1690 = arith.index_cast %swap3A_1689 : i32 to index
    %swap3A_1691 = arith.constant 64 : index
    %swap3A_1692 = tpu.vector_load %arg7[%swap3A_1690, %swap3A_1691] {strides = array<i32>} : memref<33x128xf32, #tpu.memory_space<vmem>>, vector<1x16xf32>,
    %swap3A_1693 = vector.shape_cast %swap3A_1692 : vector<1x16xf32> to vector<16xf32>
    %swap3A_1694 = vector.shape_cast %broadcast_in_dim3A_369 : vector<16xf32> to vector<1x16xf32>
    tpu.vector_store %arg7[%swap3A_1690, %swap3A_1691], %swap3A_1694 {strides = array<i32>} : memref<33x128xf32, #tpu.memory_space<vmem>>, vector<1x16xf32>,
    %swap3A_1695 = arith.constant 27 : i32
    %swap3A_1696 = arith.index_cast %swap3A_1695 : i32 to index
    %swap3A_1697 = arith.constant 80 : index
    %swap3A_1698 = tpu.vector_load %arg7[%swap3A_1696, %swap3A_1697] {strides = array<i32>} : memref<33x128xf32, #tpu.memory_space<vmem>>, vector<1x16xf32>,
    %swap3A_1699 = vector.shape_cast %swap3A_1698 : vector<1x16xf32> to vector<16xf32>
    %swap3A_1700 = vector.shape_cast %broadcast_in_dim3A_369 : vector<16xf32> to vector<1x16xf32>
    tpu.vector_store %arg7[%swap3A_1696, %swap3A_1697], %swap3A_1700 {strides = array<i32>} : memref<33x128xf32, #tpu.memory_space<vmem>>, vector<1x16xf32>,
    %swap3A_1701 = arith.constant 27 : i32
    %swap3A_1702 = arith.index_cast %swap3A_1701 : i32 to index
    %swap3A_1703 = arith.constant 96 : index
    %swap3A_1704 = tpu.vector_load %arg7[%swap3A_1702, %swap3A_1703] {strides = array<i32>} : memref<33x128xf32, #tpu.memory_space<vmem>>, vector<1x16xf32>,
    %swap3A_1705 = vector.shape_cast %swap3A_1704 : vector<1x16xf32> to vector<16xf32>
    %swap3A_1706 = vector.shape_cast %broadcast_in_dim3A_369 : vector<16xf32> to vector<1x16xf32>
    tpu.vector_store %arg7[%swap3A_1702, %swap3A_1703], %swap3A_1706 {strides = array<i32>} : memref<33x128xf32, #tpu.memory_space<vmem>>, vector<1x16xf32>,
    %swap3A_1707 = arith.constant 27 : i32
    %swap3A_1708 = arith.index_cast %swap3A_1707 : i32 to index
    %swap3A_1709 = arith.constant 112 : index
    %swap3A_1710 = tpu.vector_load %arg7[%swap3A_1708, %swap3A_1709] {strides = array<i32>} : memref<33x128xf32, #tpu.memory_space<vmem>>, vector<1x16xf32>,
    %swap3A_1711 = vector.shape_cast %swap3A_1710 : vector<1x16xf32> to vector<16xf32>
    %swap3A_1712 = vector.shape_cast %broadcast_in_dim3A_369 : vector<16xf32> to vector<1x16xf32>
    tpu.vector_store %arg7[%swap3A_1708, %swap3A_1709], %swap3A_1712 {strides = array<i32>} : memref<33x128xf32, #tpu.memory_space<vmem>>, vector<1x16xf32>,
    %swap3A_1713 = arith.constant 28 : i32
    %swap3A_1714 = arith.index_cast %swap3A_1713 : i32 to index
    %swap3A_1715 = arith.constant 0 : index
    %swap3A_1716 = tpu.vector_load %arg7[%swap3A_1714, %swap3A_1715] {strides = array<i32>} : memref<33x128xf32, #tpu.memory_space<vmem>>, vector<1x16xf32>,
    %swap3A_1717 = vector.shape_cast %swap3A_1716 : vector<1x16xf32> to vector<16xf32>
    %swap3A_1718 = vector.shape_cast %broadcast_in_dim3A_369 : vector<16xf32> to vector<1x16xf32>
    tpu.vector_store %arg7[%swap3A_1714, %swap3A_1715], %swap3A_1718 {strides = array<i32>} : memref<33x128xf32, #tpu.memory_space<vmem>>, vector<1x16xf32>,
    %swap3A_1719 = arith.constant 28 : i32
    %swap3A_1720 = arith.index_cast %swap3A_1719 : i32 to index
    %swap3A_1721 = arith.constant 16 : index
    %swap3A_1722 = tpu.vector_load %arg7[%swap3A_1720, %swap3A_1721] {strides = array<i32>} : memref<33x128xf32, #tpu.memory_space<vmem>>, vector<1x16xf32>,
    %swap3A_1723 = vector.shape_cast %swap3A_1722 : vector<1x16xf32> to vector<16xf32>
    %swap3A_1724 = vector.shape_cast %broadcast_in_dim3A_369 : vector<16xf32> to vector<1x16xf32>
    tpu.vector_store %arg7[%swap3A_1720, %swap3A_1721], %swap3A_1724 {strides = array<i32>} : memref<33x128xf32, #tpu.memory_space<vmem>>, vector<1x16xf32>,
    %swap3A_1725 = arith.constant 28 : i32
    %swap3A_1726 = arith.index_cast %swap3A_1725 : i32 to index
    %swap3A_1727 = arith.constant 32 : index
    %swap3A_1728 = tpu.vector_load %arg7[%swap3A_1726, %swap3A_1727] {strides = array<i32>} : memref<33x128xf32, #tpu.memory_space<vmem>>, vector<1x16xf32>,
    %swap3A_1729 = vector.shape_cast %swap3A_1728 : vector<1x16xf32> to vector<16xf32>
    %swap3A_1730 = vector.shape_cast %broadcast_in_dim3A_369 : vector<16xf32> to vector<1x16xf32>
    tpu.vector_store %arg7[%swap3A_1726, %swap3A_1727], %swap3A_1730 {strides = array<i32>} : memref<33x128xf32, #tpu.memory_space<vmem>>, vector<1x16xf32>,
    %swap3A_1731 = arith.constant 28 : i32
    %swap3A_1732 = arith.index_cast %swap3A_1731 : i32 to index
    %swap3A_1733 = arith.constant 48 : index
    %swap3A_1734 = tpu.vector_load %arg7[%swap3A_1732, %swap3A_1733] {strides = array<i32>} : memref<33x128xf32, #tpu.memory_space<vmem>>, vector<1x16xf32>,
    %swap3A_1735 = vector.shape_cast %swap3A_1734 : vector<1x16xf32> to vector<16xf32>
    %swap3A_1736 = vector.shape_cast %broadcast_in_dim3A_369 : vector<16xf32> to vector<1x16xf32>
    tpu.vector_store %arg7[%swap3A_1732, %swap3A_1733], %swap3A_1736 {strides = array<i32>} : memref<33x128xf32, #tpu.memory_space<vmem>>, vector<1x16xf32>,
    %swap3A_1737 = arith.constant 28 : i32
    %swap3A_1738 = arith.index_cast %swap3A_1737 : i32 to index
    %swap3A_1739 = arith.constant 64 : index
    %swap3A_1740 = tpu.vector_load %arg7[%swap3A_1738, %swap3A_1739] {strides = array<i32>} : memref<33x128xf32, #tpu.memory_space<vmem>>, vector<1x16xf32>,
    %swap3A_1741 = vector.shape_cast %swap3A_1740 : vector<1x16xf32> to vector<16xf32>
    %swap3A_1742 = vector.shape_cast %broadcast_in_dim3A_369 : vector<16xf32> to vector<1x16xf32>
    tpu.vector_store %arg7[%swap3A_1738, %swap3A_1739], %swap3A_1742 {strides = array<i32>} : memref<33x128xf32, #tpu.memory_space<vmem>>, vector<1x16xf32>,
    %swap3A_1743 = arith.constant 28 : i32
    %swap3A_1744 = arith.index_cast %swap3A_1743 : i32 to index
    %swap3A_1745 = arith.constant 80 : index
    %swap3A_1746 = tpu.vector_load %arg7[%swap3A_1744, %swap3A_1745] {strides = array<i32>} : memref<33x128xf32, #tpu.memory_space<vmem>>, vector<1x16xf32>,
    %swap3A_1747 = vector.shape_cast %swap3A_1746 : vector<1x16xf32> to vector<16xf32>
    %swap3A_1748 = vector.shape_cast %broadcast_in_dim3A_369 : vector<16xf32> to vector<1x16xf32>
    tpu.vector_store %arg7[%swap3A_1744, %swap3A_1745], %swap3A_1748 {strides = array<i32>} : memref<33x128xf32, #tpu.memory_space<vmem>>, vector<1x16xf32>,
    %swap3A_1749 = arith.constant 28 : i32
    %swap3A_1750 = arith.index_cast %swap3A_1749 : i32 to index
    %swap3A_1751 = arith.constant 96 : index
    %swap3A_1752 = tpu.vector_load %arg7[%swap3A_1750, %swap3A_1751] {strides = array<i32>} : memref<33x128xf32, #tpu.memory_space<vmem>>, vector<1x16xf32>,
    %swap3A_1753 = vector.shape_cast %swap3A_1752 : vector<1x16xf32> to vector<16xf32>
    %swap3A_1754 = vector.shape_cast %broadcast_in_dim3A_369 : vector<16xf32> to vector<1x16xf32>
    tpu.vector_store %arg7[%swap3A_1750, %swap3A_1751], %swap3A_1754 {strides = array<i32>} : memref<33x128xf32, #tpu.memory_space<vmem>>, vector<1x16xf32>,
    %swap3A_1755 = arith.constant 28 : i32
    %swap3A_1756 = arith.index_cast %swap3A_1755 : i32 to index
    %swap3A_1757 = arith.constant 112 : index
    %swap3A_1758 = tpu.vector_load %arg7[%swap3A_1756, %swap3A_1757] {strides = array<i32>} : memref<33x128xf32, #tpu.memory_space<vmem>>, vector<1x16xf32>,
    %swap3A_1759 = vector.shape_cast %swap3A_1758 : vector<1x16xf32> to vector<16xf32>
    %swap3A_1760 = vector.shape_cast %broadcast_in_dim3A_369 : vector<16xf32> to vector<1x16xf32>
    tpu.vector_store %arg7[%swap3A_1756, %swap3A_1757], %swap3A_1760 {strides = array<i32>} : memref<33x128xf32, #tpu.memory_space<vmem>>, vector<1x16xf32>,
    %swap3A_1761 = arith.constant 29 : i32
    %swap3A_1762 = arith.index_cast %swap3A_1761 : i32 to index
    %swap3A_1763 = arith.constant 0 : index
    %swap3A_1764 = tpu.vector_load %arg7[%swap3A_1762, %swap3A_1763] {strides = array<i32>} : memref<33x128xf32, #tpu.memory_space<vmem>>, vector<1x16xf32>,
    %swap3A_1765 = vector.shape_cast %swap3A_1764 : vector<1x16xf32> to vector<16xf32>
    %swap3A_1766 = vector.shape_cast %broadcast_in_dim3A_369 : vector<16xf32> to vector<1x16xf32>
    tpu.vector_store %arg7[%swap3A_1762, %swap3A_1763], %swap3A_1766 {strides = array<i32>} : memref<33x128xf32, #tpu.memory_space<vmem>>, vector<1x16xf32>,
    %swap3A_1767 = arith.constant 29 : i32
    %swap3A_1768 = arith.index_cast %swap3A_1767 : i32 to index
    %swap3A_1769 = arith.constant 16 : index
    %swap3A_1770 = tpu.vector_load %arg7[%swap3A_1768, %swap3A_1769] {strides = array<i32>} : memref<33x128xf32, #tpu.memory_space<vmem>>, vector<1x16xf32>,
    %swap3A_1771 = vector.shape_cast %swap3A_1770 : vector<1x16xf32> to vector<16xf32>
    %swap3A_1772 = vector.shape_cast %broadcast_in_dim3A_369 : vector<16xf32> to vector<1x16xf32>
    tpu.vector_store %arg7[%swap3A_1768, %swap3A_1769], %swap3A_1772 {strides = array<i32>} : memref<33x128xf32, #tpu.memory_space<vmem>>, vector<1x16xf32>,
    %swap3A_1773 = arith.constant 29 : i32
    %swap3A_1774 = arith.index_cast %swap3A_1773 : i32 to index
    %swap3A_1775 = arith.constant 32 : index
    %swap3A_1776 = tpu.vector_load %arg7[%swap3A_1774, %swap3A_1775] {strides = array<i32>} : memref<33x128xf32, #tpu.memory_space<vmem>>, vector<1x16xf32>,
    %swap3A_1777 = vector.shape_cast %swap3A_1776 : vector<1x16xf32> to vector<16xf32>
    %swap3A_1778 = vector.shape_cast %broadcast_in_dim3A_369 : vector<16xf32> to vector<1x16xf32>
    tpu.vector_store %arg7[%swap3A_1774, %swap3A_1775], %swap3A_1778 {strides = array<i32>} : memref<33x128xf32, #tpu.memory_space<vmem>>, vector<1x16xf32>,
    %swap3A_1779 = arith.constant 29 : i32
    %swap3A_1780 = arith.index_cast %swap3A_1779 : i32 to index
    %swap3A_1781 = arith.constant 48 : index
    %swap3A_1782 = tpu.vector_load %arg7[%swap3A_1780, %swap3A_1781] {strides = array<i32>} : memref<33x128xf32, #tpu.memory_space<vmem>>, vector<1x16xf32>,
    %swap3A_1783 = vector.shape_cast %swap3A_1782 : vector<1x16xf32> to vector<16xf32>
    %swap3A_1784 = vector.shape_cast %broadcast_in_dim3A_369 : vector<16xf32> to vector<1x16xf32>
    tpu.vector_store %arg7[%swap3A_1780, %swap3A_1781], %swap3A_1784 {strides = array<i32>} : memref<33x128xf32, #tpu.memory_space<vmem>>, vector<1x16xf32>,
    %swap3A_1785 = arith.constant 29 : i32
    %swap3A_1786 = arith.index_cast %swap3A_1785 : i32 to index
    %swap3A_1787 = arith.constant 64 : index
    %swap3A_1788 = tpu.vector_load %arg7[%swap3A_1786, %swap3A_1787] {strides = array<i32>} : memref<33x128xf32, #tpu.memory_space<vmem>>, vector<1x16xf32>,
    %swap3A_1789 = vector.shape_cast %swap3A_1788 : vector<1x16xf32> to vector<16xf32>
    %swap3A_1790 = vector.shape_cast %broadcast_in_dim3A_369 : vector<16xf32> to vector<1x16xf32>
    tpu.vector_store %arg7[%swap3A_1786, %swap3A_1787], %swap3A_1790 {strides = array<i32>} : memref<33x128xf32, #tpu.memory_space<vmem>>, vector<1x16xf32>,
    %swap3A_1791 = arith.constant 29 : i32
    %swap3A_1792 = arith.index_cast %swap3A_1791 : i32 to index
    %swap3A_1793 = arith.constant 80 : index
    %swap3A_1794 = tpu.vector_load %arg7[%swap3A_1792, %swap3A_1793] {strides = array<i32>} : memref<33x128xf32, #tpu.memory_space<vmem>>, vector<1x16xf32>,
    %swap3A_1795 = vector.shape_cast %swap3A_1794 : vector<1x16xf32> to vector<16xf32>
    %swap3A_1796 = vector.shape_cast %broadcast_in_dim3A_369 : vector<16xf32> to vector<1x16xf32>
    tpu.vector_store %arg7[%swap3A_1792, %swap3A_1793], %swap3A_1796 {strides = array<i32>} : memref<33x128xf32, #tpu.memory_space<vmem>>, vector<1x16xf32>,
    %swap3A_1797 = arith.constant 29 : i32
    %swap3A_1798 = arith.index_cast %swap3A_1797 : i32 to index
    %swap3A_1799 = arith.constant 96 : index
    %swap3A_1800 = tpu.vector_load %arg7[%swap3A_1798, %swap3A_1799] {strides = array<i32>} : memref<33x128xf32, #tpu.memory_space<vmem>>, vector<1x16xf32>,
    %swap3A_1801 = vector.shape_cast %swap3A_1800 : vector<1x16xf32> to vector<16xf32>
    %swap3A_1802 = vector.shape_cast %broadcast_in_dim3A_369 : vector<16xf32> to vector<1x16xf32>
    tpu.vector_store %arg7[%swap3A_1798, %swap3A_1799], %swap3A_1802 {strides = array<i32>} : memref<33x128xf32, #tpu.memory_space<vmem>>, vector<1x16xf32>,
    %swap3A_1803 = arith.constant 29 : i32
    %swap3A_1804 = arith.index_cast %swap3A_1803 : i32 to index
    %swap3A_1805 = arith.constant 112 : index
    %swap3A_1806 = tpu.vector_load %arg7[%swap3A_1804, %swap3A_1805] {strides = array<i32>} : memref<33x128xf32, #tpu.memory_space<vmem>>, vector<1x16xf32>,
    %swap3A_1807 = vector.shape_cast %swap3A_1806 : vector<1x16xf32> to vector<16xf32>
    %swap3A_1808 = vector.shape_cast %broadcast_in_dim3A_369 : vector<16xf32> to vector<1x16xf32>
    tpu.vector_store %arg7[%swap3A_1804, %swap3A_1805], %swap3A_1808 {strides = array<i32>} : memref<33x128xf32, #tpu.memory_space<vmem>>, vector<1x16xf32>,
    %swap3A_1809 = arith.constant 30 : i32
    %swap3A_1810 = arith.index_cast %swap3A_1809 : i32 to index
    %swap3A_1811 = arith.constant 0 : index
    %swap3A_1812 = tpu.vector_load %arg7[%swap3A_1810, %swap3A_1811] {strides = array<i32>} : memref<33x128xf32, #tpu.memory_space<vmem>>, vector<1x16xf32>,
    %swap3A_1813 = vector.shape_cast %swap3A_1812 : vector<1x16xf32> to vector<16xf32>
    %swap3A_1814 = vector.shape_cast %broadcast_in_dim3A_369 : vector<16xf32> to vector<1x16xf32>
    tpu.vector_store %arg7[%swap3A_1810, %swap3A_1811], %swap3A_1814 {strides = array<i32>} : memref<33x128xf32, #tpu.memory_space<vmem>>, vector<1x16xf32>,
    %swap3A_1815 = arith.constant 30 : i32
    %swap3A_1816 = arith.index_cast %swap3A_1815 : i32 to index
    %swap3A_1817 = arith.constant 16 : index
    %swap3A_1818 = tpu.vector_load %arg7[%swap3A_1816, %swap3A_1817] {strides = array<i32>} : memref<33x128xf32, #tpu.memory_space<vmem>>, vector<1x16xf32>,
    %swap3A_1819 = vector.shape_cast %swap3A_1818 : vector<1x16xf32> to vector<16xf32>
    %swap3A_1820 = vector.shape_cast %broadcast_in_dim3A_369 : vector<16xf32> to vector<1x16xf32>
    tpu.vector_store %arg7[%swap3A_1816, %swap3A_1817], %swap3A_1820 {strides = array<i32>} : memref<33x128xf32, #tpu.memory_space<vmem>>, vector<1x16xf32>,
    %swap3A_1821 = arith.constant 30 : i32
    %swap3A_1822 = arith.index_cast %swap3A_1821 : i32 to index
    %swap3A_1823 = arith.constant 32 : index
    %swap3A_1824 = tpu.vector_load %arg7[%swap3A_1822, %swap3A_1823] {strides = array<i32>} : memref<33x128xf32, #tpu.memory_space<vmem>>, vector<1x16xf32>,
    %swap3A_1825 = vector.shape_cast %swap3A_1824 : vector<1x16xf32> to vector<16xf32>
    %swap3A_1826 = vector.shape_cast %broadcast_in_dim3A_369 : vector<16xf32> to vector<1x16xf32>
    tpu.vector_store %arg7[%swap3A_1822, %swap3A_1823], %swap3A_1826 {strides = array<i32>} : memref<33x128xf32, #tpu.memory_space<vmem>>, vector<1x16xf32>,
    %swap3A_1827 = arith.constant 30 : i32
    %swap3A_1828 = arith.index_cast %swap3A_1827 : i32 to index
    %swap3A_1829 = arith.constant 48 : index
    %swap3A_1830 = tpu.vector_load %arg7[%swap3A_1828, %swap3A_1829] {strides = array<i32>} : memref<33x128xf32, #tpu.memory_space<vmem>>, vector<1x16xf32>,
    %swap3A_1831 = vector.shape_cast %swap3A_1830 : vector<1x16xf32> to vector<16xf32>
    %swap3A_1832 = vector.shape_cast %broadcast_in_dim3A_369 : vector<16xf32> to vector<1x16xf32>
    tpu.vector_store %arg7[%swap3A_1828, %swap3A_1829], %swap3A_1832 {strides = array<i32>} : memref<33x128xf32, #tpu.memory_space<vmem>>, vector<1x16xf32>,
    %swap3A_1833 = arith.constant 30 : i32
    %swap3A_1834 = arith.index_cast %swap3A_1833 : i32 to index
    %swap3A_1835 = arith.constant 64 : index
    %swap3A_1836 = tpu.vector_load %arg7[%swap3A_1834, %swap3A_1835] {strides = array<i32>} : memref<33x128xf32, #tpu.memory_space<vmem>>, vector<1x16xf32>,
    %swap3A_1837 = vector.shape_cast %swap3A_1836 : vector<1x16xf32> to vector<16xf32>
    %swap3A_1838 = vector.shape_cast %broadcast_in_dim3A_369 : vector<16xf32> to vector<1x16xf32>
    tpu.vector_store %arg7[%swap3A_1834, %swap3A_1835], %swap3A_1838 {strides = array<i32>} : memref<33x128xf32, #tpu.memory_space<vmem>>, vector<1x16xf32>,
    %swap3A_1839 = arith.constant 30 : i32
    %swap3A_1840 = arith.index_cast %swap3A_1839 : i32 to index
    %swap3A_1841 = arith.constant 80 : index
    %swap3A_1842 = tpu.vector_load %arg7[%swap3A_1840, %swap3A_1841] {strides = array<i32>} : memref<33x128xf32, #tpu.memory_space<vmem>>, vector<1x16xf32>,
    %swap3A_1843 = vector.shape_cast %swap3A_1842 : vector<1x16xf32> to vector<16xf32>
    %swap3A_1844 = vector.shape_cast %broadcast_in_dim3A_369 : vector<16xf32> to vector<1x16xf32>
    tpu.vector_store %arg7[%swap3A_1840, %swap3A_1841], %swap3A_1844 {strides = array<i32>} : memref<33x128xf32, #tpu.memory_space<vmem>>, vector<1x16xf32>,
    %swap3A_1845 = arith.constant 30 : i32
    %swap3A_1846 = arith.index_cast %swap3A_1845 : i32 to index
    %swap3A_1847 = arith.constant 96 : index
    %swap3A_1848 = tpu.vector_load %arg7[%swap3A_1846, %swap3A_1847] {strides = array<i32>} : memref<33x128xf32, #tpu.memory_space<vmem>>, vector<1x16xf32>,
    %swap3A_1849 = vector.shape_cast %swap3A_1848 : vector<1x16xf32> to vector<16xf32>
    %swap3A_1850 = vector.shape_cast %broadcast_in_dim3A_369 : vector<16xf32> to vector<1x16xf32>
    tpu.vector_store %arg7[%swap3A_1846, %swap3A_1847], %swap3A_1850 {strides = array<i32>} : memref<33x128xf32, #tpu.memory_space<vmem>>, vector<1x16xf32>,
    %swap3A_1851 = arith.constant 30 : i32
    %swap3A_1852 = arith.index_cast %swap3A_1851 : i32 to index
    %swap3A_1853 = arith.constant 112 : index
    %swap3A_1854 = tpu.vector_load %arg7[%swap3A_1852, %swap3A_1853] {strides = array<i32>} : memref<33x128xf32, #tpu.memory_space<vmem>>, vector<1x16xf32>,
    %swap3A_1855 = vector.shape_cast %swap3A_1854 : vector<1x16xf32> to vector<16xf32>
    %swap3A_1856 = vector.shape_cast %broadcast_in_dim3A_369 : vector<16xf32> to vector<1x16xf32>
    tpu.vector_store %arg7[%swap3A_1852, %swap3A_1853], %swap3A_1856 {strides = array<i32>} : memref<33x128xf32, #tpu.memory_space<vmem>>, vector<1x16xf32>,
    %swap3A_1857 = arith.constant 31 : i32
    %swap3A_1858 = arith.index_cast %swap3A_1857 : i32 to index
    %swap3A_1859 = arith.constant 0 : index
    %swap3A_1860 = tpu.vector_load %arg7[%swap3A_1858, %swap3A_1859] {strides = array<i32>} : memref<33x128xf32, #tpu.memory_space<vmem>>, vector<1x16xf32>,
    %swap3A_1861 = vector.shape_cast %swap3A_1860 : vector<1x16xf32> to vector<16xf32>
    %swap3A_1862 = vector.shape_cast %broadcast_in_dim3A_369 : vector<16xf32> to vector<1x16xf32>
    tpu.vector_store %arg7[%swap3A_1858, %swap3A_1859], %swap3A_1862 {strides = array<i32>} : memref<33x128xf32, #tpu.memory_space<vmem>>, vector<1x16xf32>,
    %swap3A_1863 = arith.constant 31 : i32
    %swap3A_1864 = arith.index_cast %swap3A_1863 : i32 to index
    %swap3A_1865 = arith.constant 16 : index
    %swap3A_1866 = tpu.vector_load %arg7[%swap3A_1864, %swap3A_1865] {strides = array<i32>} : memref<33x128xf32, #tpu.memory_space<vmem>>, vector<1x16xf32>,
    %swap3A_1867 = vector.shape_cast %swap3A_1866 : vector<1x16xf32> to vector<16xf32>
    %swap3A_1868 = vector.shape_cast %broadcast_in_dim3A_369 : vector<16xf32> to vector<1x16xf32>
    tpu.vector_store %arg7[%swap3A_1864, %swap3A_1865], %swap3A_1868 {strides = array<i32>} : memref<33x128xf32, #tpu.memory_space<vmem>>, vector<1x16xf32>,
    %swap3A_1869 = arith.constant 31 : i32
    %swap3A_1870 = arith.index_cast %swap3A_1869 : i32 to index
    %swap3A_1871 = arith.constant 32 : index
    %swap3A_1872 = tpu.vector_load %arg7[%swap3A_1870, %swap3A_1871] {strides = array<i32>} : memref<33x128xf32, #tpu.memory_space<vmem>>, vector<1x16xf32>,
    %swap3A_1873 = vector.shape_cast %swap3A_1872 : vector<1x16xf32> to vector<16xf32>
    %swap3A_1874 = vector.shape_cast %broadcast_in_dim3A_369 : vector<16xf32> to vector<1x16xf32>
    tpu.vector_store %arg7[%swap3A_1870, %swap3A_1871], %swap3A_1874 {strides = array<i32>} : memref<33x128xf32, #tpu.memory_space<vmem>>, vector<1x16xf32>,
    %swap3A_1875 = arith.constant 31 : i32
    %swap3A_1876 = arith.index_cast %swap3A_1875 : i32 to index
    %swap3A_1877 = arith.constant 48 : index
    %swap3A_1878 = tpu.vector_load %arg7[%swap3A_1876, %swap3A_1877] {strides = array<i32>} : memref<33x128xf32, #tpu.memory_space<vmem>>, vector<1x16xf32>,
    %swap3A_1879 = vector.shape_cast %swap3A_1878 : vector<1x16xf32> to vector<16xf32>
    %swap3A_1880 = vector.shape_cast %broadcast_in_dim3A_369 : vector<16xf32> to vector<1x16xf32>
    tpu.vector_store %arg7[%swap3A_1876, %swap3A_1877], %swap3A_1880 {strides = array<i32>} : memref<33x128xf32, #tpu.memory_space<vmem>>, vector<1x16xf32>,
    %swap3A_1881 = arith.constant 31 : i32
    %swap3A_1882 = arith.index_cast %swap3A_1881 : i32 to index
    %swap3A_1883 = arith.constant 64 : index
    %swap3A_1884 = tpu.vector_load %arg7[%swap3A_1882, %swap3A_1883] {strides = array<i32>} : memref<33x128xf32, #tpu.memory_space<vmem>>, vector<1x16xf32>,
    %swap3A_1885 = vector.shape_cast %swap3A_1884 : vector<1x16xf32> to vector<16xf32>
    %swap3A_1886 = vector.shape_cast %broadcast_in_dim3A_369 : vector<16xf32> to vector<1x16xf32>
    tpu.vector_store %arg7[%swap3A_1882, %swap3A_1883], %swap3A_1886 {strides = array<i32>} : memref<33x128xf32, #tpu.memory_space<vmem>>, vector<1x16xf32>,
    %swap3A_1887 = arith.constant 31 : i32
    %swap3A_1888 = arith.index_cast %swap3A_1887 : i32 to index
    %swap3A_1889 = arith.constant 80 : index
    %swap3A_1890 = tpu.vector_load %arg7[%swap3A_1888, %swap3A_1889] {strides = array<i32>} : memref<33x128xf32, #tpu.memory_space<vmem>>, vector<1x16xf32>,
    %swap3A_1891 = vector.shape_cast %swap3A_1890 : vector<1x16xf32> to vector<16xf32>
    %swap3A_1892 = vector.shape_cast %broadcast_in_dim3A_369 : vector<16xf32> to vector<1x16xf32>
    tpu.vector_store %arg7[%swap3A_1888, %swap3A_1889], %swap3A_1892 {strides = array<i32>} : memref<33x128xf32, #tpu.memory_space<vmem>>, vector<1x16xf32>,
    %swap3A_1893 = arith.constant 31 : i32
    %swap3A_1894 = arith.index_cast %swap3A_1893 : i32 to index
    %swap3A_1895 = arith.constant 96 : index
    %swap3A_1896 = tpu.vector_load %arg7[%swap3A_1894, %swap3A_1895] {strides = array<i32>} : memref<33x128xf32, #tpu.memory_space<vmem>>, vector<1x16xf32>,
    %swap3A_1897 = vector.shape_cast %swap3A_1896 : vector<1x16xf32> to vector<16xf32>
    %swap3A_1898 = vector.shape_cast %broadcast_in_dim3A_369 : vector<16xf32> to vector<1x16xf32>
    tpu.vector_store %arg7[%swap3A_1894, %swap3A_1895], %swap3A_1898 {strides = array<i32>} : memref<33x128xf32, #tpu.memory_space<vmem>>, vector<1x16xf32>,
    %swap3A_1899 = arith.constant 31 : i32
    %swap3A_1900 = arith.index_cast %swap3A_1899 : i32 to index
    %swap3A_1901 = arith.constant 112 : index
    %swap3A_1902 = tpu.vector_load %arg7[%swap3A_1900, %swap3A_1901] {strides = array<i32>} : memref<33x128xf32, #tpu.memory_space<vmem>>, vector<1x16xf32>,
    %swap3A_1903 = vector.shape_cast %swap3A_1902 : vector<1x16xf32> to vector<16xf32>
    %swap3A_1904 = vector.shape_cast %broadcast_in_dim3A_369 : vector<16xf32> to vector<1x16xf32>
    tpu.vector_store %arg7[%swap3A_1900, %swap3A_1901], %swap3A_1904 {strides = array<i32>} : memref<33x128xf32, #tpu.memory_space<vmem>>, vector<1x16xf32>,
    %swap3A_1905 = arith.constant 32 : i32
    %swap3A_1906 = arith.index_cast %swap3A_1905 : i32 to index
    %swap3A_1907 = arith.constant 0 : index
    %swap3A_1908 = tpu.vector_load %arg7[%swap3A_1906, %swap3A_1907] {strides = array<i32>} : memref<33x128xf32, #tpu.memory_space<vmem>>, vector<1x16xf32>,
    %swap3A_1909 = vector.shape_cast %swap3A_1908 : vector<1x16xf32> to vector<16xf32>
    %swap3A_1910 = vector.shape_cast %broadcast_in_dim3A_369 : vector<16xf32> to vector<1x16xf32>
    tpu.vector_store %arg7[%swap3A_1906, %swap3A_1907], %swap3A_1910 {strides = array<i32>} : memref<33x128xf32, #tpu.memory_space<vmem>>, vector<1x16xf32>,
    %swap3A_1911 = arith.constant 32 : i32
    %swap3A_1912 = arith.index_cast %swap3A_1911 : i32 to index
    %swap3A_1913 = arith.constant 16 : index
    %swap3A_1914 = tpu.vector_load %arg7[%swap3A_1912, %swap3A_1913] {strides = array<i32>} : memref<33x128xf32, #tpu.memory_space<vmem>>, vector<1x16xf32>,
    %swap3A_1915 = vector.shape_cast %swap3A_1914 : vector<1x16xf32> to vector<16xf32>
    %swap3A_1916 = vector.shape_cast %broadcast_in_dim3A_369 : vector<16xf32> to vector<1x16xf32>
    tpu.vector_store %arg7[%swap3A_1912, %swap3A_1913], %swap3A_1916 {strides = array<i32>} : memref<33x128xf32, #tpu.memory_space<vmem>>, vector<1x16xf32>,
    %swap3A_1917 = arith.constant 32 : i32
    %swap3A_1918 = arith.index_cast %swap3A_1917 : i32 to index
    %swap3A_1919 = arith.constant 32 : index
    %swap3A_1920 = tpu.vector_load %arg7[%swap3A_1918, %swap3A_1919] {strides = array<i32>} : memref<33x128xf32, #tpu.memory_space<vmem>>, vector<1x16xf32>,
    %swap3A_1921 = vector.shape_cast %swap3A_1920 : vector<1x16xf32> to vector<16xf32>
    %swap3A_1922 = vector.shape_cast %broadcast_in_dim3A_369 : vector<16xf32> to vector<1x16xf32>
    tpu.vector_store %arg7[%swap3A_1918, %swap3A_1919], %swap3A_1922 {strides = array<i32>} : memref<33x128xf32, #tpu.memory_space<vmem>>, vector<1x16xf32>,
    %swap3A_1923 = arith.constant 32 : i32
    %swap3A_1924 = arith.index_cast %swap3A_1923 : i32 to index
    %swap3A_1925 = arith.constant 48 : index
    %swap3A_1926 = tpu.vector_load %arg7[%swap3A_1924, %swap3A_1925] {strides = array<i32>} : memref<33x128xf32, #tpu.memory_space<vmem>>, vector<1x16xf32>,
    %swap3A_1927 = vector.shape_cast %swap3A_1926 : vector<1x16xf32> to vector<16xf32>
    %swap3A_1928 = vector.shape_cast %broadcast_in_dim3A_369 : vector<16xf32> to vector<1x16xf32>
    tpu.vector_store %arg7[%swap3A_1924, %swap3A_1925], %swap3A_1928 {strides = array<i32>} : memref<33x128xf32, #tpu.memory_space<vmem>>, vector<1x16xf32>,
    %swap3A_1929 = arith.constant 32 : i32
    %swap3A_1930 = arith.index_cast %swap3A_1929 : i32 to index
    %swap3A_1931 = arith.constant 64 : index
    %swap3A_1932 = tpu.vector_load %arg7[%swap3A_1930, %swap3A_1931] {strides = array<i32>} : memref<33x128xf32, #tpu.memory_space<vmem>>, vector<1x16xf32>,
    %swap3A_1933 = vector.shape_cast %swap3A_1932 : vector<1x16xf32> to vector<16xf32>
    %swap3A_1934 = vector.shape_cast %broadcast_in_dim3A_369 : vector<16xf32> to vector<1x16xf32>
    tpu.vector_store %arg7[%swap3A_1930, %swap3A_1931], %swap3A_1934 {strides = array<i32>} : memref<33x128xf32, #tpu.memory_space<vmem>>, vector<1x16xf32>,
    %swap3A_1935 = arith.constant 32 : i32
    %swap3A_1936 = arith.index_cast %swap3A_1935 : i32 to index
    %swap3A_1937 = arith.constant 80 : index
    %swap3A_1938 = tpu.vector_load %arg7[%swap3A_1936, %swap3A_1937] {strides = array<i32>} : memref<33x128xf32, #tpu.memory_space<vmem>>, vector<1x16xf32>,
    %swap3A_1939 = vector.shape_cast %swap3A_1938 : vector<1x16xf32> to vector<16xf32>
    %swap3A_1940 = vector.shape_cast %broadcast_in_dim3A_369 : vector<16xf32> to vector<1x16xf32>
    tpu.vector_store %arg7[%swap3A_1936, %swap3A_1937], %swap3A_1940 {strides = array<i32>} : memref<33x128xf32, #tpu.memory_space<vmem>>, vector<1x16xf32>,
    %swap3A_1941 = arith.constant 32 : i32
    %swap3A_1942 = arith.index_cast %swap3A_1941 : i32 to index
    %swap3A_1943 = arith.constant 96 : index
    %swap3A_1944 = tpu.vector_load %arg7[%swap3A_1942, %swap3A_1943] {strides = array<i32>} : memref<33x128xf32, #tpu.memory_space<vmem>>, vector<1x16xf32>,
    %swap3A_1945 = vector.shape_cast %swap3A_1944 : vector<1x16xf32> to vector<16xf32>
    %swap3A_1946 = vector.shape_cast %broadcast_in_dim3A_369 : vector<16xf32> to vector<1x16xf32>
    tpu.vector_store %arg7[%swap3A_1942, %swap3A_1943], %swap3A_1946 {strides = array<i32>} : memref<33x128xf32, #tpu.memory_space<vmem>>, vector<1x16xf32>,
    %swap3A_1947 = arith.constant 32 : i32
    %swap3A_1948 = arith.index_cast %swap3A_1947 : i32 to index
    %swap3A_1949 = arith.constant 112 : index
    %swap3A_1950 = tpu.vector_load %arg7[%swap3A_1948, %swap3A_1949] {strides = array<i32>} : memref<33x128xf32, #tpu.memory_space<vmem>>, vector<1x16xf32>,
    %swap3A_1951 = vector.shape_cast %swap3A_1950 : vector<1x16xf32> to vector<16xf32>
    %swap3A_1952 = vector.shape_cast %broadcast_in_dim3A_369 : vector<16xf32> to vector<1x16xf32>
    tpu.vector_store %arg7[%swap3A_1948, %swap3A_1949], %swap3A_1952 {strides = array<i32>} : memref<33x128xf32, #tpu.memory_space<vmem>>, vector<1x16xf32>,
    %mul3A_1953 = arith.constant 33 : i32
    %mul3A_1954 = arith.muli %arg1, %mul3A_1953 : i32
    "tpu.region"() ({
      %run_scoped3A = tpu.sem_alloc : memref<!tpu.dma_semaphore, #tpu.memory_space<semaphore_mem>>
      %dma_start3A_3430 = arith.constant 0 : i32
      %dma_start3A_3431 = tpu.memref_slice %arg8[%mul3A_1954, %dma_start3A_3430] : memref<528x128xf32, #tpu.memory_space<vmem_shared>> -> memref<33x128xf32, #tpu.memory_space<vmem_shared>>
      %dma_start3A_3432 = arith.constant 0 : i32
      %dma_start3A_3433 = tpu.memref_slice %arg8[%mul3A_1954, %dma_start3A_3432] : memref<528x128xf32, #tpu.memory_space<vmem_shared>> -> memref<33x128xf32, #tpu.memory_space<vmem_shared>>
      tpu.enqueue_dma source(%arg7 : memref<33x128xf32, #tpu.memory_space<vmem>>) target(%dma_start3A_3433 : memref<33x128xf32, #tpu.memory_space<vmem_shared>>) target_semaphore(%run_scoped3A : memref<!tpu.dma_semaphore, #tpu.memory_space<semaphore_mem>>)
      %dma_wait3A_3434 = arith.constant 0 : i32
      %dma_wait3A_3435 = tpu.memref_slice %arg8[%mul3A_1954, %dma_wait3A_3434] : memref<528x128xf32, #tpu.memory_space<vmem_shared>> -> memref<33x128xf32, #tpu.memory_space<vmem_shared>>
      %dma_wait3A_3436 = arith.constant 0 : i32
      %dma_wait3A_3437 = tpu.memref_slice %arg8[%mul3A_1954, %dma_wait3A_3436] : memref<528x128xf32, #tpu.memory_space<vmem_shared>> -> memref<33x128xf32, #tpu.memory_space<vmem_shared>>
      tpu.wait_dma2 semaphore(%run_scoped3A : memref<!tpu.dma_semaphore, #tpu.memory_space<semaphore_mem>>) src(%arg7 : memref<33x128xf32, #tpu.memory_space<vmem>>) dst(%dma_wait3A_3437 : memref<33x128xf32, #tpu.memory_space<vmem_shared>>)
      tpu.yield
    }) : () -> ()
    %barrier3A = arith.constant 0 : index
    tpu.barrier barrier_id(%barrier3A)
    %dma_wait3A = arith.constant 0 : i32
    %dma_wait3A_1955 = arith.constant 0 : i32
    %dma_wait3A_1956 = arith.constant 0 : i32
    %dma_wait3A_1957 = tpu.memref_slice %arg6[%dma_wait3A, %dma_wait3A_1955, %dma_wait3A_1956] : memref<5x128x128xf32, #tpu.memory_space<vmem>> -> memref<1x128x128xf32, #tpu.memory_space<vmem>>
    %dma_wait3A_1958 = tpu.memref_squeeze %dma_wait3A_1957 : memref<1x128x128xf32, #tpu.memory_space<vmem>> -> memref<128x128xf32, #tpu.memory_space<vmem>>
    %dma_wait3A_1959 = arith.constant 0 : i32
    %dma_wait3A_1960 = tpu.memref_slice %arg2[%mul3A_4, %dma_wait3A_1959] : memref<100000x128xf32, #tpu.memory_space<hbm>> -> memref<128x128xf32, #tpu.memory_space<hbm>>
    %dma_wait3A_1961 = arith.constant 0 : i32
    %dma_wait3A_1962 = arith.constant 0 : i32
    %dma_wait3A_1963 = tpu.memref_slice %arg6[%dma_wait3A, %dma_wait3A_1961, %dma_wait3A_1962] : memref<5x128x128xf32, #tpu.memory_space<vmem>> -> memref<1x128x128xf32, #tpu.memory_space<vmem>>
    %dma_wait3A_1964 = tpu.memref_squeeze %dma_wait3A_1963 : memref<1x128x128xf32, #tpu.memory_space<vmem>> -> memref<128x128xf32, #tpu.memory_space<vmem>>
    %dma_wait3A_1965 = arith.constant 0 : i32
    %dma_wait3A_1966 = tpu.memref_slice %arg2[%mul3A_4, %dma_wait3A_1965] : memref<100000x128xf32, #tpu.memory_space<hbm>> -> memref<128x128xf32, #tpu.memory_space<hbm>>
    tpu.wait_dma2 semaphore(%arg10 : memref<!tpu.dma_semaphore, #tpu.memory_space<semaphore_mem>>) src(%dma_wait3A_1966 : memref<128x128xf32, #tpu.memory_space<hbm>>) dst(%dma_wait3A_1964 : memref<128x128xf32, #tpu.memory_space<vmem>>)
    %dma_wait3A_1967 = arith.constant 0 : i32
    %dma_wait3A_1968 = arith.constant 0 : i32
    %dma_wait3A_1969 = tpu.memref_slice %arg5[%dma_wait3A_1967, %dma_wait3A_1968] : memref<25x128xi32, #tpu.memory_space<vmem>> -> memref<1x128xi32, #tpu.memory_space<vmem>>
    %dma_wait3A_1970 = tpu.memref_squeeze %dma_wait3A_1969 : memref<1x128xi32, #tpu.memory_space<vmem>> -> memref<128xi32, #tpu.memory_space<vmem>>
    %dma_wait3A_1971 = tpu.memref_slice %arg3[%mul3A_54] : memref<100000xi32, #tpu.memory_space<hbm>> -> memref<128xi32, #tpu.memory_space<hbm>>
    %dma_wait3A_1972 = arith.constant 0 : i32
    %dma_wait3A_1973 = tpu.memref_slice %arg5[%dma_wait3A_1967, %dma_wait3A_1972] : memref<25x128xi32, #tpu.memory_space<vmem>> -> memref<1x128xi32, #tpu.memory_space<vmem>>
    %dma_wait3A_1974 = tpu.memref_squeeze %dma_wait3A_1973 : memref<1x128xi32, #tpu.memory_space<vmem>> -> memref<128xi32, #tpu.memory_space<vmem>>
    %dma_wait3A_1975 = tpu.memref_slice %arg3[%mul3A_54] : memref<100000xi32, #tpu.memory_space<hbm>> -> memref<128xi32, #tpu.memory_space<hbm>>
    tpu.wait_dma2 semaphore(%arg9 : memref<!tpu.dma_semaphore, #tpu.memory_space<semaphore_mem>>) src(%dma_wait3A_1975 : memref<128xi32, #tpu.memory_space<hbm>>) dst(%dma_wait3A_1974 : memref<128xi32, #tpu.memory_space<vmem>>)
    %dma_start3A_1976 = arith.constant 0 : i32
    %dma_start3A_1977 = arith.constant 0 : i32
    %dma_start3A_1978 = arith.constant 0 : i32
    %dma_start3A_1979 = arith.constant 0 : i32
    %dma_start3A_1980 = tpu.memref_slice %arg6[%dma_start3A_1976, %dma_start3A_1978, %dma_start3A_1979] : memref<5x128x128xf32, #tpu.memory_space<vmem>> -> memref<1x128x128xf32, #tpu.memory_space<vmem>>
    %dma_start3A_1981 = tpu.memref_squeeze %dma_start3A_1980 : memref<1x128x128xf32, #tpu.memory_space<vmem>> -> memref<128x128xf32, #tpu.memory_space<vmem>>
    %dma_start3A_1982 = arith.constant 0 : i32
    %dma_start3A_1983 = tpu.memref_slice %arg5[%dma_start3A_1977, %dma_start3A_1982] : memref<25x128xi32, #tpu.memory_space<vmem>> -> memref<1x128xi32, #tpu.memory_space<vmem>>
    %dma_start3A_1984 = tpu.memref_squeeze %dma_start3A_1983 : memref<1x128xi32, #tpu.memory_space<vmem>> -> memref<128xi32, #tpu.memory_space<vmem>>
    %dma_start3A_1985 = arith.constant 0 : i32
    %dma_start3A_1986 = arith.constant 0 : i32
    %dma_start3A_1987 = tpu.memref_slice %arg8[%dma_start3A_1985, %dma_start3A_1986] : memref<528x128xf32, #tpu.memory_space<vmem_shared>> -> memref<528x128xf32, #tpu.memory_space<vmem_shared>>
    tpu.enqueue_indirect_dma source(%dma_start3A_1981 : memref<128x128xf32, #tpu.memory_space<vmem>>) target(%dma_start3A_1987 : memref<528x128xf32, #tpu.memory_space<vmem_shared>>) offsets(%dma_start3A_1984 : memref<128xi32, #tpu.memory_space<vmem>>) semaphore(%arg14 : memref<!tpu.dma_semaphore, #tpu.memory_space<semaphore_mem>>) {add = true}
    %add3A_1988 = arith.constant 96 : i32
    %add3A_1989 = arith.addi %add3A_1988, %add3A : i32
    %mul3A_1990 = arith.constant 128 : i32
    %mul3A_1991 = arith.muli %add3A_1989, %mul3A_1990 : i32
    %dma_start3A_1992 = arith.constant 3 : i32
    %dma_start3A_1993 = arith.constant 0 : i32
    %dma_start3A_1994 = arith.constant 0 : i32
    %dma_start3A_1995 = tpu.memref_slice %arg6[%dma_start3A_1992, %dma_start3A_1993, %dma_start3A_1994] : memref<5x128x128xf32, #tpu.memory_space<vmem>> -> memref<1x128x128xf32, #tpu.memory_space<vmem>>
    %dma_start3A_1996 = tpu.memref_squeeze %dma_start3A_1995 : memref<1x128x128xf32, #tpu.memory_space<vmem>> -> memref<128x128xf32, #tpu.memory_space<vmem>>
    %dma_start3A_1997 = arith.constant 0 : i32
    %dma_start3A_1998 = tpu.memref_slice %arg2[%mul3A_1991, %dma_start3A_1997] : memref<100000x128xf32, #tpu.memory_space<hbm>> -> memref<128x128xf32, #tpu.memory_space<hbm>>
    %dma_start3A_1999 = arith.constant 0 : i32
    %dma_start3A_2000 = arith.constant 0 : i32
    %dma_start3A_2001 = tpu.memref_slice %arg6[%dma_start3A_1992, %dma_start3A_1999, %dma_start3A_2000] : memref<5x128x128xf32, #tpu.memory_space<vmem>> -> memref<1x128x128xf32, #tpu.memory_space<vmem>>
    %dma_start3A_2002 = tpu.memref_squeeze %dma_start3A_2001 : memref<1x128x128xf32, #tpu.memory_space<vmem>> -> memref<128x128xf32, #tpu.memory_space<vmem>>
    %dma_start3A_2003 = arith.constant 0 : i32
    %dma_start3A_2004 = tpu.memref_slice %arg2[%mul3A_1991, %dma_start3A_2003] : memref<100000x128xf32, #tpu.memory_space<hbm>> -> memref<128x128xf32, #tpu.memory_space<hbm>>
    tpu.enqueue_dma source(%dma_start3A_2004 : memref<128x128xf32, #tpu.memory_space<hbm>>) target(%dma_start3A_2002 : memref<128x128xf32, #tpu.memory_space<vmem>>) target_semaphore(%arg13 : memref<!tpu.dma_semaphore, #tpu.memory_space<semaphore_mem>>)
    %dma_wait3A_2005 = arith.constant 1 : i32
    %dma_wait3A_2006 = arith.constant 0 : i32
    %dma_wait3A_2007 = arith.constant 0 : i32
    %dma_wait3A_2008 = tpu.memref_slice %arg6[%dma_wait3A_2005, %dma_wait3A_2006, %dma_wait3A_2007] : memref<5x128x128xf32, #tpu.memory_space<vmem>> -> memref<1x128x128xf32, #tpu.memory_space<vmem>>
    %dma_wait3A_2009 = tpu.memref_squeeze %dma_wait3A_2008 : memref<1x128x128xf32, #tpu.memory_space<vmem>> -> memref<128x128xf32, #tpu.memory_space<vmem>>
    %dma_wait3A_2010 = arith.constant 0 : i32
    %dma_wait3A_2011 = tpu.memref_slice %arg2[%mul3A_20, %dma_wait3A_2010] : memref<100000x128xf32, #tpu.memory_space<hbm>> -> memref<128x128xf32, #tpu.memory_space<hbm>>
    %dma_wait3A_2012 = arith.constant 0 : i32
    %dma_wait3A_2013 = arith.constant 0 : i32
    %dma_wait3A_2014 = tpu.memref_slice %arg6[%dma_wait3A_2005, %dma_wait3A_2012, %dma_wait3A_2013] : memref<5x128x128xf32, #tpu.memory_space<vmem>> -> memref<1x128x128xf32, #tpu.memory_space<vmem>>
    %dma_wait3A_2015 = tpu.memref_squeeze %dma_wait3A_2014 : memref<1x128x128xf32, #tpu.memory_space<vmem>> -> memref<128x128xf32, #tpu.memory_space<vmem>>
    %dma_wait3A_2016 = arith.constant 0 : i32
    %dma_wait3A_2017 = tpu.memref_slice %arg2[%mul3A_20, %dma_wait3A_2016] : memref<100000x128xf32, #tpu.memory_space<hbm>> -> memref<128x128xf32, #tpu.memory_space<hbm>>
    tpu.wait_dma2 semaphore(%arg11 : memref<!tpu.dma_semaphore, #tpu.memory_space<semaphore_mem>>) src(%dma_wait3A_2017 : memref<128x128xf32, #tpu.memory_space<hbm>>) dst(%dma_wait3A_2015 : memref<128x128xf32, #tpu.memory_space<vmem>>)
    %dma_wait3A_2018 = arith.constant 1 : i32
    %dma_wait3A_2019 = arith.constant 0 : i32
    %dma_wait3A_2020 = tpu.memref_slice %arg5[%dma_wait3A_2018, %dma_wait3A_2019] : memref<25x128xi32, #tpu.memory_space<vmem>> -> memref<1x128xi32, #tpu.memory_space<vmem>>
    %dma_wait3A_2021 = tpu.memref_squeeze %dma_wait3A_2020 : memref<1x128xi32, #tpu.memory_space<vmem>> -> memref<128xi32, #tpu.memory_space<vmem>>
    %dma_wait3A_2022 = tpu.memref_slice %arg3[%mul3A_67] : memref<100000xi32, #tpu.memory_space<hbm>> -> memref<128xi32, #tpu.memory_space<hbm>>
    %dma_wait3A_2023 = arith.constant 0 : i32
    %dma_wait3A_2024 = tpu.memref_slice %arg5[%dma_wait3A_2018, %dma_wait3A_2023] : memref<25x128xi32, #tpu.memory_space<vmem>> -> memref<1x128xi32, #tpu.memory_space<vmem>>
    %dma_wait3A_2025 = tpu.memref_squeeze %dma_wait3A_2024 : memref<1x128xi32, #tpu.memory_space<vmem>> -> memref<128xi32, #tpu.memory_space<vmem>>
    %dma_wait3A_2026 = tpu.memref_slice %arg3[%mul3A_67] : memref<100000xi32, #tpu.memory_space<hbm>> -> memref<128xi32, #tpu.memory_space<hbm>>
    tpu.wait_dma2 semaphore(%arg9 : memref<!tpu.dma_semaphore, #tpu.memory_space<semaphore_mem>>) src(%dma_wait3A_2026 : memref<128xi32, #tpu.memory_space<hbm>>) dst(%dma_wait3A_2025 : memref<128xi32, #tpu.memory_space<vmem>>)
    %dma_start3A_2027 = arith.constant 1 : i32
    %dma_start3A_2028 = arith.constant 1 : i32
    %dma_start3A_2029 = arith.constant 0 : i32
    %dma_start3A_2030 = arith.constant 0 : i32
    %dma_start3A_2031 = tpu.memref_slice %arg6[%dma_start3A_2027, %dma_start3A_2029, %dma_start3A_2030] : memref<5x128x128xf32, #tpu.memory_space<vmem>> -> memref<1x128x128xf32, #tpu.memory_space<vmem>>
    %dma_start3A_2032 = tpu.memref_squeeze %dma_start3A_2031 : memref<1x128x128xf32, #tpu.memory_space<vmem>> -> memref<128x128xf32, #tpu.memory_space<vmem>>
    %dma_start3A_2033 = arith.constant 0 : i32
    %dma_start3A_2034 = tpu.memref_slice %arg5[%dma_start3A_2028, %dma_start3A_2033] : memref<25x128xi32, #tpu.memory_space<vmem>> -> memref<1x128xi32, #tpu.memory_space<vmem>>
    %dma_start3A_2035 = tpu.memref_squeeze %dma_start3A_2034 : memref<1x128xi32, #tpu.memory_space<vmem>> -> memref<128xi32, #tpu.memory_space<vmem>>
    %dma_start3A_2036 = arith.constant 0 : i32
    %dma_start3A_2037 = arith.constant 0 : i32
    %dma_start3A_2038 = tpu.memref_slice %arg8[%dma_start3A_2036, %dma_start3A_2037] : memref<528x128xf32, #tpu.memory_space<vmem_shared>> -> memref<528x128xf32, #tpu.memory_space<vmem_shared>>
    tpu.enqueue_indirect_dma source(%dma_start3A_2032 : memref<128x128xf32, #tpu.memory_space<vmem>>) target(%dma_start3A_2038 : memref<528x128xf32, #tpu.memory_space<vmem_shared>>) offsets(%dma_start3A_2035 : memref<128xi32, #tpu.memory_space<vmem>>) semaphore(%arg15 : memref<!tpu.dma_semaphore, #tpu.memory_space<semaphore_mem>>) {add = true}
    %dma_wait3A_2039 = arith.constant 0 : i32
    %dma_wait3A_2040 = arith.constant 0 : i32
    %dma_wait3A_2041 = arith.constant 0 : i32
    %dma_wait3A_2042 = arith.constant 0 : i32
    %dma_wait3A_2043 = tpu.memref_slice %arg6[%dma_wait3A_2039, %dma_wait3A_2041, %dma_wait3A_2042] : memref<5x128x128xf32, #tpu.memory_space<vmem>> -> memref<1x128x128xf32, #tpu.memory_space<vmem>>
    %dma_wait3A_2044 = tpu.memref_squeeze %dma_wait3A_2043 : memref<1x128x128xf32, #tpu.memory_space<vmem>> -> memref<128x128xf32, #tpu.memory_space<vmem>>
    %dma_wait3A_2045 = arith.constant 0 : i32
    %dma_wait3A_2046 = tpu.memref_slice %arg5[%dma_wait3A_2040, %dma_wait3A_2045] : memref<25x128xi32, #tpu.memory_space<vmem>> -> memref<1x128xi32, #tpu.memory_space<vmem>>
    %dma_wait3A_2047 = tpu.memref_squeeze %dma_wait3A_2046 : memref<1x128xi32, #tpu.memory_space<vmem>> -> memref<128xi32, #tpu.memory_space<vmem>>
    %dma_wait3A_2048 = arith.constant 0 : i32
    %dma_wait3A_2049 = arith.constant 0 : i32
    %dma_wait3A_2050 = tpu.memref_slice %arg8[%dma_wait3A_2048, %dma_wait3A_2049] : memref<528x128xf32, #tpu.memory_space<vmem_shared>> -> memref<528x128xf32, #tpu.memory_space<vmem_shared>>
    tpu.wait_indirect_dma semaphore(%arg14 : memref<!tpu.dma_semaphore, #tpu.memory_space<semaphore_mem>>) src(%dma_wait3A_2044 : memref<128x128xf32, #tpu.memory_space<vmem>>) dst(%dma_wait3A_2050 : memref<528x128xf32, #tpu.memory_space<vmem_shared>>)
    %add3A_2051 = arith.constant 128 : i32
    %add3A_2052 = arith.addi %add3A_2051, %add3A : i32
    %mul3A_2053 = arith.constant 128 : i32
    %mul3A_2054 = arith.muli %add3A_2052, %mul3A_2053 : i32
    %dma_start3A_2055 = arith.constant 0 : i32
    %dma_start3A_2056 = arith.constant 0 : i32
    %dma_start3A_2057 = arith.constant 0 : i32
    %dma_start3A_2058 = tpu.memref_slice %arg6[%dma_start3A_2055, %dma_start3A_2056, %dma_start3A_2057] : memref<5x128x128xf32, #tpu.memory_space<vmem>> -> memref<1x128x128xf32, #tpu.memory_space<vmem>>
    %dma_start3A_2059 = tpu.memref_squeeze %dma_start3A_2058 : memref<1x128x128xf32, #tpu.memory_space<vmem>> -> memref<128x128xf32, #tpu.memory_space<vmem>>
    %dma_start3A_2060 = arith.constant 0 : i32
    %dma_start3A_2061 = tpu.memref_slice %arg2[%mul3A_2054, %dma_start3A_2060] : memref<100000x128xf32, #tpu.memory_space<hbm>> -> memref<128x128xf32, #tpu.memory_space<hbm>>
    %dma_start3A_2062 = arith.constant 0 : i32
    %dma_start3A_2063 = arith.constant 0 : i32
    %dma_start3A_2064 = tpu.memref_slice %arg6[%dma_start3A_2055, %dma_start3A_2062, %dma_start3A_2063] : memref<5x128x128xf32, #tpu.memory_space<vmem>> -> memref<1x128x128xf32, #tpu.memory_space<vmem>>
    %dma_start3A_2065 = tpu.memref_squeeze %dma_start3A_2064 : memref<1x128x128xf32, #tpu.memory_space<vmem>> -> memref<128x128xf32, #tpu.memory_space<vmem>>
    %dma_start3A_2066 = arith.constant 0 : i32
    %dma_start3A_2067 = tpu.memref_slice %arg2[%mul3A_2054, %dma_start3A_2066] : memref<100000x128xf32, #tpu.memory_space<hbm>> -> memref<128x128xf32, #tpu.memory_space<hbm>>
    tpu.enqueue_dma source(%dma_start3A_2067 : memref<128x128xf32, #tpu.memory_space<hbm>>) target(%dma_start3A_2065 : memref<128x128xf32, #tpu.memory_space<vmem>>) target_semaphore(%arg10 : memref<!tpu.dma_semaphore, #tpu.memory_space<semaphore_mem>>)
    %dma_wait3A_2068 = arith.constant 2 : i32
    %dma_wait3A_2069 = arith.constant 0 : i32
    %dma_wait3A_2070 = arith.constant 0 : i32
    %dma_wait3A_2071 = tpu.memref_slice %arg6[%dma_wait3A_2068, %dma_wait3A_2069, %dma_wait3A_2070] : memref<5x128x128xf32, #tpu.memory_space<vmem>> -> memref<1x128x128xf32, #tpu.memory_space<vmem>>
    %dma_wait3A_2072 = tpu.memref_squeeze %dma_wait3A_2071 : memref<1x128x128xf32, #tpu.memory_space<vmem>> -> memref<128x128xf32, #tpu.memory_space<vmem>>
    %dma_wait3A_2073 = arith.constant 0 : i32
    %dma_wait3A_2074 = tpu.memref_slice %arg2[%mul3A_37, %dma_wait3A_2073] : memref<100000x128xf32, #tpu.memory_space<hbm>> -> memref<128x128xf32, #tpu.memory_space<hbm>>
    %dma_wait3A_2075 = arith.constant 0 : i32
    %dma_wait3A_2076 = arith.constant 0 : i32
    %dma_wait3A_2077 = tpu.memref_slice %arg6[%dma_wait3A_2068, %dma_wait3A_2075, %dma_wait3A_2076] : memref<5x128x128xf32, #tpu.memory_space<vmem>> -> memref<1x128x128xf32, #tpu.memory_space<vmem>>
    %dma_wait3A_2078 = tpu.memref_squeeze %dma_wait3A_2077 : memref<1x128x128xf32, #tpu.memory_space<vmem>> -> memref<128x128xf32, #tpu.memory_space<vmem>>
    %dma_wait3A_2079 = arith.constant 0 : i32
    %dma_wait3A_2080 = tpu.memref_slice %arg2[%mul3A_37, %dma_wait3A_2079] : memref<100000x128xf32, #tpu.memory_space<hbm>> -> memref<128x128xf32, #tpu.memory_space<hbm>>
    tpu.wait_dma2 semaphore(%arg12 : memref<!tpu.dma_semaphore, #tpu.memory_space<semaphore_mem>>) src(%dma_wait3A_2080 : memref<128x128xf32, #tpu.memory_space<hbm>>) dst(%dma_wait3A_2078 : memref<128x128xf32, #tpu.memory_space<vmem>>)
    %dma_wait3A_2081 = arith.constant 2 : i32
    %dma_wait3A_2082 = arith.constant 0 : i32
    %dma_wait3A_2083 = tpu.memref_slice %arg5[%dma_wait3A_2081, %dma_wait3A_2082] : memref<25x128xi32, #tpu.memory_space<vmem>> -> memref<1x128xi32, #tpu.memory_space<vmem>>
    %dma_wait3A_2084 = tpu.memref_squeeze %dma_wait3A_2083 : memref<1x128xi32, #tpu.memory_space<vmem>> -> memref<128xi32, #tpu.memory_space<vmem>>
    %dma_wait3A_2085 = tpu.memref_slice %arg3[%mul3A_80] : memref<100000xi32, #tpu.memory_space<hbm>> -> memref<128xi32, #tpu.memory_space<hbm>>
    %dma_wait3A_2086 = arith.constant 0 : i32
    %dma_wait3A_2087 = tpu.memref_slice %arg5[%dma_wait3A_2081, %dma_wait3A_2086] : memref<25x128xi32, #tpu.memory_space<vmem>> -> memref<1x128xi32, #tpu.memory_space<vmem>>
    %dma_wait3A_2088 = tpu.memref_squeeze %dma_wait3A_2087 : memref<1x128xi32, #tpu.memory_space<vmem>> -> memref<128xi32, #tpu.memory_space<vmem>>
    %dma_wait3A_2089 = tpu.memref_slice %arg3[%mul3A_80] : memref<100000xi32, #tpu.memory_space<hbm>> -> memref<128xi32, #tpu.memory_space<hbm>>
    tpu.wait_dma2 semaphore(%arg9 : memref<!tpu.dma_semaphore, #tpu.memory_space<semaphore_mem>>) src(%dma_wait3A_2089 : memref<128xi32, #tpu.memory_space<hbm>>) dst(%dma_wait3A_2088 : memref<128xi32, #tpu.memory_space<vmem>>)
    %dma_start3A_2090 = arith.constant 2 : i32
    %dma_start3A_2091 = arith.constant 2 : i32
    %dma_start3A_2092 = arith.constant 0 : i32
    %dma_start3A_2093 = arith.constant 0 : i32
    %dma_start3A_2094 = tpu.memref_slice %arg6[%dma_start3A_2090, %dma_start3A_2092, %dma_start3A_2093] : memref<5x128x128xf32, #tpu.memory_space<vmem>> -> memref<1x128x128xf32, #tpu.memory_space<vmem>>
    %dma_start3A_2095 = tpu.memref_squeeze %dma_start3A_2094 : memref<1x128x128xf32, #tpu.memory_space<vmem>> -> memref<128x128xf32, #tpu.memory_space<vmem>>
    %dma_start3A_2096 = arith.constant 0 : i32
    %dma_start3A_2097 = tpu.memref_slice %arg5[%dma_start3A_2091, %dma_start3A_2096] : memref<25x128xi32, #tpu.memory_space<vmem>> -> memref<1x128xi32, #tpu.memory_space<vmem>>
    %dma_start3A_2098 = tpu.memref_squeeze %dma_start3A_2097 : memref<1x128xi32, #tpu.memory_space<vmem>> -> memref<128xi32, #tpu.memory_space<vmem>>
    %dma_start3A_2099 = arith.constant 0 : i32
    %dma_start3A_2100 = arith.constant 0 : i32
    %dma_start3A_2101 = tpu.memref_slice %arg8[%dma_start3A_2099, %dma_start3A_2100] : memref<528x128xf32, #tpu.memory_space<vmem_shared>> -> memref<528x128xf32, #tpu.memory_space<vmem_shared>>
    tpu.enqueue_indirect_dma source(%dma_start3A_2095 : memref<128x128xf32, #tpu.memory_space<vmem>>) target(%dma_start3A_2101 : memref<528x128xf32, #tpu.memory_space<vmem_shared>>) offsets(%dma_start3A_2098 : memref<128xi32, #tpu.memory_space<vmem>>) semaphore(%arg16 : memref<!tpu.dma_semaphore, #tpu.memory_space<semaphore_mem>>) {add = true}
    %dma_wait3A_2102 = arith.constant 1 : i32
    %dma_wait3A_2103 = arith.constant 1 : i32
    %dma_wait3A_2104 = arith.constant 0 : i32
    %dma_wait3A_2105 = arith.constant 0 : i32
    %dma_wait3A_2106 = tpu.memref_slice %arg6[%dma_wait3A_2102, %dma_wait3A_2104, %dma_wait3A_2105] : memref<5x128x128xf32, #tpu.memory_space<vmem>> -> memref<1x128x128xf32, #tpu.memory_space<vmem>>
    %dma_wait3A_2107 = tpu.memref_squeeze %dma_wait3A_2106 : memref<1x128x128xf32, #tpu.memory_space<vmem>> -> memref<128x128xf32, #tpu.memory_space<vmem>>
    %dma_wait3A_2108 = arith.constant 0 : i32
    %dma_wait3A_2109 = tpu.memref_slice %arg5[%dma_wait3A_2103, %dma_wait3A_2108] : memref<25x128xi32, #tpu.memory_space<vmem>> -> memref<1x128xi32, #tpu.memory_space<vmem>>
    %dma_wait3A_2110 = tpu.memref_squeeze %dma_wait3A_2109 : memref<1x128xi32, #tpu.memory_space<vmem>> -> memref<128xi32, #tpu.memory_space<vmem>>
    %dma_wait3A_2111 = arith.constant 0 : i32
    %dma_wait3A_2112 = arith.constant 0 : i32
    %dma_wait3A_2113 = tpu.memref_slice %arg8[%dma_wait3A_2111, %dma_wait3A_2112] : memref<528x128xf32, #tpu.memory_space<vmem_shared>> -> memref<528x128xf32, #tpu.memory_space<vmem_shared>>
    tpu.wait_indirect_dma semaphore(%arg15 : memref<!tpu.dma_semaphore, #tpu.memory_space<semaphore_mem>>) src(%dma_wait3A_2107 : memref<128x128xf32, #tpu.memory_space<vmem>>) dst(%dma_wait3A_2113 : memref<528x128xf32, #tpu.memory_space<vmem_shared>>)
    %add3A_2114 = arith.constant 160 : i32
    %add3A_2115 = arith.addi %add3A_2114, %add3A : i32
    %mul3A_2116 = arith.constant 128 : i32
    %mul3A_2117 = arith.muli %add3A_2115, %mul3A_2116 : i32
    %dma_start3A_2118 = arith.constant 1 : i32
    %dma_start3A_2119 = arith.constant 0 : i32
    %dma_start3A_2120 = arith.constant 0 : i32
    %dma_start3A_2121 = tpu.memref_slice %arg6[%dma_start3A_2118, %dma_start3A_2119, %dma_start3A_2120] : memref<5x128x128xf32, #tpu.memory_space<vmem>> -> memref<1x128x128xf32, #tpu.memory_space<vmem>>
    %dma_start3A_2122 = tpu.memref_squeeze %dma_start3A_2121 : memref<1x128x128xf32, #tpu.memory_space<vmem>> -> memref<128x128xf32, #tpu.memory_space<vmem>>
    %dma_start3A_2123 = arith.constant 0 : i32
    %dma_start3A_2124 = tpu.memref_slice %arg2[%mul3A_2117, %dma_start3A_2123] : memref<100000x128xf32, #tpu.memory_space<hbm>> -> memref<128x128xf32, #tpu.memory_space<hbm>>
    %dma_start3A_2125 = arith.constant 0 : i32
    %dma_start3A_2126 = arith.constant 0 : i32
    %dma_start3A_2127 = tpu.memref_slice %arg6[%dma_start3A_2118, %dma_start3A_2125, %dma_start3A_2126] : memref<5x128x128xf32, #tpu.memory_space<vmem>> -> memref<1x128x128xf32, #tpu.memory_space<vmem>>
    %dma_start3A_2128 = tpu.memref_squeeze %dma_start3A_2127 : memref<1x128x128xf32, #tpu.memory_space<vmem>> -> memref<128x128xf32, #tpu.memory_space<vmem>>
    %dma_start3A_2129 = arith.constant 0 : i32
    %dma_start3A_2130 = tpu.memref_slice %arg2[%mul3A_2117, %dma_start3A_2129] : memref<100000x128xf32, #tpu.memory_space<hbm>> -> memref<128x128xf32, #tpu.memory_space<hbm>>
    tpu.enqueue_dma source(%dma_start3A_2130 : memref<128x128xf32, #tpu.memory_space<hbm>>) target(%dma_start3A_2128 : memref<128x128xf32, #tpu.memory_space<vmem>>) target_semaphore(%arg11 : memref<!tpu.dma_semaphore, #tpu.memory_space<semaphore_mem>>)
    %dma_wait3A_2131 = arith.constant 3 : i32
    %dma_wait3A_2132 = arith.constant 0 : i32
    %dma_wait3A_2133 = arith.constant 0 : i32
    %dma_wait3A_2134 = tpu.memref_slice %arg6[%dma_wait3A_2131, %dma_wait3A_2132, %dma_wait3A_2133] : memref<5x128x128xf32, #tpu.memory_space<vmem>> -> memref<1x128x128xf32, #tpu.memory_space<vmem>>
    %dma_wait3A_2135 = tpu.memref_squeeze %dma_wait3A_2134 : memref<1x128x128xf32, #tpu.memory_space<vmem>> -> memref<128x128xf32, #tpu.memory_space<vmem>>
    %dma_wait3A_2136 = arith.constant 0 : i32
    %dma_wait3A_2137 = tpu.memref_slice %arg2[%mul3A_1991, %dma_wait3A_2136] : memref<100000x128xf32, #tpu.memory_space<hbm>> -> memref<128x128xf32, #tpu.memory_space<hbm>>
    %dma_wait3A_2138 = arith.constant 0 : i32
    %dma_wait3A_2139 = arith.constant 0 : i32
    %dma_wait3A_2140 = tpu.memref_slice %arg6[%dma_wait3A_2131, %dma_wait3A_2138, %dma_wait3A_2139] : memref<5x128x128xf32, #tpu.memory_space<vmem>> -> memref<1x128x128xf32, #tpu.memory_space<vmem>>
    %dma_wait3A_2141 = tpu.memref_squeeze %dma_wait3A_2140 : memref<1x128x128xf32, #tpu.memory_space<vmem>> -> memref<128x128xf32, #tpu.memory_space<vmem>>
    %dma_wait3A_2142 = arith.constant 0 : i32
    %dma_wait3A_2143 = tpu.memref_slice %arg2[%mul3A_1991, %dma_wait3A_2142] : memref<100000x128xf32, #tpu.memory_space<hbm>> -> memref<128x128xf32, #tpu.memory_space<hbm>>
    tpu.wait_dma2 semaphore(%arg13 : memref<!tpu.dma_semaphore, #tpu.memory_space<semaphore_mem>>) src(%dma_wait3A_2143 : memref<128x128xf32, #tpu.memory_space<hbm>>) dst(%dma_wait3A_2141 : memref<128x128xf32, #tpu.memory_space<vmem>>)
    %dma_wait3A_2144 = arith.constant 3 : i32
    %dma_wait3A_2145 = arith.constant 0 : i32
    %dma_wait3A_2146 = tpu.memref_slice %arg5[%dma_wait3A_2144, %dma_wait3A_2145] : memref<25x128xi32, #tpu.memory_space<vmem>> -> memref<1x128xi32, #tpu.memory_space<vmem>>
    %dma_wait3A_2147 = tpu.memref_squeeze %dma_wait3A_2146 : memref<1x128xi32, #tpu.memory_space<vmem>> -> memref<128xi32, #tpu.memory_space<vmem>>
    %dma_wait3A_2148 = tpu.memref_slice %arg3[%mul3A_93] : memref<100000xi32, #tpu.memory_space<hbm>> -> memref<128xi32, #tpu.memory_space<hbm>>
    %dma_wait3A_2149 = arith.constant 0 : i32
    %dma_wait3A_2150 = tpu.memref_slice %arg5[%dma_wait3A_2144, %dma_wait3A_2149] : memref<25x128xi32, #tpu.memory_space<vmem>> -> memref<1x128xi32, #tpu.memory_space<vmem>>
    %dma_wait3A_2151 = tpu.memref_squeeze %dma_wait3A_2150 : memref<1x128xi32, #tpu.memory_space<vmem>> -> memref<128xi32, #tpu.memory_space<vmem>>
    %dma_wait3A_2152 = tpu.memref_slice %arg3[%mul3A_93] : memref<100000xi32, #tpu.memory_space<hbm>> -> memref<128xi32, #tpu.memory_space<hbm>>
    tpu.wait_dma2 semaphore(%arg9 : memref<!tpu.dma_semaphore, #tpu.memory_space<semaphore_mem>>) src(%dma_wait3A_2152 : memref<128xi32, #tpu.memory_space<hbm>>) dst(%dma_wait3A_2151 : memref<128xi32, #tpu.memory_space<vmem>>)
    %dma_start3A_2153 = arith.constant 3 : i32
    %dma_start3A_2154 = arith.constant 3 : i32
    %dma_start3A_2155 = arith.constant 0 : i32
    %dma_start3A_2156 = arith.constant 0 : i32
    %dma_start3A_2157 = tpu.memref_slice %arg6[%dma_start3A_2153, %dma_start3A_2155, %dma_start3A_2156] : memref<5x128x128xf32, #tpu.memory_space<vmem>> -> memref<1x128x128xf32, #tpu.memory_space<vmem>>
    %dma_start3A_2158 = tpu.memref_squeeze %dma_start3A_2157 : memref<1x128x128xf32, #tpu.memory_space<vmem>> -> memref<128x128xf32, #tpu.memory_space<vmem>>
    %dma_start3A_2159 = arith.constant 0 : i32
    %dma_start3A_2160 = tpu.memref_slice %arg5[%dma_start3A_2154, %dma_start3A_2159] : memref<25x128xi32, #tpu.memory_space<vmem>> -> memref<1x128xi32, #tpu.memory_space<vmem>>
    %dma_start3A_2161 = tpu.memref_squeeze %dma_start3A_2160 : memref<1x128xi32, #tpu.memory_space<vmem>> -> memref<128xi32, #tpu.memory_space<vmem>>
    %dma_start3A_2162 = arith.constant 0 : i32
    %dma_start3A_2163 = arith.constant 0 : i32
    %dma_start3A_2164 = tpu.memref_slice %arg8[%dma_start3A_2162, %dma_start3A_2163] : memref<528x128xf32, #tpu.memory_space<vmem_shared>> -> memref<528x128xf32, #tpu.memory_space<vmem_shared>>
    tpu.enqueue_indirect_dma source(%dma_start3A_2158 : memref<128x128xf32, #tpu.memory_space<vmem>>) target(%dma_start3A_2164 : memref<528x128xf32, #tpu.memory_space<vmem_shared>>) offsets(%dma_start3A_2161 : memref<128xi32, #tpu.memory_space<vmem>>) semaphore(%arg17 : memref<!tpu.dma_semaphore, #tpu.memory_space<semaphore_mem>>) {add = true}
    %dma_wait3A_2165 = arith.constant 2 : i32
    %dma_wait3A_2166 = arith.constant 2 : i32
    %dma_wait3A_2167 = arith.constant 0 : i32
    %dma_wait3A_2168 = arith.constant 0 : i32
    %dma_wait3A_2169 = tpu.memref_slice %arg6[%dma_wait3A_2165, %dma_wait3A_2167, %dma_wait3A_2168] : memref<5x128x128xf32, #tpu.memory_space<vmem>> -> memref<1x128x128xf32, #tpu.memory_space<vmem>>
    %dma_wait3A_2170 = tpu.memref_squeeze %dma_wait3A_2169 : memref<1x128x128xf32, #tpu.memory_space<vmem>> -> memref<128x128xf32, #tpu.memory_space<vmem>>
    %dma_wait3A_2171 = arith.constant 0 : i32
    %dma_wait3A_2172 = tpu.memref_slice %arg5[%dma_wait3A_2166, %dma_wait3A_2171] : memref<25x128xi32, #tpu.memory_space<vmem>> -> memref<1x128xi32, #tpu.memory_space<vmem>>
    %dma_wait3A_2173 = tpu.memref_squeeze %dma_wait3A_2172 : memref<1x128xi32, #tpu.memory_space<vmem>> -> memref<128xi32, #tpu.memory_space<vmem>>
    %dma_wait3A_2174 = arith.constant 0 : i32
    %dma_wait3A_2175 = arith.constant 0 : i32
    %dma_wait3A_2176 = tpu.memref_slice %arg8[%dma_wait3A_2174, %dma_wait3A_2175] : memref<528x128xf32, #tpu.memory_space<vmem_shared>> -> memref<528x128xf32, #tpu.memory_space<vmem_shared>>
    tpu.wait_indirect_dma semaphore(%arg16 : memref<!tpu.dma_semaphore, #tpu.memory_space<semaphore_mem>>) src(%dma_wait3A_2170 : memref<128x128xf32, #tpu.memory_space<vmem>>) dst(%dma_wait3A_2176 : memref<528x128xf32, #tpu.memory_space<vmem_shared>>)
    %add3A_2177 = arith.constant 192 : i32
    %add3A_2178 = arith.addi %add3A_2177, %add3A : i32
    %mul3A_2179 = arith.constant 128 : i32
    %mul3A_2180 = arith.muli %add3A_2178, %mul3A_2179 : i32
    %dma_start3A_2181 = arith.constant 2 : i32
    %dma_start3A_2182 = arith.constant 0 : i32
    %dma_start3A_2183 = arith.constant 0 : i32
    %dma_start3A_2184 = tpu.memref_slice %arg6[%dma_start3A_2181, %dma_start3A_2182, %dma_start3A_2183] : memref<5x128x128xf32, #tpu.memory_space<vmem>> -> memref<1x128x128xf32, #tpu.memory_space<vmem>>
    %dma_start3A_2185 = tpu.memref_squeeze %dma_start3A_2184 : memref<1x128x128xf32, #tpu.memory_space<vmem>> -> memref<128x128xf32, #tpu.memory_space<vmem>>
    %dma_start3A_2186 = arith.constant 0 : i32
    %dma_start3A_2187 = tpu.memref_slice %arg2[%mul3A_2180, %dma_start3A_2186] : memref<100000x128xf32, #tpu.memory_space<hbm>> -> memref<128x128xf32, #tpu.memory_space<hbm>>
    %dma_start3A_2188 = arith.constant 0 : i32
    %dma_start3A_2189 = arith.constant 0 : i32
    %dma_start3A_2190 = tpu.memref_slice %arg6[%dma_start3A_2181, %dma_start3A_2188, %dma_start3A_2189] : memref<5x128x128xf32, #tpu.memory_space<vmem>> -> memref<1x128x128xf32, #tpu.memory_space<vmem>>
    %dma_start3A_2191 = tpu.memref_squeeze %dma_start3A_2190 : memref<1x128x128xf32, #tpu.memory_space<vmem>> -> memref<128x128xf32, #tpu.memory_space<vmem>>
    %dma_start3A_2192 = arith.constant 0 : i32
    %dma_start3A_2193 = tpu.memref_slice %arg2[%mul3A_2180, %dma_start3A_2192] : memref<100000x128xf32, #tpu.memory_space<hbm>> -> memref<128x128xf32, #tpu.memory_space<hbm>>
    tpu.enqueue_dma source(%dma_start3A_2193 : memref<128x128xf32, #tpu.memory_space<hbm>>) target(%dma_start3A_2191 : memref<128x128xf32, #tpu.memory_space<vmem>>) target_semaphore(%arg12 : memref<!tpu.dma_semaphore, #tpu.memory_space<semaphore_mem>>)
    %dma_wait3A_2194 = arith.constant 0 : i32
    %dma_wait3A_2195 = arith.constant 0 : i32
    %dma_wait3A_2196 = arith.constant 0 : i32
    %dma_wait3A_2197 = tpu.memref_slice %arg6[%dma_wait3A_2194, %dma_wait3A_2195, %dma_wait3A_2196] : memref<5x128x128xf32, #tpu.memory_space<vmem>> -> memref<1x128x128xf32, #tpu.memory_space<vmem>>
    %dma_wait3A_2198 = tpu.memref_squeeze %dma_wait3A_2197 : memref<1x128x128xf32, #tpu.memory_space<vmem>> -> memref<128x128xf32, #tpu.memory_space<vmem>>
    %dma_wait3A_2199 = arith.constant 0 : i32
    %dma_wait3A_2200 = tpu.memref_slice %arg2[%mul3A_2054, %dma_wait3A_2199] : memref<100000x128xf32, #tpu.memory_space<hbm>> -> memref<128x128xf32, #tpu.memory_space<hbm>>
    %dma_wait3A_2201 = arith.constant 0 : i32
    %dma_wait3A_2202 = arith.constant 0 : i32
    %dma_wait3A_2203 = tpu.memref_slice %arg6[%dma_wait3A_2194, %dma_wait3A_2201, %dma_wait3A_2202] : memref<5x128x128xf32, #tpu.memory_space<vmem>> -> memref<1x128x128xf32, #tpu.memory_space<vmem>>
    %dma_wait3A_2204 = tpu.memref_squeeze %dma_wait3A_2203 : memref<1x128x128xf32, #tpu.memory_space<vmem>> -> memref<128x128xf32, #tpu.memory_space<vmem>>
    %dma_wait3A_2205 = arith.constant 0 : i32
    %dma_wait3A_2206 = tpu.memref_slice %arg2[%mul3A_2054, %dma_wait3A_2205] : memref<100000x128xf32, #tpu.memory_space<hbm>> -> memref<128x128xf32, #tpu.memory_space<hbm>>
    tpu.wait_dma2 semaphore(%arg10 : memref<!tpu.dma_semaphore, #tpu.memory_space<semaphore_mem>>) src(%dma_wait3A_2206 : memref<128x128xf32, #tpu.memory_space<hbm>>) dst(%dma_wait3A_2204 : memref<128x128xf32, #tpu.memory_space<vmem>>)
    %dma_wait3A_2207 = arith.constant 4 : i32
    %dma_wait3A_2208 = arith.constant 0 : i32
    %dma_wait3A_2209 = tpu.memref_slice %arg5[%dma_wait3A_2207, %dma_wait3A_2208] : memref<25x128xi32, #tpu.memory_space<vmem>> -> memref<1x128xi32, #tpu.memory_space<vmem>>
    %dma_wait3A_2210 = tpu.memref_squeeze %dma_wait3A_2209 : memref<1x128xi32, #tpu.memory_space<vmem>> -> memref<128xi32, #tpu.memory_space<vmem>>
    %dma_wait3A_2211 = tpu.memref_slice %arg3[%mul3A_106] : memref<100000xi32, #tpu.memory_space<hbm>> -> memref<128xi32, #tpu.memory_space<hbm>>
    %dma_wait3A_2212 = arith.constant 0 : i32
    %dma_wait3A_2213 = tpu.memref_slice %arg5[%dma_wait3A_2207, %dma_wait3A_2212] : memref<25x128xi32, #tpu.memory_space<vmem>> -> memref<1x128xi32, #tpu.memory_space<vmem>>
    %dma_wait3A_2214 = tpu.memref_squeeze %dma_wait3A_2213 : memref<1x128xi32, #tpu.memory_space<vmem>> -> memref<128xi32, #tpu.memory_space<vmem>>
    %dma_wait3A_2215 = tpu.memref_slice %arg3[%mul3A_106] : memref<100000xi32, #tpu.memory_space<hbm>> -> memref<128xi32, #tpu.memory_space<hbm>>
    tpu.wait_dma2 semaphore(%arg9 : memref<!tpu.dma_semaphore, #tpu.memory_space<semaphore_mem>>) src(%dma_wait3A_2215 : memref<128xi32, #tpu.memory_space<hbm>>) dst(%dma_wait3A_2214 : memref<128xi32, #tpu.memory_space<vmem>>)
    %dma_start3A_2216 = arith.constant 0 : i32
    %dma_start3A_2217 = arith.constant 4 : i32
    %dma_start3A_2218 = arith.constant 0 : i32
    %dma_start3A_2219 = arith.constant 0 : i32
    %dma_start3A_2220 = tpu.memref_slice %arg6[%dma_start3A_2216, %dma_start3A_2218, %dma_start3A_2219] : memref<5x128x128xf32, #tpu.memory_space<vmem>> -> memref<1x128x128xf32, #tpu.memory_space<vmem>>
    %dma_start3A_2221 = tpu.memref_squeeze %dma_start3A_2220 : memref<1x128x128xf32, #tpu.memory_space<vmem>> -> memref<128x128xf32, #tpu.memory_space<vmem>>
    %dma_start3A_2222 = arith.constant 0 : i32
    %dma_start3A_2223 = tpu.memref_slice %arg5[%dma_start3A_2217, %dma_start3A_2222] : memref<25x128xi32, #tpu.memory_space<vmem>> -> memref<1x128xi32, #tpu.memory_space<vmem>>
    %dma_start3A_2224 = tpu.memref_squeeze %dma_start3A_2223 : memref<1x128xi32, #tpu.memory_space<vmem>> -> memref<128xi32, #tpu.memory_space<vmem>>
    %dma_start3A_2225 = arith.constant 0 : i32
    %dma_start3A_2226 = arith.constant 0 : i32
    %dma_start3A_2227 = tpu.memref_slice %arg8[%dma_start3A_2225, %dma_start3A_2226] : memref<528x128xf32, #tpu.memory_space<vmem_shared>> -> memref<528x128xf32, #tpu.memory_space<vmem_shared>>
    tpu.enqueue_indirect_dma source(%dma_start3A_2221 : memref<128x128xf32, #tpu.memory_space<vmem>>) target(%dma_start3A_2227 : memref<528x128xf32, #tpu.memory_space<vmem_shared>>) offsets(%dma_start3A_2224 : memref<128xi32, #tpu.memory_space<vmem>>) semaphore(%arg14 : memref<!tpu.dma_semaphore, #tpu.memory_space<semaphore_mem>>) {add = true}
    %dma_wait3A_2228 = arith.constant 3 : i32
    %dma_wait3A_2229 = arith.constant 3 : i32
    %dma_wait3A_2230 = arith.constant 0 : i32
    %dma_wait3A_2231 = arith.constant 0 : i32
    %dma_wait3A_2232 = tpu.memref_slice %arg6[%dma_wait3A_2228, %dma_wait3A_2230, %dma_wait3A_2231] : memref<5x128x128xf32, #tpu.memory_space<vmem>> -> memref<1x128x128xf32, #tpu.memory_space<vmem>>
    %dma_wait3A_2233 = tpu.memref_squeeze %dma_wait3A_2232 : memref<1x128x128xf32, #tpu.memory_space<vmem>> -> memref<128x128xf32, #tpu.memory_space<vmem>>
    %dma_wait3A_2234 = arith.constant 0 : i32
    %dma_wait3A_2235 = tpu.memref_slice %arg5[%dma_wait3A_2229, %dma_wait3A_2234] : memref<25x128xi32, #tpu.memory_space<vmem>> -> memref<1x128xi32, #tpu.memory_space<vmem>>
    %dma_wait3A_2236 = tpu.memref_squeeze %dma_wait3A_2235 : memref<1x128xi32, #tpu.memory_space<vmem>> -> memref<128xi32, #tpu.memory_space<vmem>>
    %dma_wait3A_2237 = arith.constant 0 : i32
    %dma_wait3A_2238 = arith.constant 0 : i32
    %dma_wait3A_2239 = tpu.memref_slice %arg8[%dma_wait3A_2237, %dma_wait3A_2238] : memref<528x128xf32, #tpu.memory_space<vmem_shared>> -> memref<528x128xf32, #tpu.memory_space<vmem_shared>>
    tpu.wait_indirect_dma semaphore(%arg17 : memref<!tpu.dma_semaphore, #tpu.memory_space<semaphore_mem>>) src(%dma_wait3A_2233 : memref<128x128xf32, #tpu.memory_space<vmem>>) dst(%dma_wait3A_2239 : memref<528x128xf32, #tpu.memory_space<vmem_shared>>)
    %add3A_2240 = arith.constant 224 : i32
    %add3A_2241 = arith.addi %add3A_2240, %add3A : i32
    %mul3A_2242 = arith.constant 128 : i32
    %mul3A_2243 = arith.muli %add3A_2241, %mul3A_2242 : i32
    %dma_start3A_2244 = arith.constant 3 : i32
    %dma_start3A_2245 = arith.constant 0 : i32
    %dma_start3A_2246 = arith.constant 0 : i32
    %dma_start3A_2247 = tpu.memref_slice %arg6[%dma_start3A_2244, %dma_start3A_2245, %dma_start3A_2246] : memref<5x128x128xf32, #tpu.memory_space<vmem>> -> memref<1x128x128xf32, #tpu.memory_space<vmem>>
    %dma_start3A_2248 = tpu.memref_squeeze %dma_start3A_2247 : memref<1x128x128xf32, #tpu.memory_space<vmem>> -> memref<128x128xf32, #tpu.memory_space<vmem>>
    %dma_start3A_2249 = arith.constant 0 : i32
    %dma_start3A_2250 = tpu.memref_slice %arg2[%mul3A_2243, %dma_start3A_2249] : memref<100000x128xf32, #tpu.memory_space<hbm>> -> memref<128x128xf32, #tpu.memory_space<hbm>>
    %dma_start3A_2251 = arith.constant 0 : i32
    %dma_start3A_2252 = arith.constant 0 : i32
    %dma_start3A_2253 = tpu.memref_slice %arg6[%dma_start3A_2244, %dma_start3A_2251, %dma_start3A_2252] : memref<5x128x128xf32, #tpu.memory_space<vmem>> -> memref<1x128x128xf32, #tpu.memory_space<vmem>>
    %dma_start3A_2254 = tpu.memref_squeeze %dma_start3A_2253 : memref<1x128x128xf32, #tpu.memory_space<vmem>> -> memref<128x128xf32, #tpu.memory_space<vmem>>
    %dma_start3A_2255 = arith.constant 0 : i32
    %dma_start3A_2256 = tpu.memref_slice %arg2[%mul3A_2243, %dma_start3A_2255] : memref<100000x128xf32, #tpu.memory_space<hbm>> -> memref<128x128xf32, #tpu.memory_space<hbm>>
    tpu.enqueue_dma source(%dma_start3A_2256 : memref<128x128xf32, #tpu.memory_space<hbm>>) target(%dma_start3A_2254 : memref<128x128xf32, #tpu.memory_space<vmem>>) target_semaphore(%arg13 : memref<!tpu.dma_semaphore, #tpu.memory_space<semaphore_mem>>)
    %dma_wait3A_2257 = arith.constant 1 : i32
    %dma_wait3A_2258 = arith.constant 0 : i32
    %dma_wait3A_2259 = arith.constant 0 : i32
    %dma_wait3A_2260 = tpu.memref_slice %arg6[%dma_wait3A_2257, %dma_wait3A_2258, %dma_wait3A_2259] : memref<5x128x128xf32, #tpu.memory_space<vmem>> -> memref<1x128x128xf32, #tpu.memory_space<vmem>>
    %dma_wait3A_2261 = tpu.memref_squeeze %dma_wait3A_2260 : memref<1x128x128xf32, #tpu.memory_space<vmem>> -> memref<128x128xf32, #tpu.memory_space<vmem>>
    %dma_wait3A_2262 = arith.constant 0 : i32
    %dma_wait3A_2263 = tpu.memref_slice %arg2[%mul3A_2117, %dma_wait3A_2262] : memref<100000x128xf32, #tpu.memory_space<hbm>> -> memref<128x128xf32, #tpu.memory_space<hbm>>
    %dma_wait3A_2264 = arith.constant 0 : i32
    %dma_wait3A_2265 = arith.constant 0 : i32
    %dma_wait3A_2266 = tpu.memref_slice %arg6[%dma_wait3A_2257, %dma_wait3A_2264, %dma_wait3A_2265] : memref<5x128x128xf32, #tpu.memory_space<vmem>> -> memref<1x128x128xf32, #tpu.memory_space<vmem>>
    %dma_wait3A_2267 = tpu.memref_squeeze %dma_wait3A_2266 : memref<1x128x128xf32, #tpu.memory_space<vmem>> -> memref<128x128xf32, #tpu.memory_space<vmem>>
    %dma_wait3A_2268 = arith.constant 0 : i32
    %dma_wait3A_2269 = tpu.memref_slice %arg2[%mul3A_2117, %dma_wait3A_2268] : memref<100000x128xf32, #tpu.memory_space<hbm>> -> memref<128x128xf32, #tpu.memory_space<hbm>>
    tpu.wait_dma2 semaphore(%arg11 : memref<!tpu.dma_semaphore, #tpu.memory_space<semaphore_mem>>) src(%dma_wait3A_2269 : memref<128x128xf32, #tpu.memory_space<hbm>>) dst(%dma_wait3A_2267 : memref<128x128xf32, #tpu.memory_space<vmem>>)
    %dma_wait3A_2270 = arith.constant 5 : i32
    %dma_wait3A_2271 = arith.constant 0 : i32
    %dma_wait3A_2272 = tpu.memref_slice %arg5[%dma_wait3A_2270, %dma_wait3A_2271] : memref<25x128xi32, #tpu.memory_space<vmem>> -> memref<1x128xi32, #tpu.memory_space<vmem>>
    %dma_wait3A_2273 = tpu.memref_squeeze %dma_wait3A_2272 : memref<1x128xi32, #tpu.memory_space<vmem>> -> memref<128xi32, #tpu.memory_space<vmem>>
    %dma_wait3A_2274 = tpu.memref_slice %arg3[%mul3A_119] : memref<100000xi32, #tpu.memory_space<hbm>> -> memref<128xi32, #tpu.memory_space<hbm>>
    %dma_wait3A_2275 = arith.constant 0 : i32
    %dma_wait3A_2276 = tpu.memref_slice %arg5[%dma_wait3A_2270, %dma_wait3A_2275] : memref<25x128xi32, #tpu.memory_space<vmem>> -> memref<1x128xi32, #tpu.memory_space<vmem>>
    %dma_wait3A_2277 = tpu.memref_squeeze %dma_wait3A_2276 : memref<1x128xi32, #tpu.memory_space<vmem>> -> memref<128xi32, #tpu.memory_space<vmem>>
    %dma_wait3A_2278 = tpu.memref_slice %arg3[%mul3A_119] : memref<100000xi32, #tpu.memory_space<hbm>> -> memref<128xi32, #tpu.memory_space<hbm>>
    tpu.wait_dma2 semaphore(%arg9 : memref<!tpu.dma_semaphore, #tpu.memory_space<semaphore_mem>>) src(%dma_wait3A_2278 : memref<128xi32, #tpu.memory_space<hbm>>) dst(%dma_wait3A_2277 : memref<128xi32, #tpu.memory_space<vmem>>)
    %dma_start3A_2279 = arith.constant 1 : i32
    %dma_start3A_2280 = arith.constant 5 : i32
    %dma_start3A_2281 = arith.constant 0 : i32
    %dma_start3A_2282 = arith.constant 0 : i32
    %dma_start3A_2283 = tpu.memref_slice %arg6[%dma_start3A_2279, %dma_start3A_2281, %dma_start3A_2282] : memref<5x128x128xf32, #tpu.memory_space<vmem>> -> memref<1x128x128xf32, #tpu.memory_space<vmem>>
    %dma_start3A_2284 = tpu.memref_squeeze %dma_start3A_2283 : memref<1x128x128xf32, #tpu.memory_space<vmem>> -> memref<128x128xf32, #tpu.memory_space<vmem>>
    %dma_start3A_2285 = arith.constant 0 : i32
    %dma_start3A_2286 = tpu.memref_slice %arg5[%dma_start3A_2280, %dma_start3A_2285] : memref<25x128xi32, #tpu.memory_space<vmem>> -> memref<1x128xi32, #tpu.memory_space<vmem>>
    %dma_start3A_2287 = tpu.memref_squeeze %dma_start3A_2286 : memref<1x128xi32, #tpu.memory_space<vmem>> -> memref<128xi32, #tpu.memory_space<vmem>>
    %dma_start3A_2288 = arith.constant 0 : i32
    %dma_start3A_2289 = arith.constant 0 : i32
    %dma_start3A_2290 = tpu.memref_slice %arg8[%dma_start3A_2288, %dma_start3A_2289] : memref<528x128xf32, #tpu.memory_space<vmem_shared>> -> memref<528x128xf32, #tpu.memory_space<vmem_shared>>
    tpu.enqueue_indirect_dma source(%dma_start3A_2284 : memref<128x128xf32, #tpu.memory_space<vmem>>) target(%dma_start3A_2290 : memref<528x128xf32, #tpu.memory_space<vmem_shared>>) offsets(%dma_start3A_2287 : memref<128xi32, #tpu.memory_space<vmem>>) semaphore(%arg15 : memref<!tpu.dma_semaphore, #tpu.memory_space<semaphore_mem>>) {add = true}
    %dma_wait3A_2291 = arith.constant 0 : i32
    %dma_wait3A_2292 = arith.constant 4 : i32
    %dma_wait3A_2293 = arith.constant 0 : i32
    %dma_wait3A_2294 = arith.constant 0 : i32
    %dma_wait3A_2295 = tpu.memref_slice %arg6[%dma_wait3A_2291, %dma_wait3A_2293, %dma_wait3A_2294] : memref<5x128x128xf32, #tpu.memory_space<vmem>> -> memref<1x128x128xf32, #tpu.memory_space<vmem>>
    %dma_wait3A_2296 = tpu.memref_squeeze %dma_wait3A_2295 : memref<1x128x128xf32, #tpu.memory_space<vmem>> -> memref<128x128xf32, #tpu.memory_space<vmem>>
    %dma_wait3A_2297 = arith.constant 0 : i32
    %dma_wait3A_2298 = tpu.memref_slice %arg5[%dma_wait3A_2292, %dma_wait3A_2297] : memref<25x128xi32, #tpu.memory_space<vmem>> -> memref<1x128xi32, #tpu.memory_space<vmem>>
    %dma_wait3A_2299 = tpu.memref_squeeze %dma_wait3A_2298 : memref<1x128xi32, #tpu.memory_space<vmem>> -> memref<128xi32, #tpu.memory_space<vmem>>
    %dma_wait3A_2300 = arith.constant 0 : i32
    %dma_wait3A_2301 = arith.constant 0 : i32
    %dma_wait3A_2302 = tpu.memref_slice %arg8[%dma_wait3A_2300, %dma_wait3A_2301] : memref<528x128xf32, #tpu.memory_space<vmem_shared>> -> memref<528x128xf32, #tpu.memory_space<vmem_shared>>
    tpu.wait_indirect_dma semaphore(%arg14 : memref<!tpu.dma_semaphore, #tpu.memory_space<semaphore_mem>>) src(%dma_wait3A_2296 : memref<128x128xf32, #tpu.memory_space<vmem>>) dst(%dma_wait3A_2302 : memref<528x128xf32, #tpu.memory_space<vmem_shared>>)
    %add3A_2303 = arith.constant 256 : i32
    %add3A_2304 = arith.addi %add3A_2303, %add3A : i32
    %mul3A_2305 = arith.constant 128 : i32
    %mul3A_2306 = arith.muli %add3A_2304, %mul3A_2305 : i32
    %dma_start3A_2307 = arith.constant 0 : i32
    %dma_start3A_2308 = arith.constant 0 : i32
    %dma_start3A_2309 = arith.constant 0 : i32
    %dma_start3A_2310 = tpu.memref_slice %arg6[%dma_start3A_2307, %dma_start3A_2308, %dma_start3A_2309] : memref<5x128x128xf32, #tpu.memory_space<vmem>> -> memref<1x128x128xf32, #tpu.memory_space<vmem>>
    %dma_start3A_2311 = tpu.memref_squeeze %dma_start3A_2310 : memref<1x128x128xf32, #tpu.memory_space<vmem>> -> memref<128x128xf32, #tpu.memory_space<vmem>>
    %dma_start3A_2312 = arith.constant 0 : i32
    %dma_start3A_2313 = tpu.memref_slice %arg2[%mul3A_2306, %dma_start3A_2312] : memref<100000x128xf32, #tpu.memory_space<hbm>> -> memref<128x128xf32, #tpu.memory_space<hbm>>
    %dma_start3A_2314 = arith.constant 0 : i32
    %dma_start3A_2315 = arith.constant 0 : i32
    %dma_start3A_2316 = tpu.memref_slice %arg6[%dma_start3A_2307, %dma_start3A_2314, %dma_start3A_2315] : memref<5x128x128xf32, #tpu.memory_space<vmem>> -> memref<1x128x128xf32, #tpu.memory_space<vmem>>
    %dma_start3A_2317 = tpu.memref_squeeze %dma_start3A_2316 : memref<1x128x128xf32, #tpu.memory_space<vmem>> -> memref<128x128xf32, #tpu.memory_space<vmem>>
    %dma_start3A_2318 = arith.constant 0 : i32
    %dma_start3A_2319 = tpu.memref_slice %arg2[%mul3A_2306, %dma_start3A_2318] : memref<100000x128xf32, #tpu.memory_space<hbm>> -> memref<128x128xf32, #tpu.memory_space<hbm>>
    tpu.enqueue_dma source(%dma_start3A_2319 : memref<128x128xf32, #tpu.memory_space<hbm>>) target(%dma_start3A_2317 : memref<128x128xf32, #tpu.memory_space<vmem>>) target_semaphore(%arg10 : memref<!tpu.dma_semaphore, #tpu.memory_space<semaphore_mem>>)
    %dma_wait3A_2320 = arith.constant 2 : i32
    %dma_wait3A_2321 = arith.constant 0 : i32
    %dma_wait3A_2322 = arith.constant 0 : i32
    %dma_wait3A_2323 = tpu.memref_slice %arg6[%dma_wait3A_2320, %dma_wait3A_2321, %dma_wait3A_2322] : memref<5x128x128xf32, #tpu.memory_space<vmem>> -> memref<1x128x128xf32, #tpu.memory_space<vmem>>
    %dma_wait3A_2324 = tpu.memref_squeeze %dma_wait3A_2323 : memref<1x128x128xf32, #tpu.memory_space<vmem>> -> memref<128x128xf32, #tpu.memory_space<vmem>>
    %dma_wait3A_2325 = arith.constant 0 : i32
    %dma_wait3A_2326 = tpu.memref_slice %arg2[%mul3A_2180, %dma_wait3A_2325] : memref<100000x128xf32, #tpu.memory_space<hbm>> -> memref<128x128xf32, #tpu.memory_space<hbm>>
    %dma_wait3A_2327 = arith.constant 0 : i32
    %dma_wait3A_2328 = arith.constant 0 : i32
    %dma_wait3A_2329 = tpu.memref_slice %arg6[%dma_wait3A_2320, %dma_wait3A_2327, %dma_wait3A_2328] : memref<5x128x128xf32, #tpu.memory_space<vmem>> -> memref<1x128x128xf32, #tpu.memory_space<vmem>>
    %dma_wait3A_2330 = tpu.memref_squeeze %dma_wait3A_2329 : memref<1x128x128xf32, #tpu.memory_space<vmem>> -> memref<128x128xf32, #tpu.memory_space<vmem>>
    %dma_wait3A_2331 = arith.constant 0 : i32
    %dma_wait3A_2332 = tpu.memref_slice %arg2[%mul3A_2180, %dma_wait3A_2331] : memref<100000x128xf32, #tpu.memory_space<hbm>> -> memref<128x128xf32, #tpu.memory_space<hbm>>
    tpu.wait_dma2 semaphore(%arg12 : memref<!tpu.dma_semaphore, #tpu.memory_space<semaphore_mem>>) src(%dma_wait3A_2332 : memref<128x128xf32, #tpu.memory_space<hbm>>) dst(%dma_wait3A_2330 : memref<128x128xf32, #tpu.memory_space<vmem>>)
    %dma_wait3A_2333 = arith.constant 6 : i32
    %dma_wait3A_2334 = arith.constant 0 : i32
    %dma_wait3A_2335 = tpu.memref_slice %arg5[%dma_wait3A_2333, %dma_wait3A_2334] : memref<25x128xi32, #tpu.memory_space<vmem>> -> memref<1x128xi32, #tpu.memory_space<vmem>>
    %dma_wait3A_2336 = tpu.memref_squeeze %dma_wait3A_2335 : memref<1x128xi32, #tpu.memory_space<vmem>> -> memref<128xi32, #tpu.memory_space<vmem>>
    %dma_wait3A_2337 = tpu.memref_slice %arg3[%mul3A_132] : memref<100000xi32, #tpu.memory_space<hbm>> -> memref<128xi32, #tpu.memory_space<hbm>>
    %dma_wait3A_2338 = arith.constant 0 : i32
    %dma_wait3A_2339 = tpu.memref_slice %arg5[%dma_wait3A_2333, %dma_wait3A_2338] : memref<25x128xi32, #tpu.memory_space<vmem>> -> memref<1x128xi32, #tpu.memory_space<vmem>>
    %dma_wait3A_2340 = tpu.memref_squeeze %dma_wait3A_2339 : memref<1x128xi32, #tpu.memory_space<vmem>> -> memref<128xi32, #tpu.memory_space<vmem>>
    %dma_wait3A_2341 = tpu.memref_slice %arg3[%mul3A_132] : memref<100000xi32, #tpu.memory_space<hbm>> -> memref<128xi32, #tpu.memory_space<hbm>>
    tpu.wait_dma2 semaphore(%arg9 : memref<!tpu.dma_semaphore, #tpu.memory_space<semaphore_mem>>) src(%dma_wait3A_2341 : memref<128xi32, #tpu.memory_space<hbm>>) dst(%dma_wait3A_2340 : memref<128xi32, #tpu.memory_space<vmem>>)
    %dma_start3A_2342 = arith.constant 2 : i32
    %dma_start3A_2343 = arith.constant 6 : i32
    %dma_start3A_2344 = arith.constant 0 : i32
    %dma_start3A_2345 = arith.constant 0 : i32
    %dma_start3A_2346 = tpu.memref_slice %arg6[%dma_start3A_2342, %dma_start3A_2344, %dma_start3A_2345] : memref<5x128x128xf32, #tpu.memory_space<vmem>> -> memref<1x128x128xf32, #tpu.memory_space<vmem>>
    %dma_start3A_2347 = tpu.memref_squeeze %dma_start3A_2346 : memref<1x128x128xf32, #tpu.memory_space<vmem>> -> memref<128x128xf32, #tpu.memory_space<vmem>>
    %dma_start3A_2348 = arith.constant 0 : i32
    %dma_start3A_2349 = tpu.memref_slice %arg5[%dma_start3A_2343, %dma_start3A_2348] : memref<25x128xi32, #tpu.memory_space<vmem>> -> memref<1x128xi32, #tpu.memory_space<vmem>>
    %dma_start3A_2350 = tpu.memref_squeeze %dma_start3A_2349 : memref<1x128xi32, #tpu.memory_space<vmem>> -> memref<128xi32, #tpu.memory_space<vmem>>
    %dma_start3A_2351 = arith.constant 0 : i32
    %dma_start3A_2352 = arith.constant 0 : i32
    %dma_start3A_2353 = tpu.memref_slice %arg8[%dma_start3A_2351, %dma_start3A_2352] : memref<528x128xf32, #tpu.memory_space<vmem_shared>> -> memref<528x128xf32, #tpu.memory_space<vmem_shared>>
    tpu.enqueue_indirect_dma source(%dma_start3A_2347 : memref<128x128xf32, #tpu.memory_space<vmem>>) target(%dma_start3A_2353 : memref<528x128xf32, #tpu.memory_space<vmem_shared>>) offsets(%dma_start3A_2350 : memref<128xi32, #tpu.memory_space<vmem>>) semaphore(%arg16 : memref<!tpu.dma_semaphore, #tpu.memory_space<semaphore_mem>>) {add = true}
    %dma_wait3A_2354 = arith.constant 1 : i32
    %dma_wait3A_2355 = arith.constant 5 : i32
    %dma_wait3A_2356 = arith.constant 0 : i32
    %dma_wait3A_2357 = arith.constant 0 : i32
    %dma_wait3A_2358 = tpu.memref_slice %arg6[%dma_wait3A_2354, %dma_wait3A_2356, %dma_wait3A_2357] : memref<5x128x128xf32, #tpu.memory_space<vmem>> -> memref<1x128x128xf32, #tpu.memory_space<vmem>>
    %dma_wait3A_2359 = tpu.memref_squeeze %dma_wait3A_2358 : memref<1x128x128xf32, #tpu.memory_space<vmem>> -> memref<128x128xf32, #tpu.memory_space<vmem>>
    %dma_wait3A_2360 = arith.constant 0 : i32
    %dma_wait3A_2361 = tpu.memref_slice %arg5[%dma_wait3A_2355, %dma_wait3A_2360] : memref<25x128xi32, #tpu.memory_space<vmem>> -> memref<1x128xi32, #tpu.memory_space<vmem>>
    %dma_wait3A_2362 = tpu.memref_squeeze %dma_wait3A_2361 : memref<1x128xi32, #tpu.memory_space<vmem>> -> memref<128xi32, #tpu.memory_space<vmem>>
    %dma_wait3A_2363 = arith.constant 0 : i32
    %dma_wait3A_2364 = arith.constant 0 : i32
    %dma_wait3A_2365 = tpu.memref_slice %arg8[%dma_wait3A_2363, %dma_wait3A_2364] : memref<528x128xf32, #tpu.memory_space<vmem_shared>> -> memref<528x128xf32, #tpu.memory_space<vmem_shared>>
    tpu.wait_indirect_dma semaphore(%arg15 : memref<!tpu.dma_semaphore, #tpu.memory_space<semaphore_mem>>) src(%dma_wait3A_2359 : memref<128x128xf32, #tpu.memory_space<vmem>>) dst(%dma_wait3A_2365 : memref<528x128xf32, #tpu.memory_space<vmem_shared>>)
    %add3A_2366 = arith.constant 288 : i32
    %add3A_2367 = arith.addi %add3A_2366, %add3A : i32
    %mul3A_2368 = arith.constant 128 : i32
    %mul3A_2369 = arith.muli %add3A_2367, %mul3A_2368 : i32
    %dma_start3A_2370 = arith.constant 1 : i32
    %dma_start3A_2371 = arith.constant 0 : i32
    %dma_start3A_2372 = arith.constant 0 : i32
    %dma_start3A_2373 = tpu.memref_slice %arg6[%dma_start3A_2370, %dma_start3A_2371, %dma_start3A_2372] : memref<5x128x128xf32, #tpu.memory_space<vmem>> -> memref<1x128x128xf32, #tpu.memory_space<vmem>>
    %dma_start3A_2374 = tpu.memref_squeeze %dma_start3A_2373 : memref<1x128x128xf32, #tpu.memory_space<vmem>> -> memref<128x128xf32, #tpu.memory_space<vmem>>
    %dma_start3A_2375 = arith.constant 0 : i32
    %dma_start3A_2376 = tpu.memref_slice %arg2[%mul3A_2369, %dma_start3A_2375] : memref<100000x128xf32, #tpu.memory_space<hbm>> -> memref<128x128xf32, #tpu.memory_space<hbm>>
    %dma_start3A_2377 = arith.constant 0 : i32
    %dma_start3A_2378 = arith.constant 0 : i32
    %dma_start3A_2379 = tpu.memref_slice %arg6[%dma_start3A_2370, %dma_start3A_2377, %dma_start3A_2378] : memref<5x128x128xf32, #tpu.memory_space<vmem>> -> memref<1x128x128xf32, #tpu.memory_space<vmem>>
    %dma_start3A_2380 = tpu.memref_squeeze %dma_start3A_2379 : memref<1x128x128xf32, #tpu.memory_space<vmem>> -> memref<128x128xf32, #tpu.memory_space<vmem>>
    %dma_start3A_2381 = arith.constant 0 : i32
    %dma_start3A_2382 = tpu.memref_slice %arg2[%mul3A_2369, %dma_start3A_2381] : memref<100000x128xf32, #tpu.memory_space<hbm>> -> memref<128x128xf32, #tpu.memory_space<hbm>>
    tpu.enqueue_dma source(%dma_start3A_2382 : memref<128x128xf32, #tpu.memory_space<hbm>>) target(%dma_start3A_2380 : memref<128x128xf32, #tpu.memory_space<vmem>>) target_semaphore(%arg11 : memref<!tpu.dma_semaphore, #tpu.memory_space<semaphore_mem>>)
    %dma_wait3A_2383 = arith.constant 3 : i32
    %dma_wait3A_2384 = arith.constant 0 : i32
    %dma_wait3A_2385 = arith.constant 0 : i32
    %dma_wait3A_2386 = tpu.memref_slice %arg6[%dma_wait3A_2383, %dma_wait3A_2384, %dma_wait3A_2385] : memref<5x128x128xf32, #tpu.memory_space<vmem>> -> memref<1x128x128xf32, #tpu.memory_space<vmem>>
    %dma_wait3A_2387 = tpu.memref_squeeze %dma_wait3A_2386 : memref<1x128x128xf32, #tpu.memory_space<vmem>> -> memref<128x128xf32, #tpu.memory_space<vmem>>
    %dma_wait3A_2388 = arith.constant 0 : i32
    %dma_wait3A_2389 = tpu.memref_slice %arg2[%mul3A_2243, %dma_wait3A_2388] : memref<100000x128xf32, #tpu.memory_space<hbm>> -> memref<128x128xf32, #tpu.memory_space<hbm>>
    %dma_wait3A_2390 = arith.constant 0 : i32
    %dma_wait3A_2391 = arith.constant 0 : i32
    %dma_wait3A_2392 = tpu.memref_slice %arg6[%dma_wait3A_2383, %dma_wait3A_2390, %dma_wait3A_2391] : memref<5x128x128xf32, #tpu.memory_space<vmem>> -> memref<1x128x128xf32, #tpu.memory_space<vmem>>
    %dma_wait3A_2393 = tpu.memref_squeeze %dma_wait3A_2392 : memref<1x128x128xf32, #tpu.memory_space<vmem>> -> memref<128x128xf32, #tpu.memory_space<vmem>>
    %dma_wait3A_2394 = arith.constant 0 : i32
    %dma_wait3A_2395 = tpu.memref_slice %arg2[%mul3A_2243, %dma_wait3A_2394] : memref<100000x128xf32, #tpu.memory_space<hbm>> -> memref<128x128xf32, #tpu.memory_space<hbm>>
    tpu.wait_dma2 semaphore(%arg13 : memref<!tpu.dma_semaphore, #tpu.memory_space<semaphore_mem>>) src(%dma_wait3A_2395 : memref<128x128xf32, #tpu.memory_space<hbm>>) dst(%dma_wait3A_2393 : memref<128x128xf32, #tpu.memory_space<vmem>>)
    %dma_wait3A_2396 = arith.constant 7 : i32
    %dma_wait3A_2397 = arith.constant 0 : i32
    %dma_wait3A_2398 = tpu.memref_slice %arg5[%dma_wait3A_2396, %dma_wait3A_2397] : memref<25x128xi32, #tpu.memory_space<vmem>> -> memref<1x128xi32, #tpu.memory_space<vmem>>
    %dma_wait3A_2399 = tpu.memref_squeeze %dma_wait3A_2398 : memref<1x128xi32, #tpu.memory_space<vmem>> -> memref<128xi32, #tpu.memory_space<vmem>>
    %dma_wait3A_2400 = tpu.memref_slice %arg3[%mul3A_145] : memref<100000xi32, #tpu.memory_space<hbm>> -> memref<128xi32, #tpu.memory_space<hbm>>
    %dma_wait3A_2401 = arith.constant 0 : i32
    %dma_wait3A_2402 = tpu.memref_slice %arg5[%dma_wait3A_2396, %dma_wait3A_2401] : memref<25x128xi32, #tpu.memory_space<vmem>> -> memref<1x128xi32, #tpu.memory_space<vmem>>
    %dma_wait3A_2403 = tpu.memref_squeeze %dma_wait3A_2402 : memref<1x128xi32, #tpu.memory_space<vmem>> -> memref<128xi32, #tpu.memory_space<vmem>>
    %dma_wait3A_2404 = tpu.memref_slice %arg3[%mul3A_145] : memref<100000xi32, #tpu.memory_space<hbm>> -> memref<128xi32, #tpu.memory_space<hbm>>
    tpu.wait_dma2 semaphore(%arg9 : memref<!tpu.dma_semaphore, #tpu.memory_space<semaphore_mem>>) src(%dma_wait3A_2404 : memref<128xi32, #tpu.memory_space<hbm>>) dst(%dma_wait3A_2403 : memref<128xi32, #tpu.memory_space<vmem>>)
    %dma_start3A_2405 = arith.constant 3 : i32
    %dma_start3A_2406 = arith.constant 7 : i32
    %dma_start3A_2407 = arith.constant 0 : i32
    %dma_start3A_2408 = arith.constant 0 : i32
    %dma_start3A_2409 = tpu.memref_slice %arg6[%dma_start3A_2405, %dma_start3A_2407, %dma_start3A_2408] : memref<5x128x128xf32, #tpu.memory_space<vmem>> -> memref<1x128x128xf32, #tpu.memory_space<vmem>>
    %dma_start3A_2410 = tpu.memref_squeeze %dma_start3A_2409 : memref<1x128x128xf32, #tpu.memory_space<vmem>> -> memref<128x128xf32, #tpu.memory_space<vmem>>
    %dma_start3A_2411 = arith.constant 0 : i32
    %dma_start3A_2412 = tpu.memref_slice %arg5[%dma_start3A_2406, %dma_start3A_2411] : memref<25x128xi32, #tpu.memory_space<vmem>> -> memref<1x128xi32, #tpu.memory_space<vmem>>
    %dma_start3A_2413 = tpu.memref_squeeze %dma_start3A_2412 : memref<1x128xi32, #tpu.memory_space<vmem>> -> memref<128xi32, #tpu.memory_space<vmem>>
    %dma_start3A_2414 = arith.constant 0 : i32
    %dma_start3A_2415 = arith.constant 0 : i32
    %dma_start3A_2416 = tpu.memref_slice %arg8[%dma_start3A_2414, %dma_start3A_2415] : memref<528x128xf32, #tpu.memory_space<vmem_shared>> -> memref<528x128xf32, #tpu.memory_space<vmem_shared>>
    tpu.enqueue_indirect_dma source(%dma_start3A_2410 : memref<128x128xf32, #tpu.memory_space<vmem>>) target(%dma_start3A_2416 : memref<528x128xf32, #tpu.memory_space<vmem_shared>>) offsets(%dma_start3A_2413 : memref<128xi32, #tpu.memory_space<vmem>>) semaphore(%arg17 : memref<!tpu.dma_semaphore, #tpu.memory_space<semaphore_mem>>) {add = true}
    %dma_wait3A_2417 = arith.constant 2 : i32
    %dma_wait3A_2418 = arith.constant 6 : i32
    %dma_wait3A_2419 = arith.constant 0 : i32
    %dma_wait3A_2420 = arith.constant 0 : i32
    %dma_wait3A_2421 = tpu.memref_slice %arg6[%dma_wait3A_2417, %dma_wait3A_2419, %dma_wait3A_2420] : memref<5x128x128xf32, #tpu.memory_space<vmem>> -> memref<1x128x128xf32, #tpu.memory_space<vmem>>
    %dma_wait3A_2422 = tpu.memref_squeeze %dma_wait3A_2421 : memref<1x128x128xf32, #tpu.memory_space<vmem>> -> memref<128x128xf32, #tpu.memory_space<vmem>>
    %dma_wait3A_2423 = arith.constant 0 : i32
    %dma_wait3A_2424 = tpu.memref_slice %arg5[%dma_wait3A_2418, %dma_wait3A_2423] : memref<25x128xi32, #tpu.memory_space<vmem>> -> memref<1x128xi32, #tpu.memory_space<vmem>>
    %dma_wait3A_2425 = tpu.memref_squeeze %dma_wait3A_2424 : memref<1x128xi32, #tpu.memory_space<vmem>> -> memref<128xi32, #tpu.memory_space<vmem>>
    %dma_wait3A_2426 = arith.constant 0 : i32
    %dma_wait3A_2427 = arith.constant 0 : i32
    %dma_wait3A_2428 = tpu.memref_slice %arg8[%dma_wait3A_2426, %dma_wait3A_2427] : memref<528x128xf32, #tpu.memory_space<vmem_shared>> -> memref<528x128xf32, #tpu.memory_space<vmem_shared>>
    tpu.wait_indirect_dma semaphore(%arg16 : memref<!tpu.dma_semaphore, #tpu.memory_space<semaphore_mem>>) src(%dma_wait3A_2422 : memref<128x128xf32, #tpu.memory_space<vmem>>) dst(%dma_wait3A_2428 : memref<528x128xf32, #tpu.memory_space<vmem_shared>>)
    %add3A_2429 = arith.constant 320 : i32
    %add3A_2430 = arith.addi %add3A_2429, %add3A : i32
    %mul3A_2431 = arith.constant 128 : i32
    %mul3A_2432 = arith.muli %add3A_2430, %mul3A_2431 : i32
    %dma_start3A_2433 = arith.constant 2 : i32
    %dma_start3A_2434 = arith.constant 0 : i32
    %dma_start3A_2435 = arith.constant 0 : i32
    %dma_start3A_2436 = tpu.memref_slice %arg6[%dma_start3A_2433, %dma_start3A_2434, %dma_start3A_2435] : memref<5x128x128xf32, #tpu.memory_space<vmem>> -> memref<1x128x128xf32, #tpu.memory_space<vmem>>
    %dma_start3A_2437 = tpu.memref_squeeze %dma_start3A_2436 : memref<1x128x128xf32, #tpu.memory_space<vmem>> -> memref<128x128xf32, #tpu.memory_space<vmem>>
    %dma_start3A_2438 = arith.constant 0 : i32
    %dma_start3A_2439 = tpu.memref_slice %arg2[%mul3A_2432, %dma_start3A_2438] : memref<100000x128xf32, #tpu.memory_space<hbm>> -> memref<128x128xf32, #tpu.memory_space<hbm>>
    %dma_start3A_2440 = arith.constant 0 : i32
    %dma_start3A_2441 = arith.constant 0 : i32
    %dma_start3A_2442 = tpu.memref_slice %arg6[%dma_start3A_2433, %dma_start3A_2440, %dma_start3A_2441] : memref<5x128x128xf32, #tpu.memory_space<vmem>> -> memref<1x128x128xf32, #tpu.memory_space<vmem>>
    %dma_start3A_2443 = tpu.memref_squeeze %dma_start3A_2442 : memref<1x128x128xf32, #tpu.memory_space<vmem>> -> memref<128x128xf32, #tpu.memory_space<vmem>>
    %dma_start3A_2444 = arith.constant 0 : i32
    %dma_start3A_2445 = tpu.memref_slice %arg2[%mul3A_2432, %dma_start3A_2444] : memref<100000x128xf32, #tpu.memory_space<hbm>> -> memref<128x128xf32, #tpu.memory_space<hbm>>
    tpu.enqueue_dma source(%dma_start3A_2445 : memref<128x128xf32, #tpu.memory_space<hbm>>) target(%dma_start3A_2443 : memref<128x128xf32, #tpu.memory_space<vmem>>) target_semaphore(%arg12 : memref<!tpu.dma_semaphore, #tpu.memory_space<semaphore_mem>>)
    %dma_wait3A_2446 = arith.constant 0 : i32
    %dma_wait3A_2447 = arith.constant 0 : i32
    %dma_wait3A_2448 = arith.constant 0 : i32
    %dma_wait3A_2449 = tpu.memref_slice %arg6[%dma_wait3A_2446, %dma_wait3A_2447, %dma_wait3A_2448] : memref<5x128x128xf32, #tpu.memory_space<vmem>> -> memref<1x128x128xf32, #tpu.memory_space<vmem>>
    %dma_wait3A_2450 = tpu.memref_squeeze %dma_wait3A_2449 : memref<1x128x128xf32, #tpu.memory_space<vmem>> -> memref<128x128xf32, #tpu.memory_space<vmem>>
    %dma_wait3A_2451 = arith.constant 0 : i32
    %dma_wait3A_2452 = tpu.memref_slice %arg2[%mul3A_2306, %dma_wait3A_2451] : memref<100000x128xf32, #tpu.memory_space<hbm>> -> memref<128x128xf32, #tpu.memory_space<hbm>>
    %dma_wait3A_2453 = arith.constant 0 : i32
    %dma_wait3A_2454 = arith.constant 0 : i32
    %dma_wait3A_2455 = tpu.memref_slice %arg6[%dma_wait3A_2446, %dma_wait3A_2453, %dma_wait3A_2454] : memref<5x128x128xf32, #tpu.memory_space<vmem>> -> memref<1x128x128xf32, #tpu.memory_space<vmem>>
    %dma_wait3A_2456 = tpu.memref_squeeze %dma_wait3A_2455 : memref<1x128x128xf32, #tpu.memory_space<vmem>> -> memref<128x128xf32, #tpu.memory_space<vmem>>
    %dma_wait3A_2457 = arith.constant 0 : i32
    %dma_wait3A_2458 = tpu.memref_slice %arg2[%mul3A_2306, %dma_wait3A_2457] : memref<100000x128xf32, #tpu.memory_space<hbm>> -> memref<128x128xf32, #tpu.memory_space<hbm>>
    tpu.wait_dma2 semaphore(%arg10 : memref<!tpu.dma_semaphore, #tpu.memory_space<semaphore_mem>>) src(%dma_wait3A_2458 : memref<128x128xf32, #tpu.memory_space<hbm>>) dst(%dma_wait3A_2456 : memref<128x128xf32, #tpu.memory_space<vmem>>)
    %dma_wait3A_2459 = arith.constant 8 : i32
    %dma_wait3A_2460 = arith.constant 0 : i32
    %dma_wait3A_2461 = tpu.memref_slice %arg5[%dma_wait3A_2459, %dma_wait3A_2460] : memref<25x128xi32, #tpu.memory_space<vmem>> -> memref<1x128xi32, #tpu.memory_space<vmem>>
    %dma_wait3A_2462 = tpu.memref_squeeze %dma_wait3A_2461 : memref<1x128xi32, #tpu.memory_space<vmem>> -> memref<128xi32, #tpu.memory_space<vmem>>
    %dma_wait3A_2463 = tpu.memref_slice %arg3[%mul3A_158] : memref<100000xi32, #tpu.memory_space<hbm>> -> memref<128xi32, #tpu.memory_space<hbm>>
    %dma_wait3A_2464 = arith.constant 0 : i32
    %dma_wait3A_2465 = tpu.memref_slice %arg5[%dma_wait3A_2459, %dma_wait3A_2464] : memref<25x128xi32, #tpu.memory_space<vmem>> -> memref<1x128xi32, #tpu.memory_space<vmem>>
    %dma_wait3A_2466 = tpu.memref_squeeze %dma_wait3A_2465 : memref<1x128xi32, #tpu.memory_space<vmem>> -> memref<128xi32, #tpu.memory_space<vmem>>
    %dma_wait3A_2467 = tpu.memref_slice %arg3[%mul3A_158] : memref<100000xi32, #tpu.memory_space<hbm>> -> memref<128xi32, #tpu.memory_space<hbm>>
    tpu.wait_dma2 semaphore(%arg9 : memref<!tpu.dma_semaphore, #tpu.memory_space<semaphore_mem>>) src(%dma_wait3A_2467 : memref<128xi32, #tpu.memory_space<hbm>>) dst(%dma_wait3A_2466 : memref<128xi32, #tpu.memory_space<vmem>>)
    %dma_start3A_2468 = arith.constant 0 : i32
    %dma_start3A_2469 = arith.constant 8 : i32
    %dma_start3A_2470 = arith.constant 0 : i32
    %dma_start3A_2471 = arith.constant 0 : i32
    %dma_start3A_2472 = tpu.memref_slice %arg6[%dma_start3A_2468, %dma_start3A_2470, %dma_start3A_2471] : memref<5x128x128xf32, #tpu.memory_space<vmem>> -> memref<1x128x128xf32, #tpu.memory_space<vmem>>
    %dma_start3A_2473 = tpu.memref_squeeze %dma_start3A_2472 : memref<1x128x128xf32, #tpu.memory_space<vmem>> -> memref<128x128xf32, #tpu.memory_space<vmem>>
    %dma_start3A_2474 = arith.constant 0 : i32
    %dma_start3A_2475 = tpu.memref_slice %arg5[%dma_start3A_2469, %dma_start3A_2474] : memref<25x128xi32, #tpu.memory_space<vmem>> -> memref<1x128xi32, #tpu.memory_space<vmem>>
    %dma_start3A_2476 = tpu.memref_squeeze %dma_start3A_2475 : memref<1x128xi32, #tpu.memory_space<vmem>> -> memref<128xi32, #tpu.memory_space<vmem>>
    %dma_start3A_2477 = arith.constant 0 : i32
    %dma_start3A_2478 = arith.constant 0 : i32
    %dma_start3A_2479 = tpu.memref_slice %arg8[%dma_start3A_2477, %dma_start3A_2478] : memref<528x128xf32, #tpu.memory_space<vmem_shared>> -> memref<528x128xf32, #tpu.memory_space<vmem_shared>>
    tpu.enqueue_indirect_dma source(%dma_start3A_2473 : memref<128x128xf32, #tpu.memory_space<vmem>>) target(%dma_start3A_2479 : memref<528x128xf32, #tpu.memory_space<vmem_shared>>) offsets(%dma_start3A_2476 : memref<128xi32, #tpu.memory_space<vmem>>) semaphore(%arg14 : memref<!tpu.dma_semaphore, #tpu.memory_space<semaphore_mem>>) {add = true}
    %dma_wait3A_2480 = arith.constant 3 : i32
    %dma_wait3A_2481 = arith.constant 7 : i32
    %dma_wait3A_2482 = arith.constant 0 : i32
    %dma_wait3A_2483 = arith.constant 0 : i32
    %dma_wait3A_2484 = tpu.memref_slice %arg6[%dma_wait3A_2480, %dma_wait3A_2482, %dma_wait3A_2483] : memref<5x128x128xf32, #tpu.memory_space<vmem>> -> memref<1x128x128xf32, #tpu.memory_space<vmem>>
    %dma_wait3A_2485 = tpu.memref_squeeze %dma_wait3A_2484 : memref<1x128x128xf32, #tpu.memory_space<vmem>> -> memref<128x128xf32, #tpu.memory_space<vmem>>
    %dma_wait3A_2486 = arith.constant 0 : i32
    %dma_wait3A_2487 = tpu.memref_slice %arg5[%dma_wait3A_2481, %dma_wait3A_2486] : memref<25x128xi32, #tpu.memory_space<vmem>> -> memref<1x128xi32, #tpu.memory_space<vmem>>
    %dma_wait3A_2488 = tpu.memref_squeeze %dma_wait3A_2487 : memref<1x128xi32, #tpu.memory_space<vmem>> -> memref<128xi32, #tpu.memory_space<vmem>>
    %dma_wait3A_2489 = arith.constant 0 : i32
    %dma_wait3A_2490 = arith.constant 0 : i32
    %dma_wait3A_2491 = tpu.memref_slice %arg8[%dma_wait3A_2489, %dma_wait3A_2490] : memref<528x128xf32, #tpu.memory_space<vmem_shared>> -> memref<528x128xf32, #tpu.memory_space<vmem_shared>>
    tpu.wait_indirect_dma semaphore(%arg17 : memref<!tpu.dma_semaphore, #tpu.memory_space<semaphore_mem>>) src(%dma_wait3A_2485 : memref<128x128xf32, #tpu.memory_space<vmem>>) dst(%dma_wait3A_2491 : memref<528x128xf32, #tpu.memory_space<vmem_shared>>)
    %add3A_2492 = arith.constant 352 : i32
    %add3A_2493 = arith.addi %add3A_2492, %add3A : i32
    %mul3A_2494 = arith.constant 128 : i32
    %mul3A_2495 = arith.muli %add3A_2493, %mul3A_2494 : i32
    %dma_start3A_2496 = arith.constant 3 : i32
    %dma_start3A_2497 = arith.constant 0 : i32
    %dma_start3A_2498 = arith.constant 0 : i32
    %dma_start3A_2499 = tpu.memref_slice %arg6[%dma_start3A_2496, %dma_start3A_2497, %dma_start3A_2498] : memref<5x128x128xf32, #tpu.memory_space<vmem>> -> memref<1x128x128xf32, #tpu.memory_space<vmem>>
    %dma_start3A_2500 = tpu.memref_squeeze %dma_start3A_2499 : memref<1x128x128xf32, #tpu.memory_space<vmem>> -> memref<128x128xf32, #tpu.memory_space<vmem>>
    %dma_start3A_2501 = arith.constant 0 : i32
    %dma_start3A_2502 = tpu.memref_slice %arg2[%mul3A_2495, %dma_start3A_2501] : memref<100000x128xf32, #tpu.memory_space<hbm>> -> memref<128x128xf32, #tpu.memory_space<hbm>>
    %dma_start3A_2503 = arith.constant 0 : i32
    %dma_start3A_2504 = arith.constant 0 : i32
    %dma_start3A_2505 = tpu.memref_slice %arg6[%dma_start3A_2496, %dma_start3A_2503, %dma_start3A_2504] : memref<5x128x128xf32, #tpu.memory_space<vmem>> -> memref<1x128x128xf32, #tpu.memory_space<vmem>>
    %dma_start3A_2506 = tpu.memref_squeeze %dma_start3A_2505 : memref<1x128x128xf32, #tpu.memory_space<vmem>> -> memref<128x128xf32, #tpu.memory_space<vmem>>
    %dma_start3A_2507 = arith.constant 0 : i32
    %dma_start3A_2508 = tpu.memref_slice %arg2[%mul3A_2495, %dma_start3A_2507] : memref<100000x128xf32, #tpu.memory_space<hbm>> -> memref<128x128xf32, #tpu.memory_space<hbm>>
    tpu.enqueue_dma source(%dma_start3A_2508 : memref<128x128xf32, #tpu.memory_space<hbm>>) target(%dma_start3A_2506 : memref<128x128xf32, #tpu.memory_space<vmem>>) target_semaphore(%arg13 : memref<!tpu.dma_semaphore, #tpu.memory_space<semaphore_mem>>)
    %dma_wait3A_2509 = arith.constant 1 : i32
    %dma_wait3A_2510 = arith.constant 0 : i32
    %dma_wait3A_2511 = arith.constant 0 : i32
    %dma_wait3A_2512 = tpu.memref_slice %arg6[%dma_wait3A_2509, %dma_wait3A_2510, %dma_wait3A_2511] : memref<5x128x128xf32, #tpu.memory_space<vmem>> -> memref<1x128x128xf32, #tpu.memory_space<vmem>>
    %dma_wait3A_2513 = tpu.memref_squeeze %dma_wait3A_2512 : memref<1x128x128xf32, #tpu.memory_space<vmem>> -> memref<128x128xf32, #tpu.memory_space<vmem>>
    %dma_wait3A_2514 = arith.constant 0 : i32
    %dma_wait3A_2515 = tpu.memref_slice %arg2[%mul3A_2369, %dma_wait3A_2514] : memref<100000x128xf32, #tpu.memory_space<hbm>> -> memref<128x128xf32, #tpu.memory_space<hbm>>
    %dma_wait3A_2516 = arith.constant 0 : i32
    %dma_wait3A_2517 = arith.constant 0 : i32
    %dma_wait3A_2518 = tpu.memref_slice %arg6[%dma_wait3A_2509, %dma_wait3A_2516, %dma_wait3A_2517] : memref<5x128x128xf32, #tpu.memory_space<vmem>> -> memref<1x128x128xf32, #tpu.memory_space<vmem>>
    %dma_wait3A_2519 = tpu.memref_squeeze %dma_wait3A_2518 : memref<1x128x128xf32, #tpu.memory_space<vmem>> -> memref<128x128xf32, #tpu.memory_space<vmem>>
    %dma_wait3A_2520 = arith.constant 0 : i32
    %dma_wait3A_2521 = tpu.memref_slice %arg2[%mul3A_2369, %dma_wait3A_2520] : memref<100000x128xf32, #tpu.memory_space<hbm>> -> memref<128x128xf32, #tpu.memory_space<hbm>>
    tpu.wait_dma2 semaphore(%arg11 : memref<!tpu.dma_semaphore, #tpu.memory_space<semaphore_mem>>) src(%dma_wait3A_2521 : memref<128x128xf32, #tpu.memory_space<hbm>>) dst(%dma_wait3A_2519 : memref<128x128xf32, #tpu.memory_space<vmem>>)
    %dma_wait3A_2522 = arith.constant 9 : i32
    %dma_wait3A_2523 = arith.constant 0 : i32
    %dma_wait3A_2524 = tpu.memref_slice %arg5[%dma_wait3A_2522, %dma_wait3A_2523] : memref<25x128xi32, #tpu.memory_space<vmem>> -> memref<1x128xi32, #tpu.memory_space<vmem>>
    %dma_wait3A_2525 = tpu.memref_squeeze %dma_wait3A_2524 : memref<1x128xi32, #tpu.memory_space<vmem>> -> memref<128xi32, #tpu.memory_space<vmem>>
    %dma_wait3A_2526 = tpu.memref_slice %arg3[%mul3A_171] : memref<100000xi32, #tpu.memory_space<hbm>> -> memref<128xi32, #tpu.memory_space<hbm>>
    %dma_wait3A_2527 = arith.constant 0 : i32
    %dma_wait3A_2528 = tpu.memref_slice %arg5[%dma_wait3A_2522, %dma_wait3A_2527] : memref<25x128xi32, #tpu.memory_space<vmem>> -> memref<1x128xi32, #tpu.memory_space<vmem>>
    %dma_wait3A_2529 = tpu.memref_squeeze %dma_wait3A_2528 : memref<1x128xi32, #tpu.memory_space<vmem>> -> memref<128xi32, #tpu.memory_space<vmem>>
    %dma_wait3A_2530 = tpu.memref_slice %arg3[%mul3A_171] : memref<100000xi32, #tpu.memory_space<hbm>> -> memref<128xi32, #tpu.memory_space<hbm>>
    tpu.wait_dma2 semaphore(%arg9 : memref<!tpu.dma_semaphore, #tpu.memory_space<semaphore_mem>>) src(%dma_wait3A_2530 : memref<128xi32, #tpu.memory_space<hbm>>) dst(%dma_wait3A_2529 : memref<128xi32, #tpu.memory_space<vmem>>)
    %dma_start3A_2531 = arith.constant 1 : i32
    %dma_start3A_2532 = arith.constant 9 : i32
    %dma_start3A_2533 = arith.constant 0 : i32
    %dma_start3A_2534 = arith.constant 0 : i32
    %dma_start3A_2535 = tpu.memref_slice %arg6[%dma_start3A_2531, %dma_start3A_2533, %dma_start3A_2534] : memref<5x128x128xf32, #tpu.memory_space<vmem>> -> memref<1x128x128xf32, #tpu.memory_space<vmem>>
    %dma_start3A_2536 = tpu.memref_squeeze %dma_start3A_2535 : memref<1x128x128xf32, #tpu.memory_space<vmem>> -> memref<128x128xf32, #tpu.memory_space<vmem>>
    %dma_start3A_2537 = arith.constant 0 : i32
    %dma_start3A_2538 = tpu.memref_slice %arg5[%dma_start3A_2532, %dma_start3A_2537] : memref<25x128xi32, #tpu.memory_space<vmem>> -> memref<1x128xi32, #tpu.memory_space<vmem>>
    %dma_start3A_2539 = tpu.memref_squeeze %dma_start3A_2538 : memref<1x128xi32, #tpu.memory_space<vmem>> -> memref<128xi32, #tpu.memory_space<vmem>>
    %dma_start3A_2540 = arith.constant 0 : i32
    %dma_start3A_2541 = arith.constant 0 : i32
    %dma_start3A_2542 = tpu.memref_slice %arg8[%dma_start3A_2540, %dma_start3A_2541] : memref<528x128xf32, #tpu.memory_space<vmem_shared>> -> memref<528x128xf32, #tpu.memory_space<vmem_shared>>
    tpu.enqueue_indirect_dma source(%dma_start3A_2536 : memref<128x128xf32, #tpu.memory_space<vmem>>) target(%dma_start3A_2542 : memref<528x128xf32, #tpu.memory_space<vmem_shared>>) offsets(%dma_start3A_2539 : memref<128xi32, #tpu.memory_space<vmem>>) semaphore(%arg15 : memref<!tpu.dma_semaphore, #tpu.memory_space<semaphore_mem>>) {add = true}
    %dma_wait3A_2543 = arith.constant 0 : i32
    %dma_wait3A_2544 = arith.constant 8 : i32
    %dma_wait3A_2545 = arith.constant 0 : i32
    %dma_wait3A_2546 = arith.constant 0 : i32
    %dma_wait3A_2547 = tpu.memref_slice %arg6[%dma_wait3A_2543, %dma_wait3A_2545, %dma_wait3A_2546] : memref<5x128x128xf32, #tpu.memory_space<vmem>> -> memref<1x128x128xf32, #tpu.memory_space<vmem>>
    %dma_wait3A_2548 = tpu.memref_squeeze %dma_wait3A_2547 : memref<1x128x128xf32, #tpu.memory_space<vmem>> -> memref<128x128xf32, #tpu.memory_space<vmem>>
    %dma_wait3A_2549 = arith.constant 0 : i32
    %dma_wait3A_2550 = tpu.memref_slice %arg5[%dma_wait3A_2544, %dma_wait3A_2549] : memref<25x128xi32, #tpu.memory_space<vmem>> -> memref<1x128xi32, #tpu.memory_space<vmem>>
    %dma_wait3A_2551 = tpu.memref_squeeze %dma_wait3A_2550 : memref<1x128xi32, #tpu.memory_space<vmem>> -> memref<128xi32, #tpu.memory_space<vmem>>
    %dma_wait3A_2552 = arith.constant 0 : i32
    %dma_wait3A_2553 = arith.constant 0 : i32
    %dma_wait3A_2554 = tpu.memref_slice %arg8[%dma_wait3A_2552, %dma_wait3A_2553] : memref<528x128xf32, #tpu.memory_space<vmem_shared>> -> memref<528x128xf32, #tpu.memory_space<vmem_shared>>
    tpu.wait_indirect_dma semaphore(%arg14 : memref<!tpu.dma_semaphore, #tpu.memory_space<semaphore_mem>>) src(%dma_wait3A_2548 : memref<128x128xf32, #tpu.memory_space<vmem>>) dst(%dma_wait3A_2554 : memref<528x128xf32, #tpu.memory_space<vmem_shared>>)
    %add3A_2555 = arith.constant 384 : i32
    %add3A_2556 = arith.addi %add3A_2555, %add3A : i32
    %mul3A_2557 = arith.constant 128 : i32
    %mul3A_2558 = arith.muli %add3A_2556, %mul3A_2557 : i32
    %dma_start3A_2559 = arith.constant 0 : i32
    %dma_start3A_2560 = arith.constant 0 : i32
    %dma_start3A_2561 = arith.constant 0 : i32
    %dma_start3A_2562 = tpu.memref_slice %arg6[%dma_start3A_2559, %dma_start3A_2560, %dma_start3A_2561] : memref<5x128x128xf32, #tpu.memory_space<vmem>> -> memref<1x128x128xf32, #tpu.memory_space<vmem>>
    %dma_start3A_2563 = tpu.memref_squeeze %dma_start3A_2562 : memref<1x128x128xf32, #tpu.memory_space<vmem>> -> memref<128x128xf32, #tpu.memory_space<vmem>>
    %dma_start3A_2564 = arith.constant 0 : i32
    %dma_start3A_2565 = tpu.memref_slice %arg2[%mul3A_2558, %dma_start3A_2564] : memref<100000x128xf32, #tpu.memory_space<hbm>> -> memref<128x128xf32, #tpu.memory_space<hbm>>
    %dma_start3A_2566 = arith.constant 0 : i32
    %dma_start3A_2567 = arith.constant 0 : i32
    %dma_start3A_2568 = tpu.memref_slice %arg6[%dma_start3A_2559, %dma_start3A_2566, %dma_start3A_2567] : memref<5x128x128xf32, #tpu.memory_space<vmem>> -> memref<1x128x128xf32, #tpu.memory_space<vmem>>
    %dma_start3A_2569 = tpu.memref_squeeze %dma_start3A_2568 : memref<1x128x128xf32, #tpu.memory_space<vmem>> -> memref<128x128xf32, #tpu.memory_space<vmem>>
    %dma_start3A_2570 = arith.constant 0 : i32
    %dma_start3A_2571 = tpu.memref_slice %arg2[%mul3A_2558, %dma_start3A_2570] : memref<100000x128xf32, #tpu.memory_space<hbm>> -> memref<128x128xf32, #tpu.memory_space<hbm>>
    tpu.enqueue_dma source(%dma_start3A_2571 : memref<128x128xf32, #tpu.memory_space<hbm>>) target(%dma_start3A_2569 : memref<128x128xf32, #tpu.memory_space<vmem>>) target_semaphore(%arg10 : memref<!tpu.dma_semaphore, #tpu.memory_space<semaphore_mem>>)
    %dma_wait3A_2572 = arith.constant 2 : i32
    %dma_wait3A_2573 = arith.constant 0 : i32
    %dma_wait3A_2574 = arith.constant 0 : i32
    %dma_wait3A_2575 = tpu.memref_slice %arg6[%dma_wait3A_2572, %dma_wait3A_2573, %dma_wait3A_2574] : memref<5x128x128xf32, #tpu.memory_space<vmem>> -> memref<1x128x128xf32, #tpu.memory_space<vmem>>
    %dma_wait3A_2576 = tpu.memref_squeeze %dma_wait3A_2575 : memref<1x128x128xf32, #tpu.memory_space<vmem>> -> memref<128x128xf32, #tpu.memory_space<vmem>>
    %dma_wait3A_2577 = arith.constant 0 : i32
    %dma_wait3A_2578 = tpu.memref_slice %arg2[%mul3A_2432, %dma_wait3A_2577] : memref<100000x128xf32, #tpu.memory_space<hbm>> -> memref<128x128xf32, #tpu.memory_space<hbm>>
    %dma_wait3A_2579 = arith.constant 0 : i32
    %dma_wait3A_2580 = arith.constant 0 : i32
    %dma_wait3A_2581 = tpu.memref_slice %arg6[%dma_wait3A_2572, %dma_wait3A_2579, %dma_wait3A_2580] : memref<5x128x128xf32, #tpu.memory_space<vmem>> -> memref<1x128x128xf32, #tpu.memory_space<vmem>>
    %dma_wait3A_2582 = tpu.memref_squeeze %dma_wait3A_2581 : memref<1x128x128xf32, #tpu.memory_space<vmem>> -> memref<128x128xf32, #tpu.memory_space<vmem>>
    %dma_wait3A_2583 = arith.constant 0 : i32
    %dma_wait3A_2584 = tpu.memref_slice %arg2[%mul3A_2432, %dma_wait3A_2583] : memref<100000x128xf32, #tpu.memory_space<hbm>> -> memref<128x128xf32, #tpu.memory_space<hbm>>
    tpu.wait_dma2 semaphore(%arg12 : memref<!tpu.dma_semaphore, #tpu.memory_space<semaphore_mem>>) src(%dma_wait3A_2584 : memref<128x128xf32, #tpu.memory_space<hbm>>) dst(%dma_wait3A_2582 : memref<128x128xf32, #tpu.memory_space<vmem>>)
    %dma_wait3A_2585 = arith.constant 10 : i32
    %dma_wait3A_2586 = arith.constant 0 : i32
    %dma_wait3A_2587 = tpu.memref_slice %arg5[%dma_wait3A_2585, %dma_wait3A_2586] : memref<25x128xi32, #tpu.memory_space<vmem>> -> memref<1x128xi32, #tpu.memory_space<vmem>>
    %dma_wait3A_2588 = tpu.memref_squeeze %dma_wait3A_2587 : memref<1x128xi32, #tpu.memory_space<vmem>> -> memref<128xi32, #tpu.memory_space<vmem>>
    %dma_wait3A_2589 = tpu.memref_slice %arg3[%mul3A_184] : memref<100000xi32, #tpu.memory_space<hbm>> -> memref<128xi32, #tpu.memory_space<hbm>>
    %dma_wait3A_2590 = arith.constant 0 : i32
    %dma_wait3A_2591 = tpu.memref_slice %arg5[%dma_wait3A_2585, %dma_wait3A_2590] : memref<25x128xi32, #tpu.memory_space<vmem>> -> memref<1x128xi32, #tpu.memory_space<vmem>>
    %dma_wait3A_2592 = tpu.memref_squeeze %dma_wait3A_2591 : memref<1x128xi32, #tpu.memory_space<vmem>> -> memref<128xi32, #tpu.memory_space<vmem>>
    %dma_wait3A_2593 = tpu.memref_slice %arg3[%mul3A_184] : memref<100000xi32, #tpu.memory_space<hbm>> -> memref<128xi32, #tpu.memory_space<hbm>>
    tpu.wait_dma2 semaphore(%arg9 : memref<!tpu.dma_semaphore, #tpu.memory_space<semaphore_mem>>) src(%dma_wait3A_2593 : memref<128xi32, #tpu.memory_space<hbm>>) dst(%dma_wait3A_2592 : memref<128xi32, #tpu.memory_space<vmem>>)
    %dma_start3A_2594 = arith.constant 2 : i32
    %dma_start3A_2595 = arith.constant 10 : i32
    %dma_start3A_2596 = arith.constant 0 : i32
    %dma_start3A_2597 = arith.constant 0 : i32
    %dma_start3A_2598 = tpu.memref_slice %arg6[%dma_start3A_2594, %dma_start3A_2596, %dma_start3A_2597] : memref<5x128x128xf32, #tpu.memory_space<vmem>> -> memref<1x128x128xf32, #tpu.memory_space<vmem>>
    %dma_start3A_2599 = tpu.memref_squeeze %dma_start3A_2598 : memref<1x128x128xf32, #tpu.memory_space<vmem>> -> memref<128x128xf32, #tpu.memory_space<vmem>>
    %dma_start3A_2600 = arith.constant 0 : i32
    %dma_start3A_2601 = tpu.memref_slice %arg5[%dma_start3A_2595, %dma_start3A_2600] : memref<25x128xi32, #tpu.memory_space<vmem>> -> memref<1x128xi32, #tpu.memory_space<vmem>>
    %dma_start3A_2602 = tpu.memref_squeeze %dma_start3A_2601 : memref<1x128xi32, #tpu.memory_space<vmem>> -> memref<128xi32, #tpu.memory_space<vmem>>
    %dma_start3A_2603 = arith.constant 0 : i32
    %dma_start3A_2604 = arith.constant 0 : i32
    %dma_start3A_2605 = tpu.memref_slice %arg8[%dma_start3A_2603, %dma_start3A_2604] : memref<528x128xf32, #tpu.memory_space<vmem_shared>> -> memref<528x128xf32, #tpu.memory_space<vmem_shared>>
    tpu.enqueue_indirect_dma source(%dma_start3A_2599 : memref<128x128xf32, #tpu.memory_space<vmem>>) target(%dma_start3A_2605 : memref<528x128xf32, #tpu.memory_space<vmem_shared>>) offsets(%dma_start3A_2602 : memref<128xi32, #tpu.memory_space<vmem>>) semaphore(%arg16 : memref<!tpu.dma_semaphore, #tpu.memory_space<semaphore_mem>>) {add = true}
    %dma_wait3A_2606 = arith.constant 1 : i32
    %dma_wait3A_2607 = arith.constant 9 : i32
    %dma_wait3A_2608 = arith.constant 0 : i32
    %dma_wait3A_2609 = arith.constant 0 : i32
    %dma_wait3A_2610 = tpu.memref_slice %arg6[%dma_wait3A_2606, %dma_wait3A_2608, %dma_wait3A_2609] : memref<5x128x128xf32, #tpu.memory_space<vmem>> -> memref<1x128x128xf32, #tpu.memory_space<vmem>>
    %dma_wait3A_2611 = tpu.memref_squeeze %dma_wait3A_2610 : memref<1x128x128xf32, #tpu.memory_space<vmem>> -> memref<128x128xf32, #tpu.memory_space<vmem>>
    %dma_wait3A_2612 = arith.constant 0 : i32
    %dma_wait3A_2613 = tpu.memref_slice %arg5[%dma_wait3A_2607, %dma_wait3A_2612] : memref<25x128xi32, #tpu.memory_space<vmem>> -> memref<1x128xi32, #tpu.memory_space<vmem>>
    %dma_wait3A_2614 = tpu.memref_squeeze %dma_wait3A_2613 : memref<1x128xi32, #tpu.memory_space<vmem>> -> memref<128xi32, #tpu.memory_space<vmem>>
    %dma_wait3A_2615 = arith.constant 0 : i32
    %dma_wait3A_2616 = arith.constant 0 : i32
    %dma_wait3A_2617 = tpu.memref_slice %arg8[%dma_wait3A_2615, %dma_wait3A_2616] : memref<528x128xf32, #tpu.memory_space<vmem_shared>> -> memref<528x128xf32, #tpu.memory_space<vmem_shared>>
    tpu.wait_indirect_dma semaphore(%arg15 : memref<!tpu.dma_semaphore, #tpu.memory_space<semaphore_mem>>) src(%dma_wait3A_2611 : memref<128x128xf32, #tpu.memory_space<vmem>>) dst(%dma_wait3A_2617 : memref<528x128xf32, #tpu.memory_space<vmem_shared>>)
    %add3A_2618 = arith.constant 416 : i32
    %add3A_2619 = arith.addi %add3A_2618, %add3A : i32
    %mul3A_2620 = arith.constant 128 : i32
    %mul3A_2621 = arith.muli %add3A_2619, %mul3A_2620 : i32
    %dma_start3A_2622 = arith.constant 1 : i32
    %dma_start3A_2623 = arith.constant 0 : i32
    %dma_start3A_2624 = arith.constant 0 : i32
    %dma_start3A_2625 = tpu.memref_slice %arg6[%dma_start3A_2622, %dma_start3A_2623, %dma_start3A_2624] : memref<5x128x128xf32, #tpu.memory_space<vmem>> -> memref<1x128x128xf32, #tpu.memory_space<vmem>>
    %dma_start3A_2626 = tpu.memref_squeeze %dma_start3A_2625 : memref<1x128x128xf32, #tpu.memory_space<vmem>> -> memref<128x128xf32, #tpu.memory_space<vmem>>
    %dma_start3A_2627 = arith.constant 0 : i32
    %dma_start3A_2628 = tpu.memref_slice %arg2[%mul3A_2621, %dma_start3A_2627] : memref<100000x128xf32, #tpu.memory_space<hbm>> -> memref<128x128xf32, #tpu.memory_space<hbm>>
    %dma_start3A_2629 = arith.constant 0 : i32
    %dma_start3A_2630 = arith.constant 0 : i32
    %dma_start3A_2631 = tpu.memref_slice %arg6[%dma_start3A_2622, %dma_start3A_2629, %dma_start3A_2630] : memref<5x128x128xf32, #tpu.memory_space<vmem>> -> memref<1x128x128xf32, #tpu.memory_space<vmem>>
    %dma_start3A_2632 = tpu.memref_squeeze %dma_start3A_2631 : memref<1x128x128xf32, #tpu.memory_space<vmem>> -> memref<128x128xf32, #tpu.memory_space<vmem>>
    %dma_start3A_2633 = arith.constant 0 : i32
    %dma_start3A_2634 = tpu.memref_slice %arg2[%mul3A_2621, %dma_start3A_2633] : memref<100000x128xf32, #tpu.memory_space<hbm>> -> memref<128x128xf32, #tpu.memory_space<hbm>>
    tpu.enqueue_dma source(%dma_start3A_2634 : memref<128x128xf32, #tpu.memory_space<hbm>>) target(%dma_start3A_2632 : memref<128x128xf32, #tpu.memory_space<vmem>>) target_semaphore(%arg11 : memref<!tpu.dma_semaphore, #tpu.memory_space<semaphore_mem>>)
    %dma_wait3A_2635 = arith.constant 3 : i32
    %dma_wait3A_2636 = arith.constant 0 : i32
    %dma_wait3A_2637 = arith.constant 0 : i32
    %dma_wait3A_2638 = tpu.memref_slice %arg6[%dma_wait3A_2635, %dma_wait3A_2636, %dma_wait3A_2637] : memref<5x128x128xf32, #tpu.memory_space<vmem>> -> memref<1x128x128xf32, #tpu.memory_space<vmem>>
    %dma_wait3A_2639 = tpu.memref_squeeze %dma_wait3A_2638 : memref<1x128x128xf32, #tpu.memory_space<vmem>> -> memref<128x128xf32, #tpu.memory_space<vmem>>
    %dma_wait3A_2640 = arith.constant 0 : i32
    %dma_wait3A_2641 = tpu.memref_slice %arg2[%mul3A_2495, %dma_wait3A_2640] : memref<100000x128xf32, #tpu.memory_space<hbm>> -> memref<128x128xf32, #tpu.memory_space<hbm>>
    %dma_wait3A_2642 = arith.constant 0 : i32
    %dma_wait3A_2643 = arith.constant 0 : i32
    %dma_wait3A_2644 = tpu.memref_slice %arg6[%dma_wait3A_2635, %dma_wait3A_2642, %dma_wait3A_2643] : memref<5x128x128xf32, #tpu.memory_space<vmem>> -> memref<1x128x128xf32, #tpu.memory_space<vmem>>
    %dma_wait3A_2645 = tpu.memref_squeeze %dma_wait3A_2644 : memref<1x128x128xf32, #tpu.memory_space<vmem>> -> memref<128x128xf32, #tpu.memory_space<vmem>>
    %dma_wait3A_2646 = arith.constant 0 : i32
    %dma_wait3A_2647 = tpu.memref_slice %arg2[%mul3A_2495, %dma_wait3A_2646] : memref<100000x128xf32, #tpu.memory_space<hbm>> -> memref<128x128xf32, #tpu.memory_space<hbm>>
    tpu.wait_dma2 semaphore(%arg13 : memref<!tpu.dma_semaphore, #tpu.memory_space<semaphore_mem>>) src(%dma_wait3A_2647 : memref<128x128xf32, #tpu.memory_space<hbm>>) dst(%dma_wait3A_2645 : memref<128x128xf32, #tpu.memory_space<vmem>>)
    %dma_wait3A_2648 = arith.constant 11 : i32
    %dma_wait3A_2649 = arith.constant 0 : i32
    %dma_wait3A_2650 = tpu.memref_slice %arg5[%dma_wait3A_2648, %dma_wait3A_2649] : memref<25x128xi32, #tpu.memory_space<vmem>> -> memref<1x128xi32, #tpu.memory_space<vmem>>
    %dma_wait3A_2651 = tpu.memref_squeeze %dma_wait3A_2650 : memref<1x128xi32, #tpu.memory_space<vmem>> -> memref<128xi32, #tpu.memory_space<vmem>>
    %dma_wait3A_2652 = tpu.memref_slice %arg3[%mul3A_197] : memref<100000xi32, #tpu.memory_space<hbm>> -> memref<128xi32, #tpu.memory_space<hbm>>
    %dma_wait3A_2653 = arith.constant 0 : i32
    %dma_wait3A_2654 = tpu.memref_slice %arg5[%dma_wait3A_2648, %dma_wait3A_2653] : memref<25x128xi32, #tpu.memory_space<vmem>> -> memref<1x128xi32, #tpu.memory_space<vmem>>
    %dma_wait3A_2655 = tpu.memref_squeeze %dma_wait3A_2654 : memref<1x128xi32, #tpu.memory_space<vmem>> -> memref<128xi32, #tpu.memory_space<vmem>>
    %dma_wait3A_2656 = tpu.memref_slice %arg3[%mul3A_197] : memref<100000xi32, #tpu.memory_space<hbm>> -> memref<128xi32, #tpu.memory_space<hbm>>
    tpu.wait_dma2 semaphore(%arg9 : memref<!tpu.dma_semaphore, #tpu.memory_space<semaphore_mem>>) src(%dma_wait3A_2656 : memref<128xi32, #tpu.memory_space<hbm>>) dst(%dma_wait3A_2655 : memref<128xi32, #tpu.memory_space<vmem>>)
    %dma_start3A_2657 = arith.constant 3 : i32
    %dma_start3A_2658 = arith.constant 11 : i32
    %dma_start3A_2659 = arith.constant 0 : i32
    %dma_start3A_2660 = arith.constant 0 : i32
    %dma_start3A_2661 = tpu.memref_slice %arg6[%dma_start3A_2657, %dma_start3A_2659, %dma_start3A_2660] : memref<5x128x128xf32, #tpu.memory_space<vmem>> -> memref<1x128x128xf32, #tpu.memory_space<vmem>>
    %dma_start3A_2662 = tpu.memref_squeeze %dma_start3A_2661 : memref<1x128x128xf32, #tpu.memory_space<vmem>> -> memref<128x128xf32, #tpu.memory_space<vmem>>
    %dma_start3A_2663 = arith.constant 0 : i32
    %dma_start3A_2664 = tpu.memref_slice %arg5[%dma_start3A_2658, %dma_start3A_2663] : memref<25x128xi32, #tpu.memory_space<vmem>> -> memref<1x128xi32, #tpu.memory_space<vmem>>
    %dma_start3A_2665 = tpu.memref_squeeze %dma_start3A_2664 : memref<1x128xi32, #tpu.memory_space<vmem>> -> memref<128xi32, #tpu.memory_space<vmem>>
    %dma_start3A_2666 = arith.constant 0 : i32
    %dma_start3A_2667 = arith.constant 0 : i32
    %dma_start3A_2668 = tpu.memref_slice %arg8[%dma_start3A_2666, %dma_start3A_2667] : memref<528x128xf32, #tpu.memory_space<vmem_shared>> -> memref<528x128xf32, #tpu.memory_space<vmem_shared>>
    tpu.enqueue_indirect_dma source(%dma_start3A_2662 : memref<128x128xf32, #tpu.memory_space<vmem>>) target(%dma_start3A_2668 : memref<528x128xf32, #tpu.memory_space<vmem_shared>>) offsets(%dma_start3A_2665 : memref<128xi32, #tpu.memory_space<vmem>>) semaphore(%arg17 : memref<!tpu.dma_semaphore, #tpu.memory_space<semaphore_mem>>) {add = true}
    %dma_wait3A_2669 = arith.constant 2 : i32
    %dma_wait3A_2670 = arith.constant 10 : i32
    %dma_wait3A_2671 = arith.constant 0 : i32
    %dma_wait3A_2672 = arith.constant 0 : i32
    %dma_wait3A_2673 = tpu.memref_slice %arg6[%dma_wait3A_2669, %dma_wait3A_2671, %dma_wait3A_2672] : memref<5x128x128xf32, #tpu.memory_space<vmem>> -> memref<1x128x128xf32, #tpu.memory_space<vmem>>
    %dma_wait3A_2674 = tpu.memref_squeeze %dma_wait3A_2673 : memref<1x128x128xf32, #tpu.memory_space<vmem>> -> memref<128x128xf32, #tpu.memory_space<vmem>>
    %dma_wait3A_2675 = arith.constant 0 : i32
    %dma_wait3A_2676 = tpu.memref_slice %arg5[%dma_wait3A_2670, %dma_wait3A_2675] : memref<25x128xi32, #tpu.memory_space<vmem>> -> memref<1x128xi32, #tpu.memory_space<vmem>>
    %dma_wait3A_2677 = tpu.memref_squeeze %dma_wait3A_2676 : memref<1x128xi32, #tpu.memory_space<vmem>> -> memref<128xi32, #tpu.memory_space<vmem>>
    %dma_wait3A_2678 = arith.constant 0 : i32
    %dma_wait3A_2679 = arith.constant 0 : i32
    %dma_wait3A_2680 = tpu.memref_slice %arg8[%dma_wait3A_2678, %dma_wait3A_2679] : memref<528x128xf32, #tpu.memory_space<vmem_shared>> -> memref<528x128xf32, #tpu.memory_space<vmem_shared>>
    tpu.wait_indirect_dma semaphore(%arg16 : memref<!tpu.dma_semaphore, #tpu.memory_space<semaphore_mem>>) src(%dma_wait3A_2674 : memref<128x128xf32, #tpu.memory_space<vmem>>) dst(%dma_wait3A_2680 : memref<528x128xf32, #tpu.memory_space<vmem_shared>>)
    %add3A_2681 = arith.constant 448 : i32
    %add3A_2682 = arith.addi %add3A_2681, %add3A : i32
    %mul3A_2683 = arith.constant 128 : i32
    %mul3A_2684 = arith.muli %add3A_2682, %mul3A_2683 : i32
    %dma_start3A_2685 = arith.constant 2 : i32
    %dma_start3A_2686 = arith.constant 0 : i32
    %dma_start3A_2687 = arith.constant 0 : i32
    %dma_start3A_2688 = tpu.memref_slice %arg6[%dma_start3A_2685, %dma_start3A_2686, %dma_start3A_2687] : memref<5x128x128xf32, #tpu.memory_space<vmem>> -> memref<1x128x128xf32, #tpu.memory_space<vmem>>
    %dma_start3A_2689 = tpu.memref_squeeze %dma_start3A_2688 : memref<1x128x128xf32, #tpu.memory_space<vmem>> -> memref<128x128xf32, #tpu.memory_space<vmem>>
    %dma_start3A_2690 = arith.constant 0 : i32
    %dma_start3A_2691 = tpu.memref_slice %arg2[%mul3A_2684, %dma_start3A_2690] : memref<100000x128xf32, #tpu.memory_space<hbm>> -> memref<128x128xf32, #tpu.memory_space<hbm>>
    %dma_start3A_2692 = arith.constant 0 : i32
    %dma_start3A_2693 = arith.constant 0 : i32
    %dma_start3A_2694 = tpu.memref_slice %arg6[%dma_start3A_2685, %dma_start3A_2692, %dma_start3A_2693] : memref<5x128x128xf32, #tpu.memory_space<vmem>> -> memref<1x128x128xf32, #tpu.memory_space<vmem>>
    %dma_start3A_2695 = tpu.memref_squeeze %dma_start3A_2694 : memref<1x128x128xf32, #tpu.memory_space<vmem>> -> memref<128x128xf32, #tpu.memory_space<vmem>>
    %dma_start3A_2696 = arith.constant 0 : i32
    %dma_start3A_2697 = tpu.memref_slice %arg2[%mul3A_2684, %dma_start3A_2696] : memref<100000x128xf32, #tpu.memory_space<hbm>> -> memref<128x128xf32, #tpu.memory_space<hbm>>
    tpu.enqueue_dma source(%dma_start3A_2697 : memref<128x128xf32, #tpu.memory_space<hbm>>) target(%dma_start3A_2695 : memref<128x128xf32, #tpu.memory_space<vmem>>) target_semaphore(%arg12 : memref<!tpu.dma_semaphore, #tpu.memory_space<semaphore_mem>>)
    %dma_wait3A_2698 = arith.constant 0 : i32
    %dma_wait3A_2699 = arith.constant 0 : i32
    %dma_wait3A_2700 = arith.constant 0 : i32
    %dma_wait3A_2701 = tpu.memref_slice %arg6[%dma_wait3A_2698, %dma_wait3A_2699, %dma_wait3A_2700] : memref<5x128x128xf32, #tpu.memory_space<vmem>> -> memref<1x128x128xf32, #tpu.memory_space<vmem>>
    %dma_wait3A_2702 = tpu.memref_squeeze %dma_wait3A_2701 : memref<1x128x128xf32, #tpu.memory_space<vmem>> -> memref<128x128xf32, #tpu.memory_space<vmem>>
    %dma_wait3A_2703 = arith.constant 0 : i32
    %dma_wait3A_2704 = tpu.memref_slice %arg2[%mul3A_2558, %dma_wait3A_2703] : memref<100000x128xf32, #tpu.memory_space<hbm>> -> memref<128x128xf32, #tpu.memory_space<hbm>>
    %dma_wait3A_2705 = arith.constant 0 : i32
    %dma_wait3A_2706 = arith.constant 0 : i32
    %dma_wait3A_2707 = tpu.memref_slice %arg6[%dma_wait3A_2698, %dma_wait3A_2705, %dma_wait3A_2706] : memref<5x128x128xf32, #tpu.memory_space<vmem>> -> memref<1x128x128xf32, #tpu.memory_space<vmem>>
    %dma_wait3A_2708 = tpu.memref_squeeze %dma_wait3A_2707 : memref<1x128x128xf32, #tpu.memory_space<vmem>> -> memref<128x128xf32, #tpu.memory_space<vmem>>
    %dma_wait3A_2709 = arith.constant 0 : i32
    %dma_wait3A_2710 = tpu.memref_slice %arg2[%mul3A_2558, %dma_wait3A_2709] : memref<100000x128xf32, #tpu.memory_space<hbm>> -> memref<128x128xf32, #tpu.memory_space<hbm>>
    tpu.wait_dma2 semaphore(%arg10 : memref<!tpu.dma_semaphore, #tpu.memory_space<semaphore_mem>>) src(%dma_wait3A_2710 : memref<128x128xf32, #tpu.memory_space<hbm>>) dst(%dma_wait3A_2708 : memref<128x128xf32, #tpu.memory_space<vmem>>)
    %dma_wait3A_2711 = arith.constant 12 : i32
    %dma_wait3A_2712 = arith.constant 0 : i32
    %dma_wait3A_2713 = tpu.memref_slice %arg5[%dma_wait3A_2711, %dma_wait3A_2712] : memref<25x128xi32, #tpu.memory_space<vmem>> -> memref<1x128xi32, #tpu.memory_space<vmem>>
    %dma_wait3A_2714 = tpu.memref_squeeze %dma_wait3A_2713 : memref<1x128xi32, #tpu.memory_space<vmem>> -> memref<128xi32, #tpu.memory_space<vmem>>
    %dma_wait3A_2715 = tpu.memref_slice %arg3[%mul3A_210] : memref<100000xi32, #tpu.memory_space<hbm>> -> memref<128xi32, #tpu.memory_space<hbm>>
    %dma_wait3A_2716 = arith.constant 0 : i32
    %dma_wait3A_2717 = tpu.memref_slice %arg5[%dma_wait3A_2711, %dma_wait3A_2716] : memref<25x128xi32, #tpu.memory_space<vmem>> -> memref<1x128xi32, #tpu.memory_space<vmem>>
    %dma_wait3A_2718 = tpu.memref_squeeze %dma_wait3A_2717 : memref<1x128xi32, #tpu.memory_space<vmem>> -> memref<128xi32, #tpu.memory_space<vmem>>
    %dma_wait3A_2719 = tpu.memref_slice %arg3[%mul3A_210] : memref<100000xi32, #tpu.memory_space<hbm>> -> memref<128xi32, #tpu.memory_space<hbm>>
    tpu.wait_dma2 semaphore(%arg9 : memref<!tpu.dma_semaphore, #tpu.memory_space<semaphore_mem>>) src(%dma_wait3A_2719 : memref<128xi32, #tpu.memory_space<hbm>>) dst(%dma_wait3A_2718 : memref<128xi32, #tpu.memory_space<vmem>>)
    %dma_start3A_2720 = arith.constant 0 : i32
    %dma_start3A_2721 = arith.constant 12 : i32
    %dma_start3A_2722 = arith.constant 0 : i32
    %dma_start3A_2723 = arith.constant 0 : i32
    %dma_start3A_2724 = tpu.memref_slice %arg6[%dma_start3A_2720, %dma_start3A_2722, %dma_start3A_2723] : memref<5x128x128xf32, #tpu.memory_space<vmem>> -> memref<1x128x128xf32, #tpu.memory_space<vmem>>
    %dma_start3A_2725 = tpu.memref_squeeze %dma_start3A_2724 : memref<1x128x128xf32, #tpu.memory_space<vmem>> -> memref<128x128xf32, #tpu.memory_space<vmem>>
    %dma_start3A_2726 = arith.constant 0 : i32
    %dma_start3A_2727 = tpu.memref_slice %arg5[%dma_start3A_2721, %dma_start3A_2726] : memref<25x128xi32, #tpu.memory_space<vmem>> -> memref<1x128xi32, #tpu.memory_space<vmem>>
    %dma_start3A_2728 = tpu.memref_squeeze %dma_start3A_2727 : memref<1x128xi32, #tpu.memory_space<vmem>> -> memref<128xi32, #tpu.memory_space<vmem>>
    %dma_start3A_2729 = arith.constant 0 : i32
    %dma_start3A_2730 = arith.constant 0 : i32
    %dma_start3A_2731 = tpu.memref_slice %arg8[%dma_start3A_2729, %dma_start3A_2730] : memref<528x128xf32, #tpu.memory_space<vmem_shared>> -> memref<528x128xf32, #tpu.memory_space<vmem_shared>>
    tpu.enqueue_indirect_dma source(%dma_start3A_2725 : memref<128x128xf32, #tpu.memory_space<vmem>>) target(%dma_start3A_2731 : memref<528x128xf32, #tpu.memory_space<vmem_shared>>) offsets(%dma_start3A_2728 : memref<128xi32, #tpu.memory_space<vmem>>) semaphore(%arg14 : memref<!tpu.dma_semaphore, #tpu.memory_space<semaphore_mem>>) {add = true}
    %dma_wait3A_2732 = arith.constant 3 : i32
    %dma_wait3A_2733 = arith.constant 11 : i32
    %dma_wait3A_2734 = arith.constant 0 : i32
    %dma_wait3A_2735 = arith.constant 0 : i32
    %dma_wait3A_2736 = tpu.memref_slice %arg6[%dma_wait3A_2732, %dma_wait3A_2734, %dma_wait3A_2735] : memref<5x128x128xf32, #tpu.memory_space<vmem>> -> memref<1x128x128xf32, #tpu.memory_space<vmem>>
    %dma_wait3A_2737 = tpu.memref_squeeze %dma_wait3A_2736 : memref<1x128x128xf32, #tpu.memory_space<vmem>> -> memref<128x128xf32, #tpu.memory_space<vmem>>
    %dma_wait3A_2738 = arith.constant 0 : i32
    %dma_wait3A_2739 = tpu.memref_slice %arg5[%dma_wait3A_2733, %dma_wait3A_2738] : memref<25x128xi32, #tpu.memory_space<vmem>> -> memref<1x128xi32, #tpu.memory_space<vmem>>
    %dma_wait3A_2740 = tpu.memref_squeeze %dma_wait3A_2739 : memref<1x128xi32, #tpu.memory_space<vmem>> -> memref<128xi32, #tpu.memory_space<vmem>>
    %dma_wait3A_2741 = arith.constant 0 : i32
    %dma_wait3A_2742 = arith.constant 0 : i32
    %dma_wait3A_2743 = tpu.memref_slice %arg8[%dma_wait3A_2741, %dma_wait3A_2742] : memref<528x128xf32, #tpu.memory_space<vmem_shared>> -> memref<528x128xf32, #tpu.memory_space<vmem_shared>>
    tpu.wait_indirect_dma semaphore(%arg17 : memref<!tpu.dma_semaphore, #tpu.memory_space<semaphore_mem>>) src(%dma_wait3A_2737 : memref<128x128xf32, #tpu.memory_space<vmem>>) dst(%dma_wait3A_2743 : memref<528x128xf32, #tpu.memory_space<vmem_shared>>)
    %add3A_2744 = arith.constant 480 : i32
    %add3A_2745 = arith.addi %add3A_2744, %add3A : i32
    %mul3A_2746 = arith.constant 128 : i32
    %mul3A_2747 = arith.muli %add3A_2745, %mul3A_2746 : i32
    %dma_start3A_2748 = arith.constant 3 : i32
    %dma_start3A_2749 = arith.constant 0 : i32
    %dma_start3A_2750 = arith.constant 0 : i32
    %dma_start3A_2751 = tpu.memref_slice %arg6[%dma_start3A_2748, %dma_start3A_2749, %dma_start3A_2750] : memref<5x128x128xf32, #tpu.memory_space<vmem>> -> memref<1x128x128xf32, #tpu.memory_space<vmem>>
    %dma_start3A_2752 = tpu.memref_squeeze %dma_start3A_2751 : memref<1x128x128xf32, #tpu.memory_space<vmem>> -> memref<128x128xf32, #tpu.memory_space<vmem>>
    %dma_start3A_2753 = arith.constant 0 : i32
    %dma_start3A_2754 = tpu.memref_slice %arg2[%mul3A_2747, %dma_start3A_2753] : memref<100000x128xf32, #tpu.memory_space<hbm>> -> memref<128x128xf32, #tpu.memory_space<hbm>>
    %dma_start3A_2755 = arith.constant 0 : i32
    %dma_start3A_2756 = arith.constant 0 : i32
    %dma_start3A_2757 = tpu.memref_slice %arg6[%dma_start3A_2748, %dma_start3A_2755, %dma_start3A_2756] : memref<5x128x128xf32, #tpu.memory_space<vmem>> -> memref<1x128x128xf32, #tpu.memory_space<vmem>>
    %dma_start3A_2758 = tpu.memref_squeeze %dma_start3A_2757 : memref<1x128x128xf32, #tpu.memory_space<vmem>> -> memref<128x128xf32, #tpu.memory_space<vmem>>
    %dma_start3A_2759 = arith.constant 0 : i32
    %dma_start3A_2760 = tpu.memref_slice %arg2[%mul3A_2747, %dma_start3A_2759] : memref<100000x128xf32, #tpu.memory_space<hbm>> -> memref<128x128xf32, #tpu.memory_space<hbm>>
    tpu.enqueue_dma source(%dma_start3A_2760 : memref<128x128xf32, #tpu.memory_space<hbm>>) target(%dma_start3A_2758 : memref<128x128xf32, #tpu.memory_space<vmem>>) target_semaphore(%arg13 : memref<!tpu.dma_semaphore, #tpu.memory_space<semaphore_mem>>)
    %dma_wait3A_2761 = arith.constant 1 : i32
    %dma_wait3A_2762 = arith.constant 0 : i32
    %dma_wait3A_2763 = arith.constant 0 : i32
    %dma_wait3A_2764 = tpu.memref_slice %arg6[%dma_wait3A_2761, %dma_wait3A_2762, %dma_wait3A_2763] : memref<5x128x128xf32, #tpu.memory_space<vmem>> -> memref<1x128x128xf32, #tpu.memory_space<vmem>>
    %dma_wait3A_2765 = tpu.memref_squeeze %dma_wait3A_2764 : memref<1x128x128xf32, #tpu.memory_space<vmem>> -> memref<128x128xf32, #tpu.memory_space<vmem>>
    %dma_wait3A_2766 = arith.constant 0 : i32
    %dma_wait3A_2767 = tpu.memref_slice %arg2[%mul3A_2621, %dma_wait3A_2766] : memref<100000x128xf32, #tpu.memory_space<hbm>> -> memref<128x128xf32, #tpu.memory_space<hbm>>
    %dma_wait3A_2768 = arith.constant 0 : i32
    %dma_wait3A_2769 = arith.constant 0 : i32
    %dma_wait3A_2770 = tpu.memref_slice %arg6[%dma_wait3A_2761, %dma_wait3A_2768, %dma_wait3A_2769] : memref<5x128x128xf32, #tpu.memory_space<vmem>> -> memref<1x128x128xf32, #tpu.memory_space<vmem>>
    %dma_wait3A_2771 = tpu.memref_squeeze %dma_wait3A_2770 : memref<1x128x128xf32, #tpu.memory_space<vmem>> -> memref<128x128xf32, #tpu.memory_space<vmem>>
    %dma_wait3A_2772 = arith.constant 0 : i32
    %dma_wait3A_2773 = tpu.memref_slice %arg2[%mul3A_2621, %dma_wait3A_2772] : memref<100000x128xf32, #tpu.memory_space<hbm>> -> memref<128x128xf32, #tpu.memory_space<hbm>>
    tpu.wait_dma2 semaphore(%arg11 : memref<!tpu.dma_semaphore, #tpu.memory_space<semaphore_mem>>) src(%dma_wait3A_2773 : memref<128x128xf32, #tpu.memory_space<hbm>>) dst(%dma_wait3A_2771 : memref<128x128xf32, #tpu.memory_space<vmem>>)
    %dma_wait3A_2774 = arith.constant 13 : i32
    %dma_wait3A_2775 = arith.constant 0 : i32
    %dma_wait3A_2776 = tpu.memref_slice %arg5[%dma_wait3A_2774, %dma_wait3A_2775] : memref<25x128xi32, #tpu.memory_space<vmem>> -> memref<1x128xi32, #tpu.memory_space<vmem>>
    %dma_wait3A_2777 = tpu.memref_squeeze %dma_wait3A_2776 : memref<1x128xi32, #tpu.memory_space<vmem>> -> memref<128xi32, #tpu.memory_space<vmem>>
    %dma_wait3A_2778 = tpu.memref_slice %arg3[%mul3A_223] : memref<100000xi32, #tpu.memory_space<hbm>> -> memref<128xi32, #tpu.memory_space<hbm>>
    %dma_wait3A_2779 = arith.constant 0 : i32
    %dma_wait3A_2780 = tpu.memref_slice %arg5[%dma_wait3A_2774, %dma_wait3A_2779] : memref<25x128xi32, #tpu.memory_space<vmem>> -> memref<1x128xi32, #tpu.memory_space<vmem>>
    %dma_wait3A_2781 = tpu.memref_squeeze %dma_wait3A_2780 : memref<1x128xi32, #tpu.memory_space<vmem>> -> memref<128xi32, #tpu.memory_space<vmem>>
    %dma_wait3A_2782 = tpu.memref_slice %arg3[%mul3A_223] : memref<100000xi32, #tpu.memory_space<hbm>> -> memref<128xi32, #tpu.memory_space<hbm>>
    tpu.wait_dma2 semaphore(%arg9 : memref<!tpu.dma_semaphore, #tpu.memory_space<semaphore_mem>>) src(%dma_wait3A_2782 : memref<128xi32, #tpu.memory_space<hbm>>) dst(%dma_wait3A_2781 : memref<128xi32, #tpu.memory_space<vmem>>)
    %dma_start3A_2783 = arith.constant 1 : i32
    %dma_start3A_2784 = arith.constant 13 : i32
    %dma_start3A_2785 = arith.constant 0 : i32
    %dma_start3A_2786 = arith.constant 0 : i32
    %dma_start3A_2787 = tpu.memref_slice %arg6[%dma_start3A_2783, %dma_start3A_2785, %dma_start3A_2786] : memref<5x128x128xf32, #tpu.memory_space<vmem>> -> memref<1x128x128xf32, #tpu.memory_space<vmem>>
    %dma_start3A_2788 = tpu.memref_squeeze %dma_start3A_2787 : memref<1x128x128xf32, #tpu.memory_space<vmem>> -> memref<128x128xf32, #tpu.memory_space<vmem>>
    %dma_start3A_2789 = arith.constant 0 : i32
    %dma_start3A_2790 = tpu.memref_slice %arg5[%dma_start3A_2784, %dma_start3A_2789] : memref<25x128xi32, #tpu.memory_space<vmem>> -> memref<1x128xi32, #tpu.memory_space<vmem>>
    %dma_start3A_2791 = tpu.memref_squeeze %dma_start3A_2790 : memref<1x128xi32, #tpu.memory_space<vmem>> -> memref<128xi32, #tpu.memory_space<vmem>>
    %dma_start3A_2792 = arith.constant 0 : i32
    %dma_start3A_2793 = arith.constant 0 : i32
    %dma_start3A_2794 = tpu.memref_slice %arg8[%dma_start3A_2792, %dma_start3A_2793] : memref<528x128xf32, #tpu.memory_space<vmem_shared>> -> memref<528x128xf32, #tpu.memory_space<vmem_shared>>
    tpu.enqueue_indirect_dma source(%dma_start3A_2788 : memref<128x128xf32, #tpu.memory_space<vmem>>) target(%dma_start3A_2794 : memref<528x128xf32, #tpu.memory_space<vmem_shared>>) offsets(%dma_start3A_2791 : memref<128xi32, #tpu.memory_space<vmem>>) semaphore(%arg15 : memref<!tpu.dma_semaphore, #tpu.memory_space<semaphore_mem>>) {add = true}
    %dma_wait3A_2795 = arith.constant 0 : i32
    %dma_wait3A_2796 = arith.constant 12 : i32
    %dma_wait3A_2797 = arith.constant 0 : i32
    %dma_wait3A_2798 = arith.constant 0 : i32
    %dma_wait3A_2799 = tpu.memref_slice %arg6[%dma_wait3A_2795, %dma_wait3A_2797, %dma_wait3A_2798] : memref<5x128x128xf32, #tpu.memory_space<vmem>> -> memref<1x128x128xf32, #tpu.memory_space<vmem>>
    %dma_wait3A_2800 = tpu.memref_squeeze %dma_wait3A_2799 : memref<1x128x128xf32, #tpu.memory_space<vmem>> -> memref<128x128xf32, #tpu.memory_space<vmem>>
    %dma_wait3A_2801 = arith.constant 0 : i32
    %dma_wait3A_2802 = tpu.memref_slice %arg5[%dma_wait3A_2796, %dma_wait3A_2801] : memref<25x128xi32, #tpu.memory_space<vmem>> -> memref<1x128xi32, #tpu.memory_space<vmem>>
    %dma_wait3A_2803 = tpu.memref_squeeze %dma_wait3A_2802 : memref<1x128xi32, #tpu.memory_space<vmem>> -> memref<128xi32, #tpu.memory_space<vmem>>
    %dma_wait3A_2804 = arith.constant 0 : i32
    %dma_wait3A_2805 = arith.constant 0 : i32
    %dma_wait3A_2806 = tpu.memref_slice %arg8[%dma_wait3A_2804, %dma_wait3A_2805] : memref<528x128xf32, #tpu.memory_space<vmem_shared>> -> memref<528x128xf32, #tpu.memory_space<vmem_shared>>
    tpu.wait_indirect_dma semaphore(%arg14 : memref<!tpu.dma_semaphore, #tpu.memory_space<semaphore_mem>>) src(%dma_wait3A_2800 : memref<128x128xf32, #tpu.memory_space<vmem>>) dst(%dma_wait3A_2806 : memref<528x128xf32, #tpu.memory_space<vmem_shared>>)
    %add3A_2807 = arith.constant 512 : i32
    %add3A_2808 = arith.addi %add3A_2807, %add3A : i32
    %mul3A_2809 = arith.constant 128 : i32
    %mul3A_2810 = arith.muli %add3A_2808, %mul3A_2809 : i32
    %dma_start3A_2811 = arith.constant 0 : i32
    %dma_start3A_2812 = arith.constant 0 : i32
    %dma_start3A_2813 = arith.constant 0 : i32
    %dma_start3A_2814 = tpu.memref_slice %arg6[%dma_start3A_2811, %dma_start3A_2812, %dma_start3A_2813] : memref<5x128x128xf32, #tpu.memory_space<vmem>> -> memref<1x128x128xf32, #tpu.memory_space<vmem>>
    %dma_start3A_2815 = tpu.memref_squeeze %dma_start3A_2814 : memref<1x128x128xf32, #tpu.memory_space<vmem>> -> memref<128x128xf32, #tpu.memory_space<vmem>>
    %dma_start3A_2816 = arith.constant 0 : i32
    %dma_start3A_2817 = tpu.memref_slice %arg2[%mul3A_2810, %dma_start3A_2816] : memref<100000x128xf32, #tpu.memory_space<hbm>> -> memref<128x128xf32, #tpu.memory_space<hbm>>
    %dma_start3A_2818 = arith.constant 0 : i32
    %dma_start3A_2819 = arith.constant 0 : i32
    %dma_start3A_2820 = tpu.memref_slice %arg6[%dma_start3A_2811, %dma_start3A_2818, %dma_start3A_2819] : memref<5x128x128xf32, #tpu.memory_space<vmem>> -> memref<1x128x128xf32, #tpu.memory_space<vmem>>
    %dma_start3A_2821 = tpu.memref_squeeze %dma_start3A_2820 : memref<1x128x128xf32, #tpu.memory_space<vmem>> -> memref<128x128xf32, #tpu.memory_space<vmem>>
    %dma_start3A_2822 = arith.constant 0 : i32
    %dma_start3A_2823 = tpu.memref_slice %arg2[%mul3A_2810, %dma_start3A_2822] : memref<100000x128xf32, #tpu.memory_space<hbm>> -> memref<128x128xf32, #tpu.memory_space<hbm>>
    tpu.enqueue_dma source(%dma_start3A_2823 : memref<128x128xf32, #tpu.memory_space<hbm>>) target(%dma_start3A_2821 : memref<128x128xf32, #tpu.memory_space<vmem>>) target_semaphore(%arg10 : memref<!tpu.dma_semaphore, #tpu.memory_space<semaphore_mem>>)
    %dma_wait3A_2824 = arith.constant 2 : i32
    %dma_wait3A_2825 = arith.constant 0 : i32
    %dma_wait3A_2826 = arith.constant 0 : i32
    %dma_wait3A_2827 = tpu.memref_slice %arg6[%dma_wait3A_2824, %dma_wait3A_2825, %dma_wait3A_2826] : memref<5x128x128xf32, #tpu.memory_space<vmem>> -> memref<1x128x128xf32, #tpu.memory_space<vmem>>
    %dma_wait3A_2828 = tpu.memref_squeeze %dma_wait3A_2827 : memref<1x128x128xf32, #tpu.memory_space<vmem>> -> memref<128x128xf32, #tpu.memory_space<vmem>>
    %dma_wait3A_2829 = arith.constant 0 : i32
    %dma_wait3A_2830 = tpu.memref_slice %arg2[%mul3A_2684, %dma_wait3A_2829] : memref<100000x128xf32, #tpu.memory_space<hbm>> -> memref<128x128xf32, #tpu.memory_space<hbm>>
    %dma_wait3A_2831 = arith.constant 0 : i32
    %dma_wait3A_2832 = arith.constant 0 : i32
    %dma_wait3A_2833 = tpu.memref_slice %arg6[%dma_wait3A_2824, %dma_wait3A_2831, %dma_wait3A_2832] : memref<5x128x128xf32, #tpu.memory_space<vmem>> -> memref<1x128x128xf32, #tpu.memory_space<vmem>>
    %dma_wait3A_2834 = tpu.memref_squeeze %dma_wait3A_2833 : memref<1x128x128xf32, #tpu.memory_space<vmem>> -> memref<128x128xf32, #tpu.memory_space<vmem>>
    %dma_wait3A_2835 = arith.constant 0 : i32
    %dma_wait3A_2836 = tpu.memref_slice %arg2[%mul3A_2684, %dma_wait3A_2835] : memref<100000x128xf32, #tpu.memory_space<hbm>> -> memref<128x128xf32, #tpu.memory_space<hbm>>
    tpu.wait_dma2 semaphore(%arg12 : memref<!tpu.dma_semaphore, #tpu.memory_space<semaphore_mem>>) src(%dma_wait3A_2836 : memref<128x128xf32, #tpu.memory_space<hbm>>) dst(%dma_wait3A_2834 : memref<128x128xf32, #tpu.memory_space<vmem>>)
    %dma_wait3A_2837 = arith.constant 14 : i32
    %dma_wait3A_2838 = arith.constant 0 : i32
    %dma_wait3A_2839 = tpu.memref_slice %arg5[%dma_wait3A_2837, %dma_wait3A_2838] : memref<25x128xi32, #tpu.memory_space<vmem>> -> memref<1x128xi32, #tpu.memory_space<vmem>>
    %dma_wait3A_2840 = tpu.memref_squeeze %dma_wait3A_2839 : memref<1x128xi32, #tpu.memory_space<vmem>> -> memref<128xi32, #tpu.memory_space<vmem>>
    %dma_wait3A_2841 = tpu.memref_slice %arg3[%mul3A_236] : memref<100000xi32, #tpu.memory_space<hbm>> -> memref<128xi32, #tpu.memory_space<hbm>>
    %dma_wait3A_2842 = arith.constant 0 : i32
    %dma_wait3A_2843 = tpu.memref_slice %arg5[%dma_wait3A_2837, %dma_wait3A_2842] : memref<25x128xi32, #tpu.memory_space<vmem>> -> memref<1x128xi32, #tpu.memory_space<vmem>>
    %dma_wait3A_2844 = tpu.memref_squeeze %dma_wait3A_2843 : memref<1x128xi32, #tpu.memory_space<vmem>> -> memref<128xi32, #tpu.memory_space<vmem>>
    %dma_wait3A_2845 = tpu.memref_slice %arg3[%mul3A_236] : memref<100000xi32, #tpu.memory_space<hbm>> -> memref<128xi32, #tpu.memory_space<hbm>>
    tpu.wait_dma2 semaphore(%arg9 : memref<!tpu.dma_semaphore, #tpu.memory_space<semaphore_mem>>) src(%dma_wait3A_2845 : memref<128xi32, #tpu.memory_space<hbm>>) dst(%dma_wait3A_2844 : memref<128xi32, #tpu.memory_space<vmem>>)
    %dma_start3A_2846 = arith.constant 2 : i32
    %dma_start3A_2847 = arith.constant 14 : i32
    %dma_start3A_2848 = arith.constant 0 : i32
    %dma_start3A_2849 = arith.constant 0 : i32
    %dma_start3A_2850 = tpu.memref_slice %arg6[%dma_start3A_2846, %dma_start3A_2848, %dma_start3A_2849] : memref<5x128x128xf32, #tpu.memory_space<vmem>> -> memref<1x128x128xf32, #tpu.memory_space<vmem>>
    %dma_start3A_2851 = tpu.memref_squeeze %dma_start3A_2850 : memref<1x128x128xf32, #tpu.memory_space<vmem>> -> memref<128x128xf32, #tpu.memory_space<vmem>>
    %dma_start3A_2852 = arith.constant 0 : i32
    %dma_start3A_2853 = tpu.memref_slice %arg5[%dma_start3A_2847, %dma_start3A_2852] : memref<25x128xi32, #tpu.memory_space<vmem>> -> memref<1x128xi32, #tpu.memory_space<vmem>>
    %dma_start3A_2854 = tpu.memref_squeeze %dma_start3A_2853 : memref<1x128xi32, #tpu.memory_space<vmem>> -> memref<128xi32, #tpu.memory_space<vmem>>
    %dma_start3A_2855 = arith.constant 0 : i32
    %dma_start3A_2856 = arith.constant 0 : i32
    %dma_start3A_2857 = tpu.memref_slice %arg8[%dma_start3A_2855, %dma_start3A_2856] : memref<528x128xf32, #tpu.memory_space<vmem_shared>> -> memref<528x128xf32, #tpu.memory_space<vmem_shared>>
    tpu.enqueue_indirect_dma source(%dma_start3A_2851 : memref<128x128xf32, #tpu.memory_space<vmem>>) target(%dma_start3A_2857 : memref<528x128xf32, #tpu.memory_space<vmem_shared>>) offsets(%dma_start3A_2854 : memref<128xi32, #tpu.memory_space<vmem>>) semaphore(%arg16 : memref<!tpu.dma_semaphore, #tpu.memory_space<semaphore_mem>>) {add = true}
    %dma_wait3A_2858 = arith.constant 1 : i32
    %dma_wait3A_2859 = arith.constant 13 : i32
    %dma_wait3A_2860 = arith.constant 0 : i32
    %dma_wait3A_2861 = arith.constant 0 : i32
    %dma_wait3A_2862 = tpu.memref_slice %arg6[%dma_wait3A_2858, %dma_wait3A_2860, %dma_wait3A_2861] : memref<5x128x128xf32, #tpu.memory_space<vmem>> -> memref<1x128x128xf32, #tpu.memory_space<vmem>>
    %dma_wait3A_2863 = tpu.memref_squeeze %dma_wait3A_2862 : memref<1x128x128xf32, #tpu.memory_space<vmem>> -> memref<128x128xf32, #tpu.memory_space<vmem>>
    %dma_wait3A_2864 = arith.constant 0 : i32
    %dma_wait3A_2865 = tpu.memref_slice %arg5[%dma_wait3A_2859, %dma_wait3A_2864] : memref<25x128xi32, #tpu.memory_space<vmem>> -> memref<1x128xi32, #tpu.memory_space<vmem>>
    %dma_wait3A_2866 = tpu.memref_squeeze %dma_wait3A_2865 : memref<1x128xi32, #tpu.memory_space<vmem>> -> memref<128xi32, #tpu.memory_space<vmem>>
    %dma_wait3A_2867 = arith.constant 0 : i32
    %dma_wait3A_2868 = arith.constant 0 : i32
    %dma_wait3A_2869 = tpu.memref_slice %arg8[%dma_wait3A_2867, %dma_wait3A_2868] : memref<528x128xf32, #tpu.memory_space<vmem_shared>> -> memref<528x128xf32, #tpu.memory_space<vmem_shared>>
    tpu.wait_indirect_dma semaphore(%arg15 : memref<!tpu.dma_semaphore, #tpu.memory_space<semaphore_mem>>) src(%dma_wait3A_2863 : memref<128x128xf32, #tpu.memory_space<vmem>>) dst(%dma_wait3A_2869 : memref<528x128xf32, #tpu.memory_space<vmem_shared>>)
    %add3A_2870 = arith.constant 544 : i32
    %add3A_2871 = arith.addi %add3A_2870, %add3A : i32
    %mul3A_2872 = arith.constant 128 : i32
    %mul3A_2873 = arith.muli %add3A_2871, %mul3A_2872 : i32
    %dma_start3A_2874 = arith.constant 1 : i32
    %dma_start3A_2875 = arith.constant 0 : i32
    %dma_start3A_2876 = arith.constant 0 : i32
    %dma_start3A_2877 = tpu.memref_slice %arg6[%dma_start3A_2874, %dma_start3A_2875, %dma_start3A_2876] : memref<5x128x128xf32, #tpu.memory_space<vmem>> -> memref<1x128x128xf32, #tpu.memory_space<vmem>>
    %dma_start3A_2878 = tpu.memref_squeeze %dma_start3A_2877 : memref<1x128x128xf32, #tpu.memory_space<vmem>> -> memref<128x128xf32, #tpu.memory_space<vmem>>
    %dma_start3A_2879 = arith.constant 0 : i32
    %dma_start3A_2880 = tpu.memref_slice %arg2[%mul3A_2873, %dma_start3A_2879] : memref<100000x128xf32, #tpu.memory_space<hbm>> -> memref<128x128xf32, #tpu.memory_space<hbm>>
    %dma_start3A_2881 = arith.constant 0 : i32
    %dma_start3A_2882 = arith.constant 0 : i32
    %dma_start3A_2883 = tpu.memref_slice %arg6[%dma_start3A_2874, %dma_start3A_2881, %dma_start3A_2882] : memref<5x128x128xf32, #tpu.memory_space<vmem>> -> memref<1x128x128xf32, #tpu.memory_space<vmem>>
    %dma_start3A_2884 = tpu.memref_squeeze %dma_start3A_2883 : memref<1x128x128xf32, #tpu.memory_space<vmem>> -> memref<128x128xf32, #tpu.memory_space<vmem>>
    %dma_start3A_2885 = arith.constant 0 : i32
    %dma_start3A_2886 = tpu.memref_slice %arg2[%mul3A_2873, %dma_start3A_2885] : memref<100000x128xf32, #tpu.memory_space<hbm>> -> memref<128x128xf32, #tpu.memory_space<hbm>>
    tpu.enqueue_dma source(%dma_start3A_2886 : memref<128x128xf32, #tpu.memory_space<hbm>>) target(%dma_start3A_2884 : memref<128x128xf32, #tpu.memory_space<vmem>>) target_semaphore(%arg11 : memref<!tpu.dma_semaphore, #tpu.memory_space<semaphore_mem>>)
    %dma_wait3A_2887 = arith.constant 3 : i32
    %dma_wait3A_2888 = arith.constant 0 : i32
    %dma_wait3A_2889 = arith.constant 0 : i32
    %dma_wait3A_2890 = tpu.memref_slice %arg6[%dma_wait3A_2887, %dma_wait3A_2888, %dma_wait3A_2889] : memref<5x128x128xf32, #tpu.memory_space<vmem>> -> memref<1x128x128xf32, #tpu.memory_space<vmem>>
    %dma_wait3A_2891 = tpu.memref_squeeze %dma_wait3A_2890 : memref<1x128x128xf32, #tpu.memory_space<vmem>> -> memref<128x128xf32, #tpu.memory_space<vmem>>
    %dma_wait3A_2892 = arith.constant 0 : i32
    %dma_wait3A_2893 = tpu.memref_slice %arg2[%mul3A_2747, %dma_wait3A_2892] : memref<100000x128xf32, #tpu.memory_space<hbm>> -> memref<128x128xf32, #tpu.memory_space<hbm>>
    %dma_wait3A_2894 = arith.constant 0 : i32
    %dma_wait3A_2895 = arith.constant 0 : i32
    %dma_wait3A_2896 = tpu.memref_slice %arg6[%dma_wait3A_2887, %dma_wait3A_2894, %dma_wait3A_2895] : memref<5x128x128xf32, #tpu.memory_space<vmem>> -> memref<1x128x128xf32, #tpu.memory_space<vmem>>
    %dma_wait3A_2897 = tpu.memref_squeeze %dma_wait3A_2896 : memref<1x128x128xf32, #tpu.memory_space<vmem>> -> memref<128x128xf32, #tpu.memory_space<vmem>>
    %dma_wait3A_2898 = arith.constant 0 : i32
    %dma_wait3A_2899 = tpu.memref_slice %arg2[%mul3A_2747, %dma_wait3A_2898] : memref<100000x128xf32, #tpu.memory_space<hbm>> -> memref<128x128xf32, #tpu.memory_space<hbm>>
    tpu.wait_dma2 semaphore(%arg13 : memref<!tpu.dma_semaphore, #tpu.memory_space<semaphore_mem>>) src(%dma_wait3A_2899 : memref<128x128xf32, #tpu.memory_space<hbm>>) dst(%dma_wait3A_2897 : memref<128x128xf32, #tpu.memory_space<vmem>>)
    %dma_wait3A_2900 = arith.constant 15 : i32
    %dma_wait3A_2901 = arith.constant 0 : i32
    %dma_wait3A_2902 = tpu.memref_slice %arg5[%dma_wait3A_2900, %dma_wait3A_2901] : memref<25x128xi32, #tpu.memory_space<vmem>> -> memref<1x128xi32, #tpu.memory_space<vmem>>
    %dma_wait3A_2903 = tpu.memref_squeeze %dma_wait3A_2902 : memref<1x128xi32, #tpu.memory_space<vmem>> -> memref<128xi32, #tpu.memory_space<vmem>>
    %dma_wait3A_2904 = tpu.memref_slice %arg3[%mul3A_249] : memref<100000xi32, #tpu.memory_space<hbm>> -> memref<128xi32, #tpu.memory_space<hbm>>
    %dma_wait3A_2905 = arith.constant 0 : i32
    %dma_wait3A_2906 = tpu.memref_slice %arg5[%dma_wait3A_2900, %dma_wait3A_2905] : memref<25x128xi32, #tpu.memory_space<vmem>> -> memref<1x128xi32, #tpu.memory_space<vmem>>
    %dma_wait3A_2907 = tpu.memref_squeeze %dma_wait3A_2906 : memref<1x128xi32, #tpu.memory_space<vmem>> -> memref<128xi32, #tpu.memory_space<vmem>>
    %dma_wait3A_2908 = tpu.memref_slice %arg3[%mul3A_249] : memref<100000xi32, #tpu.memory_space<hbm>> -> memref<128xi32, #tpu.memory_space<hbm>>
    tpu.wait_dma2 semaphore(%arg9 : memref<!tpu.dma_semaphore, #tpu.memory_space<semaphore_mem>>) src(%dma_wait3A_2908 : memref<128xi32, #tpu.memory_space<hbm>>) dst(%dma_wait3A_2907 : memref<128xi32, #tpu.memory_space<vmem>>)
    %dma_start3A_2909 = arith.constant 3 : i32
    %dma_start3A_2910 = arith.constant 15 : i32
    %dma_start3A_2911 = arith.constant 0 : i32
    %dma_start3A_2912 = arith.constant 0 : i32
    %dma_start3A_2913 = tpu.memref_slice %arg6[%dma_start3A_2909, %dma_start3A_2911, %dma_start3A_2912] : memref<5x128x128xf32, #tpu.memory_space<vmem>> -> memref<1x128x128xf32, #tpu.memory_space<vmem>>
    %dma_start3A_2914 = tpu.memref_squeeze %dma_start3A_2913 : memref<1x128x128xf32, #tpu.memory_space<vmem>> -> memref<128x128xf32, #tpu.memory_space<vmem>>
    %dma_start3A_2915 = arith.constant 0 : i32
    %dma_start3A_2916 = tpu.memref_slice %arg5[%dma_start3A_2910, %dma_start3A_2915] : memref<25x128xi32, #tpu.memory_space<vmem>> -> memref<1x128xi32, #tpu.memory_space<vmem>>
    %dma_start3A_2917 = tpu.memref_squeeze %dma_start3A_2916 : memref<1x128xi32, #tpu.memory_space<vmem>> -> memref<128xi32, #tpu.memory_space<vmem>>
    %dma_start3A_2918 = arith.constant 0 : i32
    %dma_start3A_2919 = arith.constant 0 : i32
    %dma_start3A_2920 = tpu.memref_slice %arg8[%dma_start3A_2918, %dma_start3A_2919] : memref<528x128xf32, #tpu.memory_space<vmem_shared>> -> memref<528x128xf32, #tpu.memory_space<vmem_shared>>
    tpu.enqueue_indirect_dma source(%dma_start3A_2914 : memref<128x128xf32, #tpu.memory_space<vmem>>) target(%dma_start3A_2920 : memref<528x128xf32, #tpu.memory_space<vmem_shared>>) offsets(%dma_start3A_2917 : memref<128xi32, #tpu.memory_space<vmem>>) semaphore(%arg17 : memref<!tpu.dma_semaphore, #tpu.memory_space<semaphore_mem>>) {add = true}
    %dma_wait3A_2921 = arith.constant 2 : i32
    %dma_wait3A_2922 = arith.constant 14 : i32
    %dma_wait3A_2923 = arith.constant 0 : i32
    %dma_wait3A_2924 = arith.constant 0 : i32
    %dma_wait3A_2925 = tpu.memref_slice %arg6[%dma_wait3A_2921, %dma_wait3A_2923, %dma_wait3A_2924] : memref<5x128x128xf32, #tpu.memory_space<vmem>> -> memref<1x128x128xf32, #tpu.memory_space<vmem>>
    %dma_wait3A_2926 = tpu.memref_squeeze %dma_wait3A_2925 : memref<1x128x128xf32, #tpu.memory_space<vmem>> -> memref<128x128xf32, #tpu.memory_space<vmem>>
    %dma_wait3A_2927 = arith.constant 0 : i32
    %dma_wait3A_2928 = tpu.memref_slice %arg5[%dma_wait3A_2922, %dma_wait3A_2927] : memref<25x128xi32, #tpu.memory_space<vmem>> -> memref<1x128xi32, #tpu.memory_space<vmem>>
    %dma_wait3A_2929 = tpu.memref_squeeze %dma_wait3A_2928 : memref<1x128xi32, #tpu.memory_space<vmem>> -> memref<128xi32, #tpu.memory_space<vmem>>
    %dma_wait3A_2930 = arith.constant 0 : i32
    %dma_wait3A_2931 = arith.constant 0 : i32
    %dma_wait3A_2932 = tpu.memref_slice %arg8[%dma_wait3A_2930, %dma_wait3A_2931] : memref<528x128xf32, #tpu.memory_space<vmem_shared>> -> memref<528x128xf32, #tpu.memory_space<vmem_shared>>
    tpu.wait_indirect_dma semaphore(%arg16 : memref<!tpu.dma_semaphore, #tpu.memory_space<semaphore_mem>>) src(%dma_wait3A_2926 : memref<128x128xf32, #tpu.memory_space<vmem>>) dst(%dma_wait3A_2932 : memref<528x128xf32, #tpu.memory_space<vmem_shared>>)
    %add3A_2933 = arith.constant 576 : i32
    %add3A_2934 = arith.addi %add3A_2933, %add3A : i32
    %mul3A_2935 = arith.constant 128 : i32
    %mul3A_2936 = arith.muli %add3A_2934, %mul3A_2935 : i32
    %dma_start3A_2937 = arith.constant 2 : i32
    %dma_start3A_2938 = arith.constant 0 : i32
    %dma_start3A_2939 = arith.constant 0 : i32
    %dma_start3A_2940 = tpu.memref_slice %arg6[%dma_start3A_2937, %dma_start3A_2938, %dma_start3A_2939] : memref<5x128x128xf32, #tpu.memory_space<vmem>> -> memref<1x128x128xf32, #tpu.memory_space<vmem>>
    %dma_start3A_2941 = tpu.memref_squeeze %dma_start3A_2940 : memref<1x128x128xf32, #tpu.memory_space<vmem>> -> memref<128x128xf32, #tpu.memory_space<vmem>>
    %dma_start3A_2942 = arith.constant 0 : i32
    %dma_start3A_2943 = tpu.memref_slice %arg2[%mul3A_2936, %dma_start3A_2942] : memref<100000x128xf32, #tpu.memory_space<hbm>> -> memref<128x128xf32, #tpu.memory_space<hbm>>
    %dma_start3A_2944 = arith.constant 0 : i32
    %dma_start3A_2945 = arith.constant 0 : i32
    %dma_start3A_2946 = tpu.memref_slice %arg6[%dma_start3A_2937, %dma_start3A_2944, %dma_start3A_2945] : memref<5x128x128xf32, #tpu.memory_space<vmem>> -> memref<1x128x128xf32, #tpu.memory_space<vmem>>
    %dma_start3A_2947 = tpu.memref_squeeze %dma_start3A_2946 : memref<1x128x128xf32, #tpu.memory_space<vmem>> -> memref<128x128xf32, #tpu.memory_space<vmem>>
    %dma_start3A_2948 = arith.constant 0 : i32
    %dma_start3A_2949 = tpu.memref_slice %arg2[%mul3A_2936, %dma_start3A_2948] : memref<100000x128xf32, #tpu.memory_space<hbm>> -> memref<128x128xf32, #tpu.memory_space<hbm>>
    tpu.enqueue_dma source(%dma_start3A_2949 : memref<128x128xf32, #tpu.memory_space<hbm>>) target(%dma_start3A_2947 : memref<128x128xf32, #tpu.memory_space<vmem>>) target_semaphore(%arg12 : memref<!tpu.dma_semaphore, #tpu.memory_space<semaphore_mem>>)
    %dma_wait3A_2950 = arith.constant 0 : i32
    %dma_wait3A_2951 = arith.constant 0 : i32
    %dma_wait3A_2952 = arith.constant 0 : i32
    %dma_wait3A_2953 = tpu.memref_slice %arg6[%dma_wait3A_2950, %dma_wait3A_2951, %dma_wait3A_2952] : memref<5x128x128xf32, #tpu.memory_space<vmem>> -> memref<1x128x128xf32, #tpu.memory_space<vmem>>
    %dma_wait3A_2954 = tpu.memref_squeeze %dma_wait3A_2953 : memref<1x128x128xf32, #tpu.memory_space<vmem>> -> memref<128x128xf32, #tpu.memory_space<vmem>>
    %dma_wait3A_2955 = arith.constant 0 : i32
    %dma_wait3A_2956 = tpu.memref_slice %arg2[%mul3A_2810, %dma_wait3A_2955] : memref<100000x128xf32, #tpu.memory_space<hbm>> -> memref<128x128xf32, #tpu.memory_space<hbm>>
    %dma_wait3A_2957 = arith.constant 0 : i32
    %dma_wait3A_2958 = arith.constant 0 : i32
    %dma_wait3A_2959 = tpu.memref_slice %arg6[%dma_wait3A_2950, %dma_wait3A_2957, %dma_wait3A_2958] : memref<5x128x128xf32, #tpu.memory_space<vmem>> -> memref<1x128x128xf32, #tpu.memory_space<vmem>>
    %dma_wait3A_2960 = tpu.memref_squeeze %dma_wait3A_2959 : memref<1x128x128xf32, #tpu.memory_space<vmem>> -> memref<128x128xf32, #tpu.memory_space<vmem>>
    %dma_wait3A_2961 = arith.constant 0 : i32
    %dma_wait3A_2962 = tpu.memref_slice %arg2[%mul3A_2810, %dma_wait3A_2961] : memref<100000x128xf32, #tpu.memory_space<hbm>> -> memref<128x128xf32, #tpu.memory_space<hbm>>
    tpu.wait_dma2 semaphore(%arg10 : memref<!tpu.dma_semaphore, #tpu.memory_space<semaphore_mem>>) src(%dma_wait3A_2962 : memref<128x128xf32, #tpu.memory_space<hbm>>) dst(%dma_wait3A_2960 : memref<128x128xf32, #tpu.memory_space<vmem>>)
    %dma_wait3A_2963 = arith.constant 16 : i32
    %dma_wait3A_2964 = arith.constant 0 : i32
    %dma_wait3A_2965 = tpu.memref_slice %arg5[%dma_wait3A_2963, %dma_wait3A_2964] : memref<25x128xi32, #tpu.memory_space<vmem>> -> memref<1x128xi32, #tpu.memory_space<vmem>>
    %dma_wait3A_2966 = tpu.memref_squeeze %dma_wait3A_2965 : memref<1x128xi32, #tpu.memory_space<vmem>> -> memref<128xi32, #tpu.memory_space<vmem>>
    %dma_wait3A_2967 = tpu.memref_slice %arg3[%mul3A_262] : memref<100000xi32, #tpu.memory_space<hbm>> -> memref<128xi32, #tpu.memory_space<hbm>>
    %dma_wait3A_2968 = arith.constant 0 : i32
    %dma_wait3A_2969 = tpu.memref_slice %arg5[%dma_wait3A_2963, %dma_wait3A_2968] : memref<25x128xi32, #tpu.memory_space<vmem>> -> memref<1x128xi32, #tpu.memory_space<vmem>>
    %dma_wait3A_2970 = tpu.memref_squeeze %dma_wait3A_2969 : memref<1x128xi32, #tpu.memory_space<vmem>> -> memref<128xi32, #tpu.memory_space<vmem>>
    %dma_wait3A_2971 = tpu.memref_slice %arg3[%mul3A_262] : memref<100000xi32, #tpu.memory_space<hbm>> -> memref<128xi32, #tpu.memory_space<hbm>>
    tpu.wait_dma2 semaphore(%arg9 : memref<!tpu.dma_semaphore, #tpu.memory_space<semaphore_mem>>) src(%dma_wait3A_2971 : memref<128xi32, #tpu.memory_space<hbm>>) dst(%dma_wait3A_2970 : memref<128xi32, #tpu.memory_space<vmem>>)
    %dma_start3A_2972 = arith.constant 0 : i32
    %dma_start3A_2973 = arith.constant 16 : i32
    %dma_start3A_2974 = arith.constant 0 : i32
    %dma_start3A_2975 = arith.constant 0 : i32
    %dma_start3A_2976 = tpu.memref_slice %arg6[%dma_start3A_2972, %dma_start3A_2974, %dma_start3A_2975] : memref<5x128x128xf32, #tpu.memory_space<vmem>> -> memref<1x128x128xf32, #tpu.memory_space<vmem>>
    %dma_start3A_2977 = tpu.memref_squeeze %dma_start3A_2976 : memref<1x128x128xf32, #tpu.memory_space<vmem>> -> memref<128x128xf32, #tpu.memory_space<vmem>>
    %dma_start3A_2978 = arith.constant 0 : i32
    %dma_start3A_2979 = tpu.memref_slice %arg5[%dma_start3A_2973, %dma_start3A_2978] : memref<25x128xi32, #tpu.memory_space<vmem>> -> memref<1x128xi32, #tpu.memory_space<vmem>>
    %dma_start3A_2980 = tpu.memref_squeeze %dma_start3A_2979 : memref<1x128xi32, #tpu.memory_space<vmem>> -> memref<128xi32, #tpu.memory_space<vmem>>
    %dma_start3A_2981 = arith.constant 0 : i32
    %dma_start3A_2982 = arith.constant 0 : i32
    %dma_start3A_2983 = tpu.memref_slice %arg8[%dma_start3A_2981, %dma_start3A_2982] : memref<528x128xf32, #tpu.memory_space<vmem_shared>> -> memref<528x128xf32, #tpu.memory_space<vmem_shared>>
    tpu.enqueue_indirect_dma source(%dma_start3A_2977 : memref<128x128xf32, #tpu.memory_space<vmem>>) target(%dma_start3A_2983 : memref<528x128xf32, #tpu.memory_space<vmem_shared>>) offsets(%dma_start3A_2980 : memref<128xi32, #tpu.memory_space<vmem>>) semaphore(%arg14 : memref<!tpu.dma_semaphore, #tpu.memory_space<semaphore_mem>>) {add = true}
    %dma_wait3A_2984 = arith.constant 3 : i32
    %dma_wait3A_2985 = arith.constant 15 : i32
    %dma_wait3A_2986 = arith.constant 0 : i32
    %dma_wait3A_2987 = arith.constant 0 : i32
    %dma_wait3A_2988 = tpu.memref_slice %arg6[%dma_wait3A_2984, %dma_wait3A_2986, %dma_wait3A_2987] : memref<5x128x128xf32, #tpu.memory_space<vmem>> -> memref<1x128x128xf32, #tpu.memory_space<vmem>>
    %dma_wait3A_2989 = tpu.memref_squeeze %dma_wait3A_2988 : memref<1x128x128xf32, #tpu.memory_space<vmem>> -> memref<128x128xf32, #tpu.memory_space<vmem>>
    %dma_wait3A_2990 = arith.constant 0 : i32
    %dma_wait3A_2991 = tpu.memref_slice %arg5[%dma_wait3A_2985, %dma_wait3A_2990] : memref<25x128xi32, #tpu.memory_space<vmem>> -> memref<1x128xi32, #tpu.memory_space<vmem>>
    %dma_wait3A_2992 = tpu.memref_squeeze %dma_wait3A_2991 : memref<1x128xi32, #tpu.memory_space<vmem>> -> memref<128xi32, #tpu.memory_space<vmem>>
    %dma_wait3A_2993 = arith.constant 0 : i32
    %dma_wait3A_2994 = arith.constant 0 : i32
    %dma_wait3A_2995 = tpu.memref_slice %arg8[%dma_wait3A_2993, %dma_wait3A_2994] : memref<528x128xf32, #tpu.memory_space<vmem_shared>> -> memref<528x128xf32, #tpu.memory_space<vmem_shared>>
    tpu.wait_indirect_dma semaphore(%arg17 : memref<!tpu.dma_semaphore, #tpu.memory_space<semaphore_mem>>) src(%dma_wait3A_2989 : memref<128x128xf32, #tpu.memory_space<vmem>>) dst(%dma_wait3A_2995 : memref<528x128xf32, #tpu.memory_space<vmem_shared>>)
    %add3A_2996 = arith.constant 608 : i32
    %add3A_2997 = arith.addi %add3A_2996, %add3A : i32
    %mul3A_2998 = arith.constant 128 : i32
    %mul3A_2999 = arith.muli %add3A_2997, %mul3A_2998 : i32
    %dma_start3A_3000 = arith.constant 3 : i32
    %dma_start3A_3001 = arith.constant 0 : i32
    %dma_start3A_3002 = arith.constant 0 : i32
    %dma_start3A_3003 = tpu.memref_slice %arg6[%dma_start3A_3000, %dma_start3A_3001, %dma_start3A_3002] : memref<5x128x128xf32, #tpu.memory_space<vmem>> -> memref<1x128x128xf32, #tpu.memory_space<vmem>>
    %dma_start3A_3004 = tpu.memref_squeeze %dma_start3A_3003 : memref<1x128x128xf32, #tpu.memory_space<vmem>> -> memref<128x128xf32, #tpu.memory_space<vmem>>
    %dma_start3A_3005 = arith.constant 0 : i32
    %dma_start3A_3006 = tpu.memref_slice %arg2[%mul3A_2999, %dma_start3A_3005] : memref<100000x128xf32, #tpu.memory_space<hbm>> -> memref<128x128xf32, #tpu.memory_space<hbm>>
    %dma_start3A_3007 = arith.constant 0 : i32
    %dma_start3A_3008 = arith.constant 0 : i32
    %dma_start3A_3009 = tpu.memref_slice %arg6[%dma_start3A_3000, %dma_start3A_3007, %dma_start3A_3008] : memref<5x128x128xf32, #tpu.memory_space<vmem>> -> memref<1x128x128xf32, #tpu.memory_space<vmem>>
    %dma_start3A_3010 = tpu.memref_squeeze %dma_start3A_3009 : memref<1x128x128xf32, #tpu.memory_space<vmem>> -> memref<128x128xf32, #tpu.memory_space<vmem>>
    %dma_start3A_3011 = arith.constant 0 : i32
    %dma_start3A_3012 = tpu.memref_slice %arg2[%mul3A_2999, %dma_start3A_3011] : memref<100000x128xf32, #tpu.memory_space<hbm>> -> memref<128x128xf32, #tpu.memory_space<hbm>>
    tpu.enqueue_dma source(%dma_start3A_3012 : memref<128x128xf32, #tpu.memory_space<hbm>>) target(%dma_start3A_3010 : memref<128x128xf32, #tpu.memory_space<vmem>>) target_semaphore(%arg13 : memref<!tpu.dma_semaphore, #tpu.memory_space<semaphore_mem>>)
    %dma_wait3A_3013 = arith.constant 1 : i32
    %dma_wait3A_3014 = arith.constant 0 : i32
    %dma_wait3A_3015 = arith.constant 0 : i32
    %dma_wait3A_3016 = tpu.memref_slice %arg6[%dma_wait3A_3013, %dma_wait3A_3014, %dma_wait3A_3015] : memref<5x128x128xf32, #tpu.memory_space<vmem>> -> memref<1x128x128xf32, #tpu.memory_space<vmem>>
    %dma_wait3A_3017 = tpu.memref_squeeze %dma_wait3A_3016 : memref<1x128x128xf32, #tpu.memory_space<vmem>> -> memref<128x128xf32, #tpu.memory_space<vmem>>
    %dma_wait3A_3018 = arith.constant 0 : i32
    %dma_wait3A_3019 = tpu.memref_slice %arg2[%mul3A_2873, %dma_wait3A_3018] : memref<100000x128xf32, #tpu.memory_space<hbm>> -> memref<128x128xf32, #tpu.memory_space<hbm>>
    %dma_wait3A_3020 = arith.constant 0 : i32
    %dma_wait3A_3021 = arith.constant 0 : i32
    %dma_wait3A_3022 = tpu.memref_slice %arg6[%dma_wait3A_3013, %dma_wait3A_3020, %dma_wait3A_3021] : memref<5x128x128xf32, #tpu.memory_space<vmem>> -> memref<1x128x128xf32, #tpu.memory_space<vmem>>
    %dma_wait3A_3023 = tpu.memref_squeeze %dma_wait3A_3022 : memref<1x128x128xf32, #tpu.memory_space<vmem>> -> memref<128x128xf32, #tpu.memory_space<vmem>>
    %dma_wait3A_3024 = arith.constant 0 : i32
    %dma_wait3A_3025 = tpu.memref_slice %arg2[%mul3A_2873, %dma_wait3A_3024] : memref<100000x128xf32, #tpu.memory_space<hbm>> -> memref<128x128xf32, #tpu.memory_space<hbm>>
    tpu.wait_dma2 semaphore(%arg11 : memref<!tpu.dma_semaphore, #tpu.memory_space<semaphore_mem>>) src(%dma_wait3A_3025 : memref<128x128xf32, #tpu.memory_space<hbm>>) dst(%dma_wait3A_3023 : memref<128x128xf32, #tpu.memory_space<vmem>>)
    %dma_wait3A_3026 = arith.constant 17 : i32
    %dma_wait3A_3027 = arith.constant 0 : i32
    %dma_wait3A_3028 = tpu.memref_slice %arg5[%dma_wait3A_3026, %dma_wait3A_3027] : memref<25x128xi32, #tpu.memory_space<vmem>> -> memref<1x128xi32, #tpu.memory_space<vmem>>
    %dma_wait3A_3029 = tpu.memref_squeeze %dma_wait3A_3028 : memref<1x128xi32, #tpu.memory_space<vmem>> -> memref<128xi32, #tpu.memory_space<vmem>>
    %dma_wait3A_3030 = tpu.memref_slice %arg3[%mul3A_275] : memref<100000xi32, #tpu.memory_space<hbm>> -> memref<128xi32, #tpu.memory_space<hbm>>
    %dma_wait3A_3031 = arith.constant 0 : i32
    %dma_wait3A_3032 = tpu.memref_slice %arg5[%dma_wait3A_3026, %dma_wait3A_3031] : memref<25x128xi32, #tpu.memory_space<vmem>> -> memref<1x128xi32, #tpu.memory_space<vmem>>
    %dma_wait3A_3033 = tpu.memref_squeeze %dma_wait3A_3032 : memref<1x128xi32, #tpu.memory_space<vmem>> -> memref<128xi32, #tpu.memory_space<vmem>>
    %dma_wait3A_3034 = tpu.memref_slice %arg3[%mul3A_275] : memref<100000xi32, #tpu.memory_space<hbm>> -> memref<128xi32, #tpu.memory_space<hbm>>
    tpu.wait_dma2 semaphore(%arg9 : memref<!tpu.dma_semaphore, #tpu.memory_space<semaphore_mem>>) src(%dma_wait3A_3034 : memref<128xi32, #tpu.memory_space<hbm>>) dst(%dma_wait3A_3033 : memref<128xi32, #tpu.memory_space<vmem>>)
    %dma_start3A_3035 = arith.constant 1 : i32
    %dma_start3A_3036 = arith.constant 17 : i32
    %dma_start3A_3037 = arith.constant 0 : i32
    %dma_start3A_3038 = arith.constant 0 : i32
    %dma_start3A_3039 = tpu.memref_slice %arg6[%dma_start3A_3035, %dma_start3A_3037, %dma_start3A_3038] : memref<5x128x128xf32, #tpu.memory_space<vmem>> -> memref<1x128x128xf32, #tpu.memory_space<vmem>>
    %dma_start3A_3040 = tpu.memref_squeeze %dma_start3A_3039 : memref<1x128x128xf32, #tpu.memory_space<vmem>> -> memref<128x128xf32, #tpu.memory_space<vmem>>
    %dma_start3A_3041 = arith.constant 0 : i32
    %dma_start3A_3042 = tpu.memref_slice %arg5[%dma_start3A_3036, %dma_start3A_3041] : memref<25x128xi32, #tpu.memory_space<vmem>> -> memref<1x128xi32, #tpu.memory_space<vmem>>
    %dma_start3A_3043 = tpu.memref_squeeze %dma_start3A_3042 : memref<1x128xi32, #tpu.memory_space<vmem>> -> memref<128xi32, #tpu.memory_space<vmem>>
    %dma_start3A_3044 = arith.constant 0 : i32
    %dma_start3A_3045 = arith.constant 0 : i32
    %dma_start3A_3046 = tpu.memref_slice %arg8[%dma_start3A_3044, %dma_start3A_3045] : memref<528x128xf32, #tpu.memory_space<vmem_shared>> -> memref<528x128xf32, #tpu.memory_space<vmem_shared>>
    tpu.enqueue_indirect_dma source(%dma_start3A_3040 : memref<128x128xf32, #tpu.memory_space<vmem>>) target(%dma_start3A_3046 : memref<528x128xf32, #tpu.memory_space<vmem_shared>>) offsets(%dma_start3A_3043 : memref<128xi32, #tpu.memory_space<vmem>>) semaphore(%arg15 : memref<!tpu.dma_semaphore, #tpu.memory_space<semaphore_mem>>) {add = true}
    %dma_wait3A_3047 = arith.constant 0 : i32
    %dma_wait3A_3048 = arith.constant 16 : i32
    %dma_wait3A_3049 = arith.constant 0 : i32
    %dma_wait3A_3050 = arith.constant 0 : i32
    %dma_wait3A_3051 = tpu.memref_slice %arg6[%dma_wait3A_3047, %dma_wait3A_3049, %dma_wait3A_3050] : memref<5x128x128xf32, #tpu.memory_space<vmem>> -> memref<1x128x128xf32, #tpu.memory_space<vmem>>
    %dma_wait3A_3052 = tpu.memref_squeeze %dma_wait3A_3051 : memref<1x128x128xf32, #tpu.memory_space<vmem>> -> memref<128x128xf32, #tpu.memory_space<vmem>>
    %dma_wait3A_3053 = arith.constant 0 : i32
    %dma_wait3A_3054 = tpu.memref_slice %arg5[%dma_wait3A_3048, %dma_wait3A_3053] : memref<25x128xi32, #tpu.memory_space<vmem>> -> memref<1x128xi32, #tpu.memory_space<vmem>>
    %dma_wait3A_3055 = tpu.memref_squeeze %dma_wait3A_3054 : memref<1x128xi32, #tpu.memory_space<vmem>> -> memref<128xi32, #tpu.memory_space<vmem>>
    %dma_wait3A_3056 = arith.constant 0 : i32
    %dma_wait3A_3057 = arith.constant 0 : i32
    %dma_wait3A_3058 = tpu.memref_slice %arg8[%dma_wait3A_3056, %dma_wait3A_3057] : memref<528x128xf32, #tpu.memory_space<vmem_shared>> -> memref<528x128xf32, #tpu.memory_space<vmem_shared>>
    tpu.wait_indirect_dma semaphore(%arg14 : memref<!tpu.dma_semaphore, #tpu.memory_space<semaphore_mem>>) src(%dma_wait3A_3052 : memref<128x128xf32, #tpu.memory_space<vmem>>) dst(%dma_wait3A_3058 : memref<528x128xf32, #tpu.memory_space<vmem_shared>>)
    %add3A_3059 = arith.constant 640 : i32
    %add3A_3060 = arith.addi %add3A_3059, %add3A : i32
    %mul3A_3061 = arith.constant 128 : i32
    %mul3A_3062 = arith.muli %add3A_3060, %mul3A_3061 : i32
    %dma_start3A_3063 = arith.constant 0 : i32
    %dma_start3A_3064 = arith.constant 0 : i32
    %dma_start3A_3065 = arith.constant 0 : i32
    %dma_start3A_3066 = tpu.memref_slice %arg6[%dma_start3A_3063, %dma_start3A_3064, %dma_start3A_3065] : memref<5x128x128xf32, #tpu.memory_space<vmem>> -> memref<1x128x128xf32, #tpu.memory_space<vmem>>
    %dma_start3A_3067 = tpu.memref_squeeze %dma_start3A_3066 : memref<1x128x128xf32, #tpu.memory_space<vmem>> -> memref<128x128xf32, #tpu.memory_space<vmem>>
    %dma_start3A_3068 = arith.constant 0 : i32
    %dma_start3A_3069 = tpu.memref_slice %arg2[%mul3A_3062, %dma_start3A_3068] : memref<100000x128xf32, #tpu.memory_space<hbm>> -> memref<128x128xf32, #tpu.memory_space<hbm>>
    %dma_start3A_3070 = arith.constant 0 : i32
    %dma_start3A_3071 = arith.constant 0 : i32
    %dma_start3A_3072 = tpu.memref_slice %arg6[%dma_start3A_3063, %dma_start3A_3070, %dma_start3A_3071] : memref<5x128x128xf32, #tpu.memory_space<vmem>> -> memref<1x128x128xf32, #tpu.memory_space<vmem>>
    %dma_start3A_3073 = tpu.memref_squeeze %dma_start3A_3072 : memref<1x128x128xf32, #tpu.memory_space<vmem>> -> memref<128x128xf32, #tpu.memory_space<vmem>>
    %dma_start3A_3074 = arith.constant 0 : i32
    %dma_start3A_3075 = tpu.memref_slice %arg2[%mul3A_3062, %dma_start3A_3074] : memref<100000x128xf32, #tpu.memory_space<hbm>> -> memref<128x128xf32, #tpu.memory_space<hbm>>
    tpu.enqueue_dma source(%dma_start3A_3075 : memref<128x128xf32, #tpu.memory_space<hbm>>) target(%dma_start3A_3073 : memref<128x128xf32, #tpu.memory_space<vmem>>) target_semaphore(%arg10 : memref<!tpu.dma_semaphore, #tpu.memory_space<semaphore_mem>>)
    %dma_wait3A_3076 = arith.constant 2 : i32
    %dma_wait3A_3077 = arith.constant 0 : i32
    %dma_wait3A_3078 = arith.constant 0 : i32
    %dma_wait3A_3079 = tpu.memref_slice %arg6[%dma_wait3A_3076, %dma_wait3A_3077, %dma_wait3A_3078] : memref<5x128x128xf32, #tpu.memory_space<vmem>> -> memref<1x128x128xf32, #tpu.memory_space<vmem>>
    %dma_wait3A_3080 = tpu.memref_squeeze %dma_wait3A_3079 : memref<1x128x128xf32, #tpu.memory_space<vmem>> -> memref<128x128xf32, #tpu.memory_space<vmem>>
    %dma_wait3A_3081 = arith.constant 0 : i32
    %dma_wait3A_3082 = tpu.memref_slice %arg2[%mul3A_2936, %dma_wait3A_3081] : memref<100000x128xf32, #tpu.memory_space<hbm>> -> memref<128x128xf32, #tpu.memory_space<hbm>>
    %dma_wait3A_3083 = arith.constant 0 : i32
    %dma_wait3A_3084 = arith.constant 0 : i32
    %dma_wait3A_3085 = tpu.memref_slice %arg6[%dma_wait3A_3076, %dma_wait3A_3083, %dma_wait3A_3084] : memref<5x128x128xf32, #tpu.memory_space<vmem>> -> memref<1x128x128xf32, #tpu.memory_space<vmem>>
    %dma_wait3A_3086 = tpu.memref_squeeze %dma_wait3A_3085 : memref<1x128x128xf32, #tpu.memory_space<vmem>> -> memref<128x128xf32, #tpu.memory_space<vmem>>
    %dma_wait3A_3087 = arith.constant 0 : i32
    %dma_wait3A_3088 = tpu.memref_slice %arg2[%mul3A_2936, %dma_wait3A_3087] : memref<100000x128xf32, #tpu.memory_space<hbm>> -> memref<128x128xf32, #tpu.memory_space<hbm>>
    tpu.wait_dma2 semaphore(%arg12 : memref<!tpu.dma_semaphore, #tpu.memory_space<semaphore_mem>>) src(%dma_wait3A_3088 : memref<128x128xf32, #tpu.memory_space<hbm>>) dst(%dma_wait3A_3086 : memref<128x128xf32, #tpu.memory_space<vmem>>)
    %dma_wait3A_3089 = arith.constant 18 : i32
    %dma_wait3A_3090 = arith.constant 0 : i32
    %dma_wait3A_3091 = tpu.memref_slice %arg5[%dma_wait3A_3089, %dma_wait3A_3090] : memref<25x128xi32, #tpu.memory_space<vmem>> -> memref<1x128xi32, #tpu.memory_space<vmem>>
    %dma_wait3A_3092 = tpu.memref_squeeze %dma_wait3A_3091 : memref<1x128xi32, #tpu.memory_space<vmem>> -> memref<128xi32, #tpu.memory_space<vmem>>
    %dma_wait3A_3093 = tpu.memref_slice %arg3[%mul3A_288] : memref<100000xi32, #tpu.memory_space<hbm>> -> memref<128xi32, #tpu.memory_space<hbm>>
    %dma_wait3A_3094 = arith.constant 0 : i32
    %dma_wait3A_3095 = tpu.memref_slice %arg5[%dma_wait3A_3089, %dma_wait3A_3094] : memref<25x128xi32, #tpu.memory_space<vmem>> -> memref<1x128xi32, #tpu.memory_space<vmem>>
    %dma_wait3A_3096 = tpu.memref_squeeze %dma_wait3A_3095 : memref<1x128xi32, #tpu.memory_space<vmem>> -> memref<128xi32, #tpu.memory_space<vmem>>
    %dma_wait3A_3097 = tpu.memref_slice %arg3[%mul3A_288] : memref<100000xi32, #tpu.memory_space<hbm>> -> memref<128xi32, #tpu.memory_space<hbm>>
    tpu.wait_dma2 semaphore(%arg9 : memref<!tpu.dma_semaphore, #tpu.memory_space<semaphore_mem>>) src(%dma_wait3A_3097 : memref<128xi32, #tpu.memory_space<hbm>>) dst(%dma_wait3A_3096 : memref<128xi32, #tpu.memory_space<vmem>>)
    %dma_start3A_3098 = arith.constant 2 : i32
    %dma_start3A_3099 = arith.constant 18 : i32
    %dma_start3A_3100 = arith.constant 0 : i32
    %dma_start3A_3101 = arith.constant 0 : i32
    %dma_start3A_3102 = tpu.memref_slice %arg6[%dma_start3A_3098, %dma_start3A_3100, %dma_start3A_3101] : memref<5x128x128xf32, #tpu.memory_space<vmem>> -> memref<1x128x128xf32, #tpu.memory_space<vmem>>
    %dma_start3A_3103 = tpu.memref_squeeze %dma_start3A_3102 : memref<1x128x128xf32, #tpu.memory_space<vmem>> -> memref<128x128xf32, #tpu.memory_space<vmem>>
    %dma_start3A_3104 = arith.constant 0 : i32
    %dma_start3A_3105 = tpu.memref_slice %arg5[%dma_start3A_3099, %dma_start3A_3104] : memref<25x128xi32, #tpu.memory_space<vmem>> -> memref<1x128xi32, #tpu.memory_space<vmem>>
    %dma_start3A_3106 = tpu.memref_squeeze %dma_start3A_3105 : memref<1x128xi32, #tpu.memory_space<vmem>> -> memref<128xi32, #tpu.memory_space<vmem>>
    %dma_start3A_3107 = arith.constant 0 : i32
    %dma_start3A_3108 = arith.constant 0 : i32
    %dma_start3A_3109 = tpu.memref_slice %arg8[%dma_start3A_3107, %dma_start3A_3108] : memref<528x128xf32, #tpu.memory_space<vmem_shared>> -> memref<528x128xf32, #tpu.memory_space<vmem_shared>>
    tpu.enqueue_indirect_dma source(%dma_start3A_3103 : memref<128x128xf32, #tpu.memory_space<vmem>>) target(%dma_start3A_3109 : memref<528x128xf32, #tpu.memory_space<vmem_shared>>) offsets(%dma_start3A_3106 : memref<128xi32, #tpu.memory_space<vmem>>) semaphore(%arg16 : memref<!tpu.dma_semaphore, #tpu.memory_space<semaphore_mem>>) {add = true}
    %dma_wait3A_3110 = arith.constant 1 : i32
    %dma_wait3A_3111 = arith.constant 17 : i32
    %dma_wait3A_3112 = arith.constant 0 : i32
    %dma_wait3A_3113 = arith.constant 0 : i32
    %dma_wait3A_3114 = tpu.memref_slice %arg6[%dma_wait3A_3110, %dma_wait3A_3112, %dma_wait3A_3113] : memref<5x128x128xf32, #tpu.memory_space<vmem>> -> memref<1x128x128xf32, #tpu.memory_space<vmem>>
    %dma_wait3A_3115 = tpu.memref_squeeze %dma_wait3A_3114 : memref<1x128x128xf32, #tpu.memory_space<vmem>> -> memref<128x128xf32, #tpu.memory_space<vmem>>
    %dma_wait3A_3116 = arith.constant 0 : i32
    %dma_wait3A_3117 = tpu.memref_slice %arg5[%dma_wait3A_3111, %dma_wait3A_3116] : memref<25x128xi32, #tpu.memory_space<vmem>> -> memref<1x128xi32, #tpu.memory_space<vmem>>
    %dma_wait3A_3118 = tpu.memref_squeeze %dma_wait3A_3117 : memref<1x128xi32, #tpu.memory_space<vmem>> -> memref<128xi32, #tpu.memory_space<vmem>>
    %dma_wait3A_3119 = arith.constant 0 : i32
    %dma_wait3A_3120 = arith.constant 0 : i32
    %dma_wait3A_3121 = tpu.memref_slice %arg8[%dma_wait3A_3119, %dma_wait3A_3120] : memref<528x128xf32, #tpu.memory_space<vmem_shared>> -> memref<528x128xf32, #tpu.memory_space<vmem_shared>>
    tpu.wait_indirect_dma semaphore(%arg15 : memref<!tpu.dma_semaphore, #tpu.memory_space<semaphore_mem>>) src(%dma_wait3A_3115 : memref<128x128xf32, #tpu.memory_space<vmem>>) dst(%dma_wait3A_3121 : memref<528x128xf32, #tpu.memory_space<vmem_shared>>)
    %add3A_3122 = arith.constant 672 : i32
    %add3A_3123 = arith.addi %add3A_3122, %add3A : i32
    %mul3A_3124 = arith.constant 128 : i32
    %mul3A_3125 = arith.muli %add3A_3123, %mul3A_3124 : i32
    %dma_start3A_3126 = arith.constant 1 : i32
    %dma_start3A_3127 = arith.constant 0 : i32
    %dma_start3A_3128 = arith.constant 0 : i32
    %dma_start3A_3129 = tpu.memref_slice %arg6[%dma_start3A_3126, %dma_start3A_3127, %dma_start3A_3128] : memref<5x128x128xf32, #tpu.memory_space<vmem>> -> memref<1x128x128xf32, #tpu.memory_space<vmem>>
    %dma_start3A_3130 = tpu.memref_squeeze %dma_start3A_3129 : memref<1x128x128xf32, #tpu.memory_space<vmem>> -> memref<128x128xf32, #tpu.memory_space<vmem>>
    %dma_start3A_3131 = arith.constant 0 : i32
    %dma_start3A_3132 = tpu.memref_slice %arg2[%mul3A_3125, %dma_start3A_3131] : memref<100000x128xf32, #tpu.memory_space<hbm>> -> memref<128x128xf32, #tpu.memory_space<hbm>>
    %dma_start3A_3133 = arith.constant 0 : i32
    %dma_start3A_3134 = arith.constant 0 : i32
    %dma_start3A_3135 = tpu.memref_slice %arg6[%dma_start3A_3126, %dma_start3A_3133, %dma_start3A_3134] : memref<5x128x128xf32, #tpu.memory_space<vmem>> -> memref<1x128x128xf32, #tpu.memory_space<vmem>>
    %dma_start3A_3136 = tpu.memref_squeeze %dma_start3A_3135 : memref<1x128x128xf32, #tpu.memory_space<vmem>> -> memref<128x128xf32, #tpu.memory_space<vmem>>
    %dma_start3A_3137 = arith.constant 0 : i32
    %dma_start3A_3138 = tpu.memref_slice %arg2[%mul3A_3125, %dma_start3A_3137] : memref<100000x128xf32, #tpu.memory_space<hbm>> -> memref<128x128xf32, #tpu.memory_space<hbm>>
    tpu.enqueue_dma source(%dma_start3A_3138 : memref<128x128xf32, #tpu.memory_space<hbm>>) target(%dma_start3A_3136 : memref<128x128xf32, #tpu.memory_space<vmem>>) target_semaphore(%arg11 : memref<!tpu.dma_semaphore, #tpu.memory_space<semaphore_mem>>)
    %dma_wait3A_3139 = arith.constant 3 : i32
    %dma_wait3A_3140 = arith.constant 0 : i32
    %dma_wait3A_3141 = arith.constant 0 : i32
    %dma_wait3A_3142 = tpu.memref_slice %arg6[%dma_wait3A_3139, %dma_wait3A_3140, %dma_wait3A_3141] : memref<5x128x128xf32, #tpu.memory_space<vmem>> -> memref<1x128x128xf32, #tpu.memory_space<vmem>>
    %dma_wait3A_3143 = tpu.memref_squeeze %dma_wait3A_3142 : memref<1x128x128xf32, #tpu.memory_space<vmem>> -> memref<128x128xf32, #tpu.memory_space<vmem>>
    %dma_wait3A_3144 = arith.constant 0 : i32
    %dma_wait3A_3145 = tpu.memref_slice %arg2[%mul3A_2999, %dma_wait3A_3144] : memref<100000x128xf32, #tpu.memory_space<hbm>> -> memref<128x128xf32, #tpu.memory_space<hbm>>
    %dma_wait3A_3146 = arith.constant 0 : i32
    %dma_wait3A_3147 = arith.constant 0 : i32
    %dma_wait3A_3148 = tpu.memref_slice %arg6[%dma_wait3A_3139, %dma_wait3A_3146, %dma_wait3A_3147] : memref<5x128x128xf32, #tpu.memory_space<vmem>> -> memref<1x128x128xf32, #tpu.memory_space<vmem>>
    %dma_wait3A_3149 = tpu.memref_squeeze %dma_wait3A_3148 : memref<1x128x128xf32, #tpu.memory_space<vmem>> -> memref<128x128xf32, #tpu.memory_space<vmem>>
    %dma_wait3A_3150 = arith.constant 0 : i32
    %dma_wait3A_3151 = tpu.memref_slice %arg2[%mul3A_2999, %dma_wait3A_3150] : memref<100000x128xf32, #tpu.memory_space<hbm>> -> memref<128x128xf32, #tpu.memory_space<hbm>>
    tpu.wait_dma2 semaphore(%arg13 : memref<!tpu.dma_semaphore, #tpu.memory_space<semaphore_mem>>) src(%dma_wait3A_3151 : memref<128x128xf32, #tpu.memory_space<hbm>>) dst(%dma_wait3A_3149 : memref<128x128xf32, #tpu.memory_space<vmem>>)
    %dma_wait3A_3152 = arith.constant 19 : i32
    %dma_wait3A_3153 = arith.constant 0 : i32
    %dma_wait3A_3154 = tpu.memref_slice %arg5[%dma_wait3A_3152, %dma_wait3A_3153] : memref<25x128xi32, #tpu.memory_space<vmem>> -> memref<1x128xi32, #tpu.memory_space<vmem>>
    %dma_wait3A_3155 = tpu.memref_squeeze %dma_wait3A_3154 : memref<1x128xi32, #tpu.memory_space<vmem>> -> memref<128xi32, #tpu.memory_space<vmem>>
    %dma_wait3A_3156 = tpu.memref_slice %arg3[%mul3A_301] : memref<100000xi32, #tpu.memory_space<hbm>> -> memref<128xi32, #tpu.memory_space<hbm>>
    %dma_wait3A_3157 = arith.constant 0 : i32
    %dma_wait3A_3158 = tpu.memref_slice %arg5[%dma_wait3A_3152, %dma_wait3A_3157] : memref<25x128xi32, #tpu.memory_space<vmem>> -> memref<1x128xi32, #tpu.memory_space<vmem>>
    %dma_wait3A_3159 = tpu.memref_squeeze %dma_wait3A_3158 : memref<1x128xi32, #tpu.memory_space<vmem>> -> memref<128xi32, #tpu.memory_space<vmem>>
    %dma_wait3A_3160 = tpu.memref_slice %arg3[%mul3A_301] : memref<100000xi32, #tpu.memory_space<hbm>> -> memref<128xi32, #tpu.memory_space<hbm>>
    tpu.wait_dma2 semaphore(%arg9 : memref<!tpu.dma_semaphore, #tpu.memory_space<semaphore_mem>>) src(%dma_wait3A_3160 : memref<128xi32, #tpu.memory_space<hbm>>) dst(%dma_wait3A_3159 : memref<128xi32, #tpu.memory_space<vmem>>)
    %dma_start3A_3161 = arith.constant 3 : i32
    %dma_start3A_3162 = arith.constant 19 : i32
    %dma_start3A_3163 = arith.constant 0 : i32
    %dma_start3A_3164 = arith.constant 0 : i32
    %dma_start3A_3165 = tpu.memref_slice %arg6[%dma_start3A_3161, %dma_start3A_3163, %dma_start3A_3164] : memref<5x128x128xf32, #tpu.memory_space<vmem>> -> memref<1x128x128xf32, #tpu.memory_space<vmem>>
    %dma_start3A_3166 = tpu.memref_squeeze %dma_start3A_3165 : memref<1x128x128xf32, #tpu.memory_space<vmem>> -> memref<128x128xf32, #tpu.memory_space<vmem>>
    %dma_start3A_3167 = arith.constant 0 : i32
    %dma_start3A_3168 = tpu.memref_slice %arg5[%dma_start3A_3162, %dma_start3A_3167] : memref<25x128xi32, #tpu.memory_space<vmem>> -> memref<1x128xi32, #tpu.memory_space<vmem>>
    %dma_start3A_3169 = tpu.memref_squeeze %dma_start3A_3168 : memref<1x128xi32, #tpu.memory_space<vmem>> -> memref<128xi32, #tpu.memory_space<vmem>>
    %dma_start3A_3170 = arith.constant 0 : i32
    %dma_start3A_3171 = arith.constant 0 : i32
    %dma_start3A_3172 = tpu.memref_slice %arg8[%dma_start3A_3170, %dma_start3A_3171] : memref<528x128xf32, #tpu.memory_space<vmem_shared>> -> memref<528x128xf32, #tpu.memory_space<vmem_shared>>
    tpu.enqueue_indirect_dma source(%dma_start3A_3166 : memref<128x128xf32, #tpu.memory_space<vmem>>) target(%dma_start3A_3172 : memref<528x128xf32, #tpu.memory_space<vmem_shared>>) offsets(%dma_start3A_3169 : memref<128xi32, #tpu.memory_space<vmem>>) semaphore(%arg17 : memref<!tpu.dma_semaphore, #tpu.memory_space<semaphore_mem>>) {add = true}
    %dma_wait3A_3173 = arith.constant 2 : i32
    %dma_wait3A_3174 = arith.constant 18 : i32
    %dma_wait3A_3175 = arith.constant 0 : i32
    %dma_wait3A_3176 = arith.constant 0 : i32
    %dma_wait3A_3177 = tpu.memref_slice %arg6[%dma_wait3A_3173, %dma_wait3A_3175, %dma_wait3A_3176] : memref<5x128x128xf32, #tpu.memory_space<vmem>> -> memref<1x128x128xf32, #tpu.memory_space<vmem>>
    %dma_wait3A_3178 = tpu.memref_squeeze %dma_wait3A_3177 : memref<1x128x128xf32, #tpu.memory_space<vmem>> -> memref<128x128xf32, #tpu.memory_space<vmem>>
    %dma_wait3A_3179 = arith.constant 0 : i32
    %dma_wait3A_3180 = tpu.memref_slice %arg5[%dma_wait3A_3174, %dma_wait3A_3179] : memref<25x128xi32, #tpu.memory_space<vmem>> -> memref<1x128xi32, #tpu.memory_space<vmem>>
    %dma_wait3A_3181 = tpu.memref_squeeze %dma_wait3A_3180 : memref<1x128xi32, #tpu.memory_space<vmem>> -> memref<128xi32, #tpu.memory_space<vmem>>
    %dma_wait3A_3182 = arith.constant 0 : i32
    %dma_wait3A_3183 = arith.constant 0 : i32
    %dma_wait3A_3184 = tpu.memref_slice %arg8[%dma_wait3A_3182, %dma_wait3A_3183] : memref<528x128xf32, #tpu.memory_space<vmem_shared>> -> memref<528x128xf32, #tpu.memory_space<vmem_shared>>
    tpu.wait_indirect_dma semaphore(%arg16 : memref<!tpu.dma_semaphore, #tpu.memory_space<semaphore_mem>>) src(%dma_wait3A_3178 : memref<128x128xf32, #tpu.memory_space<vmem>>) dst(%dma_wait3A_3184 : memref<528x128xf32, #tpu.memory_space<vmem_shared>>)
    %add3A_3185 = arith.constant 704 : i32
    %add3A_3186 = arith.addi %add3A_3185, %add3A : i32
    %mul3A_3187 = arith.constant 128 : i32
    %mul3A_3188 = arith.muli %add3A_3186, %mul3A_3187 : i32
    %dma_start3A_3189 = arith.constant 2 : i32
    %dma_start3A_3190 = arith.constant 0 : i32
    %dma_start3A_3191 = arith.constant 0 : i32
    %dma_start3A_3192 = tpu.memref_slice %arg6[%dma_start3A_3189, %dma_start3A_3190, %dma_start3A_3191] : memref<5x128x128xf32, #tpu.memory_space<vmem>> -> memref<1x128x128xf32, #tpu.memory_space<vmem>>
    %dma_start3A_3193 = tpu.memref_squeeze %dma_start3A_3192 : memref<1x128x128xf32, #tpu.memory_space<vmem>> -> memref<128x128xf32, #tpu.memory_space<vmem>>
    %dma_start3A_3194 = arith.constant 0 : i32
    %dma_start3A_3195 = tpu.memref_slice %arg2[%mul3A_3188, %dma_start3A_3194] : memref<100000x128xf32, #tpu.memory_space<hbm>> -> memref<128x128xf32, #tpu.memory_space<hbm>>
    %dma_start3A_3196 = arith.constant 0 : i32
    %dma_start3A_3197 = arith.constant 0 : i32
    %dma_start3A_3198 = tpu.memref_slice %arg6[%dma_start3A_3189, %dma_start3A_3196, %dma_start3A_3197] : memref<5x128x128xf32, #tpu.memory_space<vmem>> -> memref<1x128x128xf32, #tpu.memory_space<vmem>>
    %dma_start3A_3199 = tpu.memref_squeeze %dma_start3A_3198 : memref<1x128x128xf32, #tpu.memory_space<vmem>> -> memref<128x128xf32, #tpu.memory_space<vmem>>
    %dma_start3A_3200 = arith.constant 0 : i32
    %dma_start3A_3201 = tpu.memref_slice %arg2[%mul3A_3188, %dma_start3A_3200] : memref<100000x128xf32, #tpu.memory_space<hbm>> -> memref<128x128xf32, #tpu.memory_space<hbm>>
    tpu.enqueue_dma source(%dma_start3A_3201 : memref<128x128xf32, #tpu.memory_space<hbm>>) target(%dma_start3A_3199 : memref<128x128xf32, #tpu.memory_space<vmem>>) target_semaphore(%arg12 : memref<!tpu.dma_semaphore, #tpu.memory_space<semaphore_mem>>)
    %dma_wait3A_3202 = arith.constant 0 : i32
    %dma_wait3A_3203 = arith.constant 0 : i32
    %dma_wait3A_3204 = arith.constant 0 : i32
    %dma_wait3A_3205 = tpu.memref_slice %arg6[%dma_wait3A_3202, %dma_wait3A_3203, %dma_wait3A_3204] : memref<5x128x128xf32, #tpu.memory_space<vmem>> -> memref<1x128x128xf32, #tpu.memory_space<vmem>>
    %dma_wait3A_3206 = tpu.memref_squeeze %dma_wait3A_3205 : memref<1x128x128xf32, #tpu.memory_space<vmem>> -> memref<128x128xf32, #tpu.memory_space<vmem>>
    %dma_wait3A_3207 = arith.constant 0 : i32
    %dma_wait3A_3208 = tpu.memref_slice %arg2[%mul3A_3062, %dma_wait3A_3207] : memref<100000x128xf32, #tpu.memory_space<hbm>> -> memref<128x128xf32, #tpu.memory_space<hbm>>
    %dma_wait3A_3209 = arith.constant 0 : i32
    %dma_wait3A_3210 = arith.constant 0 : i32
    %dma_wait3A_3211 = tpu.memref_slice %arg6[%dma_wait3A_3202, %dma_wait3A_3209, %dma_wait3A_3210] : memref<5x128x128xf32, #tpu.memory_space<vmem>> -> memref<1x128x128xf32, #tpu.memory_space<vmem>>
    %dma_wait3A_3212 = tpu.memref_squeeze %dma_wait3A_3211 : memref<1x128x128xf32, #tpu.memory_space<vmem>> -> memref<128x128xf32, #tpu.memory_space<vmem>>
    %dma_wait3A_3213 = arith.constant 0 : i32
    %dma_wait3A_3214 = tpu.memref_slice %arg2[%mul3A_3062, %dma_wait3A_3213] : memref<100000x128xf32, #tpu.memory_space<hbm>> -> memref<128x128xf32, #tpu.memory_space<hbm>>
    tpu.wait_dma2 semaphore(%arg10 : memref<!tpu.dma_semaphore, #tpu.memory_space<semaphore_mem>>) src(%dma_wait3A_3214 : memref<128x128xf32, #tpu.memory_space<hbm>>) dst(%dma_wait3A_3212 : memref<128x128xf32, #tpu.memory_space<vmem>>)
    %dma_wait3A_3215 = arith.constant 20 : i32
    %dma_wait3A_3216 = arith.constant 0 : i32
    %dma_wait3A_3217 = tpu.memref_slice %arg5[%dma_wait3A_3215, %dma_wait3A_3216] : memref<25x128xi32, #tpu.memory_space<vmem>> -> memref<1x128xi32, #tpu.memory_space<vmem>>
    %dma_wait3A_3218 = tpu.memref_squeeze %dma_wait3A_3217 : memref<1x128xi32, #tpu.memory_space<vmem>> -> memref<128xi32, #tpu.memory_space<vmem>>
    %dma_wait3A_3219 = tpu.memref_slice %arg3[%mul3A_314] : memref<100000xi32, #tpu.memory_space<hbm>> -> memref<128xi32, #tpu.memory_space<hbm>>
    %dma_wait3A_3220 = arith.constant 0 : i32
    %dma_wait3A_3221 = tpu.memref_slice %arg5[%dma_wait3A_3215, %dma_wait3A_3220] : memref<25x128xi32, #tpu.memory_space<vmem>> -> memref<1x128xi32, #tpu.memory_space<vmem>>
    %dma_wait3A_3222 = tpu.memref_squeeze %dma_wait3A_3221 : memref<1x128xi32, #tpu.memory_space<vmem>> -> memref<128xi32, #tpu.memory_space<vmem>>
    %dma_wait3A_3223 = tpu.memref_slice %arg3[%mul3A_314] : memref<100000xi32, #tpu.memory_space<hbm>> -> memref<128xi32, #tpu.memory_space<hbm>>
    tpu.wait_dma2 semaphore(%arg9 : memref<!tpu.dma_semaphore, #tpu.memory_space<semaphore_mem>>) src(%dma_wait3A_3223 : memref<128xi32, #tpu.memory_space<hbm>>) dst(%dma_wait3A_3222 : memref<128xi32, #tpu.memory_space<vmem>>)
    %dma_start3A_3224 = arith.constant 0 : i32
    %dma_start3A_3225 = arith.constant 20 : i32
    %dma_start3A_3226 = arith.constant 0 : i32
    %dma_start3A_3227 = arith.constant 0 : i32
    %dma_start3A_3228 = tpu.memref_slice %arg6[%dma_start3A_3224, %dma_start3A_3226, %dma_start3A_3227] : memref<5x128x128xf32, #tpu.memory_space<vmem>> -> memref<1x128x128xf32, #tpu.memory_space<vmem>>
    %dma_start3A_3229 = tpu.memref_squeeze %dma_start3A_3228 : memref<1x128x128xf32, #tpu.memory_space<vmem>> -> memref<128x128xf32, #tpu.memory_space<vmem>>
    %dma_start3A_3230 = arith.constant 0 : i32
    %dma_start3A_3231 = tpu.memref_slice %arg5[%dma_start3A_3225, %dma_start3A_3230] : memref<25x128xi32, #tpu.memory_space<vmem>> -> memref<1x128xi32, #tpu.memory_space<vmem>>
    %dma_start3A_3232 = tpu.memref_squeeze %dma_start3A_3231 : memref<1x128xi32, #tpu.memory_space<vmem>> -> memref<128xi32, #tpu.memory_space<vmem>>
    %dma_start3A_3233 = arith.constant 0 : i32
    %dma_start3A_3234 = arith.constant 0 : i32
    %dma_start3A_3235 = tpu.memref_slice %arg8[%dma_start3A_3233, %dma_start3A_3234] : memref<528x128xf32, #tpu.memory_space<vmem_shared>> -> memref<528x128xf32, #tpu.memory_space<vmem_shared>>
    tpu.enqueue_indirect_dma source(%dma_start3A_3229 : memref<128x128xf32, #tpu.memory_space<vmem>>) target(%dma_start3A_3235 : memref<528x128xf32, #tpu.memory_space<vmem_shared>>) offsets(%dma_start3A_3232 : memref<128xi32, #tpu.memory_space<vmem>>) semaphore(%arg14 : memref<!tpu.dma_semaphore, #tpu.memory_space<semaphore_mem>>) {add = true}
    %dma_wait3A_3236 = arith.constant 3 : i32
    %dma_wait3A_3237 = arith.constant 19 : i32
    %dma_wait3A_3238 = arith.constant 0 : i32
    %dma_wait3A_3239 = arith.constant 0 : i32
    %dma_wait3A_3240 = tpu.memref_slice %arg6[%dma_wait3A_3236, %dma_wait3A_3238, %dma_wait3A_3239] : memref<5x128x128xf32, #tpu.memory_space<vmem>> -> memref<1x128x128xf32, #tpu.memory_space<vmem>>
    %dma_wait3A_3241 = tpu.memref_squeeze %dma_wait3A_3240 : memref<1x128x128xf32, #tpu.memory_space<vmem>> -> memref<128x128xf32, #tpu.memory_space<vmem>>
    %dma_wait3A_3242 = arith.constant 0 : i32
    %dma_wait3A_3243 = tpu.memref_slice %arg5[%dma_wait3A_3237, %dma_wait3A_3242] : memref<25x128xi32, #tpu.memory_space<vmem>> -> memref<1x128xi32, #tpu.memory_space<vmem>>
    %dma_wait3A_3244 = tpu.memref_squeeze %dma_wait3A_3243 : memref<1x128xi32, #tpu.memory_space<vmem>> -> memref<128xi32, #tpu.memory_space<vmem>>
    %dma_wait3A_3245 = arith.constant 0 : i32
    %dma_wait3A_3246 = arith.constant 0 : i32
    %dma_wait3A_3247 = tpu.memref_slice %arg8[%dma_wait3A_3245, %dma_wait3A_3246] : memref<528x128xf32, #tpu.memory_space<vmem_shared>> -> memref<528x128xf32, #tpu.memory_space<vmem_shared>>
    tpu.wait_indirect_dma semaphore(%arg17 : memref<!tpu.dma_semaphore, #tpu.memory_space<semaphore_mem>>) src(%dma_wait3A_3241 : memref<128x128xf32, #tpu.memory_space<vmem>>) dst(%dma_wait3A_3247 : memref<528x128xf32, #tpu.memory_space<vmem_shared>>)
    %add3A_3248 = arith.constant 736 : i32
    %add3A_3249 = arith.addi %add3A_3248, %add3A : i32
    %mul3A_3250 = arith.constant 128 : i32
    %mul3A_3251 = arith.muli %add3A_3249, %mul3A_3250 : i32
    %dma_start3A_3252 = arith.constant 3 : i32
    %dma_start3A_3253 = arith.constant 0 : i32
    %dma_start3A_3254 = arith.constant 0 : i32
    %dma_start3A_3255 = tpu.memref_slice %arg6[%dma_start3A_3252, %dma_start3A_3253, %dma_start3A_3254] : memref<5x128x128xf32, #tpu.memory_space<vmem>> -> memref<1x128x128xf32, #tpu.memory_space<vmem>>
    %dma_start3A_3256 = tpu.memref_squeeze %dma_start3A_3255 : memref<1x128x128xf32, #tpu.memory_space<vmem>> -> memref<128x128xf32, #tpu.memory_space<vmem>>
    %dma_start3A_3257 = arith.constant 0 : i32
    %dma_start3A_3258 = tpu.memref_slice %arg2[%mul3A_3251, %dma_start3A_3257] : memref<100000x128xf32, #tpu.memory_space<hbm>> -> memref<128x128xf32, #tpu.memory_space<hbm>>
    %dma_start3A_3259 = arith.constant 0 : i32
    %dma_start3A_3260 = arith.constant 0 : i32
    %dma_start3A_3261 = tpu.memref_slice %arg6[%dma_start3A_3252, %dma_start3A_3259, %dma_start3A_3260] : memref<5x128x128xf32, #tpu.memory_space<vmem>> -> memref<1x128x128xf32, #tpu.memory_space<vmem>>
    %dma_start3A_3262 = tpu.memref_squeeze %dma_start3A_3261 : memref<1x128x128xf32, #tpu.memory_space<vmem>> -> memref<128x128xf32, #tpu.memory_space<vmem>>
    %dma_start3A_3263 = arith.constant 0 : i32
    %dma_start3A_3264 = tpu.memref_slice %arg2[%mul3A_3251, %dma_start3A_3263] : memref<100000x128xf32, #tpu.memory_space<hbm>> -> memref<128x128xf32, #tpu.memory_space<hbm>>
    tpu.enqueue_dma source(%dma_start3A_3264 : memref<128x128xf32, #tpu.memory_space<hbm>>) target(%dma_start3A_3262 : memref<128x128xf32, #tpu.memory_space<vmem>>) target_semaphore(%arg13 : memref<!tpu.dma_semaphore, #tpu.memory_space<semaphore_mem>>)
    %dma_wait3A_3265 = arith.constant 1 : i32
    %dma_wait3A_3266 = arith.constant 0 : i32
    %dma_wait3A_3267 = arith.constant 0 : i32
    %dma_wait3A_3268 = tpu.memref_slice %arg6[%dma_wait3A_3265, %dma_wait3A_3266, %dma_wait3A_3267] : memref<5x128x128xf32, #tpu.memory_space<vmem>> -> memref<1x128x128xf32, #tpu.memory_space<vmem>>
    %dma_wait3A_3269 = tpu.memref_squeeze %dma_wait3A_3268 : memref<1x128x128xf32, #tpu.memory_space<vmem>> -> memref<128x128xf32, #tpu.memory_space<vmem>>
    %dma_wait3A_3270 = arith.constant 0 : i32
    %dma_wait3A_3271 = tpu.memref_slice %arg2[%mul3A_3125, %dma_wait3A_3270] : memref<100000x128xf32, #tpu.memory_space<hbm>> -> memref<128x128xf32, #tpu.memory_space<hbm>>
    %dma_wait3A_3272 = arith.constant 0 : i32
    %dma_wait3A_3273 = arith.constant 0 : i32
    %dma_wait3A_3274 = tpu.memref_slice %arg6[%dma_wait3A_3265, %dma_wait3A_3272, %dma_wait3A_3273] : memref<5x128x128xf32, #tpu.memory_space<vmem>> -> memref<1x128x128xf32, #tpu.memory_space<vmem>>
    %dma_wait3A_3275 = tpu.memref_squeeze %dma_wait3A_3274 : memref<1x128x128xf32, #tpu.memory_space<vmem>> -> memref<128x128xf32, #tpu.memory_space<vmem>>
    %dma_wait3A_3276 = arith.constant 0 : i32
    %dma_wait3A_3277 = tpu.memref_slice %arg2[%mul3A_3125, %dma_wait3A_3276] : memref<100000x128xf32, #tpu.memory_space<hbm>> -> memref<128x128xf32, #tpu.memory_space<hbm>>
    tpu.wait_dma2 semaphore(%arg11 : memref<!tpu.dma_semaphore, #tpu.memory_space<semaphore_mem>>) src(%dma_wait3A_3277 : memref<128x128xf32, #tpu.memory_space<hbm>>) dst(%dma_wait3A_3275 : memref<128x128xf32, #tpu.memory_space<vmem>>)
    %dma_wait3A_3278 = arith.constant 21 : i32
    %dma_wait3A_3279 = arith.constant 0 : i32
    %dma_wait3A_3280 = tpu.memref_slice %arg5[%dma_wait3A_3278, %dma_wait3A_3279] : memref<25x128xi32, #tpu.memory_space<vmem>> -> memref<1x128xi32, #tpu.memory_space<vmem>>
    %dma_wait3A_3281 = tpu.memref_squeeze %dma_wait3A_3280 : memref<1x128xi32, #tpu.memory_space<vmem>> -> memref<128xi32, #tpu.memory_space<vmem>>
    %dma_wait3A_3282 = tpu.memref_slice %arg3[%mul3A_327] : memref<100000xi32, #tpu.memory_space<hbm>> -> memref<128xi32, #tpu.memory_space<hbm>>
    %dma_wait3A_3283 = arith.constant 0 : i32
    %dma_wait3A_3284 = tpu.memref_slice %arg5[%dma_wait3A_3278, %dma_wait3A_3283] : memref<25x128xi32, #tpu.memory_space<vmem>> -> memref<1x128xi32, #tpu.memory_space<vmem>>
    %dma_wait3A_3285 = tpu.memref_squeeze %dma_wait3A_3284 : memref<1x128xi32, #tpu.memory_space<vmem>> -> memref<128xi32, #tpu.memory_space<vmem>>
    %dma_wait3A_3286 = tpu.memref_slice %arg3[%mul3A_327] : memref<100000xi32, #tpu.memory_space<hbm>> -> memref<128xi32, #tpu.memory_space<hbm>>
    tpu.wait_dma2 semaphore(%arg9 : memref<!tpu.dma_semaphore, #tpu.memory_space<semaphore_mem>>) src(%dma_wait3A_3286 : memref<128xi32, #tpu.memory_space<hbm>>) dst(%dma_wait3A_3285 : memref<128xi32, #tpu.memory_space<vmem>>)
    %dma_start3A_3287 = arith.constant 1 : i32
    %dma_start3A_3288 = arith.constant 21 : i32
    %dma_start3A_3289 = arith.constant 0 : i32
    %dma_start3A_3290 = arith.constant 0 : i32
    %dma_start3A_3291 = tpu.memref_slice %arg6[%dma_start3A_3287, %dma_start3A_3289, %dma_start3A_3290] : memref<5x128x128xf32, #tpu.memory_space<vmem>> -> memref<1x128x128xf32, #tpu.memory_space<vmem>>
    %dma_start3A_3292 = tpu.memref_squeeze %dma_start3A_3291 : memref<1x128x128xf32, #tpu.memory_space<vmem>> -> memref<128x128xf32, #tpu.memory_space<vmem>>
    %dma_start3A_3293 = arith.constant 0 : i32
    %dma_start3A_3294 = tpu.memref_slice %arg5[%dma_start3A_3288, %dma_start3A_3293] : memref<25x128xi32, #tpu.memory_space<vmem>> -> memref<1x128xi32, #tpu.memory_space<vmem>>
    %dma_start3A_3295 = tpu.memref_squeeze %dma_start3A_3294 : memref<1x128xi32, #tpu.memory_space<vmem>> -> memref<128xi32, #tpu.memory_space<vmem>>
    %dma_start3A_3296 = arith.constant 0 : i32
    %dma_start3A_3297 = arith.constant 0 : i32
    %dma_start3A_3298 = tpu.memref_slice %arg8[%dma_start3A_3296, %dma_start3A_3297] : memref<528x128xf32, #tpu.memory_space<vmem_shared>> -> memref<528x128xf32, #tpu.memory_space<vmem_shared>>
    tpu.enqueue_indirect_dma source(%dma_start3A_3292 : memref<128x128xf32, #tpu.memory_space<vmem>>) target(%dma_start3A_3298 : memref<528x128xf32, #tpu.memory_space<vmem_shared>>) offsets(%dma_start3A_3295 : memref<128xi32, #tpu.memory_space<vmem>>) semaphore(%arg15 : memref<!tpu.dma_semaphore, #tpu.memory_space<semaphore_mem>>) {add = true}
    %dma_wait3A_3299 = arith.constant 2 : i32
    %dma_wait3A_3300 = arith.constant 0 : i32
    %dma_wait3A_3301 = arith.constant 0 : i32
    %dma_wait3A_3302 = tpu.memref_slice %arg6[%dma_wait3A_3299, %dma_wait3A_3300, %dma_wait3A_3301] : memref<5x128x128xf32, #tpu.memory_space<vmem>> -> memref<1x128x128xf32, #tpu.memory_space<vmem>>
    %dma_wait3A_3303 = tpu.memref_squeeze %dma_wait3A_3302 : memref<1x128x128xf32, #tpu.memory_space<vmem>> -> memref<128x128xf32, #tpu.memory_space<vmem>>
    %dma_wait3A_3304 = arith.constant 0 : i32
    %dma_wait3A_3305 = tpu.memref_slice %arg2[%mul3A_3188, %dma_wait3A_3304] : memref<100000x128xf32, #tpu.memory_space<hbm>> -> memref<128x128xf32, #tpu.memory_space<hbm>>
    %dma_wait3A_3306 = arith.constant 0 : i32
    %dma_wait3A_3307 = arith.constant 0 : i32
    %dma_wait3A_3308 = tpu.memref_slice %arg6[%dma_wait3A_3299, %dma_wait3A_3306, %dma_wait3A_3307] : memref<5x128x128xf32, #tpu.memory_space<vmem>> -> memref<1x128x128xf32, #tpu.memory_space<vmem>>
    %dma_wait3A_3309 = tpu.memref_squeeze %dma_wait3A_3308 : memref<1x128x128xf32, #tpu.memory_space<vmem>> -> memref<128x128xf32, #tpu.memory_space<vmem>>
    %dma_wait3A_3310 = arith.constant 0 : i32
    %dma_wait3A_3311 = tpu.memref_slice %arg2[%mul3A_3188, %dma_wait3A_3310] : memref<100000x128xf32, #tpu.memory_space<hbm>> -> memref<128x128xf32, #tpu.memory_space<hbm>>
    tpu.wait_dma2 semaphore(%arg12 : memref<!tpu.dma_semaphore, #tpu.memory_space<semaphore_mem>>) src(%dma_wait3A_3311 : memref<128x128xf32, #tpu.memory_space<hbm>>) dst(%dma_wait3A_3309 : memref<128x128xf32, #tpu.memory_space<vmem>>)
    %dma_wait3A_3312 = arith.constant 22 : i32
    %dma_wait3A_3313 = arith.constant 0 : i32
    %dma_wait3A_3314 = tpu.memref_slice %arg5[%dma_wait3A_3312, %dma_wait3A_3313] : memref<25x128xi32, #tpu.memory_space<vmem>> -> memref<1x128xi32, #tpu.memory_space<vmem>>
    %dma_wait3A_3315 = tpu.memref_squeeze %dma_wait3A_3314 : memref<1x128xi32, #tpu.memory_space<vmem>> -> memref<128xi32, #tpu.memory_space<vmem>>
    %dma_wait3A_3316 = tpu.memref_slice %arg3[%mul3A_340] : memref<100000xi32, #tpu.memory_space<hbm>> -> memref<128xi32, #tpu.memory_space<hbm>>
    %dma_wait3A_3317 = arith.constant 0 : i32
    %dma_wait3A_3318 = tpu.memref_slice %arg5[%dma_wait3A_3312, %dma_wait3A_3317] : memref<25x128xi32, #tpu.memory_space<vmem>> -> memref<1x128xi32, #tpu.memory_space<vmem>>
    %dma_wait3A_3319 = tpu.memref_squeeze %dma_wait3A_3318 : memref<1x128xi32, #tpu.memory_space<vmem>> -> memref<128xi32, #tpu.memory_space<vmem>>
    %dma_wait3A_3320 = tpu.memref_slice %arg3[%mul3A_340] : memref<100000xi32, #tpu.memory_space<hbm>> -> memref<128xi32, #tpu.memory_space<hbm>>
    tpu.wait_dma2 semaphore(%arg9 : memref<!tpu.dma_semaphore, #tpu.memory_space<semaphore_mem>>) src(%dma_wait3A_3320 : memref<128xi32, #tpu.memory_space<hbm>>) dst(%dma_wait3A_3319 : memref<128xi32, #tpu.memory_space<vmem>>)
    %dma_start3A_3321 = arith.constant 2 : i32
    %dma_start3A_3322 = arith.constant 22 : i32
    %dma_start3A_3323 = arith.constant 0 : i32
    %dma_start3A_3324 = arith.constant 0 : i32
    %dma_start3A_3325 = tpu.memref_slice %arg6[%dma_start3A_3321, %dma_start3A_3323, %dma_start3A_3324] : memref<5x128x128xf32, #tpu.memory_space<vmem>> -> memref<1x128x128xf32, #tpu.memory_space<vmem>>
    %dma_start3A_3326 = tpu.memref_squeeze %dma_start3A_3325 : memref<1x128x128xf32, #tpu.memory_space<vmem>> -> memref<128x128xf32, #tpu.memory_space<vmem>>
    %dma_start3A_3327 = arith.constant 0 : i32
    %dma_start3A_3328 = tpu.memref_slice %arg5[%dma_start3A_3322, %dma_start3A_3327] : memref<25x128xi32, #tpu.memory_space<vmem>> -> memref<1x128xi32, #tpu.memory_space<vmem>>
    %dma_start3A_3329 = tpu.memref_squeeze %dma_start3A_3328 : memref<1x128xi32, #tpu.memory_space<vmem>> -> memref<128xi32, #tpu.memory_space<vmem>>
    %dma_start3A_3330 = arith.constant 0 : i32
    %dma_start3A_3331 = arith.constant 0 : i32
    %dma_start3A_3332 = tpu.memref_slice %arg8[%dma_start3A_3330, %dma_start3A_3331] : memref<528x128xf32, #tpu.memory_space<vmem_shared>> -> memref<528x128xf32, #tpu.memory_space<vmem_shared>>
    tpu.enqueue_indirect_dma source(%dma_start3A_3326 : memref<128x128xf32, #tpu.memory_space<vmem>>) target(%dma_start3A_3332 : memref<528x128xf32, #tpu.memory_space<vmem_shared>>) offsets(%dma_start3A_3329 : memref<128xi32, #tpu.memory_space<vmem>>) semaphore(%arg16 : memref<!tpu.dma_semaphore, #tpu.memory_space<semaphore_mem>>) {add = true}
    %dma_wait3A_3333 = arith.constant 3 : i32
    %dma_wait3A_3334 = arith.constant 0 : i32
    %dma_wait3A_3335 = arith.constant 0 : i32
    %dma_wait3A_3336 = tpu.memref_slice %arg6[%dma_wait3A_3333, %dma_wait3A_3334, %dma_wait3A_3335] : memref<5x128x128xf32, #tpu.memory_space<vmem>> -> memref<1x128x128xf32, #tpu.memory_space<vmem>>
    %dma_wait3A_3337 = tpu.memref_squeeze %dma_wait3A_3336 : memref<1x128x128xf32, #tpu.memory_space<vmem>> -> memref<128x128xf32, #tpu.memory_space<vmem>>
    %dma_wait3A_3338 = arith.constant 0 : i32
    %dma_wait3A_3339 = tpu.memref_slice %arg2[%mul3A_3251, %dma_wait3A_3338] : memref<100000x128xf32, #tpu.memory_space<hbm>> -> memref<128x128xf32, #tpu.memory_space<hbm>>
    %dma_wait3A_3340 = arith.constant 0 : i32
    %dma_wait3A_3341 = arith.constant 0 : i32
    %dma_wait3A_3342 = tpu.memref_slice %arg6[%dma_wait3A_3333, %dma_wait3A_3340, %dma_wait3A_3341] : memref<5x128x128xf32, #tpu.memory_space<vmem>> -> memref<1x128x128xf32, #tpu.memory_space<vmem>>
    %dma_wait3A_3343 = tpu.memref_squeeze %dma_wait3A_3342 : memref<1x128x128xf32, #tpu.memory_space<vmem>> -> memref<128x128xf32, #tpu.memory_space<vmem>>
    %dma_wait3A_3344 = arith.constant 0 : i32
    %dma_wait3A_3345 = tpu.memref_slice %arg2[%mul3A_3251, %dma_wait3A_3344] : memref<100000x128xf32, #tpu.memory_space<hbm>> -> memref<128x128xf32, #tpu.memory_space<hbm>>
    tpu.wait_dma2 semaphore(%arg13 : memref<!tpu.dma_semaphore, #tpu.memory_space<semaphore_mem>>) src(%dma_wait3A_3345 : memref<128x128xf32, #tpu.memory_space<hbm>>) dst(%dma_wait3A_3343 : memref<128x128xf32, #tpu.memory_space<vmem>>)
    %dma_wait3A_3346 = arith.constant 23 : i32
    %dma_wait3A_3347 = arith.constant 0 : i32
    %dma_wait3A_3348 = tpu.memref_slice %arg5[%dma_wait3A_3346, %dma_wait3A_3347] : memref<25x128xi32, #tpu.memory_space<vmem>> -> memref<1x128xi32, #tpu.memory_space<vmem>>
    %dma_wait3A_3349 = tpu.memref_squeeze %dma_wait3A_3348 : memref<1x128xi32, #tpu.memory_space<vmem>> -> memref<128xi32, #tpu.memory_space<vmem>>
    %dma_wait3A_3350 = tpu.memref_slice %arg3[%mul3A_353] : memref<100000xi32, #tpu.memory_space<hbm>> -> memref<128xi32, #tpu.memory_space<hbm>>
    %dma_wait3A_3351 = arith.constant 0 : i32
    %dma_wait3A_3352 = tpu.memref_slice %arg5[%dma_wait3A_3346, %dma_wait3A_3351] : memref<25x128xi32, #tpu.memory_space<vmem>> -> memref<1x128xi32, #tpu.memory_space<vmem>>
    %dma_wait3A_3353 = tpu.memref_squeeze %dma_wait3A_3352 : memref<1x128xi32, #tpu.memory_space<vmem>> -> memref<128xi32, #tpu.memory_space<vmem>>
    %dma_wait3A_3354 = tpu.memref_slice %arg3[%mul3A_353] : memref<100000xi32, #tpu.memory_space<hbm>> -> memref<128xi32, #tpu.memory_space<hbm>>
    tpu.wait_dma2 semaphore(%arg9 : memref<!tpu.dma_semaphore, #tpu.memory_space<semaphore_mem>>) src(%dma_wait3A_3354 : memref<128xi32, #tpu.memory_space<hbm>>) dst(%dma_wait3A_3353 : memref<128xi32, #tpu.memory_space<vmem>>)
    %dma_start3A_3355 = arith.constant 3 : i32
    %dma_start3A_3356 = arith.constant 23 : i32
    %dma_start3A_3357 = arith.constant 0 : i32
    %dma_start3A_3358 = arith.constant 0 : i32
    %dma_start3A_3359 = tpu.memref_slice %arg6[%dma_start3A_3355, %dma_start3A_3357, %dma_start3A_3358] : memref<5x128x128xf32, #tpu.memory_space<vmem>> -> memref<1x128x128xf32, #tpu.memory_space<vmem>>
    %dma_start3A_3360 = tpu.memref_squeeze %dma_start3A_3359 : memref<1x128x128xf32, #tpu.memory_space<vmem>> -> memref<128x128xf32, #tpu.memory_space<vmem>>
    %dma_start3A_3361 = arith.constant 0 : i32
    %dma_start3A_3362 = tpu.memref_slice %arg5[%dma_start3A_3356, %dma_start3A_3361] : memref<25x128xi32, #tpu.memory_space<vmem>> -> memref<1x128xi32, #tpu.memory_space<vmem>>
    %dma_start3A_3363 = tpu.memref_squeeze %dma_start3A_3362 : memref<1x128xi32, #tpu.memory_space<vmem>> -> memref<128xi32, #tpu.memory_space<vmem>>
    %dma_start3A_3364 = arith.constant 0 : i32
    %dma_start3A_3365 = arith.constant 0 : i32
    %dma_start3A_3366 = tpu.memref_slice %arg8[%dma_start3A_3364, %dma_start3A_3365] : memref<528x128xf32, #tpu.memory_space<vmem_shared>> -> memref<528x128xf32, #tpu.memory_space<vmem_shared>>
    tpu.enqueue_indirect_dma source(%dma_start3A_3360 : memref<128x128xf32, #tpu.memory_space<vmem>>) target(%dma_start3A_3366 : memref<528x128xf32, #tpu.memory_space<vmem_shared>>) offsets(%dma_start3A_3363 : memref<128xi32, #tpu.memory_space<vmem>>) semaphore(%arg17 : memref<!tpu.dma_semaphore, #tpu.memory_space<semaphore_mem>>) {add = true}
    %dma_wait3A_3367 = arith.constant 0 : i32
    %dma_wait3A_3368 = arith.constant 20 : i32
    %dma_wait3A_3369 = arith.constant 0 : i32
    %dma_wait3A_3370 = arith.constant 0 : i32
    %dma_wait3A_3371 = tpu.memref_slice %arg6[%dma_wait3A_3367, %dma_wait3A_3369, %dma_wait3A_3370] : memref<5x128x128xf32, #tpu.memory_space<vmem>> -> memref<1x128x128xf32, #tpu.memory_space<vmem>>
    %dma_wait3A_3372 = tpu.memref_squeeze %dma_wait3A_3371 : memref<1x128x128xf32, #tpu.memory_space<vmem>> -> memref<128x128xf32, #tpu.memory_space<vmem>>
    %dma_wait3A_3373 = arith.constant 0 : i32
    %dma_wait3A_3374 = tpu.memref_slice %arg5[%dma_wait3A_3368, %dma_wait3A_3373] : memref<25x128xi32, #tpu.memory_space<vmem>> -> memref<1x128xi32, #tpu.memory_space<vmem>>
    %dma_wait3A_3375 = tpu.memref_squeeze %dma_wait3A_3374 : memref<1x128xi32, #tpu.memory_space<vmem>> -> memref<128xi32, #tpu.memory_space<vmem>>
    %dma_wait3A_3376 = arith.constant 0 : i32
    %dma_wait3A_3377 = arith.constant 0 : i32
    %dma_wait3A_3378 = tpu.memref_slice %arg8[%dma_wait3A_3376, %dma_wait3A_3377] : memref<528x128xf32, #tpu.memory_space<vmem_shared>> -> memref<528x128xf32, #tpu.memory_space<vmem_shared>>
    tpu.wait_indirect_dma semaphore(%arg14 : memref<!tpu.dma_semaphore, #tpu.memory_space<semaphore_mem>>) src(%dma_wait3A_3372 : memref<128x128xf32, #tpu.memory_space<vmem>>) dst(%dma_wait3A_3378 : memref<528x128xf32, #tpu.memory_space<vmem_shared>>)
    %dma_wait3A_3379 = arith.constant 1 : i32
    %dma_wait3A_3380 = arith.constant 21 : i32
    %dma_wait3A_3381 = arith.constant 0 : i32
    %dma_wait3A_3382 = arith.constant 0 : i32
    %dma_wait3A_3383 = tpu.memref_slice %arg6[%dma_wait3A_3379, %dma_wait3A_3381, %dma_wait3A_3382] : memref<5x128x128xf32, #tpu.memory_space<vmem>> -> memref<1x128x128xf32, #tpu.memory_space<vmem>>
    %dma_wait3A_3384 = tpu.memref_squeeze %dma_wait3A_3383 : memref<1x128x128xf32, #tpu.memory_space<vmem>> -> memref<128x128xf32, #tpu.memory_space<vmem>>
    %dma_wait3A_3385 = arith.constant 0 : i32
    %dma_wait3A_3386 = tpu.memref_slice %arg5[%dma_wait3A_3380, %dma_wait3A_3385] : memref<25x128xi32, #tpu.memory_space<vmem>> -> memref<1x128xi32, #tpu.memory_space<vmem>>
    %dma_wait3A_3387 = tpu.memref_squeeze %dma_wait3A_3386 : memref<1x128xi32, #tpu.memory_space<vmem>> -> memref<128xi32, #tpu.memory_space<vmem>>
    %dma_wait3A_3388 = arith.constant 0 : i32
    %dma_wait3A_3389 = arith.constant 0 : i32
    %dma_wait3A_3390 = tpu.memref_slice %arg8[%dma_wait3A_3388, %dma_wait3A_3389] : memref<528x128xf32, #tpu.memory_space<vmem_shared>> -> memref<528x128xf32, #tpu.memory_space<vmem_shared>>
    tpu.wait_indirect_dma semaphore(%arg15 : memref<!tpu.dma_semaphore, #tpu.memory_space<semaphore_mem>>) src(%dma_wait3A_3384 : memref<128x128xf32, #tpu.memory_space<vmem>>) dst(%dma_wait3A_3390 : memref<528x128xf32, #tpu.memory_space<vmem_shared>>)
    %dma_wait3A_3391 = arith.constant 2 : i32
    %dma_wait3A_3392 = arith.constant 22 : i32
    %dma_wait3A_3393 = arith.constant 0 : i32
    %dma_wait3A_3394 = arith.constant 0 : i32
    %dma_wait3A_3395 = tpu.memref_slice %arg6[%dma_wait3A_3391, %dma_wait3A_3393, %dma_wait3A_3394] : memref<5x128x128xf32, #tpu.memory_space<vmem>> -> memref<1x128x128xf32, #tpu.memory_space<vmem>>
    %dma_wait3A_3396 = tpu.memref_squeeze %dma_wait3A_3395 : memref<1x128x128xf32, #tpu.memory_space<vmem>> -> memref<128x128xf32, #tpu.memory_space<vmem>>
    %dma_wait3A_3397 = arith.constant 0 : i32
    %dma_wait3A_3398 = tpu.memref_slice %arg5[%dma_wait3A_3392, %dma_wait3A_3397] : memref<25x128xi32, #tpu.memory_space<vmem>> -> memref<1x128xi32, #tpu.memory_space<vmem>>
    %dma_wait3A_3399 = tpu.memref_squeeze %dma_wait3A_3398 : memref<1x128xi32, #tpu.memory_space<vmem>> -> memref<128xi32, #tpu.memory_space<vmem>>
    %dma_wait3A_3400 = arith.constant 0 : i32
    %dma_wait3A_3401 = arith.constant 0 : i32
    %dma_wait3A_3402 = tpu.memref_slice %arg8[%dma_wait3A_3400, %dma_wait3A_3401] : memref<528x128xf32, #tpu.memory_space<vmem_shared>> -> memref<528x128xf32, #tpu.memory_space<vmem_shared>>
    tpu.wait_indirect_dma semaphore(%arg16 : memref<!tpu.dma_semaphore, #tpu.memory_space<semaphore_mem>>) src(%dma_wait3A_3396 : memref<128x128xf32, #tpu.memory_space<vmem>>) dst(%dma_wait3A_3402 : memref<528x128xf32, #tpu.memory_space<vmem_shared>>)
    %dma_wait3A_3403 = arith.constant 3 : i32
    %dma_wait3A_3404 = arith.constant 23 : i32
    %dma_wait3A_3405 = arith.constant 0 : i32
    %dma_wait3A_3406 = arith.constant 0 : i32
    %dma_wait3A_3407 = tpu.memref_slice %arg6[%dma_wait3A_3403, %dma_wait3A_3405, %dma_wait3A_3406] : memref<5x128x128xf32, #tpu.memory_space<vmem>> -> memref<1x128x128xf32, #tpu.memory_space<vmem>>
    %dma_wait3A_3408 = tpu.memref_squeeze %dma_wait3A_3407 : memref<1x128x128xf32, #tpu.memory_space<vmem>> -> memref<128x128xf32, #tpu.memory_space<vmem>>
    %dma_wait3A_3409 = arith.constant 0 : i32
    %dma_wait3A_3410 = tpu.memref_slice %arg5[%dma_wait3A_3404, %dma_wait3A_3409] : memref<25x128xi32, #tpu.memory_space<vmem>> -> memref<1x128xi32, #tpu.memory_space<vmem>>
    %dma_wait3A_3411 = tpu.memref_squeeze %dma_wait3A_3410 : memref<1x128xi32, #tpu.memory_space<vmem>> -> memref<128xi32, #tpu.memory_space<vmem>>
    %dma_wait3A_3412 = arith.constant 0 : i32
    %dma_wait3A_3413 = arith.constant 0 : i32
    %dma_wait3A_3414 = tpu.memref_slice %arg8[%dma_wait3A_3412, %dma_wait3A_3413] : memref<528x128xf32, #tpu.memory_space<vmem_shared>> -> memref<528x128xf32, #tpu.memory_space<vmem_shared>>
    tpu.wait_indirect_dma semaphore(%arg17 : memref<!tpu.dma_semaphore, #tpu.memory_space<semaphore_mem>>) src(%dma_wait3A_3408 : memref<128x128xf32, #tpu.memory_space<vmem>>) dst(%dma_wait3A_3414 : memref<528x128xf32, #tpu.memory_space<vmem_shared>>)
    %lt3A_3415 = arith.constant 13 : i32
    %lt3A_3416 = arith.cmpi slt, %add3A, %lt3A_3415 : i32
    %convert_element_type3A_3417 = arith.extui %lt3A_3416 : i1 to i32
    %cond3A_3418 = arith.constant 0 : i32
    %cond3A_3419 = arith.cmpi ne, %convert_element_type3A_3417, %cond3A_3418 : i32
    scf.if %cond3A_3419 {
      %add3A_3430 = arith.constant 768 : i32
      %add3A_3431 = arith.addi %add3A_3430, %add3A : i32
      %mul3A_3432 = arith.constant 128 : i32
      %mul3A_3433 = arith.muli %add3A_3431, %mul3A_3432 : i32
      %dma_wait3A_3434 = arith.constant 24 : i32
      %dma_wait3A_3435 = arith.constant 0 : i32
      %dma_wait3A_3436 = tpu.memref_slice %arg5[%dma_wait3A_3434, %dma_wait3A_3435] : memref<25x128xi32, #tpu.memory_space<vmem>> -> memref<1x128xi32, #tpu.memory_space<vmem>>
      %dma_wait3A_3437 = tpu.memref_squeeze %dma_wait3A_3436 : memref<1x128xi32, #tpu.memory_space<vmem>> -> memref<128xi32, #tpu.memory_space<vmem>>
      %dma_wait3A_3438 = tpu.memref_slice %arg3[%mul3A_3433] : memref<100000xi32, #tpu.memory_space<hbm>> -> memref<128xi32, #tpu.memory_space<hbm>>
      %dma_wait3A_3439 = arith.constant 0 : i32
      %dma_wait3A_3440 = tpu.memref_slice %arg5[%dma_wait3A_3434, %dma_wait3A_3439] : memref<25x128xi32, #tpu.memory_space<vmem>> -> memref<1x128xi32, #tpu.memory_space<vmem>>
      %dma_wait3A_3441 = tpu.memref_squeeze %dma_wait3A_3440 : memref<1x128xi32, #tpu.memory_space<vmem>> -> memref<128xi32, #tpu.memory_space<vmem>>
      %dma_wait3A_3442 = tpu.memref_slice %arg3[%mul3A_3433] : memref<100000xi32, #tpu.memory_space<hbm>> -> memref<128xi32, #tpu.memory_space<hbm>>
      tpu.wait_dma2 semaphore(%arg9 : memref<!tpu.dma_semaphore, #tpu.memory_space<semaphore_mem>>) src(%dma_wait3A_3442 : memref<128xi32, #tpu.memory_space<hbm>>) dst(%dma_wait3A_3441 : memref<128xi32, #tpu.memory_space<vmem>>)
      %dma_wait3A_3443 = arith.constant 4 : i32
      %dma_wait3A_3444 = arith.constant 0 : i32
      %dma_wait3A_3445 = arith.constant 0 : i32
      %dma_wait3A_3446 = tpu.memref_slice %arg6[%dma_wait3A_3443, %dma_wait3A_3444, %dma_wait3A_3445] : memref<5x128x128xf32, #tpu.memory_space<vmem>> -> memref<1x128x128xf32, #tpu.memory_space<vmem>>
      %dma_wait3A_3447 = tpu.memref_squeeze %dma_wait3A_3446 : memref<1x128x128xf32, #tpu.memory_space<vmem>> -> memref<128x128xf32, #tpu.memory_space<vmem>>
      %dma_wait3A_3448 = arith.constant 0 : i32
      %dma_wait3A_3449 = tpu.memref_slice %arg2[%mul3A_3433, %dma_wait3A_3448] : memref<100000x128xf32, #tpu.memory_space<hbm>> -> memref<128x128xf32, #tpu.memory_space<hbm>>
      %dma_wait3A_3450 = arith.constant 0 : i32
      %dma_wait3A_3451 = arith.constant 0 : i32
      %dma_wait3A_3452 = tpu.memref_slice %arg6[%dma_wait3A_3443, %dma_wait3A_3450, %dma_wait3A_3451] : memref<5x128x128xf32, #tpu.memory_space<vmem>> -> memref<1x128x128xf32, #tpu.memory_space<vmem>>
      %dma_wait3A_3453 = tpu.memref_squeeze %dma_wait3A_3452 : memref<1x128x128xf32, #tpu.memory_space<vmem>> -> memref<128x128xf32, #tpu.memory_space<vmem>>
      %dma_wait3A_3454 = arith.constant 0 : i32
      %dma_wait3A_3455 = tpu.memref_slice %arg2[%mul3A_3433, %dma_wait3A_3454] : memref<100000x128xf32, #tpu.memory_space<hbm>> -> memref<128x128xf32, #tpu.memory_space<hbm>>
      tpu.wait_dma2 semaphore(%arg18 : memref<!tpu.dma_semaphore, #tpu.memory_space<semaphore_mem>>) src(%dma_wait3A_3455 : memref<128x128xf32, #tpu.memory_space<hbm>>) dst(%dma_wait3A_3453 : memref<128x128xf32, #tpu.memory_space<vmem>>)
      %run_scoped3A = arith.constant 4 : i32
      %run_scoped3A_3456 = arith.constant 24 : i32
      "tpu.region"() ({
        %run_scoped3A_3457 = tpu.sem_alloc : memref<!tpu.dma_semaphore, #tpu.memory_space<semaphore_mem>>
        %dma_start3A_3458 = arith.constant 0 : i32
        %dma_start3A_3459 = arith.constant 0 : i32
        %dma_start3A_3460 = tpu.memref_slice %arg6[%run_scoped3A, %dma_start3A_3458, %dma_start3A_3459] : memref<5x128x128xf32, #tpu.memory_space<vmem>> -> memref<1x128x128xf32, #tpu.memory_space<vmem>>
        %dma_start3A_3461 = tpu.memref_squeeze %dma_start3A_3460 : memref<1x128x128xf32, #tpu.memory_space<vmem>> -> memref<128x128xf32, #tpu.memory_space<vmem>>
        %dma_start3A_3462 = arith.constant 0 : i32
        %dma_start3A_3463 = tpu.memref_slice %arg5[%run_scoped3A_3456, %dma_start3A_3462] : memref<25x128xi32, #tpu.memory_space<vmem>> -> memref<1x128xi32, #tpu.memory_space<vmem>>
        %dma_start3A_3464 = tpu.memref_squeeze %dma_start3A_3463 : memref<1x128xi32, #tpu.memory_space<vmem>> -> memref<128xi32, #tpu.memory_space<vmem>>
        %dma_start3A_3465 = arith.constant 0 : i32
        %dma_start3A_3466 = arith.constant 0 : i32
        %dma_start3A_3467 = tpu.memref_slice %arg8[%dma_start3A_3465, %dma_start3A_3466] : memref<528x128xf32, #tpu.memory_space<vmem_shared>> -> memref<528x128xf32, #tpu.memory_space<vmem_shared>>
        tpu.enqueue_indirect_dma source(%dma_start3A_3461 : memref<128x128xf32, #tpu.memory_space<vmem>>) target(%dma_start3A_3467 : memref<528x128xf32, #tpu.memory_space<vmem_shared>>) offsets(%dma_start3A_3464 : memref<128xi32, #tpu.memory_space<vmem>>) semaphore(%run_scoped3A_3457 : memref<!tpu.dma_semaphore, #tpu.memory_space<semaphore_mem>>) {add = true}
        %dma_wait3A_3468 = arith.constant 0 : i32
        %dma_wait3A_3469 = arith.constant 0 : i32
        %dma_wait3A_3470 = tpu.memref_slice %arg6[%run_scoped3A, %dma_wait3A_3468, %dma_wait3A_3469] : memref<5x128x128xf32, #tpu.memory_space<vmem>> -> memref<1x128x128xf32, #tpu.memory_space<vmem>>
        %dma_wait3A_3471 = tpu.memref_squeeze %dma_wait3A_3470 : memref<1x128x128xf32, #tpu.memory_space<vmem>> -> memref<128x128xf32, #tpu.memory_space<vmem>>
        %dma_wait3A_3472 = arith.constant 0 : i32
        %dma_wait3A_3473 = tpu.memref_slice %arg5[%run_scoped3A_3456, %dma_wait3A_3472] : memref<25x128xi32, #tpu.memory_space<vmem>> -> memref<1x128xi32, #tpu.memory_space<vmem>>
        %dma_wait3A_3474 = tpu.memref_squeeze %dma_wait3A_3473 : memref<1x128xi32, #tpu.memory_space<vmem>> -> memref<128xi32, #tpu.memory_space<vmem>>
        %dma_wait3A_3475 = arith.constant 0 : i32
        %dma_wait3A_3476 = arith.constant 0 : i32
        %dma_wait3A_3477 = tpu.memref_slice %arg8[%dma_wait3A_3475, %dma_wait3A_3476] : memref<528x128xf32, #tpu.memory_space<vmem_shared>> -> memref<528x128xf32, #tpu.memory_space<vmem_shared>>
        tpu.wait_indirect_dma semaphore(%run_scoped3A_3457 : memref<!tpu.dma_semaphore, #tpu.memory_space<semaphore_mem>>) src(%dma_wait3A_3471 : memref<128x128xf32, #tpu.memory_space<vmem>>) dst(%dma_wait3A_3477 : memref<528x128xf32, #tpu.memory_space<vmem_shared>>)
        tpu.yield
      }) : () -> ()
    } else {
    }
    %eq3A_3420 = arith.constant 13 : i32
    %eq3A_3421 = arith.cmpi eq, %add3A, %eq3A_3420 : i32
    %convert_element_type3A_3422 = arith.extui %eq3A_3421 : i1 to i32
    %cond3A_3423 = arith.constant 0 : i32
    %cond3A_3424 = arith.cmpi ne, %convert_element_type3A_3422, %cond3A_3423 : i32
    scf.if %cond3A_3424 {
      %broadcast_in_dim3A_3430 = arith.constant 512 : i32
      %broadcast_in_dim3A_3431 = vector.broadcast %broadcast_in_dim3A_3430 : i32 to vector<16xi32>
      %swap3A_3432 = arith.constant 24 : i32
      %swap3A_3433 = arith.index_cast %swap3A_3432 : i32 to index
      %swap3A_3434 = arith.constant 32 : index
      %swap3A_3435 = tpu.vector_load %arg5[%swap3A_3433, %swap3A_3434] {strides = array<i32>} : memref<25x128xi32, #tpu.memory_space<vmem>>, vector<1x16xi32>,
      %swap3A_3436 = vector.shape_cast %swap3A_3435 : vector<1x16xi32> to vector<16xi32>
      %swap3A_3437 = vector.shape_cast %broadcast_in_dim3A_3431 : vector<16xi32> to vector<1x16xi32>
      tpu.vector_store %arg5[%swap3A_3433, %swap3A_3434], %swap3A_3437 {strides = array<i32>} : memref<25x128xi32, #tpu.memory_space<vmem>>, vector<1x16xi32>,
      %swap3A_3438 = arith.constant 24 : i32
      %swap3A_3439 = arith.index_cast %swap3A_3438 : i32 to index
      %swap3A_3440 = arith.constant 48 : index
      %swap3A_3441 = tpu.vector_load %arg5[%swap3A_3439, %swap3A_3440] {strides = array<i32>} : memref<25x128xi32, #tpu.memory_space<vmem>>, vector<1x16xi32>,
      %swap3A_3442 = vector.shape_cast %swap3A_3441 : vector<1x16xi32> to vector<16xi32>
      %swap3A_3443 = vector.shape_cast %broadcast_in_dim3A_3431 : vector<16xi32> to vector<1x16xi32>
      tpu.vector_store %arg5[%swap3A_3439, %swap3A_3440], %swap3A_3443 {strides = array<i32>} : memref<25x128xi32, #tpu.memory_space<vmem>>, vector<1x16xi32>,
      %swap3A_3444 = arith.constant 24 : i32
      %swap3A_3445 = arith.index_cast %swap3A_3444 : i32 to index
      %swap3A_3446 = arith.constant 64 : index
      %swap3A_3447 = tpu.vector_load %arg5[%swap3A_3445, %swap3A_3446] {strides = array<i32>} : memref<25x128xi32, #tpu.memory_space<vmem>>, vector<1x16xi32>,
      %swap3A_3448 = vector.shape_cast %swap3A_3447 : vector<1x16xi32> to vector<16xi32>
      %swap3A_3449 = vector.shape_cast %broadcast_in_dim3A_3431 : vector<16xi32> to vector<1x16xi32>
      tpu.vector_store %arg5[%swap3A_3445, %swap3A_3446], %swap3A_3449 {strides = array<i32>} : memref<25x128xi32, #tpu.memory_space<vmem>>, vector<1x16xi32>,
      %swap3A_3450 = arith.constant 24 : i32
      %swap3A_3451 = arith.index_cast %swap3A_3450 : i32 to index
      %swap3A_3452 = arith.constant 80 : index
      %swap3A_3453 = tpu.vector_load %arg5[%swap3A_3451, %swap3A_3452] {strides = array<i32>} : memref<25x128xi32, #tpu.memory_space<vmem>>, vector<1x16xi32>,
      %swap3A_3454 = vector.shape_cast %swap3A_3453 : vector<1x16xi32> to vector<16xi32>
      %swap3A_3455 = vector.shape_cast %broadcast_in_dim3A_3431 : vector<16xi32> to vector<1x16xi32>
      tpu.vector_store %arg5[%swap3A_3451, %swap3A_3452], %swap3A_3455 {strides = array<i32>} : memref<25x128xi32, #tpu.memory_space<vmem>>, vector<1x16xi32>,
      %swap3A_3456 = arith.constant 24 : i32
      %swap3A_3457 = arith.index_cast %swap3A_3456 : i32 to index
      %swap3A_3458 = arith.constant 96 : index
      %swap3A_3459 = tpu.vector_load %arg5[%swap3A_3457, %swap3A_3458] {strides = array<i32>} : memref<25x128xi32, #tpu.memory_space<vmem>>, vector<1x16xi32>,
      %swap3A_3460 = vector.shape_cast %swap3A_3459 : vector<1x16xi32> to vector<16xi32>
      %swap3A_3461 = vector.shape_cast %broadcast_in_dim3A_3431 : vector<16xi32> to vector<1x16xi32>
      tpu.vector_store %arg5[%swap3A_3457, %swap3A_3458], %swap3A_3461 {strides = array<i32>} : memref<25x128xi32, #tpu.memory_space<vmem>>, vector<1x16xi32>,
      %swap3A_3462 = arith.constant 24 : i32
      %swap3A_3463 = arith.index_cast %swap3A_3462 : i32 to index
      %swap3A_3464 = arith.constant 112 : index
      %swap3A_3465 = tpu.vector_load %arg5[%swap3A_3463, %swap3A_3464] {strides = array<i32>} : memref<25x128xi32, #tpu.memory_space<vmem>>, vector<1x16xi32>,
      %swap3A_3466 = vector.shape_cast %swap3A_3465 : vector<1x16xi32> to vector<16xi32>
      %swap3A_3467 = vector.shape_cast %broadcast_in_dim3A_3431 : vector<16xi32> to vector<1x16xi32>
      tpu.vector_store %arg5[%swap3A_3463, %swap3A_3464], %swap3A_3467 {strides = array<i32>} : memref<25x128xi32, #tpu.memory_space<vmem>>, vector<1x16xi32>,
      %dma_wait3A_3468 = arith.constant 24 : i32
      %dma_wait3A_3469 = arith.constant 0 : i32
      %dma_wait3A_3470 = tpu.memref_slice %arg5[%dma_wait3A_3468, %dma_wait3A_3469] : memref<25x128xi32, #tpu.memory_space<vmem>> -> memref<1x32xi32, #tpu.memory_space<vmem>>
      %dma_wait3A_3471 = tpu.memref_squeeze %dma_wait3A_3470 : memref<1x32xi32, #tpu.memory_space<vmem>> -> memref<32xi32, #tpu.memory_space<vmem>>
      %dma_wait3A_3472 = arith.constant 99968 : i32
      %dma_wait3A_3473 = tpu.memref_slice %arg3[%dma_wait3A_3472] : memref<100000xi32, #tpu.memory_space<hbm>> -> memref<32xi32, #tpu.memory_space<hbm>>
      %dma_wait3A_3474 = arith.constant 0 : i32
      %dma_wait3A_3475 = tpu.memref_slice %arg5[%dma_wait3A_3468, %dma_wait3A_3474] : memref<25x128xi32, #tpu.memory_space<vmem>> -> memref<1x32xi32, #tpu.memory_space<vmem>>
      %dma_wait3A_3476 = tpu.memref_squeeze %dma_wait3A_3475 : memref<1x32xi32, #tpu.memory_space<vmem>> -> memref<32xi32, #tpu.memory_space<vmem>>
      %dma_wait3A_3477 = arith.constant 99968 : i32
      %dma_wait3A_3478 = tpu.memref_slice %arg3[%dma_wait3A_3477] : memref<100000xi32, #tpu.memory_space<hbm>> -> memref<32xi32, #tpu.memory_space<hbm>>
      tpu.wait_dma2 semaphore(%arg9 : memref<!tpu.dma_semaphore, #tpu.memory_space<semaphore_mem>>) src(%dma_wait3A_3478 : memref<32xi32, #tpu.memory_space<hbm>>) dst(%dma_wait3A_3476 : memref<32xi32, #tpu.memory_space<vmem>>)
      %dma_wait3A_3479 = arith.constant 4 : i32
      %dma_wait3A_3480 = arith.constant 0 : i32
      %dma_wait3A_3481 = arith.constant 0 : i32
      %dma_wait3A_3482 = tpu.memref_slice %arg6[%dma_wait3A_3479, %dma_wait3A_3480, %dma_wait3A_3481] : memref<5x128x128xf32, #tpu.memory_space<vmem>> -> memref<1x32x128xf32, #tpu.memory_space<vmem>>
      %dma_wait3A_3483 = tpu.memref_squeeze %dma_wait3A_3482 : memref<1x32x128xf32, #tpu.memory_space<vmem>> -> memref<32x128xf32, #tpu.memory_space<vmem>>
      %dma_wait3A_3484 = arith.constant 99968 : i32
      %dma_wait3A_3485 = arith.constant 0 : i32
      %dma_wait3A_3486 = tpu.memref_slice %arg2[%dma_wait3A_3484, %dma_wait3A_3485] : memref<100000x128xf32, #tpu.memory_space<hbm>> -> memref<32x128xf32, #tpu.memory_space<hbm>>
      %dma_wait3A_3487 = arith.constant 0 : i32
      %dma_wait3A_3488 = arith.constant 0 : i32
      %dma_wait3A_3489 = tpu.memref_slice %arg6[%dma_wait3A_3479, %dma_wait3A_3487, %dma_wait3A_3488] : memref<5x128x128xf32, #tpu.memory_space<vmem>> -> memref<1x32x128xf32, #tpu.memory_space<vmem>>
      %dma_wait3A_3490 = tpu.memref_squeeze %dma_wait3A_3489 : memref<1x32x128xf32, #tpu.memory_space<vmem>> -> memref<32x128xf32, #tpu.memory_space<vmem>>
      %dma_wait3A_3491 = arith.constant 99968 : i32
      %dma_wait3A_3492 = arith.constant 0 : i32
      %dma_wait3A_3493 = tpu.memref_slice %arg2[%dma_wait3A_3491, %dma_wait3A_3492] : memref<100000x128xf32, #tpu.memory_space<hbm>> -> memref<32x128xf32, #tpu.memory_space<hbm>>
      tpu.wait_dma2 semaphore(%arg18 : memref<!tpu.dma_semaphore, #tpu.memory_space<semaphore_mem>>) src(%dma_wait3A_3493 : memref<32x128xf32, #tpu.memory_space<hbm>>) dst(%dma_wait3A_3490 : memref<32x128xf32, #tpu.memory_space<vmem>>)
      %run_scoped3A = arith.constant 4 : i32
      %run_scoped3A_3494 = arith.constant 24 : i32
      "tpu.region"() ({
        %run_scoped3A_3495 = tpu.sem_alloc : memref<!tpu.dma_semaphore, #tpu.memory_space<semaphore_mem>>
        %dma_start3A_3496 = arith.constant 0 : i32
        %dma_start3A_3497 = arith.constant 0 : i32
        %dma_start3A_3498 = tpu.memref_slice %arg6[%run_scoped3A, %dma_start3A_3496, %dma_start3A_3497] : memref<5x128x128xf32, #tpu.memory_space<vmem>> -> memref<1x128x128xf32, #tpu.memory_space<vmem>>
        %dma_start3A_3499 = tpu.memref_squeeze %dma_start3A_3498 : memref<1x128x128xf32, #tpu.memory_space<vmem>> -> memref<128x128xf32, #tpu.memory_space<vmem>>
        %dma_start3A_3500 = arith.constant 0 : i32
        %dma_start3A_3501 = tpu.memref_slice %arg5[%run_scoped3A_3494, %dma_start3A_3500] : memref<25x128xi32, #tpu.memory_space<vmem>> -> memref<1x128xi32, #tpu.memory_space<vmem>>
        %dma_start3A_3502 = tpu.memref_squeeze %dma_start3A_3501 : memref<1x128xi32, #tpu.memory_space<vmem>> -> memref<128xi32, #tpu.memory_space<vmem>>
        %dma_start3A_3503 = arith.constant 0 : i32
        %dma_start3A_3504 = arith.constant 0 : i32
        %dma_start3A_3505 = tpu.memref_slice %arg8[%dma_start3A_3503, %dma_start3A_3504] : memref<528x128xf32, #tpu.memory_space<vmem_shared>> -> memref<528x128xf32, #tpu.memory_space<vmem_shared>>
        tpu.enqueue_indirect_dma source(%dma_start3A_3499 : memref<128x128xf32, #tpu.memory_space<vmem>>) target(%dma_start3A_3505 : memref<528x128xf32, #tpu.memory_space<vmem_shared>>) offsets(%dma_start3A_3502 : memref<128xi32, #tpu.memory_space<vmem>>) semaphore(%run_scoped3A_3495 : memref<!tpu.dma_semaphore, #tpu.memory_space<semaphore_mem>>) {add = true}
        %dma_wait3A_3506 = arith.constant 0 : i32
        %dma_wait3A_3507 = arith.constant 0 : i32
        %dma_wait3A_3508 = tpu.memref_slice %arg6[%run_scoped3A, %dma_wait3A_3506, %dma_wait3A_3507] : memref<5x128x128xf32, #tpu.memory_space<vmem>> -> memref<1x128x128xf32, #tpu.memory_space<vmem>>
        %dma_wait3A_3509 = tpu.memref_squeeze %dma_wait3A_3508 : memref<1x128x128xf32, #tpu.memory_space<vmem>> -> memref<128x128xf32, #tpu.memory_space<vmem>>
        %dma_wait3A_3510 = arith.constant 0 : i32
        %dma_wait3A_3511 = tpu.memref_slice %arg5[%run_scoped3A_3494, %dma_wait3A_3510] : memref<25x128xi32, #tpu.memory_space<vmem>> -> memref<1x128xi32, #tpu.memory_space<vmem>>
        %dma_wait3A_3512 = tpu.memref_squeeze %dma_wait3A_3511 : memref<1x128xi32, #tpu.memory_space<vmem>> -> memref<128xi32, #tpu.memory_space<vmem>>
        %dma_wait3A_3513 = arith.constant 0 : i32
        %dma_wait3A_3514 = arith.constant 0 : i32
        %dma_wait3A_3515 = tpu.memref_slice %arg8[%dma_wait3A_3513, %dma_wait3A_3514] : memref<528x128xf32, #tpu.memory_space<vmem_shared>> -> memref<528x128xf32, #tpu.memory_space<vmem_shared>>
        tpu.wait_indirect_dma semaphore(%run_scoped3A_3495 : memref<!tpu.dma_semaphore, #tpu.memory_space<semaphore_mem>>) src(%dma_wait3A_3509 : memref<128x128xf32, #tpu.memory_space<vmem>>) dst(%dma_wait3A_3515 : memref<528x128xf32, #tpu.memory_space<vmem_shared>>)
        tpu.yield
      }) : () -> ()
    } else {
    }
    %barrier3A_3425 = arith.constant 0 : index
    tpu.barrier barrier_id(%barrier3A_3425)
    %mul3A_3426 = arith.constant 32 : i32
    %mul3A_3427 = arith.muli %arg1, %mul3A_3426 : i32
    %mul3A_3428 = arith.constant 32 : i32
    %mul3A_3429 = arith.muli %arg1, %mul3A_3428 : i32
    "tpu.region"() ({
      %run_scoped3A = tpu.sem_alloc : memref<!tpu.dma_semaphore, #tpu.memory_space<semaphore_mem>>
      %dma_start3A_3430 = arith.constant 0 : i32
      %dma_start3A_3431 = tpu.memref_slice %arg4[%arg0, %mul3A_3429, %dma_start3A_3430] : memref<2x512x128xf32, #tpu.memory_space<hbm>> -> memref<1x32x128xf32, #tpu.memory_space<hbm>>
      %dma_start3A_3432 = tpu.memref_squeeze %dma_start3A_3431 : memref<1x32x128xf32, #tpu.memory_space<hbm>> -> memref<32x128xf32, #tpu.memory_space<hbm>>
      %dma_start3A_3433 = arith.constant 0 : i32
      %dma_start3A_3434 = tpu.memref_slice %arg8[%mul3A_3427, %dma_start3A_3433] : memref<528x128xf32, #tpu.memory_space<vmem_shared>> -> memref<32x128xf32, #tpu.memory_space<vmem_shared>>
      tpu.enqueue_dma source(%dma_start3A_3434 : memref<32x128xf32, #tpu.memory_space<vmem_shared>>) target(%dma_start3A_3432 : memref<32x128xf32, #tpu.memory_space<hbm>>) target_semaphore(%run_scoped3A : memref<!tpu.dma_semaphore, #tpu.memory_space<semaphore_mem>>)
      %dma_wait3A_3435 = arith.constant 0 : i32
      %dma_wait3A_3436 = tpu.memref_slice %arg4[%arg0, %mul3A_3429, %dma_wait3A_3435] : memref<2x512x128xf32, #tpu.memory_space<hbm>> -> memref<1x32x128xf32, #tpu.memory_space<hbm>>
      %dma_wait3A_3437 = tpu.memref_squeeze %dma_wait3A_3436 : memref<1x32x128xf32, #tpu.memory_space<hbm>> -> memref<32x128xf32, #tpu.memory_space<hbm>>
      %dma_wait3A_3438 = arith.constant 0 : i32
      %dma_wait3A_3439 = tpu.memref_slice %arg8[%mul3A_3427, %dma_wait3A_3438] : memref<528x128xf32, #tpu.memory_space<vmem_shared>> -> memref<32x128xf32, #tpu.memory_space<vmem_shared>>
      tpu.wait_dma2 semaphore(%run_scoped3A : memref<!tpu.dma_semaphore, #tpu.memory_space<semaphore_mem>>) src(%dma_wait3A_3439 : memref<32x128xf32, #tpu.memory_space<vmem_shared>>) dst(%dma_wait3A_3437 : memref<32x128xf32, #tpu.memory_space<hbm>>)
      tpu.yield
    }) : () -> ()
    return
  }
}

module attributes {stable_mosaic.version = 14 : i64} {
  func.func @_tc_combine(%arg0: memref<1xf32, #tpu.memory_space<smem>>, %arg1: memref<2x512x128xf32, #tpu.memory_space<vmem>>, %arg2: memref<512x128xf32, #tpu.memory_space<vmem>>) attributes {dimension_semantics = [], scalar_prefetch = 0 : i64, scratch_operands = 0 : i64, tpu.core_type = #tpu.core_type<tc>} {
    %get3A = arith.constant 0 : index
    %get3A_0 = arith.constant 0 : index
    %get3A_1 = arith.constant 0 : index
    %get3A_2 = vector.load %arg1[%get3A, %get3A_0, %get3A_1] : memref<2x512x128xf32, #tpu.memory_space<vmem>>, vector<1x512x128xf32>
    %get3A_3 = vector.shape_cast %get3A_2 : vector<1x512x128xf32> to vector<512x128xf32>
    %get3A_4 = arith.constant 1 : index
    %get3A_5 = arith.constant 0 : index
    %get3A_6 = arith.constant 0 : index
    %get3A_7 = vector.load %arg1[%get3A_4, %get3A_5, %get3A_6] : memref<2x512x128xf32, #tpu.memory_space<vmem>>, vector<1x512x128xf32>
    %get3A_8 = vector.shape_cast %get3A_7 : vector<1x512x128xf32> to vector<512x128xf32>
    %add3A = arith.addf %get3A_3, %get3A_8 : vector<512x128xf32>
    %get3A_9 = arith.constant 0 : index
    %get3A_10 = memref.load %arg0[%get3A_9] : memref<1xf32, #tpu.memory_space<smem>>
    %add3A_11 = vector.broadcast %get3A_10 : f32 to vector<512x128xf32>
    %add3A_12 = arith.addf %add3A, %add3A_11 : vector<512x128xf32>
    %swap3A = arith.constant 0 : index
    %swap3A_13 = arith.constant 0 : index
    %swap3A_14 = vector.load %arg2[%swap3A, %swap3A_13] : memref<512x128xf32, #tpu.memory_space<vmem>>, vector<512x128xf32>
    tpu.vector_store %arg2[%swap3A, %swap3A_13], %add3A_12 {strides = array<i32>} : memref<512x128xf32, #tpu.memory_space<vmem>>, vector<512x128xf32>,
    return
  }
}

</mosaic_0001>

<sc_bundles>
// kernel: kernel.4.cloned.1.call-start
scs
__scs_entry_jumppad:
0x0: {  	(pc) =	sbr.rel $0x88, $3  }
0x1: {  	(tag) =	ssettag $0x0;
	lr =	simm.s32 $0x1  }
0x2: {  	[smem:$0x3F9E] =	sst lr;
	_ =	strace $0xD0000000  }
0x3: {  	_ = 	snop  }
0x4: {  	_ = 	snop  }
0x5: {  	_ = 	snop  }
0x6: {  	_ = 	snop  }
0x7: {  	_ = 	snop  }
__scs_overlays_trampoline_lowered:
0x8: {  	[smem:$0x3FAD] =	sst s0  }
0x9: {  	[smem:$0x3FAE] =	sst s1  }
0xa: {  	[smem:$0x3FAF] =	sst s2  }
0xb: {  	[smem:$0x3FB0] =	sst s3  }
0xc: {  	[smem:$0x3FB1] =	sst s4  }
0xd: {  	[smem:$0x3FB2] =	sst s5  }
0xe: {  	[smem:$0x3FB3] =	sst s6  }
0xf: {  	[smem:$0x3FB4] =	sst s7  }
0x10: {  	[smem:$0x3FB5] =	sst s8  }
0x11: {  	[smem:$0x3FB6] =	sst s9;
	s0 =	simm.s32 @!p0 $0x0  }
0x12: {  	s1 =	sld [smem:$0x3F9C];
	s0 =	simm.s32 @p0 $0x1  }
0x13: {  	[smem:$0x3FB7] =	sst s0;
	s0 =	simm.s32 @!p1 $0x0  }
0x14: {  	s2 =	sld [smem:$0x3F9B];
	s0 =	simm.s32 @p1 $0x1  }
0x15: {  	[smem:$0x3FB8] =	sst s0;
	s0 =	simm.s32 @!p2 $0x0  }
0x16: {  	s3 =	sld [smem:$0x3FDB];
	s0 =	simm.s32 @p2 $0x1  }
0x17: {  	s4 =	simm.s32 $0x1BF5;
	[smem:$0x3FBA] =	sst s0  }
0x18: {  	s0 =	sld [smem:$0x3F9D];
	_ =	swait.ge [sflag:s4], $0x0  }
0x19: {  	s7 =	sld [smem:$0x3F9E]  }
0x1a: {  	s8 =	sadd.s32 $0xFFFFE003, lr  }
0x1b: {  	s9 =	sadd.s32 $0xFFFFFEF7, lr;
	s5 =	simm.s32 $0xFFFFFFFF;
	p2 =	slt.u32 s8, $0xFFFFF086  }
0x1c: {  	p1 =	slt.u32 s9, $0xF7A;
	s5 =	simm.s32 @!p2 $0x0  }
0x1d: {  	s5 =	simm.s32 @p1 $0x1;
	p0 =	seq.s32 s7, s2  }
0x1e: {  	s7 =	smul.u32 @!p0 $0xF7A, s2;
	p2 =	seq.s32 @!p0 s5, $0x0  }
0x1f: {  	s9 =	smul.u32 $0xF7A, s1;
	s8 =	simm.s32 @!p0 $0x1BF5;
	p2 =	por !p2, p0  }
0x20: {  	[sflag:s8] =	ssyncset.s32 @!p0 $0xFFFFF086;
	s6 =	sadd.s32 @!p0 s3, s7;
	s7 =	simm.s32 @!p0 $0x108  }
0x21: {  	s3 =	sadd.s32 s3, s9;
	s6 =	sadd.s32 @!p0 $0x88, s6;
	s7 =	simm.s32 @p2 $0x1082  }
0x22: {  	[simem:s7], [sflag:s8] =	dma.local @!p0 [hbm:s6], $0xF7A  }
0x23: {  	s9 =	sor.u32 $0xD0000000, s2;
	s6 =	simm.s32 $0x108;
	_ =	swait.ge @!p0 [sflag:s8], $0x0  }
0x24: {  	s3 =	sadd.s32 $0x88, s3;
	s6 =	simm.s32 @!p1 $0x1082;
	[sflag:s4] =	ssyncset.s32 $0xFFFFF086  }
0x25: {  	[simem:s6], [sflag:s4] =	dma.local [hbm:s3], $0xF7A  }
0x26: {  	[smem:$0x3F9E] =	sst s1;
	(tag) =	ssettag s2;
	_ =	strace s9  }
0x27: {  	s1 =	sld [smem:$0x3FAE]  }
0x28: {  	s2 =	sld [smem:$0x3FAF]  }
0x29: {  	s4 =	sld [smem:$0x3FB1]  }
0x2a: {  	p0 =	seq.s32 s5, $0x0;
	s5 =	sld [smem:$0x3FB2]  }
0x2b: {  	s6 =	sld [smem:$0x3FB3]  }
0x2c: {  	s7 =	sld [smem:$0x3FB4]  }
0x2d: {  	s3 =	simm.s32 $0x108;
	s8 =	sld [smem:$0x3FB5]  }
0x2e: {  	s3 =	simm.s32 @!p0 $0x1082;
	s9 =	sld [smem:$0x3FB6]  }
0x2f: {  	lr =	sadd.s32 s0, s3;
	s0 =	sld [smem:$0x3FAD]  }
0x30: {  	s3 =	sld [smem:$0x3FB0]  }
0x31: {  	[smem:$0x3FB9] =	sst s10  }
0x32: {  	s10 =	sld [smem:$0x3FB7];
	_ =	sdelay $0x3  }
0x33: {  	p0 =	seq.s32 s10, $0x1;
	s10 =	sld [smem:$0x3FB9];
	_ =	sdelay $0x3  }
0x34: {  	[smem:$0x3FB9] =	sst s10  }
0x35: {  	s10 =	sld [smem:$0x3FB8];
	_ =	sdelay $0x3  }
0x36: {  	p1 =	seq.s32 s10, $0x1;
	s10 =	sld [smem:$0x3FB9];
	_ =	sdelay $0x3  }
0x37: {  	[smem:$0x3FB9] =	sst s10  }
0x38: {  	s10 =	sld [smem:$0x3FBA]  }
0x39: {  	_ = 	snop;
	(pc) =	sbr.ind lr, $3  }
0x3a: {  	_ = 	snop  }
0x3b: {  	_ = 	snop  }
0x3c: {  	p2 =	seq.s32 s10, $0x1;
	s10 =	sld [smem:$0x3FB9]  }
0x3d: {  	_ =	shalt  }
0x3e: {  	_ =	shalt  }
0x3f: {  	_ =	shalt  }
0x40: {  	_ =	shalt  }
0x41: {  	_ =	shalt  }
0x42: {  	_ =	shalt  }
0x43: {  	_ =	shalt  }
0x44: {  	_ =	shalt  }
0x45: {  	_ =	shalt  }
0x46: {  	_ =	shalt  }
0x47: {  	_ =	shalt  }
0x48: {  	_ =	shalt  }
0x49: {  	_ =	shalt  }
0x4a: {  	_ =	shalt  }
0x4b: {  	_ =	shalt  }
0x4c: {  	_ =	shalt  }
0x4d: {  	_ =	shalt  }
0x4e: {  	_ =	shalt  }
0x4f: {  	_ =	shalt  }
0x50: {  	_ =	shalt  }
0x51: {  	_ =	shalt  }
0x52: {  	_ =	shalt  }
0x53: {  	_ =	shalt  }
0x54: {  	_ =	shalt  }
0x55: {  	_ =	shalt  }
0x56: {  	_ =	shalt  }
0x57: {  	_ =	shalt  }
0x58: {  	_ =	shalt  }
0x59: {  	_ =	shalt  }
0x5a: {  	_ =	shalt  }
0x5b: {  	_ =	shalt  }
0x5c: {  	_ =	shalt  }
0x5d: {  	_ =	shalt  }
0x5e: {  	_ =	shalt  }
0x5f: {  	_ =	shalt  }
0x60: {  	_ =	shalt  }
0x61: {  	_ =	shalt  }
0x62: {  	_ =	shalt  }
0x63: {  	_ =	shalt  }
0x64: {  	_ =	shalt  }
0x65: {  	_ =	shalt  }
0x66: {  	_ =	shalt  }
0x67: {  	_ =	shalt  }
0x68: {  	_ =	shalt  }
0x69: {  	_ =	shalt  }
0x6a: {  	_ =	shalt  }
0x6b: {  	_ =	shalt  }
0x6c: {  	_ =	shalt  }
0x6d: {  	_ =	shalt  }
0x6e: {  	_ =	shalt  }
0x6f: {  	_ =	shalt  }
0x70: {  	_ =	shalt  }
0x71: {  	_ =	shalt  }
0x72: {  	_ =	shalt  }
0x73: {  	_ =	shalt  }
0x74: {  	_ =	shalt  }
0x75: {  	_ =	shalt  }
0x76: {  	_ =	shalt  }
0x77: {  	_ =	shalt  }
0x78: {  	_ =	shalt  }
0x79: {  	_ =	shalt  }
0x7a: {  	_ =	shalt  }
0x7b: {  	_ =	shalt  }
0x7c: {  	_ =	shalt  }
0x7d: {  	_ =	shalt  }
0x7e: {  	_ =	shalt  }
0x7f: {  	_ =	shalt  }
0x80: {  	_ =	shalt  }
0x81: {  	_ =	shalt  }
0x82: {  	_ =	shalt  }
0x83: {  	_ =	shalt  }
0x84: {  	_ =	shalt  }
0x85: {  	_ =	shalt  }
0x86: {  	_ =	shalt  }
0x87: {  	_ =	shalt  }
.Lfunc_end0:
.L_simem_size_0:
called_computation_lowered:
.L_overlay_start_0:
0x88: {  	s2 =	sld [smem:$0x3FD9]  }
0x89: {  	s3 =	sld [smem:$0x3FFE];
	_ =	sdelay $0x1  }
0x8a: {  	s1 =	srdreg.scid  }
0x8b: {  	s0 =	sand.u32 $0x1, s1  }
0x8c: {  	s17 =	sshll.u32 s0, $0xA;
	s2 =	sadd.s32 s3, s2  }
0x8d: {  	s2 =	sadd.s32 s2, s17  }
0x8e: {  	[smem:$0x3FC5] =	sst s2  }
0x8f: {  	_ = 	snop  }
0x90: {  	s2 =	sld [smem:$0x3FC9]  }
0x91: {  	s18 =	sld [smem:$0x3FC8];
	(tm) =	ssettm $0x1  }
0x92: {  	s4 =	sld [smem:$0x3FFB];
	_ =	sdelay $0x3  }
0x93: {  	_ =	strace s4  }
0x94: {  	s4 =	sld [smem:$0x3FFC];
	_ =	sdelay $0x3  }
0x95: {  	_ =	strace s4  }
0x96: {  	s4 =	sld [smem:$0x3FFD];
	_ =	sdelay $0x3  }
0x97: {  	_ =	strace s4  }
0x98: {  	_ =	strace $0x8FFFFFFF  }
0x99: {  	s19 =	sld [smem:$0x3FDB];
	_ =	sdelay $0x1  }
0x9a: {  	s5 =	simm.s32 $_scs_section_size  }
0x9b: {  	s6 =	simm.s32 $_size__tile_overlayer_lowered;
	s7 =	simm.s32 $_tile_overlayer_lowered  }
0x9c: {  	s22 =	simm.s32 $0x1BFF;
	s21 =	sshll.u32 s7, $0x1;
	s4 =	sadd.s32 s5, s19  }
0x9d: {  	s8 =	simm.s32 $0x0;
	s20 =	sshll.u32 s6, $0x1;
	s6 =	sadd.s32 s21, s4  }
0x9e: {  	[timem:s8], [sflag:s22] =	dma.local [hbm:s6], s20  }
0x9f: {  	_ =	swait.ge [sflag:s22], s20  }
0xa0: {  	s5 =	ssub.s32 $0x0, s20;
	[sflag:s22] =	ssyncset.done $0x0  }
0xa1: {  	[sflag:s22] =	ssyncadd.s32 s5;
	_ =	sdelay $0x1  }
0xa2: {  	s23 =	simm.s32 $0x1B8B  }
0xa3: {  	_ =	swait.ge [sflag:s23], $0x1  }
0xa4: {  	[sflag:s23] =	ssyncset.done $0x0  }
0xa5: {  	s25 =	simm.s32 $0x1B8E;
	s24 =	sld [smem:$0x3FFE];
	[sflag:s23] =	ssyncadd.s32 $0xFFFFFFFF  }
0xa6: {  	s26 =	simm.s32 $execute0_lowered;
	[smem:$0x3FD2] =	sst s25  }
0xa7: {  	s6 =	sshll.u32 s26, $0x1;
	_ =	strace $0x80000046;
	[dreg:$0x1] =	wrdreg $0xFFFFFFFF  }
0xa8: {  	s28 =	simm.s32 $_size_execute0_lowered;
	s4 =	sadd.s32 s4, s6;
	[dreg:$0x0] =	wrdreg $0x0  }
0xa9: {  	s6 =	sshll.u32 s28, $0x1;
	[dreg:$0x2] =	wrdreg s4  }
0xaa: {  	[dreg:$0x3] =	wrdreg s6  }
0xab: {  	[dreg:$0x4] =	wrdreg $0xC0  }
0xac: {  	_ =	task [dreg:s8], $0x5FFFF  }
0xad: {  	[dreg:$0x1] =	wrdreg $0xFFFFFFFF  }
0xae: {  	[dreg:$0x0] =	wrdreg $0x60  }
0xaf: {  	[dreg:$0x2] =	wrdreg s2  }
0xb0: {  	[dreg:$0x3] =	wrdreg s18  }
0xb1: {  	[dreg:$0x4] =	wrdreg s24  }
0xb2: {  	[dreg:$0x5] =	wrdreg $0x164000  }
0xb3: {  	[dreg:$0x6] =	wrdreg $0x9  }
0xb4: {  	_ =	task.clear_ibuf [dreg:s8], $0x7FFFF;
	_ =	strace $0x90000046  }
0xb5: {  	s29 =	simm.s32 $0x9;
	_ =	strace $0x80000048  }
0xb6: {  	_ =	swait.ge [sflag:s29], $0x1  }
0xb7: {  	[sflag:s29] =	ssyncadd.s32 $0xFFFFFFFF  }
0xb8: {  	_ =	strace $0x90000048  }
0xb9: {  	_ =	sfence  }
0xba: {  	s30 =	sld [smem:$0x0];
	_ =	sdelay $0x2  }
0xbb: {  	s31 =	sshll.u32 s1, $0xD;
	s1 =	sshrl.u32 s1, $0x2  }
0xbc: {  	s3 =	sand.u32 $0x4000, s31;
	s1 =	sadd.s32 s1, s30  }
0xbd: {  	s0 =	sor.u32 s3, s0;
	s1 =	sshll.u32 s1, $0x11  }
0xbe: {  	s0 =	sor.u32 s1, s0  }
0xbf: {  	s0 =	sadd.s32 $0x8F2B, s0  }
0xc0: {  	[sflag:s0] =	ssyncadd.remote.s32 $0x1  }
0xc1: {  	_ =	sfence.sel $0xFFFF  }
0xc2: {  	[dreg:$0x0] =	wrdreg $0xFFFFFFFF;
	(pc) =	sbr.abs _section_cstart, $3  }
0xc3: {  	[dreg:$0x1] =	wrdreg $0xFFFFFFFF  }
0xc4: {  	_ =	task.clear_ibuf [dreg:s8], $0x2FFFF;
	_ =	strace $0x9FFFFFFF  }
0xc5: {  	(tm) =	ssettm $0x7FFFFFFF  }
tec
execute0_lowered:
.L_overlay_start_1:
0x0: {  	(tag) =	ssettag $0x1  }
0x1: {  	s1 =	rddreg [dreg:$0x0]  }
0x2: {  	s6 =	rddreg [dreg:$0x1]  }
0x3: {  	s0 =	srdreg.scid;
	s5 =	rddreg [dreg:$0x2];
	s3 =	simm.s32 $0x0  }
0x4: {  	s0 =	sand.u32 $0x1, s0;
	[smem:$0x7FF] =	sst s3  }
0x5: {  	s7 =	stileid.u32;
	[smem:$0x7E8] =	sst s0;
	s0 =	sshll.u32 s0, $0x4  }
0x6: {  	s2 =	rddreg [dreg:$0x3];
	s0 =	sor.u32 s7, s0;
	_ =	strace $0x80000047  }
0x7: {  	s7 =	sshll.u32 s0, $0x7;
	s8 =	sshll.u32 s0, $0xB;
	[smem:$0x7FB] =	sst s0  }
0x8: {  	s0 =	sshll.u32 s0, $0x4;
	s9 =	sor.u32 $0x1000, s7;
	s8 =	sadd.s32 s1, s8  }
0x9: {  	s11 =	sor.u32 $0x2000, s7;
	s4 =	sadd.s32 s6, s0;
	s29 =	sor.u32 $0x15000, s7  }
0xa: {  	s10 =	sshll.u32 s9, $0x4;
	[dreg:$0x5] =	wrdreg s8;
	s25 =	sshll.u32 s11, $0x4  }
0xb: {  	s9 =	sshrl.u32 s9, $0x3;
	[dreg:$0x8] =	wrdreg s4;
	s24 =	sadd.s32 s1, s10  }
0xc: {  	s12 =	sshrl.u32 s11, $0x3;
	s26 =	sadd.s32 s1, s25;
	[dreg:$0x6] =	wrdreg s24  }
0xd: {  	s8 =	sor.u32 $0x3000, s7;
	s10 =	sadd.s32 s6, s9;
	[dreg:$0x7] =	wrdreg s26  }
0xe: {  	s11 =	sor.u32 $0x7000, s7;
	s9 =	sadd.s32 s6, s12;
	[dreg:$0x9] =	wrdreg s10  }
0xf: {  	s13 =	sshrl.u32 s8, $0x3;
	s8 =	sshll.u32 s8, $0x4;
	[dreg:$0xa] =	wrdreg s9  }
0x10: {  	s9 =	sor.u32 $0x4000, s7;
	s14 =	sadd.s32 s6, s13;
	s10 =	sor.u32 $0x5000, s7  }
0x11: {  	s13 =	sor.u32 $0x6000, s7;
	s12 =	sshrl.u32 s9, $0x3;
	[dreg:$0xb] =	wrdreg s14  }
0x12: {  	s16 =	sshrl.u32 s10, $0x3;
	s18 =	sshrl.u32 s13, $0x3;
	s15 =	sadd.s32 s6, s12  }
0x13: {  	s17 =	sadd.s32 s6, s16;
	s14 =	sadd.s32 s6, s18;
	[dreg:$0xc] =	wrdreg s15  }
0x14: {  	s12 =	sor.u32 $0x8000, s7;
	[dreg:$0xd] =	wrdreg s17;
	s15 =	sshrl.u32 s11, $0x3  }
0x15: {  	[dreg:$0xe] =	wrdreg s14;
	s20 =	sshrl.u32 s12, $0x3;
	s19 =	sadd.s32 s6, s15  }
0x16: {  	s14 =	sor.u32 $0x9000, s7;
	s15 =	sadd.s32 s6, s20;
	[dreg:$0xf] =	wrdreg s19  }
0x17: {  	s13 =	sshll.u32 s13, $0x4;
	s16 =	sshrl.u32 s14, $0x3;
	[dreg:$0x10] =	wrdreg s15  }
0x18: {  	s15 =	sor.u32 $0xA000, s7;
	s17 =	sadd.s32 s6, s16;
	s16 =	sor.u32 $0xB000, s7  }
0x19: {  	s18 =	sshrl.u32 s15, $0x3;
	[dreg:$0x11] =	wrdreg s17;
	s22 =	sshrl.u32 s16, $0x3  }
0x1a: {  	s17 =	sor.u32 $0xC000, s7;
	s15 =	sshll.u32 s15, $0x4;
	s21 =	sadd.s32 s6, s18  }
0x1b: {  	s18 =	sadd.s32 s6, s22;
	s19 =	sshrl.u32 s17, $0x3;
	[dreg:$0x12] =	wrdreg s21  }
0x1c: {  	[dreg:$0x13] =	wrdreg s18;
	s18 =	sor.u32 $0xD000, s7;
	s20 =	sadd.s32 s6, s19  }
0x1d: {  	s19 =	sor.u32 $0xE000, s7;
	s21 =	sshrl.u32 s18, $0x3;
	[dreg:$0x14] =	wrdreg s20  }
0x1e: {  	s24 =	sshrl.u32 s19, $0x3;
	s20 =	sor.u32 $0xF000, s7;
	s23 =	sadd.s32 s6, s21  }
0x1f: {  	s21 =	sadd.s32 s6, s24;
	s22 =	sshrl.u32 s20, $0x3;
	[dreg:$0x15] =	wrdreg s23  }
0x20: {  	[dreg:$0x16] =	wrdreg s21;
	s21 =	sor.u32 $0x10000, s7;
	s23 =	sadd.s32 s6, s22  }
0x21: {  	s22 =	sor.u32 $0x11000, s7;
	s24 =	sshrl.u32 s21, $0x3;
	[dreg:$0x17] =	wrdreg s23  }
0x22: {  	s26 =	sshrl.u32 s22, $0x3;
	s23 =	sor.u32 $0x12000, s7;
	s25 =	sadd.s32 s6, s24  }
0x23: {  	s24 =	sadd.s32 s6, s26;
	[dreg:$0x18] =	wrdreg s25;
	s25 =	sshrl.u32 s23, $0x3  }
0x24: {  	[dreg:$0x19] =	wrdreg s24;
	s24 =	sor.u32 $0x13000, s7;
	s26 =	sadd.s32 s6, s25  }
0x25: {  	s28 =	sshrl.u32 s24, $0x3;
	s25 =	sor.u32 $0x14000, s7;
	[dreg:$0x1a] =	wrdreg s26  }
0x26: {  	s0 =	sadd.s32 s6, s28;
	s28 =	sshrl.u32 s25, $0x3;
	s26 =	sor.u32 $0x16000, s7  }
0x27: {  	[dreg:$0x1b] =	wrdreg s0;
	s4 =	sadd.s32 s6, s28;
	s28 =	sshrl.u32 s29, $0x3  }
0x28: {  	s31 =	sshrl.u32 s26, $0x3;
	[dreg:$0x1c] =	wrdreg s4;
	s30 =	sadd.s32 s6, s28  }
0x29: {  	s28 =	sor.u32 $0x17000, s7;
	s7 =	sor.u32 $0x18000, s7;
	s4 =	stileid.u32  }
0x2a: {  	[dreg:$0x1d] =	wrdreg s30;
	s30 =	sadd.s32 s6, s31;
	s31 =	sshrl.u32 s28, $0x3  }
0x2b: {  	s0 =	smul.u32 $0x4200, s4;
	[dreg:$0x1e] =	wrdreg s30;
	s30 =	sadd.s32 s6, s31  }
0x2c: {  	s31 =	sshrl.u32 s7, $0x3;
	[dreg:$0x1f] =	wrdreg s30;
	s30 =	sadd.s32 $0x30D0, s6  }
0x2d: {  	s7 =	sshll.u32 s7, $0x4;
	s6 =	sadd.s32 s6, s31;
	[smem:$0x7DF] =	sst s30  }
0x2e: {  	s22 =	sshll.u32 s22, $0x4;
	s7 =	sadd.s32 s1, s7;
	[smem:$0x7E1] =	sst s6  }
0x2f: {  	s0 =	sshrl.u32 s0, $0x2;
	s30 =	sadd.s32 $0x186800, s1;
	[smem:$0x7E2] =	sst s7  }
0x30: {  	s31 =	simm.s32 $0x480;
	s0 =	sadd.s32 s0, s2;
	[smem:$0x7E0] =	sst s30  }
0x31: {  	s6 =	sadd.s32 s1, s8;
	s7 =	sshll.u32 s9, $0x4;
	[smem:$0x7E3] =	sst s0  }
0x32: {  	s9 =	sshll.u32 s10, $0x4;
	[smem:$0x7E4] =	sst s6;
	s8 =	sadd.s32 s1, s7  }
0x33: {  	s10 =	sadd.s32 s1, s9;
	s7 =	sadd.s32 s1, s13;
	[smem:$0x7E5] =	sst s8  }
0x34: {  	s9 =	stileid.u32;
	s13 =	sshll.u32 s14, $0x4;
	[smem:$0x7E6] =	sst s10  }
0x35: {  	s30 =	simm.s32 $0x400;
	s8 =	sshll.u32 s4, $0x9;
	[smem:$0x7E7] =	sst s7  }
0x36: {  	s10 =	sshll.u32 s11, $0x4;
	s4 =	sld [smem:$0x7E8];
	s11 =	sshll.u32 s12, $0x4  }
0x37: {  	s14 =	sadd.s32 s1, s13;
	s7 =	simm.s32 $0x9000;
	s5 =	sadd.s32 s8, s5  }
0x38: {  	s0 =	sadd.s32 s1, s10;
	s12 =	sadd.s32 s1, s11;
	[smem:$0x7EB] =	sst s14  }
0x39: {  	s8 =	sadd.s32 s1, s15;
	s10 =	sshll.u32 s16, $0x4;
	[smem:$0x7E9] =	sst s0  }
0x3a: {  	s14 =	sshll.u32 s18, $0x4;
	s16 =	sshll.u32 s19, $0x4;
	[smem:$0x7EA] =	sst s12  }
0x3b: {  	s18 =	sshll.u32 s20, $0x4;
	s20 =	sshll.u32 s21, $0x4;
	[smem:$0x7EC] =	sst s8  }
0x3c: {  	s11 =	sadd.s32 s1, s10;
	s12 =	sshll.u32 s17, $0x4;
	s15 =	sadd.s32 s1, s14  }
0x3d: {  	s17 =	sadd.s32 s1, s16;
	s19 =	sadd.s32 s1, s18;
	[smem:$0x7ED] =	sst s11  }
0x3e: {  	s21 =	sadd.s32 s1, s20;
	s8 =	sadd.s32 s1, s22;
	[smem:$0x7EF] =	sst s15  }
0x3f: {  	s10 =	sshll.u32 s23, $0x4;
	s14 =	sshll.u32 s25, $0x4;
	[smem:$0x7F0] =	sst s17  }
0x40: {  	s16 =	sshll.u32 s29, $0x4;
	s20 =	sshll.u32 s28, $0x4;
	[smem:$0x7F1] =	sst s19  }
0x41: {  	s28 =	simm.s32 $0x300;
	s29 =	simm.s32 $0x380;
	[smem:$0x7F2] =	sst s21  }
0x42: {  	s6 =	ssub.s32 $0x2, s4;
	s13 =	sadd.s32 s1, s12;
	[smem:$0x7F3] =	sst s8  }
0x43: {  	s11 =	sadd.s32 s1, s10;
	s12 =	sshll.u32 s24, $0x4;
	s15 =	sadd.s32 s1, s14  }
0x44: {  	s18 =	sadd.s32 s1, s16;
	s19 =	sshll.u32 s26, $0x4;
	s4 =	sshll.u32 s4, $0xD  }
0x45: {  	s21 =	sadd.s32 s1, s20;
	s24 =	sshll.u32 s9, $0xC;
	[smem:$0x7EE] =	sst s13  }
0x46: {  	s8 =	simm.s32 $0x80;
	s26 =	simm.s32 $0x15000;
	[smem:$0x7F4] =	sst s11  }
0x47: {  	s9 =	simm.s32 $0x1;
	s10 =	simm.s32 $0xD000;
	[smem:$0x7F6] =	sst s15  }
0x48: {  	s14 =	simm.s32 $0x7;
	s16 =	simm.s32 $0x8;
	[smem:$0x7F7] =	sst s18  }
0x49: {  	s13 =	sadd.s32 s1, s12;
	s17 =	sshrl.u32 s6, $0x1;
	[smem:$0x7F9] =	sst s21  }
0x4a: {  	s0 =	sadd.s32 s1, s19;
	s22 =	sadd.s32 s4, s5;
	s1 =	sld [smem:$0x7FB]  }
0x4b: {  	s25 =	sadd.s32 s24, s2;
	s5 =	simm.s32 $0x1000;
	[smem:$0x7FC] =	sst s26  }
0x4c: {  	s11 =	simm.s32 $0x3;
	s12 =	simm.s32 $0x6;
	s15 =	simm.s32 $0x5  }
0x4d: {  	s24 =	simm.s32 $0x180;
	s26 =	simm.s32 $0x280;
	[smem:$0x7F5] =	sst s13  }
0x4e: {  	s6 =	ssub.s32 s6, s17;
	[smem:$0x7F8] =	sst s0;
	s23 =	sadd.s32 $0x600, s22  }
0x4f: {  	s0 =	sshrl.u32 s25, $0x3;
	s13 =	simm.s32 $0x4;
	s17 =	simm.s32 $0x9  }
0x50: {  	s25 =	simm.s32 $0x200;
	[smem:$0x7FA] =	sst s23;
	s4 =	smax.u32 s6, $0x1  }
0x51: {  	s6 =	simm.s32 $0x5000;
	[smem:$0x7FD] =	sst s0;
	p0 =	sgt.u32 s1, $0xC  }
0x52: {  	s0 =	simm.s32 $0xB;
	s23 =	simm.s32 $0x100;
	p2 =	sne.s32 @p0 s1, $0xD  }
0x53: {  	v0 =	vimm.f32 $0.0e+00;
	s1 =	simm.s32 $0x2;
	p1 =	por p2, !p0;
	p2 =	por !p2, !p0  }
.LBB2_1:
0x54: {  	s18 =	rddreg [dreg:$0x5]  }
0x55: {  	s19 =	rddreg [dreg:$0x6]  }
0x56: {  	[tilespmem:s5], [sflag:$0x2] =	stream.linear.gather [hbm4b:s18+s3], $0x4000, $0x38;
	[tilespmem:$0x17480] =	vst v63  }
0x57: {  	s20 =	rddreg [dreg:$0x7]  }
0x58: {  	[tilespmem:s6], [sflag:$0x3] =	stream.linear.gather [hbm4b:s19+s3], $0x4000, $0x38;
	[tilespmem:$0x17480] =	vst v63  }
0x59: {  	s21 =	rddreg [dreg:$0x8]  }
0x5a: {  	[tilespmem:s7], [sflag:$0x4] =	stream.linear.gather [hbm4b:s20+s3], $0x4000, $0x38;
	[tilespmem:$0x17480] =	vst v63  }
0x5b: {  	s22 =	rddreg [dreg:$0x9]  }
0x5c: {  	[tilespmem:s3], [sflag:$0x1] =	stream.linear.gather [hbm4b:s21+s3], $0x80, $0x38;
	[tilespmem:$0x17480] =	vst v63  }
0x5d: {  	s18 =	rddreg [dreg:$0x15]  }
0x5e: {  	[tilespmem:s8], [sflag:$0x1] =	stream.linear.gather [hbm4b:s22+s3], $0x80, $0x38;
	[tilespmem:$0x17480] =	vst v63  }
0x5f: {  	s20 =	rddreg [dreg:$0xa]  }
0x60: {  	[tilespmem:s23], [sflag:$0x1] =	stream.linear.gather [hbm4b:s20+s3], $0x80, $0x38;
	[tilespmem:$0x17480] =	vst v63  }
0x61: {  	s21 =	rddreg [dreg:$0xb]  }
0x62: {  	[tilespmem:s24], [sflag:$0x1] =	stream.linear.gather [hbm4b:s21+s3], $0x80, $0x38;
	[tilespmem:$0x17480] =	vst v63  }
0x63: {  	s22 =	rddreg [dreg:$0xc]  }
0x64: {  	[tilespmem:s25], [sflag:$0x1] =	stream.linear.gather [hbm4b:s22+s3], $0x80, $0x38;
	[tilespmem:$0x17480] =	vst v63  }
0x65: {  	s20 =	rddreg [dreg:$0xd]  }
0x66: {  	[tilespmem:s26], [sflag:$0x1] =	stream.linear.gather [hbm4b:s20+s3], $0x80, $0x38;
	[tilespmem:$0x17480] =	vst v63  }
0x67: {  	s21 =	rddreg [dreg:$0xe]  }
0x68: {  	[tilespmem:s28], [sflag:$0x1] =	stream.linear.gather [hbm4b:s21+s3], $0x80, $0x38;
	[tilespmem:$0x17480] =	vst v63  }
0x69: {  	s22 =	rddreg [dreg:$0xf]  }
0x6a: {  	[tilespmem:s29], [sflag:$0x1] =	stream.linear.gather [hbm4b:s22+s3], $0x80, $0x38;
	[tilespmem:$0x17480] =	vst v63  }
0x6b: {  	s20 =	rddreg [dreg:$0x10]  }
0x6c: {  	[tilespmem:s30], [sflag:$0x1] =	stream.linear.gather [hbm4b:s20+s3], $0x80, $0x38;
	[tilespmem:$0x17480] =	vst v63  }
0x6d: {  	s21 =	rddreg [dreg:$0x11]  }
0x6e: {  	[tilespmem:s31], [sflag:$0x1] =	stream.linear.gather [hbm4b:s21+s3], $0x80, $0x38;
	[tilespmem:$0x17480] =	vst v63  }
0x6f: {  	s22 =	rddreg [dreg:$0x12];
	s20 =	simm.s32 $0x500  }
0x70: {  	[tilespmem:s20], [sflag:$0x1] =	stream.linear.gather [hbm4b:s22+s3], $0x80, $0x38;
	[tilespmem:$0x17480] =	vst v63  }
0x71: {  	s21 =	rddreg [dreg:$0x13];
	s22 =	simm.s32 $0x580  }
0x72: {  	[tilespmem:s22], [sflag:$0x1] =	stream.linear.gather [hbm4b:s21+s3], $0x80, $0x38;
	[tilespmem:$0x17480] =	vst v63  }
0x73: {  	s19 =	rddreg [dreg:$0x14];
	s21 =	simm.s32 $0x600  }
0x74: {  	[tilespmem:s21], [sflag:$0x1] =	stream.linear.gather [hbm4b:s19+s3], $0x80, $0x38;
	[tilespmem:$0x17480] =	vst v63  }
0x75: {  	s22 =	simm.s32 $0x680;
	s19 =	rddreg [dreg:$0x16]  }
0x76: {  	[tilespmem:s22], [sflag:$0x1] =	stream.linear.gather [hbm4b:s18+s3], $0x80, $0x38;
	[tilespmem:$0x17480] =	vst v63  }
0x77: {  	s21 =	simm.s32 $0x700;
	s18 =	rddreg [dreg:$0x17]  }
0x78: {  	[tilespmem:s21], [sflag:$0x1] =	stream.linear.gather [hbm4b:s19+s3], $0x80, $0x38;
	[tilespmem:$0x17480] =	vst v63  }
0x79: {  	s22 =	simm.s32 $0x780;
	s19 =	rddreg [dreg:$0x18]  }
0x7a: {  	[tilespmem:s22], [sflag:$0x1] =	stream.linear.gather [hbm4b:s18+s3], $0x80, $0x38;
	[tilespmem:$0x17480] =	vst v63  }
0x7b: {  	s21 =	simm.s32 $0x800;
	s18 =	rddreg [dreg:$0x19]  }
0x7c: {  	[tilespmem:s21], [sflag:$0x1] =	stream.linear.gather [hbm4b:s19+s3], $0x80, $0x38;
	[tilespmem:$0x17480] =	vst v63  }
0x7d: {  	s22 =	simm.s32 $0x880;
	s19 =	rddreg [dreg:$0x1a]  }
0x7e: {  	[tilespmem:s22], [sflag:$0x1] =	stream.linear.gather [hbm4b:s18+s3], $0x80, $0x38;
	[tilespmem:$0x17480] =	vst v63  }
0x7f: {  	s21 =	simm.s32 $0x900;
	s18 =	rddreg [dreg:$0x1b]  }
0x80: {  	[tilespmem:s21], [sflag:$0x1] =	stream.linear.gather [hbm4b:s19+s3], $0x80, $0x38;
	[tilespmem:$0x17480] =	vst v63  }
0x81: {  	s22 =	simm.s32 $0x980;
	s19 =	rddreg [dreg:$0x1c]  }
0x82: {  	[tilespmem:s22], [sflag:$0x1] =	stream.linear.gather [hbm4b:s18+s3], $0x80, $0x38;
	[tilespmem:$0x17480] =	vst v63  }
0x83: {  	s21 =	simm.s32 $0xA00;
	s18 =	rddreg [dreg:$0x1d]  }
0x84: {  	[tilespmem:s21], [sflag:$0x1] =	stream.linear.gather [hbm4b:s19+s3], $0x80, $0x38;
	[tilespmem:$0x17480] =	vst v63  }
0x85: {  	s22 =	simm.s32 $0xA80;
	s19 =	rddreg [dreg:$0x1e]  }
0x86: {  	[tilespmem:s22], [sflag:$0x1] =	stream.linear.gather [hbm4b:s18+s3], $0x80, $0x38;
	[tilespmem:$0x17480] =	vst v63  }
0x87: {  	s21 =	simm.s32 $0xB00;
	s18 =	rddreg [dreg:$0x1f]  }
0x88: {  	[tilespmem:s21], [sflag:$0x1] =	stream.linear.gather [hbm4b:s19+s3], $0x80, $0x38;
	[tilespmem:$0x17480] =	vst v63  }
0x89: {  	s22 =	simm.s32 $0xB80;
	s19 =	sld [smem:$0x7DF]  }
0x8a: {  	[tilespmem:s22], [sflag:$0x1] =	stream.linear.gather [hbm4b:s18+s3], $0x80, $0x38;
	[tilespmem:$0x17480] =	vst v63  }
0x8b: {  	s20 =	simm.s32 @!p1 $0xC00;
	s21 =	sld [smem:$0x7E0];
	s18 =	simm.s32 @!p1 $0x0  }
0x8c: {  	[tilespmem:s20], [sflag:$0x1] =	stream.linear.gather @!p1 [hbm4b:s19+s18], $0x20, $0x38;
	[tilespmem:$0x17480] =	vst v63  }
0x8d: {  	s19 =	simm.s32 @!p1 $0x11000;
	s20 =	sld [smem:$0x7E1]  }
0x8e: {  	[tilespmem:s19], [sflag:$0xA] =	stream.linear.gather @!p1 [hbm4b:s21+s18], $0x1000, $0x38;
	[tilespmem:$0x17480] =	vst v63  }
0x8f: {  	s22 =	sld [smem:$0x7E2];
	s21 =	simm.s32 @!p0 $0x0;
	s18 =	simm.s32 @!p0 $0xC00  }
0x90: {  	[tilespmem:s18], [sflag:$0x1] =	stream.linear.gather @!p0 [hbm4b:s20+s21], $0x80, $0x38;
	[tilespmem:$0x17480] =	vst v63  }
0x91: {  	s19 =	simm.s32 @!p0 $0x11000  }
0x92: {  	[tilespmem:s19], [sflag:$0xA] =	stream.linear.gather @!p0 [hbm4b:s22+s21], $0x4000, $0x38;
	[tilespmem:$0x17480] =	vst v63  }
0x93: {  	[tilespmem:$0x15000] =	vst v0  }
0x94: {  	[tilespmem:$0x15010] =	vst v0  }
0x95: {  	[tilespmem:$0x15020] =	vst v0  }
0x96: {  	[tilespmem:$0x15030] =	vst v0  }
0x97: {  	[tilespmem:$0x15040] =	vst v0  }
0x98: {  	[tilespmem:$0x15050] =	vst v0  }
0x99: {  	[tilespmem:$0x15060] =	vst v0  }
0x9a: {  	[tilespmem:$0x15070] =	vst v0  }
0x9b: {  	[tilespmem:$0x15080] =	vst v0  }
0x9c: {  	[tilespmem:$0x15090] =	vst v0  }
0x9d: {  	[tilespmem:$0x150A0] =	vst v0  }
0x9e: {  	[tilespmem:$0x150B0] =	vst v0  }
0x9f: {  	[tilespmem:$0x150C0] =	vst v0  }
0xa0: {  	[tilespmem:$0x150D0] =	vst v0  }
0xa1: {  	[tilespmem:$0x150E0] =	vst v0  }
0xa2: {  	[tilespmem:$0x150F0] =	vst v0  }
0xa3: {  	[tilespmem:$0x15100] =	vst v0  }
0xa4: {  	[tilespmem:$0x15110] =	vst v0  }
0xa5: {  	[tilespmem:$0x15120] =	vst v0  }
0xa6: {  	[tilespmem:$0x15130] =	vst v0  }
0xa7: {  	[tilespmem:$0x15140] =	vst v0  }
0xa8: {  	[tilespmem:$0x15150] =	vst v0  }
0xa9: {  	[tilespmem:$0x15160] =	vst v0  }
0xaa: {  	[tilespmem:$0x15170] =	vst v0  }
0xab: {  	[tilespmem:$0x15180] =	vst v0  }
0xac: {  	[tilespmem:$0x15190] =	vst v0  }
0xad: {  	[tilespmem:$0x151A0] =	vst v0  }
0xae: {  	[tilespmem:$0x151B0] =	vst v0  }
0xaf: {  	[tilespmem:$0x151C0] =	vst v0  }
0xb0: {  	[tilespmem:$0x151D0] =	vst v0  }
0xb1: {  	[tilespmem:$0x151E0] =	vst v0  }
0xb2: {  	[tilespmem:$0x151F0] =	vst v0  }
0xb3: {  	[tilespmem:$0x15200] =	vst v0  }
0xb4: {  	[tilespmem:$0x15210] =	vst v0  }
0xb5: {  	[tilespmem:$0x15220] =	vst v0  }
0xb6: {  	[tilespmem:$0x15230] =	vst v0  }
0xb7: {  	[tilespmem:$0x15240] =	vst v0  }
0xb8: {  	[tilespmem:$0x15250] =	vst v0  }
0xb9: {  	[tilespmem:$0x15260] =	vst v0  }
0xba: {  	[tilespmem:$0x15270] =	vst v0  }
0xbb: {  	[tilespmem:$0x15280] =	vst v0  }
0xbc: {  	[tilespmem:$0x15290] =	vst v0  }
0xbd: {  	[tilespmem:$0x152A0] =	vst v0  }
0xbe: {  	[tilespmem:$0x152B0] =	vst v0  }
0xbf: {  	[tilespmem:$0x152C0] =	vst v0  }
0xc0: {  	[tilespmem:$0x152D0] =	vst v0  }
0xc1: {  	[tilespmem:$0x152E0] =	vst v0  }
0xc2: {  	[tilespmem:$0x152F0] =	vst v0  }
0xc3: {  	[tilespmem:$0x15300] =	vst v0  }
0xc4: {  	[tilespmem:$0x15310] =	vst v0  }
0xc5: {  	[tilespmem:$0x15320] =	vst v0  }
0xc6: {  	[tilespmem:$0x15330] =	vst v0  }
0xc7: {  	[tilespmem:$0x15340] =	vst v0  }
0xc8: {  	[tilespmem:$0x15350] =	vst v0  }
0xc9: {  	[tilespmem:$0x15360] =	vst v0  }
0xca: {  	[tilespmem:$0x15370] =	vst v0  }
0xcb: {  	[tilespmem:$0x15380] =	vst v0  }
0xcc: {  	[tilespmem:$0x15390] =	vst v0  }
0xcd: {  	[tilespmem:$0x153A0] =	vst v0  }
0xce: {  	[tilespmem:$0x153B0] =	vst v0  }
0xcf: {  	[tilespmem:$0x153C0] =	vst v0  }
0xd0: {  	[tilespmem:$0x153D0] =	vst v0  }
0xd1: {  	[tilespmem:$0x153E0] =	vst v0  }
0xd2: {  	[tilespmem:$0x153F0] =	vst v0  }
0xd3: {  	[tilespmem:$0x15400] =	vst v0  }
0xd4: {  	[tilespmem:$0x15410] =	vst v0  }
0xd5: {  	[tilespmem:$0x15420] =	vst v0  }
0xd6: {  	[tilespmem:$0x15430] =	vst v0  }
0xd7: {  	[tilespmem:$0x15440] =	vst v0  }
0xd8: {  	[tilespmem:$0x15450] =	vst v0  }
0xd9: {  	[tilespmem:$0x15460] =	vst v0  }
0xda: {  	[tilespmem:$0x15470] =	vst v0  }
0xdb: {  	[tilespmem:$0x15480] =	vst v0  }
0xdc: {  	[tilespmem:$0x15490] =	vst v0  }
0xdd: {  	[tilespmem:$0x154A0] =	vst v0  }
0xde: {  	[tilespmem:$0x154B0] =	vst v0  }
0xdf: {  	[tilespmem:$0x154C0] =	vst v0  }
0xe0: {  	[tilespmem:$0x154D0] =	vst v0  }
0xe1: {  	[tilespmem:$0x154E0] =	vst v0  }
0xe2: {  	[tilespmem:$0x154F0] =	vst v0  }
0xe3: {  	[tilespmem:$0x15500] =	vst v0  }
0xe4: {  	[tilespmem:$0x15510] =	vst v0  }
0xe5: {  	[tilespmem:$0x15520] =	vst v0  }
0xe6: {  	[tilespmem:$0x15530] =	vst v0  }
0xe7: {  	[tilespmem:$0x15540] =	vst v0  }
0xe8: {  	[tilespmem:$0x15550] =	vst v0  }
0xe9: {  	[tilespmem:$0x15560] =	vst v0  }
0xea: {  	[tilespmem:$0x15570] =	vst v0  }
0xeb: {  	[tilespmem:$0x15580] =	vst v0  }
0xec: {  	[tilespmem:$0x15590] =	vst v0  }
0xed: {  	[tilespmem:$0x155A0] =	vst v0  }
0xee: {  	[tilespmem:$0x155B0] =	vst v0  }
0xef: {  	[tilespmem:$0x155C0] =	vst v0  }
0xf0: {  	[tilespmem:$0x155D0] =	vst v0  }
0xf1: {  	[tilespmem:$0x155E0] =	vst v0  }
0xf2: {  	[tilespmem:$0x155F0] =	vst v0  }
0xf3: {  	[tilespmem:$0x15600] =	vst v0  }
0xf4: {  	[tilespmem:$0x15610] =	vst v0  }
0xf5: {  	[tilespmem:$0x15620] =	vst v0  }
0xf6: {  	[tilespmem:$0x15630] =	vst v0  }
0xf7: {  	[tilespmem:$0x15640] =	vst v0  }
0xf8: {  	[tilespmem:$0x15650] =	vst v0  }
0xf9: {  	[tilespmem:$0x15660] =	vst v0  }
0xfa: {  	[tilespmem:$0x15670] =	vst v0  }
0xfb: {  	[tilespmem:$0x15680] =	vst v0  }
0xfc: {  	[tilespmem:$0x15690] =	vst v0  }
0xfd: {  	[tilespmem:$0x156A0] =	vst v0  }
0xfe: {  	[tilespmem:$0x156B0] =	vst v0  }
0xff: {  	[tilespmem:$0x156C0] =	vst v0  }
0x100: {  	[tilespmem:$0x156D0] =	vst v0  }
0x101: {  	[tilespmem:$0x156E0] =	vst v0  }
0x102: {  	[tilespmem:$0x156F0] =	vst v0  }
0x103: {  	[tilespmem:$0x15700] =	vst v0  }
0x104: {  	[tilespmem:$0x15710] =	vst v0  }
0x105: {  	[tilespmem:$0x15720] =	vst v0  }
0x106: {  	[tilespmem:$0x15730] =	vst v0  }
0x107: {  	[tilespmem:$0x15740] =	vst v0  }
0x108: {  	[tilespmem:$0x15750] =	vst v0  }
0x109: {  	[tilespmem:$0x15760] =	vst v0  }
0x10a: {  	[tilespmem:$0x15770] =	vst v0  }
0x10b: {  	[tilespmem:$0x15780] =	vst v0  }
0x10c: {  	[tilespmem:$0x15790] =	vst v0  }
0x10d: {  	[tilespmem:$0x157A0] =	vst v0  }
0x10e: {  	[tilespmem:$0x157B0] =	vst v0  }
0x10f: {  	[tilespmem:$0x157C0] =	vst v0  }
0x110: {  	[tilespmem:$0x157D0] =	vst v0  }
0x111: {  	[tilespmem:$0x157E0] =	vst v0  }
0x112: {  	[tilespmem:$0x157F0] =	vst v0  }
0x113: {  	[tilespmem:$0x15800] =	vst v0  }
0x114: {  	[tilespmem:$0x15810] =	vst v0  }
0x115: {  	[tilespmem:$0x15820] =	vst v0  }
0x116: {  	[tilespmem:$0x15830] =	vst v0  }
0x117: {  	[tilespmem:$0x15840] =	vst v0  }
0x118: {  	[tilespmem:$0x15850] =	vst v0  }
0x119: {  	[tilespmem:$0x15860] =	vst v0  }
0x11a: {  	[tilespmem:$0x15870] =	vst v0  }
0x11b: {  	[tilespmem:$0x15880] =	vst v0  }
0x11c: {  	[tilespmem:$0x15890] =	vst v0  }
0x11d: {  	[tilespmem:$0x158A0] =	vst v0  }
0x11e: {  	[tilespmem:$0x158B0] =	vst v0  }
0x11f: {  	[tilespmem:$0x158C0] =	vst v0  }
0x120: {  	[tilespmem:$0x158D0] =	vst v0  }
0x121: {  	[tilespmem:$0x158E0] =	vst v0  }
0x122: {  	[tilespmem:$0x158F0] =	vst v0  }
0x123: {  	[tilespmem:$0x15900] =	vst v0  }
0x124: {  	[tilespmem:$0x15910] =	vst v0  }
0x125: {  	[tilespmem:$0x15920] =	vst v0  }
0x126: {  	[tilespmem:$0x15930] =	vst v0  }
0x127: {  	[tilespmem:$0x15940] =	vst v0  }
0x128: {  	[tilespmem:$0x15950] =	vst v0  }
0x129: {  	[tilespmem:$0x15960] =	vst v0  }
0x12a: {  	[tilespmem:$0x15970] =	vst v0  }
0x12b: {  	[tilespmem:$0x15980] =	vst v0  }
0x12c: {  	[tilespmem:$0x15990] =	vst v0  }
0x12d: {  	[tilespmem:$0x159A0] =	vst v0  }
0x12e: {  	[tilespmem:$0x159B0] =	vst v0  }
0x12f: {  	[tilespmem:$0x159C0] =	vst v0  }
0x130: {  	[tilespmem:$0x159D0] =	vst v0  }
0x131: {  	[tilespmem:$0x159E0] =	vst v0  }
0x132: {  	[tilespmem:$0x159F0] =	vst v0  }
0x133: {  	[tilespmem:$0x15A00] =	vst v0  }
0x134: {  	[tilespmem:$0x15A10] =	vst v0  }
0x135: {  	[tilespmem:$0x15A20] =	vst v0  }
0x136: {  	[tilespmem:$0x15A30] =	vst v0  }
0x137: {  	[tilespmem:$0x15A40] =	vst v0  }
0x138: {  	[tilespmem:$0x15A50] =	vst v0  }
0x139: {  	[tilespmem:$0x15A60] =	vst v0  }
0x13a: {  	[tilespmem:$0x15A70] =	vst v0  }
0x13b: {  	[tilespmem:$0x15A80] =	vst v0  }
0x13c: {  	[tilespmem:$0x15A90] =	vst v0  }
0x13d: {  	[tilespmem:$0x15AA0] =	vst v0  }
0x13e: {  	[tilespmem:$0x15AB0] =	vst v0  }
0x13f: {  	[tilespmem:$0x15AC0] =	vst v0  }
0x140: {  	[tilespmem:$0x15AD0] =	vst v0  }
0x141: {  	[tilespmem:$0x15AE0] =	vst v0  }
0x142: {  	[tilespmem:$0x15AF0] =	vst v0  }
0x143: {  	[tilespmem:$0x15B00] =	vst v0  }
0x144: {  	[tilespmem:$0x15B10] =	vst v0  }
0x145: {  	[tilespmem:$0x15B20] =	vst v0  }
0x146: {  	[tilespmem:$0x15B30] =	vst v0  }
0x147: {  	[tilespmem:$0x15B40] =	vst v0  }
0x148: {  	[tilespmem:$0x15B50] =	vst v0  }
0x149: {  	[tilespmem:$0x15B60] =	vst v0  }
0x14a: {  	[tilespmem:$0x15B70] =	vst v0  }
0x14b: {  	[tilespmem:$0x15B80] =	vst v0  }
0x14c: {  	[tilespmem:$0x15B90] =	vst v0  }
0x14d: {  	[tilespmem:$0x15BA0] =	vst v0  }
0x14e: {  	[tilespmem:$0x15BB0] =	vst v0  }
0x14f: {  	[tilespmem:$0x15BC0] =	vst v0  }
0x150: {  	[tilespmem:$0x15BD0] =	vst v0  }
0x151: {  	[tilespmem:$0x15BE0] =	vst v0  }
0x152: {  	[tilespmem:$0x15BF0] =	vst v0  }
0x153: {  	[tilespmem:$0x15C00] =	vst v0  }
0x154: {  	[tilespmem:$0x15C10] =	vst v0  }
0x155: {  	[tilespmem:$0x15C20] =	vst v0  }
0x156: {  	[tilespmem:$0x15C30] =	vst v0  }
0x157: {  	[tilespmem:$0x15C40] =	vst v0  }
0x158: {  	[tilespmem:$0x15C50] =	vst v0  }
0x159: {  	[tilespmem:$0x15C60] =	vst v0  }
0x15a: {  	[tilespmem:$0x15C70] =	vst v0  }
0x15b: {  	[tilespmem:$0x15C80] =	vst v0  }
0x15c: {  	[tilespmem:$0x15C90] =	vst v0  }
0x15d: {  	[tilespmem:$0x15CA0] =	vst v0  }
0x15e: {  	[tilespmem:$0x15CB0] =	vst v0  }
0x15f: {  	[tilespmem:$0x15CC0] =	vst v0  }
0x160: {  	[tilespmem:$0x15CD0] =	vst v0  }
0x161: {  	[tilespmem:$0x15CE0] =	vst v0  }
0x162: {  	[tilespmem:$0x15CF0] =	vst v0  }
0x163: {  	[tilespmem:$0x15D00] =	vst v0  }
0x164: {  	[tilespmem:$0x15D10] =	vst v0  }
0x165: {  	[tilespmem:$0x15D20] =	vst v0  }
0x166: {  	[tilespmem:$0x15D30] =	vst v0  }
0x167: {  	[tilespmem:$0x15D40] =	vst v0  }
0x168: {  	[tilespmem:$0x15D50] =	vst v0  }
0x169: {  	[tilespmem:$0x15D60] =	vst v0  }
0x16a: {  	[tilespmem:$0x15D70] =	vst v0  }
0x16b: {  	[tilespmem:$0x15D80] =	vst v0  }
0x16c: {  	[tilespmem:$0x15D90] =	vst v0  }
0x16d: {  	[tilespmem:$0x15DA0] =	vst v0  }
0x16e: {  	[tilespmem:$0x15DB0] =	vst v0  }
0x16f: {  	[tilespmem:$0x15DC0] =	vst v0  }
0x170: {  	[tilespmem:$0x15DD0] =	vst v0  }
0x171: {  	[tilespmem:$0x15DE0] =	vst v0  }
0x172: {  	[tilespmem:$0x15DF0] =	vst v0  }
0x173: {  	[tilespmem:$0x15E00] =	vst v0  }
0x174: {  	[tilespmem:$0x15E10] =	vst v0  }
0x175: {  	[tilespmem:$0x15E20] =	vst v0  }
0x176: {  	[tilespmem:$0x15E30] =	vst v0  }
0x177: {  	[tilespmem:$0x15E40] =	vst v0  }
0x178: {  	[tilespmem:$0x15E50] =	vst v0  }
0x179: {  	[tilespmem:$0x15E60] =	vst v0  }
0x17a: {  	[tilespmem:$0x15E70] =	vst v0  }
0x17b: {  	[tilespmem:$0x15E80] =	vst v0  }
0x17c: {  	[tilespmem:$0x15E90] =	vst v0  }
0x17d: {  	[tilespmem:$0x15EA0] =	vst v0  }
0x17e: {  	[tilespmem:$0x15EB0] =	vst v0  }
0x17f: {  	[tilespmem:$0x15EC0] =	vst v0  }
0x180: {  	[tilespmem:$0x15ED0] =	vst v0  }
0x181: {  	[tilespmem:$0x15EE0] =	vst v0  }
0x182: {  	[tilespmem:$0x15EF0] =	vst v0  }
0x183: {  	[tilespmem:$0x15F00] =	vst v0  }
0x184: {  	[tilespmem:$0x15F10] =	vst v0  }
0x185: {  	[tilespmem:$0x15F20] =	vst v0  }
0x186: {  	[tilespmem:$0x15F30] =	vst v0  }
0x187: {  	[tilespmem:$0x15F40] =	vst v0  }
0x188: {  	[tilespmem:$0x15F50] =	vst v0  }
0x189: {  	[tilespmem:$0x15F60] =	vst v0  }
0x18a: {  	[tilespmem:$0x15F70] =	vst v0  }
0x18b: {  	[tilespmem:$0x15F80] =	vst v0  }
0x18c: {  	[tilespmem:$0x15F90] =	vst v0  }
0x18d: {  	[tilespmem:$0x15FA0] =	vst v0  }
0x18e: {  	[tilespmem:$0x15FB0] =	vst v0  }
0x18f: {  	[tilespmem:$0x15FC0] =	vst v0  }
0x190: {  	[tilespmem:$0x15FD0] =	vst v0  }
0x191: {  	[tilespmem:$0x15FE0] =	vst v0  }
0x192: {  	[tilespmem:$0x15FF0] =	vst v0  }
0x193: {  	[tilespmem:$0x16000] =	vst v0  }
0x194: {  	[tilespmem:$0x16010] =	vst v0  }
0x195: {  	[tilespmem:$0x16020] =	vst v0  }
0x196: {  	[tilespmem:$0x16070] =	vst v0  }
0x197: {  	s21 =	sld [smem:$0x7E3];
	[tilespmem:$0x16050] =	vst v0  }
0x198: {  	[tilespmem:$0x16060] =	vst v0;
	s22 =	sld [smem:$0x7FC]  }
0x199: {  	[tilespmem:$0x16040] =	vst v0  }
0x19a: {  	[tilespmem:$0x16030] =	vst v0  }
0x19b: {  	[spmem:s21] =	stream.linear.scatter [tilespmem:s22], [sflag:$0xB], $0x1080, $0x38;
	[tilespmem:$0x17480] =	vst v63  }
0x19c: {  	_ =	swait.ge [sflag:s0], $0x1080  }
0x19d: {  	[sflag:s0] =	ssyncset.done $0x0  }
0x19e: {  	[sflag:s0] =	ssyncadd.s32 $0xFFFFEF80  }
0x19f: {  	[bflag:$0x0] =	sbarrier.arrive $0xFFFF  }
0x1a0: {  	_ =	swait.ge [sflag:s1], $0x4000  }
0x1a1: {  	[sflag:s1] =	ssyncset.done $0x0  }
0x1a2: {  	[sflag:s1] =	ssyncadd.s32 $0xFFFFC000  }
0x1a3: {  	_ =	swait.ge [sflag:s9], $0x80  }
0x1a4: {  	[sflag:s9] =	ssyncset.done $0x0  }
0x1a5: {  	s22 =	sld [smem:$0x7E4];
	[sflag:s9] =	ssyncadd.s32 $0xFFFFFF80  }
0x1a6: {  	[spmem:s2] =	stream.indirect.scatter.add.f32 [tilespmem:s5], [sflag:$0x6], $0x80, s3, s8, $0xb8;
	[tilespmem:$0x17480] =	vst v63  }
0x1a7: {  	_ = 	snop  }
0x1a8: {  	[tilespmem:s10], [sflag:$0x5] =	stream.linear.gather [hbm4b:s22+s3], $0x4000, $0x38;
	[tilespmem:$0x17480] =	vst v63  }
0x1a9: {  	_ =	swait.ge [sflag:s11], $0x4000  }
0x1aa: {  	[sflag:s11] =	ssyncset.done $0x0  }
0x1ab: {  	[sflag:s11] =	ssyncadd.s32 $0xFFFFC000  }
0x1ac: {  	_ =	swait.ge [sflag:s9], $0x80  }
0x1ad: {  	[sflag:s9] =	ssyncset.done $0x0  }
0x1ae: {  	[sflag:s9] =	ssyncadd.s32 $0xFFFFFF80  }
0x1af: {  	[spmem:s2] =	stream.indirect.scatter.add.f32 [tilespmem:s6], [sflag:$0x7], $0x80, s8, s8, $0xb8;
	[tilespmem:$0x17480] =	vst v63  }
0x1b0: {  	_ =	swait.ge [sflag:s12], $0x4000  }
0x1b1: {  	s21 =	sld [smem:$0x7E5]  }
0x1b2: {  	[sflag:s12] =	ssyncset.done $0x0  }
0x1b3: {  	[sflag:s12] =	ssyncadd.s32 $0xFFFFC000  }
0x1b4: {  	[tilespmem:s5], [sflag:$0x2] =	stream.linear.gather [hbm4b:s21+s3], $0x4000, $0x38;
	[tilespmem:$0x17480] =	vst v63  }
0x1b5: {  	_ =	swait.ge [sflag:s13], $0x4000  }
0x1b6: {  	[sflag:s13] =	ssyncset.done $0x0  }
0x1b7: {  	[sflag:s13] =	ssyncadd.s32 $0xFFFFC000  }
0x1b8: {  	_ =	swait.ge [sflag:s9], $0x80  }
0x1b9: {  	[sflag:s9] =	ssyncset.done $0x0  }
0x1ba: {  	[sflag:s9] =	ssyncadd.s32 $0xFFFFFF80  }
0x1bb: {  	[spmem:s2] =	stream.indirect.scatter.add.f32 [tilespmem:s7], [sflag:$0x8], $0x80, s23, s8, $0xb8;
	[tilespmem:$0x17480] =	vst v63  }
0x1bc: {  	_ =	swait.ge [sflag:s14], $0x4000  }
0x1bd: {  	s22 =	sld [smem:$0x7E6]  }
0x1be: {  	[sflag:s14] =	ssyncset.done $0x0  }
0x1bf: {  	[sflag:s14] =	ssyncadd.s32 $0xFFFFC000  }
0x1c0: {  	[tilespmem:s6], [sflag:$0x3] =	stream.linear.gather [hbm4b:s22+s3], $0x4000, $0x38;
	[tilespmem:$0x17480] =	vst v63  }
0x1c1: {  	_ =	swait.ge [sflag:s15], $0x4000  }
0x1c2: {  	[sflag:s15] =	ssyncset.done $0x0  }
0x1c3: {  	[sflag:s15] =	ssyncadd.s32 $0xFFFFC000  }
0x1c4: {  	_ =	swait.ge [sflag:s9], $0x80  }
0x1c5: {  	[sflag:s9] =	ssyncset.done $0x0  }
0x1c6: {  	[sflag:s9] =	ssyncadd.s32 $0xFFFFFF80  }
0x1c7: {  	[spmem:s2] =	stream.indirect.scatter.add.f32 [tilespmem:s10], [sflag:$0x9], $0x80, s24, s8, $0xb8;
	[tilespmem:$0x17480] =	vst v63  }
0x1c8: {  	_ =	swait.ge [sflag:s16], $0x4000  }
0x1c9: {  	s21 =	sld [smem:$0x7E7]  }
0x1ca: {  	[sflag:s16] =	ssyncset.done $0x0  }
0x1cb: {  	[sflag:s16] =	ssyncadd.s32 $0xFFFFC000  }
0x1cc: {  	[tilespmem:s7], [sflag:$0x4] =	stream.linear.gather [hbm4b:s21+s3], $0x4000, $0x38;
	[tilespmem:$0x17480] =	vst v63  }
0x1cd: {  	_ =	swait.ge [sflag:s1], $0x4000  }
0x1ce: {  	[sflag:s1] =	ssyncset.done $0x0  }
0x1cf: {  	[sflag:s1] =	ssyncadd.s32 $0xFFFFC000  }
0x1d0: {  	_ =	swait.ge [sflag:s9], $0x80  }
0x1d1: {  	[sflag:s9] =	ssyncset.done $0x0  }
0x1d2: {  	[sflag:s9] =	ssyncadd.s32 $0xFFFFFF80  }
0x1d3: {  	[spmem:s2] =	stream.indirect.scatter.add.f32 [tilespmem:s5], [sflag:$0x6], $0x80, s25, s8, $0xb8;
	[tilespmem:$0x17480] =	vst v63  }
0x1d4: {  	_ =	swait.ge [sflag:s17], $0x4000  }
0x1d5: {  	s22 =	sld [smem:$0x7E9]  }
0x1d6: {  	[sflag:s17] =	ssyncset.done $0x0  }
0x1d7: {  	[sflag:s17] =	ssyncadd.s32 $0xFFFFC000  }
0x1d8: {  	[tilespmem:s10], [sflag:$0x5] =	stream.linear.gather [hbm4b:s22+s3], $0x4000, $0x38;
	[tilespmem:$0x17480] =	vst v63  }
0x1d9: {  	_ =	swait.ge [sflag:s11], $0x4000  }
0x1da: {  	[sflag:s11] =	ssyncset.done $0x0  }
0x1db: {  	[sflag:s11] =	ssyncadd.s32 $0xFFFFC000  }
0x1dc: {  	_ =	swait.ge [sflag:s9], $0x80  }
0x1dd: {  	[sflag:s9] =	ssyncset.done $0x0  }
0x1de: {  	[sflag:s9] =	ssyncadd.s32 $0xFFFFFF80  }
0x1df: {  	[spmem:s2] =	stream.indirect.scatter.add.f32 [tilespmem:s6], [sflag:$0x7], $0x80, s26, s8, $0xb8;
	[tilespmem:$0x17480] =	vst v63  }
0x1e0: {  	_ =	swait.ge [sflag:s12], $0x4000  }
0x1e1: {  	s21 =	sld [smem:$0x7EA]  }
0x1e2: {  	[sflag:s12] =	ssyncset.done $0x0  }
0x1e3: {  	[sflag:s12] =	ssyncadd.s32 $0xFFFFC000  }
0x1e4: {  	[tilespmem:s5], [sflag:$0x2] =	stream.linear.gather [hbm4b:s21+s3], $0x4000, $0x38;
	[tilespmem:$0x17480] =	vst v63  }
0x1e5: {  	_ =	swait.ge [sflag:s13], $0x4000  }
0x1e6: {  	[sflag:s13] =	ssyncset.done $0x0  }
0x1e7: {  	[sflag:s13] =	ssyncadd.s32 $0xFFFFC000  }
0x1e8: {  	_ =	swait.ge [sflag:s9], $0x80  }
0x1e9: {  	[sflag:s9] =	ssyncset.done $0x0  }
0x1ea: {  	[sflag:s9] =	ssyncadd.s32 $0xFFFFFF80  }
0x1eb: {  	[spmem:s2] =	stream.indirect.scatter.add.f32 [tilespmem:s7], [sflag:$0x8], $0x80, s28, s8, $0xb8;
	[tilespmem:$0x17480] =	vst v63  }
0x1ec: {  	_ =	swait.ge [sflag:s14], $0x4000  }
0x1ed: {  	s22 =	sld [smem:$0x7EB]  }
0x1ee: {  	[sflag:s14] =	ssyncset.done $0x0  }
0x1ef: {  	[sflag:s14] =	ssyncadd.s32 $0xFFFFC000  }
0x1f0: {  	[tilespmem:s6], [sflag:$0x3] =	stream.linear.gather [hbm4b:s22+s3], $0x4000, $0x38;
	[tilespmem:$0x17480] =	vst v63  }
0x1f1: {  	_ =	swait.ge [sflag:s15], $0x4000  }
0x1f2: {  	[sflag:s15] =	ssyncset.done $0x0  }
0x1f3: {  	[sflag:s15] =	ssyncadd.s32 $0xFFFFC000  }
0x1f4: {  	_ =	swait.ge [sflag:s9], $0x80  }
0x1f5: {  	[sflag:s9] =	ssyncset.done $0x0  }
0x1f6: {  	[sflag:s9] =	ssyncadd.s32 $0xFFFFFF80  }
0x1f7: {  	[spmem:s2] =	stream.indirect.scatter.add.f32 [tilespmem:s10], [sflag:$0x9], $0x80, s29, s8, $0xb8;
	[tilespmem:$0x17480] =	vst v63  }
0x1f8: {  	_ =	swait.ge [sflag:s16], $0x4000  }
0x1f9: {  	s21 =	sld [smem:$0x7EC]  }
0x1fa: {  	[sflag:s16] =	ssyncset.done $0x0  }
0x1fb: {  	[sflag:s16] =	ssyncadd.s32 $0xFFFFC000  }
0x1fc: {  	[tilespmem:s7], [sflag:$0x4] =	stream.linear.gather [hbm4b:s21+s3], $0x4000, $0x38;
	[tilespmem:$0x17480] =	vst v63  }
0x1fd: {  	_ =	swait.ge [sflag:s1], $0x4000  }
0x1fe: {  	[sflag:s1] =	ssyncset.done $0x0  }
0x1ff: {  	[sflag:s1] =	ssyncadd.s32 $0xFFFFC000  }
0x200: {  	_ =	swait.ge [sflag:s9], $0x80  }
0x201: {  	[sflag:s9] =	ssyncset.done $0x0  }
0x202: {  	[sflag:s9] =	ssyncadd.s32 $0xFFFFFF80  }
0x203: {  	[spmem:s2] =	stream.indirect.scatter.add.f32 [tilespmem:s5], [sflag:$0x6], $0x80, s30, s8, $0xb8;
	[tilespmem:$0x17480] =	vst v63  }
0x204: {  	_ =	swait.ge [sflag:s17], $0x4000  }
0x205: {  	s22 =	sld [smem:$0x7ED]  }
0x206: {  	[sflag:s17] =	ssyncset.done $0x0  }
0x207: {  	[sflag:s17] =	ssyncadd.s32 $0xFFFFC000  }
0x208: {  	[tilespmem:s10], [sflag:$0x5] =	stream.linear.gather [hbm4b:s22+s3], $0x4000, $0x38;
	[tilespmem:$0x17480] =	vst v63  }
0x209: {  	_ =	swait.ge [sflag:s11], $0x4000  }
0x20a: {  	[sflag:s11] =	ssyncset.done $0x0  }
0x20b: {  	[sflag:s11] =	ssyncadd.s32 $0xFFFFC000  }
0x20c: {  	_ =	swait.ge [sflag:s9], $0x80  }
0x20d: {  	[sflag:s9] =	ssyncset.done $0x0  }
0x20e: {  	[sflag:s9] =	ssyncadd.s32 $0xFFFFFF80  }
0x20f: {  	[spmem:s2] =	stream.indirect.scatter.add.f32 [tilespmem:s6], [sflag:$0x7], $0x80, s31, s8, $0xb8;
	[tilespmem:$0x17480] =	vst v63  }
0x210: {  	_ =	swait.ge [sflag:s12], $0x4000  }
0x211: {  	s21 =	sld [smem:$0x7EE]  }
0x212: {  	[sflag:s12] =	ssyncset.done $0x0  }
0x213: {  	[sflag:s12] =	ssyncadd.s32 $0xFFFFC000  }
0x214: {  	[tilespmem:s5], [sflag:$0x2] =	stream.linear.gather [hbm4b:s21+s3], $0x4000, $0x38;
	[tilespmem:$0x17480] =	vst v63  }
0x215: {  	_ =	swait.ge [sflag:s13], $0x4000  }
0x216: {  	[sflag:s13] =	ssyncset.done $0x0  }
0x217: {  	[sflag:s13] =	ssyncadd.s32 $0xFFFFC000  }
0x218: {  	_ =	swait.ge [sflag:s9], $0x80  }
0x219: {  	[sflag:s9] =	ssyncset.done $0x0  }
0x21a: {  	s22 =	simm.s32 $0x500;
	[sflag:s9] =	ssyncadd.s32 $0xFFFFFF80  }
0x21b: {  	[spmem:s2] =	stream.indirect.scatter.add.f32 [tilespmem:s7], [sflag:$0x8], $0x80, s22, s8, $0xb8;
	[tilespmem:$0x17480] =	vst v63  }
0x21c: {  	_ =	swait.ge [sflag:s14], $0x4000  }
0x21d: {  	s21 =	sld [smem:$0x7EF]  }
0x21e: {  	[sflag:s14] =	ssyncset.done $0x0  }
0x21f: {  	[sflag:s14] =	ssyncadd.s32 $0xFFFFC000  }
0x220: {  	[tilespmem:s6], [sflag:$0x3] =	stream.linear.gather [hbm4b:s21+s3], $0x4000, $0x38;
	[tilespmem:$0x17480] =	vst v63  }
0x221: {  	_ =	swait.ge [sflag:s15], $0x4000  }
0x222: {  	[sflag:s15] =	ssyncset.done $0x0  }
0x223: {  	[sflag:s15] =	ssyncadd.s32 $0xFFFFC000  }
0x224: {  	_ =	swait.ge [sflag:s9], $0x80  }
0x225: {  	[sflag:s9] =	ssyncset.done $0x0  }
0x226: {  	s22 =	simm.s32 $0x580;
	[sflag:s9] =	ssyncadd.s32 $0xFFFFFF80  }
0x227: {  	[spmem:s2] =	stream.indirect.scatter.add.f32 [tilespmem:s10], [sflag:$0x9], $0x80, s22, s8, $0xb8;
	[tilespmem:$0x17480] =	vst v63  }
0x228: {  	_ =	swait.ge [sflag:s16], $0x4000  }
0x229: {  	s21 =	sld [smem:$0x7F0]  }
0x22a: {  	[sflag:s16] =	ssyncset.done $0x0  }
0x22b: {  	[sflag:s16] =	ssyncadd.s32 $0xFFFFC000  }
0x22c: {  	[tilespmem:s7], [sflag:$0x4] =	stream.linear.gather [hbm4b:s21+s3], $0x4000, $0x38;
	[tilespmem:$0x17480] =	vst v63  }
0x22d: {  	_ =	swait.ge [sflag:s1], $0x4000  }
0x22e: {  	[sflag:s1] =	ssyncset.done $0x0  }
0x22f: {  	[sflag:s1] =	ssyncadd.s32 $0xFFFFC000  }
0x230: {  	_ =	swait.ge [sflag:s9], $0x80  }
0x231: {  	[sflag:s9] =	ssyncset.done $0x0  }
0x232: {  	s22 =	simm.s32 $0x600;
	[sflag:s9] =	ssyncadd.s32 $0xFFFFFF80  }
0x233: {  	[spmem:s2] =	stream.indirect.scatter.add.f32 [tilespmem:s5], [sflag:$0x6], $0x80, s22, s8, $0xb8;
	[tilespmem:$0x17480] =	vst v63  }
0x234: {  	_ =	swait.ge [sflag:s17], $0x4000  }
0x235: {  	s21 =	sld [smem:$0x7F1]  }
0x236: {  	[sflag:s17] =	ssyncset.done $0x0  }
0x237: {  	[sflag:s17] =	ssyncadd.s32 $0xFFFFC000  }
0x238: {  	[tilespmem:s10], [sflag:$0x5] =	stream.linear.gather [hbm4b:s21+s3], $0x4000, $0x38;
	[tilespmem:$0x17480] =	vst v63  }
0x239: {  	_ =	swait.ge [sflag:s11], $0x4000  }
0x23a: {  	[sflag:s11] =	ssyncset.done $0x0  }
0x23b: {  	[sflag:s11] =	ssyncadd.s32 $0xFFFFC000  }
0x23c: {  	_ =	swait.ge [sflag:s9], $0x80  }
0x23d: {  	[sflag:s9] =	ssyncset.done $0x0  }
0x23e: {  	s22 =	simm.s32 $0x680;
	[sflag:s9] =	ssyncadd.s32 $0xFFFFFF80  }
0x23f: {  	[spmem:s2] =	stream.indirect.scatter.add.f32 [tilespmem:s6], [sflag:$0x7], $0x80, s22, s8, $0xb8;
	[tilespmem:$0x17480] =	vst v63  }
0x240: {  	_ =	swait.ge [sflag:s12], $0x4000  }
0x241: {  	s21 =	sld [smem:$0x7F2]  }
0x242: {  	[sflag:s12] =	ssyncset.done $0x0  }
0x243: {  	[sflag:s12] =	ssyncadd.s32 $0xFFFFC000  }
0x244: {  	[tilespmem:s5], [sflag:$0x2] =	stream.linear.gather [hbm4b:s21+s3], $0x4000, $0x38;
	[tilespmem:$0x17480] =	vst v63  }
0x245: {  	_ =	swait.ge [sflag:s13], $0x4000  }
0x246: {  	[sflag:s13] =	ssyncset.done $0x0  }
0x247: {  	[sflag:s13] =	ssyncadd.s32 $0xFFFFC000  }
0x248: {  	_ =	swait.ge [sflag:s9], $0x80  }
0x249: {  	[sflag:s9] =	ssyncset.done $0x0  }
0x24a: {  	s22 =	simm.s32 $0x700;
	[sflag:s9] =	ssyncadd.s32 $0xFFFFFF80  }
0x24b: {  	[spmem:s2] =	stream.indirect.scatter.add.f32 [tilespmem:s7], [sflag:$0x8], $0x80, s22, s8, $0xb8;
	[tilespmem:$0x17480] =	vst v63  }
0x24c: {  	_ =	swait.ge [sflag:s14], $0x4000  }
0x24d: {  	s21 =	sld [smem:$0x7F3]  }
0x24e: {  	[sflag:s14] =	ssyncset.done $0x0  }
0x24f: {  	[sflag:s14] =	ssyncadd.s32 $0xFFFFC000  }
0x250: {  	[tilespmem:s6], [sflag:$0x3] =	stream.linear.gather [hbm4b:s21+s3], $0x4000, $0x38;
	[tilespmem:$0x17480] =	vst v63  }
0x251: {  	_ =	swait.ge [sflag:s15], $0x4000  }
0x252: {  	[sflag:s15] =	ssyncset.done $0x0  }
0x253: {  	[sflag:s15] =	ssyncadd.s32 $0xFFFFC000  }
0x254: {  	_ =	swait.ge [sflag:s9], $0x80  }
0x255: {  	[sflag:s9] =	ssyncset.done $0x0  }
0x256: {  	s22 =	simm.s32 $0x780;
	[sflag:s9] =	ssyncadd.s32 $0xFFFFFF80  }
0x257: {  	[spmem:s2] =	stream.indirect.scatter.add.f32 [tilespmem:s10], [sflag:$0x9], $0x80, s22, s8, $0xb8;
	[tilespmem:$0x17480] =	vst v63  }
0x258: {  	_ =	swait.ge [sflag:s16], $0x4000  }
0x259: {  	s21 =	sld [smem:$0x7F4]  }
0x25a: {  	[sflag:s16] =	ssyncset.done $0x0  }
0x25b: {  	[sflag:s16] =	ssyncadd.s32 $0xFFFFC000  }
0x25c: {  	[tilespmem:s7], [sflag:$0x4] =	stream.linear.gather [hbm4b:s21+s3], $0x4000, $0x38;
	[tilespmem:$0x17480] =	vst v63  }
0x25d: {  	_ =	swait.ge [sflag:s1], $0x4000  }
0x25e: {  	[sflag:s1] =	ssyncset.done $0x0  }
0x25f: {  	[sflag:s1] =	ssyncadd.s32 $0xFFFFC000  }
0x260: {  	_ =	swait.ge [sflag:s9], $0x80  }
0x261: {  	[sflag:s9] =	ssyncset.done $0x0  }
0x262: {  	s22 =	simm.s32 $0x800;
	[sflag:s9] =	ssyncadd.s32 $0xFFFFFF80  }
0x263: {  	[spmem:s2] =	stream.indirect.scatter.add.f32 [tilespmem:s5], [sflag:$0x6], $0x80, s22, s8, $0xb8;
	[tilespmem:$0x17480] =	vst v63  }
0x264: {  	_ =	swait.ge [sflag:s17], $0x4000  }
0x265: {  	s21 =	sld [smem:$0x7F5]  }
0x266: {  	[sflag:s17] =	ssyncset.done $0x0  }
0x267: {  	[sflag:s17] =	ssyncadd.s32 $0xFFFFC000  }
0x268: {  	[tilespmem:s10], [sflag:$0x5] =	stream.linear.gather [hbm4b:s21+s3], $0x4000, $0x38;
	[tilespmem:$0x17480] =	vst v63  }
0x269: {  	_ =	swait.ge [sflag:s11], $0x4000  }
0x26a: {  	[sflag:s11] =	ssyncset.done $0x0  }
0x26b: {  	[sflag:s11] =	ssyncadd.s32 $0xFFFFC000  }
0x26c: {  	_ =	swait.ge [sflag:s9], $0x80  }
0x26d: {  	[sflag:s9] =	ssyncset.done $0x0  }
0x26e: {  	s22 =	simm.s32 $0x880;
	[sflag:s9] =	ssyncadd.s32 $0xFFFFFF80  }
0x26f: {  	[spmem:s2] =	stream.indirect.scatter.add.f32 [tilespmem:s6], [sflag:$0x7], $0x80, s22, s8, $0xb8;
	[tilespmem:$0x17480] =	vst v63  }
0x270: {  	_ =	swait.ge [sflag:s12], $0x4000  }
0x271: {  	s21 =	sld [smem:$0x7F6]  }
0x272: {  	[sflag:s12] =	ssyncset.done $0x0  }
0x273: {  	[sflag:s12] =	ssyncadd.s32 $0xFFFFC000  }
0x274: {  	[tilespmem:s5], [sflag:$0x2] =	stream.linear.gather [hbm4b:s21+s3], $0x4000, $0x38;
	[tilespmem:$0x17480] =	vst v63  }
0x275: {  	_ =	swait.ge [sflag:s13], $0x4000  }
0x276: {  	[sflag:s13] =	ssyncset.done $0x0  }
0x277: {  	[sflag:s13] =	ssyncadd.s32 $0xFFFFC000  }
0x278: {  	_ =	swait.ge [sflag:s9], $0x80  }
0x279: {  	[sflag:s9] =	ssyncset.done $0x0  }
0x27a: {  	s22 =	simm.s32 $0x900;
	[sflag:s9] =	ssyncadd.s32 $0xFFFFFF80  }
0x27b: {  	[spmem:s2] =	stream.indirect.scatter.add.f32 [tilespmem:s7], [sflag:$0x8], $0x80, s22, s8, $0xb8;
	[tilespmem:$0x17480] =	vst v63  }
0x27c: {  	_ =	swait.ge [sflag:s14], $0x4000  }
0x27d: {  	s21 =	sld [smem:$0x7F7]  }
0x27e: {  	[sflag:s14] =	ssyncset.done $0x0  }
0x27f: {  	[sflag:s14] =	ssyncadd.s32 $0xFFFFC000  }
0x280: {  	[tilespmem:s6], [sflag:$0x3] =	stream.linear.gather [hbm4b:s21+s3], $0x4000, $0x38;
	[tilespmem:$0x17480] =	vst v63  }
0x281: {  	_ =	swait.ge [sflag:s15], $0x4000  }
0x282: {  	[sflag:s15] =	ssyncset.done $0x0  }
0x283: {  	[sflag:s15] =	ssyncadd.s32 $0xFFFFC000  }
0x284: {  	_ =	swait.ge [sflag:s9], $0x80  }
0x285: {  	[sflag:s9] =	ssyncset.done $0x0  }
0x286: {  	s22 =	simm.s32 $0x980;
	[sflag:s9] =	ssyncadd.s32 $0xFFFFFF80  }
0x287: {  	[spmem:s2] =	stream.indirect.scatter.add.f32 [tilespmem:s10], [sflag:$0x9], $0x80, s22, s8, $0xb8;
	[tilespmem:$0x17480] =	vst v63  }
0x288: {  	_ =	swait.ge [sflag:s16], $0x4000  }
0x289: {  	s21 =	sld [smem:$0x7F8]  }
0x28a: {  	[sflag:s16] =	ssyncset.done $0x0  }
0x28b: {  	[sflag:s16] =	ssyncadd.s32 $0xFFFFC000  }
0x28c: {  	[tilespmem:s7], [sflag:$0x4] =	stream.linear.gather [hbm4b:s21+s3], $0x4000, $0x38;
	[tilespmem:$0x17480] =	vst v63  }
0x28d: {  	_ =	swait.ge [sflag:s1], $0x4000  }
0x28e: {  	[sflag:s1] =	ssyncset.done $0x0  }
0x28f: {  	[sflag:s1] =	ssyncadd.s32 $0xFFFFC000  }
0x290: {  	_ =	swait.ge [sflag:s9], $0x80  }
0x291: {  	[sflag:s9] =	ssyncset.done $0x0  }
0x292: {  	s22 =	simm.s32 $0xA00;
	[sflag:s9] =	ssyncadd.s32 $0xFFFFFF80  }
0x293: {  	[spmem:s2] =	stream.indirect.scatter.add.f32 [tilespmem:s5], [sflag:$0x6], $0x80, s22, s8, $0xb8;
	[tilespmem:$0x17480] =	vst v63  }
0x294: {  	_ =	swait.ge [sflag:s17], $0x4000  }
0x295: {  	s21 =	sld [smem:$0x7F9]  }
0x296: {  	[sflag:s17] =	ssyncset.done $0x0  }
0x297: {  	[sflag:s17] =	ssyncadd.s32 $0xFFFFC000  }
0x298: {  	[tilespmem:s10], [sflag:$0x5] =	stream.linear.gather [hbm4b:s21+s3], $0x4000, $0x38;
	[tilespmem:$0x17480] =	vst v63  }
0x299: {  	_ =	swait.ge [sflag:s11], $0x4000  }
0x29a: {  	[sflag:s11] =	ssyncset.done $0x0  }
0x29b: {  	[sflag:s11] =	ssyncadd.s32 $0xFFFFC000  }
0x29c: {  	_ =	swait.ge [sflag:s9], $0x80  }
0x29d: {  	[sflag:s9] =	ssyncset.done $0x0  }
0x29e: {  	s22 =	simm.s32 $0xA80;
	[sflag:s9] =	ssyncadd.s32 $0xFFFFFF80  }
0x29f: {  	[spmem:s2] =	stream.indirect.scatter.add.f32 [tilespmem:s6], [sflag:$0x7], $0x80, s22, s8, $0xb8;
	[tilespmem:$0x17480] =	vst v63  }
0x2a0: {  	_ =	swait.ge [sflag:s13], $0x4000  }
0x2a1: {  	[sflag:s13] =	ssyncset.done $0x0  }
0x2a2: {  	[sflag:s13] =	ssyncadd.s32 $0xFFFFC000  }
0x2a3: {  	_ =	swait.ge [sflag:s9], $0x80  }
0x2a4: {  	[sflag:s9] =	ssyncset.done $0x0  }
0x2a5: {  	s21 =	simm.s32 $0xB00;
	[sflag:s9] =	ssyncadd.s32 $0xFFFFFF80  }
0x2a6: {  	[spmem:s2] =	stream.indirect.scatter.add.f32 [tilespmem:s7], [sflag:$0x8], $0x80, s21, s8, $0xb8;
	[tilespmem:$0x17480] =	vst v63  }
0x2a7: {  	_ =	swait.ge [sflag:s15], $0x4000  }
0x2a8: {  	[sflag:s15] =	ssyncset.done $0x0  }
0x2a9: {  	[sflag:s15] =	ssyncadd.s32 $0xFFFFC000  }
0x2aa: {  	_ =	swait.ge [sflag:s9], $0x80  }
0x2ab: {  	[sflag:s9] =	ssyncset.done $0x0  }
0x2ac: {  	s22 =	simm.s32 $0xB80;
	[sflag:s9] =	ssyncadd.s32 $0xFFFFFF80  }
0x2ad: {  	[spmem:s2] =	stream.indirect.scatter.add.f32 [tilespmem:s10], [sflag:$0x9], $0x80, s22, s8, $0xb8;
	[tilespmem:$0x17480] =	vst v63  }
0x2ae: {  	_ =	swait.ge [sflag:s12], $0x4000  }
0x2af: {  	[sflag:s12] =	ssyncset.done $0x0  }
0x2b0: {  	[sflag:s12] =	ssyncadd.s32 $0xFFFFC000  }
0x2b1: {  	_ =	swait.ge [sflag:s14], $0x4000  }
0x2b2: {  	[sflag:s14] =	ssyncset.done $0x0  }
0x2b3: {  	[sflag:s14] =	ssyncadd.s32 $0xFFFFC000  }
0x2b4: {  	_ =	swait.ge [sflag:s16], $0x4000  }
0x2b5: {  	[sflag:s16] =	ssyncset.done $0x0  }
0x2b6: {  	[sflag:s16] =	ssyncadd.s32 $0xFFFFC000  }
0x2b7: {  	_ =	swait.ge [sflag:s17], $0x4000  }
0x2b8: {  	[sflag:s17] =	ssyncset.done $0x0  }
0x2b9: {  	s20 =	simm.s32 @!p0 $0x1;
	[sflag:s17] =	ssyncadd.s32 $0xFFFFC000  }
0x2ba: {  	_ =	swait.ge @!p0 [sflag:s20], $0x80  }
0x2bb: {  	[sflag:s20] =	ssyncset.done @!p0 $0x0  }
0x2bc: {  	[sflag:s20] =	ssyncadd.s32 @!p0 $0xFFFFFF80;
	s20 =	simm.s32 @!p0 $0xA  }
0x2bd: {  	_ =	swait.ge @!p0 [sflag:s20], $0x4000  }
0x2be: {  	[sflag:s20] =	ssyncset.done @!p0 $0x0  }
0x2bf: {  	[sflag:s20] =	ssyncadd.s32 @!p0 $0xFFFFC000;
	s20 =	simm.s32 @!p0 $0x80  }
0x2c0: {  	[spmem:s2] =	stream.indirect.scatter.add.f32 @!p0 [tilespmem:s19], [sflag:$0xB], $0x80, s18, s20, $0xb8;
	[tilespmem:$0x17480] =	vst v63  }
0x2c1: {  	p4 =	por @p0 $0x0, $0x0;
	p3 =	por @!p1 $0x1, $0x1;
	s18 =	simm.s32 @!p0 $0xB  }
0x2c2: {  	p3 =	por @!p2 p4, p4;
	p4 =	por @!p0 $0x0, $0x0;
	_ =	swait.ge @!p0 [sflag:s18], $0x4000  }
0x2c3: {  	p3 =	por @!p0 p4, p4;
	[sflag:s18] =	ssyncset.done @!p0 $0x0  }
0x2c4: {  	v1 =	vimm.s32 @p3 $0x200;
	[sflag:s18] =	ssyncadd.s32 @!p0 $0xFFFFC000  }
0x2c5: {  	[tilespmem:$0xC20] =	vst @p3 v1  }
0x2c6: {  	[tilespmem:$0xC30] =	vst @p3 v1  }
0x2c7: {  	[tilespmem:$0xC40] =	vst @p3 v1  }
0x2c8: {  	[tilespmem:$0xC50] =	vst @p3 v1  }
0x2c9: {  	[tilespmem:$0xC60] =	vst @p3 v1  }
0x2ca: {  	s18 =	simm.s32 @p3 $0x1;
	[tilespmem:$0xC70] =	vst @p3 v1  }
0x2cb: {  	_ =	swait.ge @p3 [sflag:s18], $0x20  }
0x2cc: {  	[sflag:s18] =	ssyncset.done @p3 $0x0  }
0x2cd: {  	[sflag:s18] =	ssyncadd.s32 @p3 $0xFFFFFFE0;
	s18 =	simm.s32 @p3 $0xA  }
0x2ce: {  	_ =	swait.ge @p3 [sflag:s18], $0x1000  }
0x2cf: {  	s19 =	simm.s32 @p3 $0xC00;
	[sflag:s18] =	ssyncset.done @p3 $0x0  }
0x2d0: {  	s20 =	simm.s32 @p3 $0x11000;
	[sflag:s18] =	ssyncadd.s32 @p3 $0xFFFFF000;
	s18 =	simm.s32 @p3 $0x80  }
0x2d1: {  	[spmem:s2] =	stream.indirect.scatter.add.f32 @p3 [tilespmem:s20], [sflag:$0xB], $0x80, s19, s18, $0xb8;
	[tilespmem:$0x17480] =	vst v63  }
0x2d2: {  	s18 =	simm.s32 @p3 $0xB  }
0x2d3: {  	_ =	swait.ge @p3 [sflag:s18], $0x4000  }
0x2d4: {  	[sflag:s18] =	ssyncset.done @p3 $0x0  }
0x2d5: {  	[sflag:s18] =	ssyncadd.s32 @p3 $0xFFFFC000  }
0x2d6: {  	[bflag:$0x0] =	sbarrier.arrive $0xFFFF  }
0x2d7: {  	s19 =	sld [smem:$0x7FA]  }
0x2d8: {  	s4 =	sadd.s32 $0xFFFFFFFF, s4;
	s22 =	stileid.u32;
	s21 =	sld [smem:$0x7FD]  }
0x2d9: {  	s20 =	sshll.u32 s22, $0x6;
	p3 =	sne.s32 s4, $0x0  }
.Ltmp0:
0x2da: {  	s20 =	sor.u32 $0x1C0B, s20;
	(pc) =	sbr.rel @p3 .LBB2_1-.Ltmp0, $4  }
0x2db: {  	[hbm:s19], [sflag:s20] =	dma.local [spmem:s21], $0x200  }
0x2dc: {  	_ =	swait.ge [sflag:s0], $0x200  }
0x2dd: {  	[sflag:s0] =	ssyncset.done $0x0  }
0x2de: {  	[sflag:s0] =	ssyncadd.s32 $0xFFFFFE00  }
0x2df: {  	_ =	sfence.sel $0x180000  }
0x2e0: {  	[bflag:$0x0] =	sbarrier.arrive $0xFFFF  }
0x2e1: {  	_ =	strace $0x90000047  }
0x2e2: {  	s0 =	stileid.u32;
	[bflag:$0x2] =	sbarrier.arrive $0xFFFF  }
0x2e3: {  	p0 =	sne.s32 s0, $0x0;
	s0 =	rddreg [dreg:$0x4]  }
0x2e4: {  	s0 =	sadd.s32 @!p0 $0x100000, s0  }
0x2e5: {  	[sflag:s0] =	ssyncadd.tile.s32 @!p0 $0x1;
	_ =	shalt  }
.Lfunc_end2:
_tile_overlayer_lowered:
.L_overlay_start_2:
0x2e6: {  	(tag) =	ssettag $0x2  }
0x2e7: {  	s0 =	rddreg [dreg:$0x0];
	s2 =	stileid.u32  }
0x2e8: {  	s1 =	rddreg [dreg:$0x1];
	p0 =	sne.s32 s2, $0x0  }
0x2e9: {  	s3 =	rddreg [dreg:$0x2];
	[bflag:$0x3] =	sbarrier.arrive $0xFFFF;
	s2 =	simm.s32 @!p0 $0x1C0B  }
0x2ea: {  	[timem:s3], [sflag:s2] =	dma.local @!p0 [hbm:s0], s1  }
0x2eb: {  	s0 =	simm.s32 @!p0 $0xB  }
0x2ec: {  	_ =	swait.ge @!p0 [sflag:s0], s1  }
0x2ed: {  	s1 =	ssub.s32 @!p0 $0x0, s1;
	[sflag:s0] =	ssyncset.done @!p0 $0x0  }
0x2ee: {  	[sflag:s0] =	ssyncadd.s32 @!p0 s1  }
0x2ef: {  	[bflag:$0x3] =	sbarrier.arrive $0xFFFF  }
0x2f0: {  	_ =	shalt  }

</sc_bundles>
